<compile_context>
chip_gen: v7x
topology: tpu7x:2x2x1
jax: 0.10.2.dev20260603
libtpu: 0.0.44.dev20260713+nightly
codegen_flags: <defaults>
</compile_context>

<pallas_src>
import functools
import jax
import jax.numpy as jnp
from jax import lax
from jax.experimental import pallas as pl
from jax.experimental.pallas import tpu as pltpu
from jax.experimental.pallas import tpu_sc as plsc

P = 1000
K = 15
L = 7
KS = 5
FNR = 10
EPS = 1e-8
PBLK = 1000
PB = P // PBLK
BIG = 1e30
SENTF = 1.7014118346046923e38
LM = L * KS
PAD = 1008
NG = PAD // 16


def _k1(posPr_ref, pos3c_ref, dirs_ref, idx_ref, maxd2_ref, proj_ref):
    b = pl.program_id(0)
    rb = pl.program_id(1)
    pr = posPr_ref[0]
    pc = pos3c_ref[0]
    rn = jnp.sum(pr * pr, axis=1, keepdims=True)
    cn = jnp.sum(pc * pc, axis=0, keepdims=True)
    dotm = jnp.dot(pr, pc, preferred_element_type=jnp.float32)
    d2 = jnp.maximum(rn + cn - 2.0 * dotm, 1e-35)
    riota = lax.broadcasted_iota(jnp.int32, (PBLK, P), 0) + rb * PBLK
    ciota = lax.broadcasted_iota(jnp.int32, (PBLK, P), 1)
    d2 = jnp.where(riota == ciota, BIG, d2)
    keys = (lax.bitcast_convert_type(d2, jnp.int32) & (-1024)) | ciota
    kf = lax.bitcast_convert_type(keys, jnp.float32)
    mkf = jnp.min(kf, axis=1, keepdims=True)
    idx_cols = []
    for i in range(K):
        if i > 0:
            mkf = jnp.min(jnp.where(kf > mkf, kf, SENTF), axis=1,
                          keepdims=True)
        mki = lax.bitcast_convert_type(mkf, jnp.int32)
        idx_cols.append(mki & 1023)
    idx_ref[0, :, :] = jnp.concatenate(idx_cols, axis=1)
    thd2 = lax.bitcast_convert_type(
        lax.bitcast_convert_type(mkf, jnp.int32) & (-1024), jnp.float32)
    smax = jnp.max(thd2, axis=(0, 1), keepdims=True)

    @pl.when((b == 0) & (rb == 0))
    def _():
        maxd2_ref[:, :] = jnp.full((1, 1), -1.0, jnp.float32)

    maxd2_ref[:, :] = jnp.maximum(maxd2_ref[:, :], smax)

    @pl.when(rb == 0)
    def _():
        dirs = dirs_ref[...]
        n = jnp.sqrt(jnp.sum(dirs * dirs, axis=1, keepdims=True))
        du = dirs / (n + EPS)
        proj_ref[0, :, :] = jnp.dot(du, pos3c_ref[0],
                                    preferred_element_type=jnp.float32)


def _sc_body(pos_hbm, proj_hbm, idx_hbm, scale_hbm, out_hbm,
             posv, projv, idxv, scalev, abuf):
    wid = lax.axis_index("s") * 2 + lax.axis_index("c")
    pltpu.sync_copy(pos_hbm.at[wid], posv)
    pltpu.sync_copy(proj_hbm.at[wid], projv)
    pltpu.sync_copy(idx_hbm.at[wid], idxv)
    pltpu.sync_copy(scale_hbm, scalev)
    scale = scalev[...]
    lane = lax.broadcasted_iota(jnp.int32, (16,), 0)

    def group(g, carry):
        i0 = g * 16
        nd = jnp.minimum(i0 + lane, P - 1)
        pd = [plsc.load_gather(posv, [nd + c * P]) for c in range(3)]
        prd = [plsc.load_gather(projv, [nd + l * P]) for l in range(L)]
        acc = [jnp.zeros((16,), jnp.float32) for _ in range(LM)]
        iofs = nd * K
        for k in range(K):
            nidx = plsc.load_gather(idxv, [iofs + k])
            d2 = jnp.zeros((16,), jnp.float32)
            for c in range(3):
                ps = plsc.load_gather(posv, [nidx + c * P])
                df = ps - pd[c]
                d2 = d2 + df * df
            x = d2 + EPS
            xb = lax.bitcast_convert_type(x, jnp.int32)
            y = lax.bitcast_convert_type(
                (xb >> 1) + 0x1FBD1DF5, jnp.float32)
            for _ in range(3):
                y = 0.5 * (y + x / y)
            dist = y
            invd = 1.0 / (dist + EPS)
            t = dist * scale
            basis = [jnp.maximum(1.0 - jnp.abs(t - float(m)), 0.0)
                     for m in range(KS)]
            for l in range(L):
                pj = plsc.load_gather(projv, [nidx + l * P])
                dw = jnp.maximum((pj - prd[l]) * invd, 0.0)
                for m in range(KS):
                    acc[l * KS + m] = acc[l * KS + m] + dw * basis[m]
        ofs = (i0 + lane) * LM
        for lm in range(LM):
            plsc.store_scatter(abuf, [ofs + lm], acc[lm])
        return carry

    lax.fori_loop(0, NG, group, 0)
    pltpu.sync_copy(abuf, out_hbm.at[wid])


def _k3(a_ref, wf_ref, bdsc_ref, w1_ref, b1_ref, w2_ref, b2_ref,
        out_ref, ys_scr):
    b = pl.program_id(0)
    nb = pl.num_programs(0)
    a = a_ref[0]
    msg = jnp.dot(a, wf_ref[...], preferred_element_type=jnp.float32) / K
    msg = msg + bdsc_ref[...]
    y = 1.0 / (1.0 + jnp.exp(-msg))
    valid = lax.broadcasted_iota(jnp.int32, (PAD, FNR), 0) < P
    y = jnp.where(valid, y, 0.0)
    ys_scr[pl.ds(b, 1), :] = jnp.sum(y, axis=0, keepdims=True)

    @pl.when(b == nb - 1)
    def _():
        ys = ys_scr[...] * (1.0 / P)
        z = jnp.dot(ys, w1_ref[...],
                    preferred_element_type=jnp.float32) + b1_ref[...]
        h = jnp.where(z > 0, z, jnp.exp(jnp.minimum(z, 0.0)) - 1.0)
        logits = jnp.dot(h, w2_ref[...],
                         preferred_element_type=jnp.float32) + b2_ref[...]
        mx = jnp.max(logits, axis=1, keepdims=True)
        sh = logits - mx
        out_ref[...] = sh - jnp.log(jnp.sum(jnp.exp(sh), axis=1,
                                            keepdims=True))


def kernel(pos, edge_index, batch, dirs, W_spline, b_dsc, W1, b1, W2, b2):
    del edge_index, batch
    B = pos.shape[0] // P
    posB = pos.reshape(B, P, 3)
    pos3 = posB.transpose(0, 2, 1)
    wf = W_spline.reshape(LM, FNR)
    bdsc2 = b_dsc.reshape(1, FNR)

    idx, maxd2, proj = pl.pallas_call(
        _k1,
        grid=(B, PB),
        in_specs=[
            pl.BlockSpec((1, PBLK, 3), lambda b, rb: (b, rb, 0)),
            pl.BlockSpec((1, 3, P), lambda b, rb: (b, 0, 0)),
            pl.BlockSpec((L, 3), lambda b, rb: (0, 0)),
        ],
        out_specs=[
            pl.BlockSpec((1, PBLK, K), lambda b, rb: (b, rb, 0)),
            pl.BlockSpec((1, 1), lambda b, rb: (0, 0)),
            pl.BlockSpec((1, L, P), lambda b, rb: (b, 0, 0)),
        ],
        out_shape=[
            jax.ShapeDtypeStruct((B, P, K), jnp.int32),
            jax.ShapeDtypeStruct((1, 1), jnp.float32),
            jax.ShapeDtypeStruct((B, L, P), jnp.float32),
        ],
    )(posB, pos3, dirs)

    posp = pos3.reshape(B, 3 * P)
    projp = proj.reshape(B, L * P)
    idxp = idx.reshape(B, P * K)
    scale = (KS - 1) / (jnp.sqrt(maxd2[0, 0] + EPS) + EPS)
    scale16 = jnp.full((16,), 1.0, jnp.float32) * scale

    mesh = plsc.VectorSubcoreMesh(core_axis_name="c", subcore_axis_name="s")
    sc = functools.partial(
        pl.kernel, _sc_body, mesh=mesh,
        compiler_params=pltpu.CompilerParams(needs_layout_passes=False),
        out_type=jax.ShapeDtypeStruct((B, PAD * LM), jnp.float32),
        scratch_types=[
            pltpu.VMEM((3 * P,), jnp.float32),
            pltpu.VMEM((L * P,), jnp.float32),
            pltpu.VMEM((P * K,), jnp.int32),
            pltpu.VMEM((16,), jnp.float32),
            pltpu.VMEM((PAD * LM,), jnp.float32),
        ],
    )()
    a_t = sc(posp, projp, idxp, scale16).reshape(B, PAD, LM)

    out = pl.pallas_call(
        _k3,
        grid=(B,),
        in_specs=[
            pl.BlockSpec((1, PAD, LM), lambda b: (b, 0, 0)),
            pl.BlockSpec((LM, FNR), lambda b: (0, 0)),
            pl.BlockSpec((1, FNR), lambda b: (0, 0)),
            pl.BlockSpec((FNR, 256), lambda b: (0, 0)),
            pl.BlockSpec((1, 256), lambda b: (0, 0)),
            pl.BlockSpec((256, W2.shape[1]), lambda b: (0, 0)),
            pl.BlockSpec((1, W2.shape[1]), lambda b: (0, 0)),
        ],
        out_specs=pl.BlockSpec((B, W2.shape[1]), lambda b: (0, 0)),
        out_shape=jax.ShapeDtypeStruct((B, W2.shape[1]), jnp.float32),
        scratch_shapes=[pltpu.VMEM((B, FNR), jnp.float32)],
    )(a_t, wf, bdsc2, W1, b1.reshape(1, -1), W2, b2.reshape(1, -1))
    return out

# --- scband reference (transcript-rebuilt; emitter-appended) ---
"""Pipeline reference for scband-net-65249143160876 (READ-ONLY COPY).

The authoritative reference and input builder live on the scoring server;
editing this copy changes nothing except your own understanding.
"""

import jax, jax.numpy as jnp
import numpy as np

B = 32      # number of graphs in batch
P = 1000    # nr_points (hard-coded in module)
N = B * P
K = 15      # knn k
L = 7       # directions
KS = 5      # kernel_size (spline control points)
FNR = 10    # filter_nr
NC = 40     # nr_classes
EPS = 1e-8


def setup_inputs(seed: int = 0) -> dict:
    key = jax.random.key(seed)
    ks = jax.random.split(key, 10)
    pos = jax.random.normal(ks[0], (N, 3), dtype=jnp.float32)
    # edge_index from `data` is immediately overwritten by knn_graph in forward;
    # provided for signature fidelity.
    edge_index = jax.random.randint(ks[1], (2, N * K), 0, N, dtype=jnp.int32)
    batch = jnp.repeat(jnp.arange(B, dtype=jnp.int32), P)
    # DirectionalSplineConv parameters
    dirs = jax.random.normal(ks[2], (L, 3), dtype=jnp.float32)
    W_spline = jax.random.normal(ks[3], (L, KS, FNR), dtype=jnp.float32) * 0.1
    b_dsc = jnp.zeros((FNR,), dtype=jnp.float32)
    # MLP head
    W1 = jax.random.normal(ks[4], (FNR, 256), dtype=jnp.float32) * (1.0 / np.sqrt(FNR))
    b1 = jnp.zeros((256,), dtype=jnp.float32)
    W2 = jax.random.normal(ks[5], (256, NC), dtype=jnp.float32) * (1.0 / np.sqrt(256))
    b2 = jnp.zeros((NC,), dtype=jnp.float32)
    return {"pos": pos, "edge_index": edge_index, "batch": batch,
            "dirs": dirs, "W_spline": W_spline, "b_dsc": b_dsc,
            "W1": W1, "b1": b1, "W2": W2, "b2": b2}


def _knn_graph(pos):
    # per-graph kNN (loop=False). Each graph has exactly P points, contiguous.
    p = pos.reshape(B, P, 3)
    d2 = jnp.sum((p[:, :, None, :] - p[:, None, :, :]) ** 2, axis=-1)  # [B,P,P]
    _, idx = jax.lax.top_k(-d2, K + 1)      # nearest first (self at 0)
    nbr = idx[:, :, 1:]                      # drop self-loop -> [B,P,K]
    offset = (jnp.arange(B, dtype=nbr.dtype) * P)[:, None, None]
    src = (nbr + offset).reshape(-1)         # neighbor (source) node ids, global
    dst = jnp.repeat(jnp.arange(N, dtype=nbr.dtype), K)  # center (target) ids
    return src, dst


def _dsc(pos, src, dst, dirs, W_spline, b_dsc):
    # DirectionalSplineConv: directional weights x B-spline radial basis,
    # message passing with mean aggregation over the K neighbors.
    rel = pos[src] - pos[dst]                          # gather [E,3]
    dist = jnp.sqrt(jnp.sum(rel * rel, axis=-1) + EPS)  # [E]
    unit = rel / (dist[:, None] + EPS)
    dirs_unit = dirs / (jnp.linalg.norm(dirs, axis=-1, keepdims=True) + EPS)
    dir_w = jax.nn.relu(unit @ dirs_unit.T)            # [E,L]
    t = dist / (jnp.max(dist) + EPS) * (KS - 1)        # normalized knot coord
    m = jnp.arange(KS, dtype=jnp.float32)
    basis = jax.nn.relu(1.0 - jnp.abs(t[:, None] - m[None, :]))  # linear B-spline [E,KS]
    msg = jnp.einsum('el,em,lmf->ef', dir_w, basis, W_spline)    # [E,FNR]
    agg = jax.ops.segment_sum(msg, dst, num_segments=N) / K      # scatter-mean
    return agg + b_dsc


def reference(pos, edge_index, batch, dirs, W_spline, b_dsc, W1, b1, W2, b2):
    del edge_index, batch  # edge_index is recomputed by knn_graph in forward
    src, dst = _knn_graph(pos)
    y = _dsc(pos, src, dst, dirs, W_spline, b_dsc)     # [N,FNR]
    y = jax.nn.sigmoid(y)
    ys = y.reshape(B, P, FNR).mean(axis=1)             # [B,FNR]
    h = jax.nn.elu(ys @ W1 + b1)
    logits = h @ W2 + b2
    return jax.nn.log_softmax(logits, axis=1)

if __name__ == "__main__":
    import jax
    _d = setup_inputs()
    print(jax.jit(kernel)(*tuple(_d.values())))

</pallas_src>

<mosaic_0001>
#map = affine_map<(d0, d1) -> (0, 0)>
#map1 = affine_map<(d0, d1) -> (0)>
module attributes {stable_mosaic.version = 14 : i64} {
  func.func @_sc_body(%arg0: i32, %arg1: i32, %arg2: memref<32x3000xf32, #tpu.memory_space<hbm>>, %arg3: memref<32x7000xf32, #tpu.memory_space<hbm>>, %arg4: memref<32x15000xi32, #tpu.memory_space<hbm>>, %arg5: memref<16xf32, #tpu.memory_space<hbm>>, %arg6: memref<32x35280xf32, #tpu.memory_space<hbm>>, %arg7: memref<3000xf32, #tpu.memory_space<vmem>>, %arg8: memref<7000xf32, #tpu.memory_space<vmem>>, %arg9: memref<15000xi32, #tpu.memory_space<vmem>>, %arg10: memref<16xf32, #tpu.memory_space<vmem>>, %arg11: memref<35280xf32, #tpu.memory_space<vmem>>) attributes {dimension_semantics = [#tpu.dimension_semantics<core_parallel>, #tpu.dimension_semantics<subcore_parallel>], iteration_bounds = array<i64: 2, 16>, scalar_prefetch = 0 : i64, scratch_operands = 5 : i64, tpu.core_type = #tpu.core_type<sc_vector_subcore>, window_params = [{transform_indices = #map}, {transform_indices = #map}, {transform_indices = #map}, {transform_indices = #map1}, {transform_indices = #map}]} {
    %mul3A = arith.constant 2 : i32
    %mul3A_0 = arith.muli %arg1, %mul3A : i32
    %add3A = arith.addi %mul3A_0, %arg0 : i32
    "tpu.region"() ({
      %run_scoped3A = tpu.sem_alloc : memref<!tpu.dma_semaphore, #tpu.memory_space<semaphore_mem>>
      %dma_start3A = arith.constant 0 : i32
      %dma_start3A_7 = tpu.memref_slice %arg2[%add3A, %dma_start3A] : memref<32x3000xf32, #tpu.memory_space<hbm>> -> memref<1x3000xf32, #tpu.memory_space<hbm>>
      %dma_start3A_8 = tpu.memref_squeeze %dma_start3A_7 : memref<1x3000xf32, #tpu.memory_space<hbm>> -> memref<3000xf32, #tpu.memory_space<hbm>>
      %dma_start3A_9 = arith.constant 0 : i32
      %dma_start3A_10 = tpu.memref_slice %arg2[%add3A, %dma_start3A_9] : memref<32x3000xf32, #tpu.memory_space<hbm>> -> memref<1x3000xf32, #tpu.memory_space<hbm>>
      %dma_start3A_11 = tpu.memref_squeeze %dma_start3A_10 : memref<1x3000xf32, #tpu.memory_space<hbm>> -> memref<3000xf32, #tpu.memory_space<hbm>>
      tpu.enqueue_dma source(%dma_start3A_11 : memref<3000xf32, #tpu.memory_space<hbm>>) target(%arg7 : memref<3000xf32, #tpu.memory_space<vmem>>) target_semaphore(%run_scoped3A : memref<!tpu.dma_semaphore, #tpu.memory_space<semaphore_mem>>)
      %dma_wait3A = arith.constant 0 : i32
      %dma_wait3A_12 = tpu.memref_slice %arg2[%add3A, %dma_wait3A] : memref<32x3000xf32, #tpu.memory_space<hbm>> -> memref<1x3000xf32, #tpu.memory_space<hbm>>
      %dma_wait3A_13 = tpu.memref_squeeze %dma_wait3A_12 : memref<1x3000xf32, #tpu.memory_space<hbm>> -> memref<3000xf32, #tpu.memory_space<hbm>>
      %dma_wait3A_14 = arith.constant 0 : i32
      %dma_wait3A_15 = tpu.memref_slice %arg2[%add3A, %dma_wait3A_14] : memref<32x3000xf32, #tpu.memory_space<hbm>> -> memref<1x3000xf32, #tpu.memory_space<hbm>>
      %dma_wait3A_16 = tpu.memref_squeeze %dma_wait3A_15 : memref<1x3000xf32, #tpu.memory_space<hbm>> -> memref<3000xf32, #tpu.memory_space<hbm>>
      tpu.wait_dma2 semaphore(%run_scoped3A : memref<!tpu.dma_semaphore, #tpu.memory_space<semaphore_mem>>) src(%dma_wait3A_16 : memref<3000xf32, #tpu.memory_space<hbm>>) dst(%arg7 : memref<3000xf32, #tpu.memory_space<vmem>>)
      tpu.yield
    }) : () -> ()
    "tpu.region"() ({
      %run_scoped3A = tpu.sem_alloc : memref<!tpu.dma_semaphore, #tpu.memory_space<semaphore_mem>>
      %dma_start3A = arith.constant 0 : i32
      %dma_start3A_7 = tpu.memref_slice %arg3[%add3A, %dma_start3A] : memref<32x7000xf32, #tpu.memory_space<hbm>> -> memref<1x7000xf32, #tpu.memory_space<hbm>>
      %dma_start3A_8 = tpu.memref_squeeze %dma_start3A_7 : memref<1x7000xf32, #tpu.memory_space<hbm>> -> memref<7000xf32, #tpu.memory_space<hbm>>
      %dma_start3A_9 = arith.constant 0 : i32
      %dma_start3A_10 = tpu.memref_slice %arg3[%add3A, %dma_start3A_9] : memref<32x7000xf32, #tpu.memory_space<hbm>> -> memref<1x7000xf32, #tpu.memory_space<hbm>>
      %dma_start3A_11 = tpu.memref_squeeze %dma_start3A_10 : memref<1x7000xf32, #tpu.memory_space<hbm>> -> memref<7000xf32, #tpu.memory_space<hbm>>
      tpu.enqueue_dma source(%dma_start3A_11 : memref<7000xf32, #tpu.memory_space<hbm>>) target(%arg8 : memref<7000xf32, #tpu.memory_space<vmem>>) target_semaphore(%run_scoped3A : memref<!tpu.dma_semaphore, #tpu.memory_space<semaphore_mem>>)
      %dma_wait3A = arith.constant 0 : i32
      %dma_wait3A_12 = tpu.memref_slice %arg3[%add3A, %dma_wait3A] : memref<32x7000xf32, #tpu.memory_space<hbm>> -> memref<1x7000xf32, #tpu.memory_space<hbm>>
      %dma_wait3A_13 = tpu.memref_squeeze %dma_wait3A_12 : memref<1x7000xf32, #tpu.memory_space<hbm>> -> memref<7000xf32, #tpu.memory_space<hbm>>
      %dma_wait3A_14 = arith.constant 0 : i32
      %dma_wait3A_15 = tpu.memref_slice %arg3[%add3A, %dma_wait3A_14] : memref<32x7000xf32, #tpu.memory_space<hbm>> -> memref<1x7000xf32, #tpu.memory_space<hbm>>
      %dma_wait3A_16 = tpu.memref_squeeze %dma_wait3A_15 : memref<1x7000xf32, #tpu.memory_space<hbm>> -> memref<7000xf32, #tpu.memory_space<hbm>>
      tpu.wait_dma2 semaphore(%run_scoped3A : memref<!tpu.dma_semaphore, #tpu.memory_space<semaphore_mem>>) src(%dma_wait3A_16 : memref<7000xf32, #tpu.memory_space<hbm>>) dst(%arg8 : memref<7000xf32, #tpu.memory_space<vmem>>)
      tpu.yield
    }) : () -> ()
    "tpu.region"() ({
      %run_scoped3A = tpu.sem_alloc : memref<!tpu.dma_semaphore, #tpu.memory_space<semaphore_mem>>
      %dma_start3A = arith.constant 0 : i32
      %dma_start3A_7 = tpu.memref_slice %arg4[%add3A, %dma_start3A] : memref<32x15000xi32, #tpu.memory_space<hbm>> -> memref<1x15000xi32, #tpu.memory_space<hbm>>
      %dma_start3A_8 = tpu.memref_squeeze %dma_start3A_7 : memref<1x15000xi32, #tpu.memory_space<hbm>> -> memref<15000xi32, #tpu.memory_space<hbm>>
      %dma_start3A_9 = arith.constant 0 : i32
      %dma_start3A_10 = tpu.memref_slice %arg4[%add3A, %dma_start3A_9] : memref<32x15000xi32, #tpu.memory_space<hbm>> -> memref<1x15000xi32, #tpu.memory_space<hbm>>
      %dma_start3A_11 = tpu.memref_squeeze %dma_start3A_10 : memref<1x15000xi32, #tpu.memory_space<hbm>> -> memref<15000xi32, #tpu.memory_space<hbm>>
      tpu.enqueue_dma source(%dma_start3A_11 : memref<15000xi32, #tpu.memory_space<hbm>>) target(%arg9 : memref<15000xi32, #tpu.memory_space<vmem>>) target_semaphore(%run_scoped3A : memref<!tpu.dma_semaphore, #tpu.memory_space<semaphore_mem>>)
      %dma_wait3A = arith.constant 0 : i32
      %dma_wait3A_12 = tpu.memref_slice %arg4[%add3A, %dma_wait3A] : memref<32x15000xi32, #tpu.memory_space<hbm>> -> memref<1x15000xi32, #tpu.memory_space<hbm>>
      %dma_wait3A_13 = tpu.memref_squeeze %dma_wait3A_12 : memref<1x15000xi32, #tpu.memory_space<hbm>> -> memref<15000xi32, #tpu.memory_space<hbm>>
      %dma_wait3A_14 = arith.constant 0 : i32
      %dma_wait3A_15 = tpu.memref_slice %arg4[%add3A, %dma_wait3A_14] : memref<32x15000xi32, #tpu.memory_space<hbm>> -> memref<1x15000xi32, #tpu.memory_space<hbm>>
      %dma_wait3A_16 = tpu.memref_squeeze %dma_wait3A_15 : memref<1x15000xi32, #tpu.memory_space<hbm>> -> memref<15000xi32, #tpu.memory_space<hbm>>
      tpu.wait_dma2 semaphore(%run_scoped3A : memref<!tpu.dma_semaphore, #tpu.memory_space<semaphore_mem>>) src(%dma_wait3A_16 : memref<15000xi32, #tpu.memory_space<hbm>>) dst(%arg9 : memref<15000xi32, #tpu.memory_space<vmem>>)
      tpu.yield
    }) : () -> ()
    "tpu.region"() ({
      %run_scoped3A = tpu.sem_alloc : memref<!tpu.dma_semaphore, #tpu.memory_space<semaphore_mem>>
      tpu.enqueue_dma source(%arg5 : memref<16xf32, #tpu.memory_space<hbm>>) target(%arg10 : memref<16xf32, #tpu.memory_space<vmem>>) target_semaphore(%run_scoped3A : memref<!tpu.dma_semaphore, #tpu.memory_space<semaphore_mem>>)
      tpu.wait_dma2 semaphore(%run_scoped3A : memref<!tpu.dma_semaphore, #tpu.memory_space<semaphore_mem>>) src(%arg5 : memref<16xf32, #tpu.memory_space<hbm>>) dst(%arg10 : memref<16xf32, #tpu.memory_space<vmem>>)
      tpu.yield
    }) : () -> ()
    %get3A = arith.constant 0 : index
    %get3A_1 = tpu.vector_load %arg10[%get3A] {strides = array<i32>} : memref<16xf32, #tpu.memory_space<vmem>>, vector<16xf32>,
    %iota3A = tpu.iota {dimensions = array<i32: 0>} : vector<16xi32>
    %scan3A = arith.constant 0 : i32
    %scan3A_2 = arith.constant 0 : i32
    %scan3A_3 = arith.constant 63 : i32
    %scan3A_4 = arith.addi %scan3A_2, %scan3A_3 : i32
    %scan3A_5 = arith.constant 1 : i32
    scf.for %scan3A_7 = %scan3A_2 to %scan3A_4 step %scan3A_5  : i32 {
      %mul3A_8 = arith.constant 16 : i32
      %mul3A_9 = arith.muli %scan3A_7, %mul3A_8 : i32
      %add3A_10 = vector.broadcast %mul3A_9 : i32 to vector<16xi32>
      %add3A_11 = arith.addi %add3A_10, %iota3A : vector<16xi32>
      %min3A = arith.constant 999 : i32
      %min3A_12 = vector.broadcast %min3A : i32 to vector<16xi32>
      %min3A_13 = arith.minsi %add3A_11, %min3A_12 : vector<16xi32>
      %add3A_14 = arith.constant 0 : i32
      %add3A_15 = vector.broadcast %add3A_14 : i32 to vector<16xi32>
      %add3A_16 = arith.addi %min3A_13, %add3A_15 : vector<16xi32>
      %gather3A = tpu.vector_load_idx %arg7[%add3A_16] : memref<3000xf32, #tpu.memory_space<vmem>>[vector<16xi32>], vector<16xf32>,
      %add3A_17 = arith.constant 1000 : i32
      %add3A_18 = vector.broadcast %add3A_17 : i32 to vector<16xi32>
      %add3A_19 = arith.addi %min3A_13, %add3A_18 : vector<16xi32>
      %gather3A_20 = tpu.vector_load_idx %arg7[%add3A_19] : memref<3000xf32, #tpu.memory_space<vmem>>[vector<16xi32>], vector<16xf32>,
      %add3A_21 = arith.constant 2000 : i32
      %add3A_22 = vector.broadcast %add3A_21 : i32 to vector<16xi32>
      %add3A_23 = arith.addi %min3A_13, %add3A_22 : vector<16xi32>
      %gather3A_24 = tpu.vector_load_idx %arg7[%add3A_23] : memref<3000xf32, #tpu.memory_space<vmem>>[vector<16xi32>], vector<16xf32>,
      %add3A_25 = arith.constant 0 : i32
      %add3A_26 = vector.broadcast %add3A_25 : i32 to vector<16xi32>
      %add3A_27 = arith.addi %min3A_13, %add3A_26 : vector<16xi32>
      %gather3A_28 = tpu.vector_load_idx %arg8[%add3A_27] : memref<7000xf32, #tpu.memory_space<vmem>>[vector<16xi32>], vector<16xf32>,
      %add3A_29 = arith.constant 1000 : i32
      %add3A_30 = vector.broadcast %add3A_29 : i32 to vector<16xi32>
      %add3A_31 = arith.addi %min3A_13, %add3A_30 : vector<16xi32>
      %gather3A_32 = tpu.vector_load_idx %arg8[%add3A_31] : memref<7000xf32, #tpu.memory_space<vmem>>[vector<16xi32>], vector<16xf32>,
      %add3A_33 = arith.constant 2000 : i32
      %add3A_34 = vector.broadcast %add3A_33 : i32 to vector<16xi32>
      %add3A_35 = arith.addi %min3A_13, %add3A_34 : vector<16xi32>
      %gather3A_36 = tpu.vector_load_idx %arg8[%add3A_35] : memref<7000xf32, #tpu.memory_space<vmem>>[vector<16xi32>], vector<16xf32>,
      %add3A_37 = arith.constant 3000 : i32
      %add3A_38 = vector.broadcast %add3A_37 : i32 to vector<16xi32>
      %add3A_39 = arith.addi %min3A_13, %add3A_38 : vector<16xi32>
      %gather3A_40 = tpu.vector_load_idx %arg8[%add3A_39] : memref<7000xf32, #tpu.memory_space<vmem>>[vector<16xi32>], vector<16xf32>,
      %add3A_41 = arith.constant 4000 : i32
      %add3A_42 = vector.broadcast %add3A_41 : i32 to vector<16xi32>
      %add3A_43 = arith.addi %min3A_13, %add3A_42 : vector<16xi32>
      %gather3A_44 = tpu.vector_load_idx %arg8[%add3A_43] : memref<7000xf32, #tpu.memory_space<vmem>>[vector<16xi32>], vector<16xf32>,
      %add3A_45 = arith.constant 5000 : i32
      %add3A_46 = vector.broadcast %add3A_45 : i32 to vector<16xi32>
      %add3A_47 = arith.addi %min3A_13, %add3A_46 : vector<16xi32>
      %gather3A_48 = tpu.vector_load_idx %arg8[%add3A_47] : memref<7000xf32, #tpu.memory_space<vmem>>[vector<16xi32>], vector<16xf32>,
      %add3A_49 = arith.constant 6000 : i32
      %add3A_50 = vector.broadcast %add3A_49 : i32 to vector<16xi32>
      %add3A_51 = arith.addi %min3A_13, %add3A_50 : vector<16xi32>
      %gather3A_52 = tpu.vector_load_idx %arg8[%add3A_51] : memref<7000xf32, #tpu.memory_space<vmem>>[vector<16xi32>], vector<16xf32>,
      %broadcast_in_dim3A = arith.constant 0.000000e+00 : f32
      %broadcast_in_dim3A_53 = vector.broadcast %broadcast_in_dim3A : f32 to vector<16xf32>
      %broadcast_in_dim3A_54 = arith.constant 0.000000e+00 : f32
      %broadcast_in_dim3A_55 = vector.broadcast %broadcast_in_dim3A_54 : f32 to vector<16xf32>
      %broadcast_in_dim3A_56 = arith.constant 0.000000e+00 : f32
      %broadcast_in_dim3A_57 = vector.broadcast %broadcast_in_dim3A_56 : f32 to vector<16xf32>
      %broadcast_in_dim3A_58 = arith.constant 0.000000e+00 : f32
      %broadcast_in_dim3A_59 = vector.broadcast %broadcast_in_dim3A_58 : f32 to vector<16xf32>
      %broadcast_in_dim3A_60 = arith.constant 0.000000e+00 : f32
      %broadcast_in_dim3A_61 = vector.broadcast %broadcast_in_dim3A_60 : f32 to vector<16xf32>
      %broadcast_in_dim3A_62 = arith.constant 0.000000e+00 : f32
      %broadcast_in_dim3A_63 = vector.broadcast %broadcast_in_dim3A_62 : f32 to vector<16xf32>
      %broadcast_in_dim3A_64 = arith.constant 0.000000e+00 : f32
      %broadcast_in_dim3A_65 = vector.broadcast %broadcast_in_dim3A_64 : f32 to vector<16xf32>
      %broadcast_in_dim3A_66 = arith.constant 0.000000e+00 : f32
      %broadcast_in_dim3A_67 = vector.broadcast %broadcast_in_dim3A_66 : f32 to vector<16xf32>
      %broadcast_in_dim3A_68 = arith.constant 0.000000e+00 : f32
      %broadcast_in_dim3A_69 = vector.broadcast %broadcast_in_dim3A_68 : f32 to vector<16xf32>
      %broadcast_in_dim3A_70 = arith.constant 0.000000e+00 : f32
      %broadcast_in_dim3A_71 = vector.broadcast %broadcast_in_dim3A_70 : f32 to vector<16xf32>
      %broadcast_in_dim3A_72 = arith.constant 0.000000e+00 : f32
      %broadcast_in_dim3A_73 = vector.broadcast %broadcast_in_dim3A_72 : f32 to vector<16xf32>
      %broadcast_in_dim3A_74 = arith.constant 0.000000e+00 : f32
      %broadcast_in_dim3A_75 = vector.broadcast %broadcast_in_dim3A_74 : f32 to vector<16xf32>
      %broadcast_in_dim3A_76 = arith.constant 0.000000e+00 : f32
      %broadcast_in_dim3A_77 = vector.broadcast %broadcast_in_dim3A_76 : f32 to vector<16xf32>
      %broadcast_in_dim3A_78 = arith.constant 0.000000e+00 : f32
      %broadcast_in_dim3A_79 = vector.broadcast %broadcast_in_dim3A_78 : f32 to vector<16xf32>
      %broadcast_in_dim3A_80 = arith.constant 0.000000e+00 : f32
      %broadcast_in_dim3A_81 = vector.broadcast %broadcast_in_dim3A_80 : f32 to vector<16xf32>
      %broadcast_in_dim3A_82 = arith.constant 0.000000e+00 : f32
      %broadcast_in_dim3A_83 = vector.broadcast %broadcast_in_dim3A_82 : f32 to vector<16xf32>
      %broadcast_in_dim3A_84 = arith.constant 0.000000e+00 : f32
      %broadcast_in_dim3A_85 = vector.broadcast %broadcast_in_dim3A_84 : f32 to vector<16xf32>
      %broadcast_in_dim3A_86 = arith.constant 0.000000e+00 : f32
      %broadcast_in_dim3A_87 = vector.broadcast %broadcast_in_dim3A_86 : f32 to vector<16xf32>
      %broadcast_in_dim3A_88 = arith.constant 0.000000e+00 : f32
      %broadcast_in_dim3A_89 = vector.broadcast %broadcast_in_dim3A_88 : f32 to vector<16xf32>
      %broadcast_in_dim3A_90 = arith.constant 0.000000e+00 : f32
      %broadcast_in_dim3A_91 = vector.broadcast %broadcast_in_dim3A_90 : f32 to vector<16xf32>
      %broadcast_in_dim3A_92 = arith.constant 0.000000e+00 : f32
      %broadcast_in_dim3A_93 = vector.broadcast %broadcast_in_dim3A_92 : f32 to vector<16xf32>
      %broadcast_in_dim3A_94 = arith.constant 0.000000e+00 : f32
      %broadcast_in_dim3A_95 = vector.broadcast %broadcast_in_dim3A_94 : f32 to vector<16xf32>
      %broadcast_in_dim3A_96 = arith.constant 0.000000e+00 : f32
      %broadcast_in_dim3A_97 = vector.broadcast %broadcast_in_dim3A_96 : f32 to vector<16xf32>
      %broadcast_in_dim3A_98 = arith.constant 0.000000e+00 : f32
      %broadcast_in_dim3A_99 = vector.broadcast %broadcast_in_dim3A_98 : f32 to vector<16xf32>
      %broadcast_in_dim3A_100 = arith.constant 0.000000e+00 : f32
      %broadcast_in_dim3A_101 = vector.broadcast %broadcast_in_dim3A_100 : f32 to vector<16xf32>
      %broadcast_in_dim3A_102 = arith.constant 0.000000e+00 : f32
      %broadcast_in_dim3A_103 = vector.broadcast %broadcast_in_dim3A_102 : f32 to vector<16xf32>
      %broadcast_in_dim3A_104 = arith.constant 0.000000e+00 : f32
      %broadcast_in_dim3A_105 = vector.broadcast %broadcast_in_dim3A_104 : f32 to vector<16xf32>
      %broadcast_in_dim3A_106 = arith.constant 0.000000e+00 : f32
      %broadcast_in_dim3A_107 = vector.broadcast %broadcast_in_dim3A_106 : f32 to vector<16xf32>
      %broadcast_in_dim3A_108 = arith.constant 0.000000e+00 : f32
      %broadcast_in_dim3A_109 = vector.broadcast %broadcast_in_dim3A_108 : f32 to vector<16xf32>
      %broadcast_in_dim3A_110 = arith.constant 0.000000e+00 : f32
      %broadcast_in_dim3A_111 = vector.broadcast %broadcast_in_dim3A_110 : f32 to vector<16xf32>
      %broadcast_in_dim3A_112 = arith.constant 0.000000e+00 : f32
      %broadcast_in_dim3A_113 = vector.broadcast %broadcast_in_dim3A_112 : f32 to vector<16xf32>
      %broadcast_in_dim3A_114 = arith.constant 0.000000e+00 : f32
      %broadcast_in_dim3A_115 = vector.broadcast %broadcast_in_dim3A_114 : f32 to vector<16xf32>
      %broadcast_in_dim3A_116 = arith.constant 0.000000e+00 : f32
      %broadcast_in_dim3A_117 = vector.broadcast %broadcast_in_dim3A_116 : f32 to vector<16xf32>
      %broadcast_in_dim3A_118 = arith.constant 0.000000e+00 : f32
      %broadcast_in_dim3A_119 = vector.broadcast %broadcast_in_dim3A_118 : f32 to vector<16xf32>
      %broadcast_in_dim3A_120 = arith.constant 0.000000e+00 : f32
      %broadcast_in_dim3A_121 = vector.broadcast %broadcast_in_dim3A_120 : f32 to vector<16xf32>
      %mul3A_122 = arith.constant 15 : i32
      %mul3A_123 = vector.broadcast %mul3A_122 : i32 to vector<16xi32>
      %mul3A_124 = arith.muli %min3A_13, %mul3A_123 : vector<16xi32>
      %add3A_125 = arith.constant 0 : i32
      %add3A_126 = vector.broadcast %add3A_125 : i32 to vector<16xi32>
      %add3A_127 = arith.addi %mul3A_124, %add3A_126 : vector<16xi32>
      %gather3A_128 = tpu.vector_load_idx %arg9[%add3A_127] : memref<15000xi32, #tpu.memory_space<vmem>>[vector<16xi32>], vector<16xi32>,
      %broadcast_in_dim3A_129 = arith.constant 0.000000e+00 : f32
      %broadcast_in_dim3A_130 = vector.broadcast %broadcast_in_dim3A_129 : f32 to vector<16xf32>
      %add3A_131 = arith.constant 0 : i32
      %add3A_132 = vector.broadcast %add3A_131 : i32 to vector<16xi32>
      %add3A_133 = arith.addi %gather3A_128, %add3A_132 : vector<16xi32>
      %gather3A_134 = tpu.vector_load_idx %arg7[%add3A_133] : memref<3000xf32, #tpu.memory_space<vmem>>[vector<16xi32>], vector<16xf32>,
      %sub3A = arith.subf %gather3A_134, %gather3A : vector<16xf32>
      %mul3A_135 = arith.mulf %sub3A, %sub3A : vector<16xf32>
      %add3A_136 = arith.addf %broadcast_in_dim3A_130, %mul3A_135 : vector<16xf32>
      %add3A_137 = arith.constant 1000 : i32
      %add3A_138 = vector.broadcast %add3A_137 : i32 to vector<16xi32>
      %add3A_139 = arith.addi %gather3A_128, %add3A_138 : vector<16xi32>
      %gather3A_140 = tpu.vector_load_idx %arg7[%add3A_139] : memref<3000xf32, #tpu.memory_space<vmem>>[vector<16xi32>], vector<16xf32>,
      %sub3A_141 = arith.subf %gather3A_140, %gather3A_20 : vector<16xf32>
      %mul3A_142 = arith.mulf %sub3A_141, %sub3A_141 : vector<16xf32>
      %add3A_143 = arith.addf %add3A_136, %mul3A_142 : vector<16xf32>
      %add3A_144 = arith.constant 2000 : i32
      %add3A_145 = vector.broadcast %add3A_144 : i32 to vector<16xi32>
      %add3A_146 = arith.addi %gather3A_128, %add3A_145 : vector<16xi32>
      %gather3A_147 = tpu.vector_load_idx %arg7[%add3A_146] : memref<3000xf32, #tpu.memory_space<vmem>>[vector<16xi32>], vector<16xf32>,
      %sub3A_148 = arith.subf %gather3A_147, %gather3A_24 : vector<16xf32>
      %mul3A_149 = arith.mulf %sub3A_148, %sub3A_148 : vector<16xf32>
      %add3A_150 = arith.addf %add3A_143, %mul3A_149 : vector<16xf32>
      %add3A_151 = arith.constant 9.99999993E-9 : f32
      %add3A_152 = vector.broadcast %add3A_151 : f32 to vector<16xf32>
      %add3A_153 = arith.addf %add3A_150, %add3A_152 : vector<16xf32>
      %bitcast_convert_type3A = tpu.bitcast %add3A_153 : vector<16xf32> -> vector<16xi32>
      %shift_right_arithmetic3A = arith.constant 1 : i32
      %shift_right_arithmetic3A_154 = vector.broadcast %shift_right_arithmetic3A : i32 to vector<16xi32>
      %shift_right_arithmetic3A_155 = arith.shrsi %bitcast_convert_type3A, %shift_right_arithmetic3A_154 : vector<16xi32>
      %add3A_156 = arith.constant 532487669 : i32
      %add3A_157 = vector.broadcast %add3A_156 : i32 to vector<16xi32>
      %add3A_158 = arith.addi %shift_right_arithmetic3A_155, %add3A_157 : vector<16xi32>
      %bitcast_convert_type3A_159 = tpu.bitcast %add3A_158 : vector<16xi32> -> vector<16xf32>
      %div3A = arith.divf %add3A_153, %bitcast_convert_type3A_159 : vector<16xf32>
      %add3A_160 = arith.addf %bitcast_convert_type3A_159, %div3A : vector<16xf32>
      %mul3A_161 = arith.constant 5.000000e-01 : f32
      %mul3A_162 = vector.broadcast %mul3A_161 : f32 to vector<16xf32>
      %mul3A_163 = arith.mulf %mul3A_162, %add3A_160 : vector<16xf32>
      %div3A_164 = arith.divf %add3A_153, %mul3A_163 : vector<16xf32>
      %add3A_165 = arith.addf %mul3A_163, %div3A_164 : vector<16xf32>
      %mul3A_166 = arith.constant 5.000000e-01 : f32
      %mul3A_167 = vector.broadcast %mul3A_166 : f32 to vector<16xf32>
      %mul3A_168 = arith.mulf %mul3A_167, %add3A_165 : vector<16xf32>
      %div3A_169 = arith.divf %add3A_153, %mul3A_168 : vector<16xf32>
      %add3A_170 = arith.addf %mul3A_168, %div3A_169 : vector<16xf32>
      %mul3A_171 = arith.constant 5.000000e-01 : f32
      %mul3A_172 = vector.broadcast %mul3A_171 : f32 to vector<16xf32>
      %mul3A_173 = arith.mulf %mul3A_172, %add3A_170 : vector<16xf32>
      %add3A_174 = arith.constant 9.99999993E-9 : f32
      %add3A_175 = vector.broadcast %add3A_174 : f32 to vector<16xf32>
      %add3A_176 = arith.addf %mul3A_173, %add3A_175 : vector<16xf32>
      %div3A_177 = arith.constant 1.000000e+00 : f32
      %div3A_178 = vector.broadcast %div3A_177 : f32 to vector<16xf32>
      %div3A_179 = arith.divf %div3A_178, %add3A_176 : vector<16xf32>
      %mul3A_180 = arith.mulf %mul3A_173, %get3A_1 : vector<16xf32>
      %sub3A_181 = arith.constant 0.000000e+00 : f32
      %sub3A_182 = vector.broadcast %sub3A_181 : f32 to vector<16xf32>
      %sub3A_183 = arith.subf %mul3A_180, %sub3A_182 : vector<16xf32>
      %abs3A = math.absf %sub3A_183 : vector<16xf32>
      %sub3A_184 = arith.constant 1.000000e+00 : f32
      %sub3A_185 = vector.broadcast %sub3A_184 : f32 to vector<16xf32>
      %sub3A_186 = arith.subf %sub3A_185, %abs3A : vector<16xf32>
      %max3A = arith.constant 0.000000e+00 : f32
      %max3A_187 = vector.broadcast %max3A : f32 to vector<16xf32>
      %max3A_188 = arith.maximumf %sub3A_186, %max3A_187 : vector<16xf32>
      %sub3A_189 = arith.constant 1.000000e+00 : f32
      %sub3A_190 = vector.broadcast %sub3A_189 : f32 to vector<16xf32>
      %sub3A_191 = arith.subf %mul3A_180, %sub3A_190 : vector<16xf32>
      %abs3A_192 = math.absf %sub3A_191 : vector<16xf32>
      %sub3A_193 = arith.constant 1.000000e+00 : f32
      %sub3A_194 = vector.broadcast %sub3A_193 : f32 to vector<16xf32>
      %sub3A_195 = arith.subf %sub3A_194, %abs3A_192 : vector<16xf32>
      %max3A_196 = arith.constant 0.000000e+00 : f32
      %max3A_197 = vector.broadcast %max3A_196 : f32 to vector<16xf32>
      %max3A_198 = arith.maximumf %sub3A_195, %max3A_197 : vector<16xf32>
      %sub3A_199 = arith.constant 2.000000e+00 : f32
      %sub3A_200 = vector.broadcast %sub3A_199 : f32 to vector<16xf32>
      %sub3A_201 = arith.subf %mul3A_180, %sub3A_200 : vector<16xf32>
      %abs3A_202 = math.absf %sub3A_201 : vector<16xf32>
      %sub3A_203 = arith.constant 1.000000e+00 : f32
      %sub3A_204 = vector.broadcast %sub3A_203 : f32 to vector<16xf32>
      %sub3A_205 = arith.subf %sub3A_204, %abs3A_202 : vector<16xf32>
      %max3A_206 = arith.constant 0.000000e+00 : f32
      %max3A_207 = vector.broadcast %max3A_206 : f32 to vector<16xf32>
      %max3A_208 = arith.maximumf %sub3A_205, %max3A_207 : vector<16xf32>
      %sub3A_209 = arith.constant 3.000000e+00 : f32
      %sub3A_210 = vector.broadcast %sub3A_209 : f32 to vector<16xf32>
      %sub3A_211 = arith.subf %mul3A_180, %sub3A_210 : vector<16xf32>
      %abs3A_212 = math.absf %sub3A_211 : vector<16xf32>
      %sub3A_213 = arith.constant 1.000000e+00 : f32
      %sub3A_214 = vector.broadcast %sub3A_213 : f32 to vector<16xf32>
      %sub3A_215 = arith.subf %sub3A_214, %abs3A_212 : vector<16xf32>
      %max3A_216 = arith.constant 0.000000e+00 : f32
      %max3A_217 = vector.broadcast %max3A_216 : f32 to vector<16xf32>
      %max3A_218 = arith.maximumf %sub3A_215, %max3A_217 : vector<16xf32>
      %sub3A_219 = arith.constant 4.000000e+00 : f32
      %sub3A_220 = vector.broadcast %sub3A_219 : f32 to vector<16xf32>
      %sub3A_221 = arith.subf %mul3A_180, %sub3A_220 : vector<16xf32>
      %abs3A_222 = math.absf %sub3A_221 : vector<16xf32>
      %sub3A_223 = arith.constant 1.000000e+00 : f32
      %sub3A_224 = vector.broadcast %sub3A_223 : f32 to vector<16xf32>
      %sub3A_225 = arith.subf %sub3A_224, %abs3A_222 : vector<16xf32>
      %max3A_226 = arith.constant 0.000000e+00 : f32
      %max3A_227 = vector.broadcast %max3A_226 : f32 to vector<16xf32>
      %max3A_228 = arith.maximumf %sub3A_225, %max3A_227 : vector<16xf32>
      %add3A_229 = arith.constant 0 : i32
      %add3A_230 = vector.broadcast %add3A_229 : i32 to vector<16xi32>
      %add3A_231 = arith.addi %gather3A_128, %add3A_230 : vector<16xi32>
      %gather3A_232 = tpu.vector_load_idx %arg8[%add3A_231] : memref<7000xf32, #tpu.memory_space<vmem>>[vector<16xi32>], vector<16xf32>,
      %sub3A_233 = arith.subf %gather3A_232, %gather3A_28 : vector<16xf32>
      %mul3A_234 = arith.mulf %sub3A_233, %div3A_179 : vector<16xf32>
      %max3A_235 = arith.constant 0.000000e+00 : f32
      %max3A_236 = vector.broadcast %max3A_235 : f32 to vector<16xf32>
      %max3A_237 = arith.maximumf %mul3A_234, %max3A_236 : vector<16xf32>
      %mul3A_238 = arith.mulf %max3A_237, %max3A_188 : vector<16xf32>
      %add3A_239 = arith.addf %broadcast_in_dim3A_53, %mul3A_238 : vector<16xf32>
      %mul3A_240 = arith.mulf %max3A_237, %max3A_198 : vector<16xf32>
      %add3A_241 = arith.addf %broadcast_in_dim3A_55, %mul3A_240 : vector<16xf32>
      %mul3A_242 = arith.mulf %max3A_237, %max3A_208 : vector<16xf32>
      %add3A_243 = arith.addf %broadcast_in_dim3A_57, %mul3A_242 : vector<16xf32>
      %mul3A_244 = arith.mulf %max3A_237, %max3A_218 : vector<16xf32>
      %add3A_245 = arith.addf %broadcast_in_dim3A_59, %mul3A_244 : vector<16xf32>
      %mul3A_246 = arith.mulf %max3A_237, %max3A_228 : vector<16xf32>
      %add3A_247 = arith.addf %broadcast_in_dim3A_61, %mul3A_246 : vector<16xf32>
      %add3A_248 = arith.constant 1000 : i32
      %add3A_249 = vector.broadcast %add3A_248 : i32 to vector<16xi32>
      %add3A_250 = arith.addi %gather3A_128, %add3A_249 : vector<16xi32>
      %gather3A_251 = tpu.vector_load_idx %arg8[%add3A_250] : memref<7000xf32, #tpu.memory_space<vmem>>[vector<16xi32>], vector<16xf32>,
      %sub3A_252 = arith.subf %gather3A_251, %gather3A_32 : vector<16xf32>
      %mul3A_253 = arith.mulf %sub3A_252, %div3A_179 : vector<16xf32>
      %max3A_254 = arith.constant 0.000000e+00 : f32
      %max3A_255 = vector.broadcast %max3A_254 : f32 to vector<16xf32>
      %max3A_256 = arith.maximumf %mul3A_253, %max3A_255 : vector<16xf32>
      %mul3A_257 = arith.mulf %max3A_256, %max3A_188 : vector<16xf32>
      %add3A_258 = arith.addf %broadcast_in_dim3A_63, %mul3A_257 : vector<16xf32>
      %mul3A_259 = arith.mulf %max3A_256, %max3A_198 : vector<16xf32>
      %add3A_260 = arith.addf %broadcast_in_dim3A_65, %mul3A_259 : vector<16xf32>
      %mul3A_261 = arith.mulf %max3A_256, %max3A_208 : vector<16xf32>
      %add3A_262 = arith.addf %broadcast_in_dim3A_67, %mul3A_261 : vector<16xf32>
      %mul3A_263 = arith.mulf %max3A_256, %max3A_218 : vector<16xf32>
      %add3A_264 = arith.addf %broadcast_in_dim3A_69, %mul3A_263 : vector<16xf32>
      %mul3A_265 = arith.mulf %max3A_256, %max3A_228 : vector<16xf32>
      %add3A_266 = arith.addf %broadcast_in_dim3A_71, %mul3A_265 : vector<16xf32>
      %add3A_267 = arith.constant 2000 : i32
      %add3A_268 = vector.broadcast %add3A_267 : i32 to vector<16xi32>
      %add3A_269 = arith.addi %gather3A_128, %add3A_268 : vector<16xi32>
      %gather3A_270 = tpu.vector_load_idx %arg8[%add3A_269] : memref<7000xf32, #tpu.memory_space<vmem>>[vector<16xi32>], vector<16xf32>,
      %sub3A_271 = arith.subf %gather3A_270, %gather3A_36 : vector<16xf32>
      %mul3A_272 = arith.mulf %sub3A_271, %div3A_179 : vector<16xf32>
      %max3A_273 = arith.constant 0.000000e+00 : f32
      %max3A_274 = vector.broadcast %max3A_273 : f32 to vector<16xf32>
      %max3A_275 = arith.maximumf %mul3A_272, %max3A_274 : vector<16xf32>
      %mul3A_276 = arith.mulf %max3A_275, %max3A_188 : vector<16xf32>
      %add3A_277 = arith.addf %broadcast_in_dim3A_73, %mul3A_276 : vector<16xf32>
      %mul3A_278 = arith.mulf %max3A_275, %max3A_198 : vector<16xf32>
      %add3A_279 = arith.addf %broadcast_in_dim3A_75, %mul3A_278 : vector<16xf32>
      %mul3A_280 = arith.mulf %max3A_275, %max3A_208 : vector<16xf32>
      %add3A_281 = arith.addf %broadcast_in_dim3A_77, %mul3A_280 : vector<16xf32>
      %mul3A_282 = arith.mulf %max3A_275, %max3A_218 : vector<16xf32>
      %add3A_283 = arith.addf %broadcast_in_dim3A_79, %mul3A_282 : vector<16xf32>
      %mul3A_284 = arith.mulf %max3A_275, %max3A_228 : vector<16xf32>
      %add3A_285 = arith.addf %broadcast_in_dim3A_81, %mul3A_284 : vector<16xf32>
      %add3A_286 = arith.constant 3000 : i32
      %add3A_287 = vector.broadcast %add3A_286 : i32 to vector<16xi32>
      %add3A_288 = arith.addi %gather3A_128, %add3A_287 : vector<16xi32>
      %gather3A_289 = tpu.vector_load_idx %arg8[%add3A_288] : memref<7000xf32, #tpu.memory_space<vmem>>[vector<16xi32>], vector<16xf32>,
      %sub3A_290 = arith.subf %gather3A_289, %gather3A_40 : vector<16xf32>
      %mul3A_291 = arith.mulf %sub3A_290, %div3A_179 : vector<16xf32>
      %max3A_292 = arith.constant 0.000000e+00 : f32
      %max3A_293 = vector.broadcast %max3A_292 : f32 to vector<16xf32>
      %max3A_294 = arith.maximumf %mul3A_291, %max3A_293 : vector<16xf32>
      %mul3A_295 = arith.mulf %max3A_294, %max3A_188 : vector<16xf32>
      %add3A_296 = arith.addf %broadcast_in_dim3A_83, %mul3A_295 : vector<16xf32>
      %mul3A_297 = arith.mulf %max3A_294, %max3A_198 : vector<16xf32>
      %add3A_298 = arith.addf %broadcast_in_dim3A_85, %mul3A_297 : vector<16xf32>
      %mul3A_299 = arith.mulf %max3A_294, %max3A_208 : vector<16xf32>
      %add3A_300 = arith.addf %broadcast_in_dim3A_87, %mul3A_299 : vector<16xf32>
      %mul3A_301 = arith.mulf %max3A_294, %max3A_218 : vector<16xf32>
      %add3A_302 = arith.addf %broadcast_in_dim3A_89, %mul3A_301 : vector<16xf32>
      %mul3A_303 = arith.mulf %max3A_294, %max3A_228 : vector<16xf32>
      %add3A_304 = arith.addf %broadcast_in_dim3A_91, %mul3A_303 : vector<16xf32>
      %add3A_305 = arith.constant 4000 : i32
      %add3A_306 = vector.broadcast %add3A_305 : i32 to vector<16xi32>
      %add3A_307 = arith.addi %gather3A_128, %add3A_306 : vector<16xi32>
      %gather3A_308 = tpu.vector_load_idx %arg8[%add3A_307] : memref<7000xf32, #tpu.memory_space<vmem>>[vector<16xi32>], vector<16xf32>,
      %sub3A_309 = arith.subf %gather3A_308, %gather3A_44 : vector<16xf32>
      %mul3A_310 = arith.mulf %sub3A_309, %div3A_179 : vector<16xf32>
      %max3A_311 = arith.constant 0.000000e+00 : f32
      %max3A_312 = vector.broadcast %max3A_311 : f32 to vector<16xf32>
      %max3A_313 = arith.maximumf %mul3A_310, %max3A_312 : vector<16xf32>
      %mul3A_314 = arith.mulf %max3A_313, %max3A_188 : vector<16xf32>
      %add3A_315 = arith.addf %broadcast_in_dim3A_93, %mul3A_314 : vector<16xf32>
      %mul3A_316 = arith.mulf %max3A_313, %max3A_198 : vector<16xf32>
      %add3A_317 = arith.addf %broadcast_in_dim3A_95, %mul3A_316 : vector<16xf32>
      %mul3A_318 = arith.mulf %max3A_313, %max3A_208 : vector<16xf32>
      %add3A_319 = arith.addf %broadcast_in_dim3A_97, %mul3A_318 : vector<16xf32>
      %mul3A_320 = arith.mulf %max3A_313, %max3A_218 : vector<16xf32>
      %add3A_321 = arith.addf %broadcast_in_dim3A_99, %mul3A_320 : vector<16xf32>
      %mul3A_322 = arith.mulf %max3A_313, %max3A_228 : vector<16xf32>
      %add3A_323 = arith.addf %broadcast_in_dim3A_101, %mul3A_322 : vector<16xf32>
      %add3A_324 = arith.constant 5000 : i32
      %add3A_325 = vector.broadcast %add3A_324 : i32 to vector<16xi32>
      %add3A_326 = arith.addi %gather3A_128, %add3A_325 : vector<16xi32>
      %gather3A_327 = tpu.vector_load_idx %arg8[%add3A_326] : memref<7000xf32, #tpu.memory_space<vmem>>[vector<16xi32>], vector<16xf32>,
      %sub3A_328 = arith.subf %gather3A_327, %gather3A_48 : vector<16xf32>
      %mul3A_329 = arith.mulf %sub3A_328, %div3A_179 : vector<16xf32>
      %max3A_330 = arith.constant 0.000000e+00 : f32
      %max3A_331 = vector.broadcast %max3A_330 : f32 to vector<16xf32>
      %max3A_332 = arith.maximumf %mul3A_329, %max3A_331 : vector<16xf32>
      %mul3A_333 = arith.mulf %max3A_332, %max3A_188 : vector<16xf32>
      %add3A_334 = arith.addf %broadcast_in_dim3A_103, %mul3A_333 : vector<16xf32>
      %mul3A_335 = arith.mulf %max3A_332, %max3A_198 : vector<16xf32>
      %add3A_336 = arith.addf %broadcast_in_dim3A_105, %mul3A_335 : vector<16xf32>
      %mul3A_337 = arith.mulf %max3A_332, %max3A_208 : vector<16xf32>
      %add3A_338 = arith.addf %broadcast_in_dim3A_107, %mul3A_337 : vector<16xf32>
      %mul3A_339 = arith.mulf %max3A_332, %max3A_218 : vector<16xf32>
      %add3A_340 = arith.addf %broadcast_in_dim3A_109, %mul3A_339 : vector<16xf32>
      %mul3A_341 = arith.mulf %max3A_332, %max3A_228 : vector<16xf32>
      %add3A_342 = arith.addf %broadcast_in_dim3A_111, %mul3A_341 : vector<16xf32>
      %add3A_343 = arith.constant 6000 : i32
      %add3A_344 = vector.broadcast %add3A_343 : i32 to vector<16xi32>
      %add3A_345 = arith.addi %gather3A_128, %add3A_344 : vector<16xi32>
      %gather3A_346 = tpu.vector_load_idx %arg8[%add3A_345] : memref<7000xf32, #tpu.memory_space<vmem>>[vector<16xi32>], vector<16xf32>,
      %sub3A_347 = arith.subf %gather3A_346, %gather3A_52 : vector<16xf32>
      %mul3A_348 = arith.mulf %sub3A_347, %div3A_179 : vector<16xf32>
      %max3A_349 = arith.constant 0.000000e+00 : f32
      %max3A_350 = vector.broadcast %max3A_349 : f32 to vector<16xf32>
      %max3A_351 = arith.maximumf %mul3A_348, %max3A_350 : vector<16xf32>
      %mul3A_352 = arith.mulf %max3A_351, %max3A_188 : vector<16xf32>
      %add3A_353 = arith.addf %broadcast_in_dim3A_113, %mul3A_352 : vector<16xf32>
      %mul3A_354 = arith.mulf %max3A_351, %max3A_198 : vector<16xf32>
      %add3A_355 = arith.addf %broadcast_in_dim3A_115, %mul3A_354 : vector<16xf32>
      %mul3A_356 = arith.mulf %max3A_351, %max3A_208 : vector<16xf32>
      %add3A_357 = arith.addf %broadcast_in_dim3A_117, %mul3A_356 : vector<16xf32>
      %mul3A_358 = arith.mulf %max3A_351, %max3A_218 : vector<16xf32>
      %add3A_359 = arith.addf %broadcast_in_dim3A_119, %mul3A_358 : vector<16xf32>
      %mul3A_360 = arith.mulf %max3A_351, %max3A_228 : vector<16xf32>
      %add3A_361 = arith.addf %broadcast_in_dim3A_121, %mul3A_360 : vector<16xf32>
      %add3A_362 = arith.constant 1 : i32
      %add3A_363 = vector.broadcast %add3A_362 : i32 to vector<16xi32>
      %add3A_364 = arith.addi %mul3A_124, %add3A_363 : vector<16xi32>
      %gather3A_365 = tpu.vector_load_idx %arg9[%add3A_364] : memref<15000xi32, #tpu.memory_space<vmem>>[vector<16xi32>], vector<16xi32>,
      %broadcast_in_dim3A_366 = arith.constant 0.000000e+00 : f32
      %broadcast_in_dim3A_367 = vector.broadcast %broadcast_in_dim3A_366 : f32 to vector<16xf32>
      %add3A_368 = arith.constant 0 : i32
      %add3A_369 = vector.broadcast %add3A_368 : i32 to vector<16xi32>
      %add3A_370 = arith.addi %gather3A_365, %add3A_369 : vector<16xi32>
      %gather3A_371 = tpu.vector_load_idx %arg7[%add3A_370] : memref<3000xf32, #tpu.memory_space<vmem>>[vector<16xi32>], vector<16xf32>,
      %sub3A_372 = arith.subf %gather3A_371, %gather3A : vector<16xf32>
      %mul3A_373 = arith.mulf %sub3A_372, %sub3A_372 : vector<16xf32>
      %add3A_374 = arith.addf %broadcast_in_dim3A_367, %mul3A_373 : vector<16xf32>
      %add3A_375 = arith.constant 1000 : i32
      %add3A_376 = vector.broadcast %add3A_375 : i32 to vector<16xi32>
      %add3A_377 = arith.addi %gather3A_365, %add3A_376 : vector<16xi32>
      %gather3A_378 = tpu.vector_load_idx %arg7[%add3A_377] : memref<3000xf32, #tpu.memory_space<vmem>>[vector<16xi32>], vector<16xf32>,
      %sub3A_379 = arith.subf %gather3A_378, %gather3A_20 : vector<16xf32>
      %mul3A_380 = arith.mulf %sub3A_379, %sub3A_379 : vector<16xf32>
      %add3A_381 = arith.addf %add3A_374, %mul3A_380 : vector<16xf32>
      %add3A_382 = arith.constant 2000 : i32
      %add3A_383 = vector.broadcast %add3A_382 : i32 to vector<16xi32>
      %add3A_384 = arith.addi %gather3A_365, %add3A_383 : vector<16xi32>
      %gather3A_385 = tpu.vector_load_idx %arg7[%add3A_384] : memref<3000xf32, #tpu.memory_space<vmem>>[vector<16xi32>], vector<16xf32>,
      %sub3A_386 = arith.subf %gather3A_385, %gather3A_24 : vector<16xf32>
      %mul3A_387 = arith.mulf %sub3A_386, %sub3A_386 : vector<16xf32>
      %add3A_388 = arith.addf %add3A_381, %mul3A_387 : vector<16xf32>
      %add3A_389 = arith.constant 9.99999993E-9 : f32
      %add3A_390 = vector.broadcast %add3A_389 : f32 to vector<16xf32>
      %add3A_391 = arith.addf %add3A_388, %add3A_390 : vector<16xf32>
      %bitcast_convert_type3A_392 = tpu.bitcast %add3A_391 : vector<16xf32> -> vector<16xi32>
      %shift_right_arithmetic3A_393 = arith.constant 1 : i32
      %shift_right_arithmetic3A_394 = vector.broadcast %shift_right_arithmetic3A_393 : i32 to vector<16xi32>
      %shift_right_arithmetic3A_395 = arith.shrsi %bitcast_convert_type3A_392, %shift_right_arithmetic3A_394 : vector<16xi32>
      %add3A_396 = arith.constant 532487669 : i32
      %add3A_397 = vector.broadcast %add3A_396 : i32 to vector<16xi32>
      %add3A_398 = arith.addi %shift_right_arithmetic3A_395, %add3A_397 : vector<16xi32>
      %bitcast_convert_type3A_399 = tpu.bitcast %add3A_398 : vector<16xi32> -> vector<16xf32>
      %div3A_400 = arith.divf %add3A_391, %bitcast_convert_type3A_399 : vector<16xf32>
      %add3A_401 = arith.addf %bitcast_convert_type3A_399, %div3A_400 : vector<16xf32>
      %mul3A_402 = arith.constant 5.000000e-01 : f32
      %mul3A_403 = vector.broadcast %mul3A_402 : f32 to vector<16xf32>
      %mul3A_404 = arith.mulf %mul3A_403, %add3A_401 : vector<16xf32>
      %div3A_405 = arith.divf %add3A_391, %mul3A_404 : vector<16xf32>
      %add3A_406 = arith.addf %mul3A_404, %div3A_405 : vector<16xf32>
      %mul3A_407 = arith.constant 5.000000e-01 : f32
      %mul3A_408 = vector.broadcast %mul3A_407 : f32 to vector<16xf32>
      %mul3A_409 = arith.mulf %mul3A_408, %add3A_406 : vector<16xf32>
      %div3A_410 = arith.divf %add3A_391, %mul3A_409 : vector<16xf32>
      %add3A_411 = arith.addf %mul3A_409, %div3A_410 : vector<16xf32>
      %mul3A_412 = arith.constant 5.000000e-01 : f32
      %mul3A_413 = vector.broadcast %mul3A_412 : f32 to vector<16xf32>
      %mul3A_414 = arith.mulf %mul3A_413, %add3A_411 : vector<16xf32>
      %add3A_415 = arith.constant 9.99999993E-9 : f32
      %add3A_416 = vector.broadcast %add3A_415 : f32 to vector<16xf32>
      %add3A_417 = arith.addf %mul3A_414, %add3A_416 : vector<16xf32>
      %div3A_418 = arith.constant 1.000000e+00 : f32
      %div3A_419 = vector.broadcast %div3A_418 : f32 to vector<16xf32>
      %div3A_420 = arith.divf %div3A_419, %add3A_417 : vector<16xf32>
      %mul3A_421 = arith.mulf %mul3A_414, %get3A_1 : vector<16xf32>
      %sub3A_422 = arith.constant 0.000000e+00 : f32
      %sub3A_423 = vector.broadcast %sub3A_422 : f32 to vector<16xf32>
      %sub3A_424 = arith.subf %mul3A_421, %sub3A_423 : vector<16xf32>
      %abs3A_425 = math.absf %sub3A_424 : vector<16xf32>
      %sub3A_426 = arith.constant 1.000000e+00 : f32
      %sub3A_427 = vector.broadcast %sub3A_426 : f32 to vector<16xf32>
      %sub3A_428 = arith.subf %sub3A_427, %abs3A_425 : vector<16xf32>
      %max3A_429 = arith.constant 0.000000e+00 : f32
      %max3A_430 = vector.broadcast %max3A_429 : f32 to vector<16xf32>
      %max3A_431 = arith.maximumf %sub3A_428, %max3A_430 : vector<16xf32>
      %sub3A_432 = arith.constant 1.000000e+00 : f32
      %sub3A_433 = vector.broadcast %sub3A_432 : f32 to vector<16xf32>
      %sub3A_434 = arith.subf %mul3A_421, %sub3A_433 : vector<16xf32>
      %abs3A_435 = math.absf %sub3A_434 : vector<16xf32>
      %sub3A_436 = arith.constant 1.000000e+00 : f32
      %sub3A_437 = vector.broadcast %sub3A_436 : f32 to vector<16xf32>
      %sub3A_438 = arith.subf %sub3A_437, %abs3A_435 : vector<16xf32>
      %max3A_439 = arith.constant 0.000000e+00 : f32
      %max3A_440 = vector.broadcast %max3A_439 : f32 to vector<16xf32>
      %max3A_441 = arith.maximumf %sub3A_438, %max3A_440 : vector<16xf32>
      %sub3A_442 = arith.constant 2.000000e+00 : f32
      %sub3A_443 = vector.broadcast %sub3A_442 : f32 to vector<16xf32>
      %sub3A_444 = arith.subf %mul3A_421, %sub3A_443 : vector<16xf32>
      %abs3A_445 = math.absf %sub3A_444 : vector<16xf32>
      %sub3A_446 = arith.constant 1.000000e+00 : f32
      %sub3A_447 = vector.broadcast %sub3A_446 : f32 to vector<16xf32>
      %sub3A_448 = arith.subf %sub3A_447, %abs3A_445 : vector<16xf32>
      %max3A_449 = arith.constant 0.000000e+00 : f32
      %max3A_450 = vector.broadcast %max3A_449 : f32 to vector<16xf32>
      %max3A_451 = arith.maximumf %sub3A_448, %max3A_450 : vector<16xf32>
      %sub3A_452 = arith.constant 3.000000e+00 : f32
      %sub3A_453 = vector.broadcast %sub3A_452 : f32 to vector<16xf32>
      %sub3A_454 = arith.subf %mul3A_421, %sub3A_453 : vector<16xf32>
      %abs3A_455 = math.absf %sub3A_454 : vector<16xf32>
      %sub3A_456 = arith.constant 1.000000e+00 : f32
      %sub3A_457 = vector.broadcast %sub3A_456 : f32 to vector<16xf32>
      %sub3A_458 = arith.subf %sub3A_457, %abs3A_455 : vector<16xf32>
      %max3A_459 = arith.constant 0.000000e+00 : f32
      %max3A_460 = vector.broadcast %max3A_459 : f32 to vector<16xf32>
      %max3A_461 = arith.maximumf %sub3A_458, %max3A_460 : vector<16xf32>
      %sub3A_462 = arith.constant 4.000000e+00 : f32
      %sub3A_463 = vector.broadcast %sub3A_462 : f32 to vector<16xf32>
      %sub3A_464 = arith.subf %mul3A_421, %sub3A_463 : vector<16xf32>
      %abs3A_465 = math.absf %sub3A_464 : vector<16xf32>
      %sub3A_466 = arith.constant 1.000000e+00 : f32
      %sub3A_467 = vector.broadcast %sub3A_466 : f32 to vector<16xf32>
      %sub3A_468 = arith.subf %sub3A_467, %abs3A_465 : vector<16xf32>
      %max3A_469 = arith.constant 0.000000e+00 : f32
      %max3A_470 = vector.broadcast %max3A_469 : f32 to vector<16xf32>
      %max3A_471 = arith.maximumf %sub3A_468, %max3A_470 : vector<16xf32>
      %add3A_472 = arith.constant 0 : i32
      %add3A_473 = vector.broadcast %add3A_472 : i32 to vector<16xi32>
      %add3A_474 = arith.addi %gather3A_365, %add3A_473 : vector<16xi32>
      %gather3A_475 = tpu.vector_load_idx %arg8[%add3A_474] : memref<7000xf32, #tpu.memory_space<vmem>>[vector<16xi32>], vector<16xf32>,
      %sub3A_476 = arith.subf %gather3A_475, %gather3A_28 : vector<16xf32>
      %mul3A_477 = arith.mulf %sub3A_476, %div3A_420 : vector<16xf32>
      %max3A_478 = arith.constant 0.000000e+00 : f32
      %max3A_479 = vector.broadcast %max3A_478 : f32 to vector<16xf32>
      %max3A_480 = arith.maximumf %mul3A_477, %max3A_479 : vector<16xf32>
      %mul3A_481 = arith.mulf %max3A_480, %max3A_431 : vector<16xf32>
      %add3A_482 = arith.addf %add3A_239, %mul3A_481 : vector<16xf32>
      %mul3A_483 = arith.mulf %max3A_480, %max3A_441 : vector<16xf32>
      %add3A_484 = arith.addf %add3A_241, %mul3A_483 : vector<16xf32>
      %mul3A_485 = arith.mulf %max3A_480, %max3A_451 : vector<16xf32>
      %add3A_486 = arith.addf %add3A_243, %mul3A_485 : vector<16xf32>
      %mul3A_487 = arith.mulf %max3A_480, %max3A_461 : vector<16xf32>
      %add3A_488 = arith.addf %add3A_245, %mul3A_487 : vector<16xf32>
      %mul3A_489 = arith.mulf %max3A_480, %max3A_471 : vector<16xf32>
      %add3A_490 = arith.addf %add3A_247, %mul3A_489 : vector<16xf32>
      %add3A_491 = arith.constant 1000 : i32
      %add3A_492 = vector.broadcast %add3A_491 : i32 to vector<16xi32>
      %add3A_493 = arith.addi %gather3A_365, %add3A_492 : vector<16xi32>
      %gather3A_494 = tpu.vector_load_idx %arg8[%add3A_493] : memref<7000xf32, #tpu.memory_space<vmem>>[vector<16xi32>], vector<16xf32>,
      %sub3A_495 = arith.subf %gather3A_494, %gather3A_32 : vector<16xf32>
      %mul3A_496 = arith.mulf %sub3A_495, %div3A_420 : vector<16xf32>
      %max3A_497 = arith.constant 0.000000e+00 : f32
      %max3A_498 = vector.broadcast %max3A_497 : f32 to vector<16xf32>
      %max3A_499 = arith.maximumf %mul3A_496, %max3A_498 : vector<16xf32>
      %mul3A_500 = arith.mulf %max3A_499, %max3A_431 : vector<16xf32>
      %add3A_501 = arith.addf %add3A_258, %mul3A_500 : vector<16xf32>
      %mul3A_502 = arith.mulf %max3A_499, %max3A_441 : vector<16xf32>
      %add3A_503 = arith.addf %add3A_260, %mul3A_502 : vector<16xf32>
      %mul3A_504 = arith.mulf %max3A_499, %max3A_451 : vector<16xf32>
      %add3A_505 = arith.addf %add3A_262, %mul3A_504 : vector<16xf32>
      %mul3A_506 = arith.mulf %max3A_499, %max3A_461 : vector<16xf32>
      %add3A_507 = arith.addf %add3A_264, %mul3A_506 : vector<16xf32>
      %mul3A_508 = arith.mulf %max3A_499, %max3A_471 : vector<16xf32>
      %add3A_509 = arith.addf %add3A_266, %mul3A_508 : vector<16xf32>
      %add3A_510 = arith.constant 2000 : i32
      %add3A_511 = vector.broadcast %add3A_510 : i32 to vector<16xi32>
      %add3A_512 = arith.addi %gather3A_365, %add3A_511 : vector<16xi32>
      %gather3A_513 = tpu.vector_load_idx %arg8[%add3A_512] : memref<7000xf32, #tpu.memory_space<vmem>>[vector<16xi32>], vector<16xf32>,
      %sub3A_514 = arith.subf %gather3A_513, %gather3A_36 : vector<16xf32>
      %mul3A_515 = arith.mulf %sub3A_514, %div3A_420 : vector<16xf32>
      %max3A_516 = arith.constant 0.000000e+00 : f32
      %max3A_517 = vector.broadcast %max3A_516 : f32 to vector<16xf32>
      %max3A_518 = arith.maximumf %mul3A_515, %max3A_517 : vector<16xf32>
      %mul3A_519 = arith.mulf %max3A_518, %max3A_431 : vector<16xf32>
      %add3A_520 = arith.addf %add3A_277, %mul3A_519 : vector<16xf32>
      %mul3A_521 = arith.mulf %max3A_518, %max3A_441 : vector<16xf32>
      %add3A_522 = arith.addf %add3A_279, %mul3A_521 : vector<16xf32>
      %mul3A_523 = arith.mulf %max3A_518, %max3A_451 : vector<16xf32>
      %add3A_524 = arith.addf %add3A_281, %mul3A_523 : vector<16xf32>
      %mul3A_525 = arith.mulf %max3A_518, %max3A_461 : vector<16xf32>
      %add3A_526 = arith.addf %add3A_283, %mul3A_525 : vector<16xf32>
      %mul3A_527 = arith.mulf %max3A_518, %max3A_471 : vector<16xf32>
      %add3A_528 = arith.addf %add3A_285, %mul3A_527 : vector<16xf32>
      %add3A_529 = arith.constant 3000 : i32
      %add3A_530 = vector.broadcast %add3A_529 : i32 to vector<16xi32>
      %add3A_531 = arith.addi %gather3A_365, %add3A_530 : vector<16xi32>
      %gather3A_532 = tpu.vector_load_idx %arg8[%add3A_531] : memref<7000xf32, #tpu.memory_space<vmem>>[vector<16xi32>], vector<16xf32>,
      %sub3A_533 = arith.subf %gather3A_532, %gather3A_40 : vector<16xf32>
      %mul3A_534 = arith.mulf %sub3A_533, %div3A_420 : vector<16xf32>
      %max3A_535 = arith.constant 0.000000e+00 : f32
      %max3A_536 = vector.broadcast %max3A_535 : f32 to vector<16xf32>
      %max3A_537 = arith.maximumf %mul3A_534, %max3A_536 : vector<16xf32>
      %mul3A_538 = arith.mulf %max3A_537, %max3A_431 : vector<16xf32>
      %add3A_539 = arith.addf %add3A_296, %mul3A_538 : vector<16xf32>
      %mul3A_540 = arith.mulf %max3A_537, %max3A_441 : vector<16xf32>
      %add3A_541 = arith.addf %add3A_298, %mul3A_540 : vector<16xf32>
      %mul3A_542 = arith.mulf %max3A_537, %max3A_451 : vector<16xf32>
      %add3A_543 = arith.addf %add3A_300, %mul3A_542 : vector<16xf32>
      %mul3A_544 = arith.mulf %max3A_537, %max3A_461 : vector<16xf32>
      %add3A_545 = arith.addf %add3A_302, %mul3A_544 : vector<16xf32>
      %mul3A_546 = arith.mulf %max3A_537, %max3A_471 : vector<16xf32>
      %add3A_547 = arith.addf %add3A_304, %mul3A_546 : vector<16xf32>
      %add3A_548 = arith.constant 4000 : i32
      %add3A_549 = vector.broadcast %add3A_548 : i32 to vector<16xi32>
      %add3A_550 = arith.addi %gather3A_365, %add3A_549 : vector<16xi32>
      %gather3A_551 = tpu.vector_load_idx %arg8[%add3A_550] : memref<7000xf32, #tpu.memory_space<vmem>>[vector<16xi32>], vector<16xf32>,
      %sub3A_552 = arith.subf %gather3A_551, %gather3A_44 : vector<16xf32>
      %mul3A_553 = arith.mulf %sub3A_552, %div3A_420 : vector<16xf32>
      %max3A_554 = arith.constant 0.000000e+00 : f32
      %max3A_555 = vector.broadcast %max3A_554 : f32 to vector<16xf32>
      %max3A_556 = arith.maximumf %mul3A_553, %max3A_555 : vector<16xf32>
      %mul3A_557 = arith.mulf %max3A_556, %max3A_431 : vector<16xf32>
      %add3A_558 = arith.addf %add3A_315, %mul3A_557 : vector<16xf32>
      %mul3A_559 = arith.mulf %max3A_556, %max3A_441 : vector<16xf32>
      %add3A_560 = arith.addf %add3A_317, %mul3A_559 : vector<16xf32>
      %mul3A_561 = arith.mulf %max3A_556, %max3A_451 : vector<16xf32>
      %add3A_562 = arith.addf %add3A_319, %mul3A_561 : vector<16xf32>
      %mul3A_563 = arith.mulf %max3A_556, %max3A_461 : vector<16xf32>
      %add3A_564 = arith.addf %add3A_321, %mul3A_563 : vector<16xf32>
      %mul3A_565 = arith.mulf %max3A_556, %max3A_471 : vector<16xf32>
      %add3A_566 = arith.addf %add3A_323, %mul3A_565 : vector<16xf32>
      %add3A_567 = arith.constant 5000 : i32
      %add3A_568 = vector.broadcast %add3A_567 : i32 to vector<16xi32>
      %add3A_569 = arith.addi %gather3A_365, %add3A_568 : vector<16xi32>
      %gather3A_570 = tpu.vector_load_idx %arg8[%add3A_569] : memref<7000xf32, #tpu.memory_space<vmem>>[vector<16xi32>], vector<16xf32>,
      %sub3A_571 = arith.subf %gather3A_570, %gather3A_48 : vector<16xf32>
      %mul3A_572 = arith.mulf %sub3A_571, %div3A_420 : vector<16xf32>
      %max3A_573 = arith.constant 0.000000e+00 : f32
      %max3A_574 = vector.broadcast %max3A_573 : f32 to vector<16xf32>
      %max3A_575 = arith.maximumf %mul3A_572, %max3A_574 : vector<16xf32>
      %mul3A_576 = arith.mulf %max3A_575, %max3A_431 : vector<16xf32>
      %add3A_577 = arith.addf %add3A_334, %mul3A_576 : vector<16xf32>
      %mul3A_578 = arith.mulf %max3A_575, %max3A_441 : vector<16xf32>
      %add3A_579 = arith.addf %add3A_336, %mul3A_578 : vector<16xf32>
      %mul3A_580 = arith.mulf %max3A_575, %max3A_451 : vector<16xf32>
      %add3A_581 = arith.addf %add3A_338, %mul3A_580 : vector<16xf32>
      %mul3A_582 = arith.mulf %max3A_575, %max3A_461 : vector<16xf32>
      %add3A_583 = arith.addf %add3A_340, %mul3A_582 : vector<16xf32>
      %mul3A_584 = arith.mulf %max3A_575, %max3A_471 : vector<16xf32>
      %add3A_585 = arith.addf %add3A_342, %mul3A_584 : vector<16xf32>
      %add3A_586 = arith.constant 6000 : i32
      %add3A_587 = vector.broadcast %add3A_586 : i32 to vector<16xi32>
      %add3A_588 = arith.addi %gather3A_365, %add3A_587 : vector<16xi32>
      %gather3A_589 = tpu.vector_load_idx %arg8[%add3A_588] : memref<7000xf32, #tpu.memory_space<vmem>>[vector<16xi32>], vector<16xf32>,
      %sub3A_590 = arith.subf %gather3A_589, %gather3A_52 : vector<16xf32>
      %mul3A_591 = arith.mulf %sub3A_590, %div3A_420 : vector<16xf32>
      %max3A_592 = arith.constant 0.000000e+00 : f32
      %max3A_593 = vector.broadcast %max3A_592 : f32 to vector<16xf32>
      %max3A_594 = arith.maximumf %mul3A_591, %max3A_593 : vector<16xf32>
      %mul3A_595 = arith.mulf %max3A_594, %max3A_431 : vector<16xf32>
      %add3A_596 = arith.addf %add3A_353, %mul3A_595 : vector<16xf32>
      %mul3A_597 = arith.mulf %max3A_594, %max3A_441 : vector<16xf32>
      %add3A_598 = arith.addf %add3A_355, %mul3A_597 : vector<16xf32>
      %mul3A_599 = arith.mulf %max3A_594, %max3A_451 : vector<16xf32>
      %add3A_600 = arith.addf %add3A_357, %mul3A_599 : vector<16xf32>
      %mul3A_601 = arith.mulf %max3A_594, %max3A_461 : vector<16xf32>
      %add3A_602 = arith.addf %add3A_359, %mul3A_601 : vector<16xf32>
      %mul3A_603 = arith.mulf %max3A_594, %max3A_471 : vector<16xf32>
      %add3A_604 = arith.addf %add3A_361, %mul3A_603 : vector<16xf32>
      %add3A_605 = arith.constant 2 : i32
      %add3A_606 = vector.broadcast %add3A_605 : i32 to vector<16xi32>
      %add3A_607 = arith.addi %mul3A_124, %add3A_606 : vector<16xi32>
      %gather3A_608 = tpu.vector_load_idx %arg9[%add3A_607] : memref<15000xi32, #tpu.memory_space<vmem>>[vector<16xi32>], vector<16xi32>,
      %broadcast_in_dim3A_609 = arith.constant 0.000000e+00 : f32
      %broadcast_in_dim3A_610 = vector.broadcast %broadcast_in_dim3A_609 : f32 to vector<16xf32>
      %add3A_611 = arith.constant 0 : i32
      %add3A_612 = vector.broadcast %add3A_611 : i32 to vector<16xi32>
      %add3A_613 = arith.addi %gather3A_608, %add3A_612 : vector<16xi32>
      %gather3A_614 = tpu.vector_load_idx %arg7[%add3A_613] : memref<3000xf32, #tpu.memory_space<vmem>>[vector<16xi32>], vector<16xf32>,
      %sub3A_615 = arith.subf %gather3A_614, %gather3A : vector<16xf32>
      %mul3A_616 = arith.mulf %sub3A_615, %sub3A_615 : vector<16xf32>
      %add3A_617 = arith.addf %broadcast_in_dim3A_610, %mul3A_616 : vector<16xf32>
      %add3A_618 = arith.constant 1000 : i32
      %add3A_619 = vector.broadcast %add3A_618 : i32 to vector<16xi32>
      %add3A_620 = arith.addi %gather3A_608, %add3A_619 : vector<16xi32>
      %gather3A_621 = tpu.vector_load_idx %arg7[%add3A_620] : memref<3000xf32, #tpu.memory_space<vmem>>[vector<16xi32>], vector<16xf32>,
      %sub3A_622 = arith.subf %gather3A_621, %gather3A_20 : vector<16xf32>
      %mul3A_623 = arith.mulf %sub3A_622, %sub3A_622 : vector<16xf32>
      %add3A_624 = arith.addf %add3A_617, %mul3A_623 : vector<16xf32>
      %add3A_625 = arith.constant 2000 : i32
      %add3A_626 = vector.broadcast %add3A_625 : i32 to vector<16xi32>
      %add3A_627 = arith.addi %gather3A_608, %add3A_626 : vector<16xi32>
      %gather3A_628 = tpu.vector_load_idx %arg7[%add3A_627] : memref<3000xf32, #tpu.memory_space<vmem>>[vector<16xi32>], vector<16xf32>,
      %sub3A_629 = arith.subf %gather3A_628, %gather3A_24 : vector<16xf32>
      %mul3A_630 = arith.mulf %sub3A_629, %sub3A_629 : vector<16xf32>
      %add3A_631 = arith.addf %add3A_624, %mul3A_630 : vector<16xf32>
      %add3A_632 = arith.constant 9.99999993E-9 : f32
      %add3A_633 = vector.broadcast %add3A_632 : f32 to vector<16xf32>
      %add3A_634 = arith.addf %add3A_631, %add3A_633 : vector<16xf32>
      %bitcast_convert_type3A_635 = tpu.bitcast %add3A_634 : vector<16xf32> -> vector<16xi32>
      %shift_right_arithmetic3A_636 = arith.constant 1 : i32
      %shift_right_arithmetic3A_637 = vector.broadcast %shift_right_arithmetic3A_636 : i32 to vector<16xi32>
      %shift_right_arithmetic3A_638 = arith.shrsi %bitcast_convert_type3A_635, %shift_right_arithmetic3A_637 : vector<16xi32>
      %add3A_639 = arith.constant 532487669 : i32
      %add3A_640 = vector.broadcast %add3A_639 : i32 to vector<16xi32>
      %add3A_641 = arith.addi %shift_right_arithmetic3A_638, %add3A_640 : vector<16xi32>
      %bitcast_convert_type3A_642 = tpu.bitcast %add3A_641 : vector<16xi32> -> vector<16xf32>
      %div3A_643 = arith.divf %add3A_634, %bitcast_convert_type3A_642 : vector<16xf32>
      %add3A_644 = arith.addf %bitcast_convert_type3A_642, %div3A_643 : vector<16xf32>
      %mul3A_645 = arith.constant 5.000000e-01 : f32
      %mul3A_646 = vector.broadcast %mul3A_645 : f32 to vector<16xf32>
      %mul3A_647 = arith.mulf %mul3A_646, %add3A_644 : vector<16xf32>
      %div3A_648 = arith.divf %add3A_634, %mul3A_647 : vector<16xf32>
      %add3A_649 = arith.addf %mul3A_647, %div3A_648 : vector<16xf32>
      %mul3A_650 = arith.constant 5.000000e-01 : f32
      %mul3A_651 = vector.broadcast %mul3A_650 : f32 to vector<16xf32>
      %mul3A_652 = arith.mulf %mul3A_651, %add3A_649 : vector<16xf32>
      %div3A_653 = arith.divf %add3A_634, %mul3A_652 : vector<16xf32>
      %add3A_654 = arith.addf %mul3A_652, %div3A_653 : vector<16xf32>
      %mul3A_655 = arith.constant 5.000000e-01 : f32
      %mul3A_656 = vector.broadcast %mul3A_655 : f32 to vector<16xf32>
      %mul3A_657 = arith.mulf %mul3A_656, %add3A_654 : vector<16xf32>
      %add3A_658 = arith.constant 9.99999993E-9 : f32
      %add3A_659 = vector.broadcast %add3A_658 : f32 to vector<16xf32>
      %add3A_660 = arith.addf %mul3A_657, %add3A_659 : vector<16xf32>
      %div3A_661 = arith.constant 1.000000e+00 : f32
      %div3A_662 = vector.broadcast %div3A_661 : f32 to vector<16xf32>
      %div3A_663 = arith.divf %div3A_662, %add3A_660 : vector<16xf32>
      %mul3A_664 = arith.mulf %mul3A_657, %get3A_1 : vector<16xf32>
      %sub3A_665 = arith.constant 0.000000e+00 : f32
      %sub3A_666 = vector.broadcast %sub3A_665 : f32 to vector<16xf32>
      %sub3A_667 = arith.subf %mul3A_664, %sub3A_666 : vector<16xf32>
      %abs3A_668 = math.absf %sub3A_667 : vector<16xf32>
      %sub3A_669 = arith.constant 1.000000e+00 : f32
      %sub3A_670 = vector.broadcast %sub3A_669 : f32 to vector<16xf32>
      %sub3A_671 = arith.subf %sub3A_670, %abs3A_668 : vector<16xf32>
      %max3A_672 = arith.constant 0.000000e+00 : f32
      %max3A_673 = vector.broadcast %max3A_672 : f32 to vector<16xf32>
      %max3A_674 = arith.maximumf %sub3A_671, %max3A_673 : vector<16xf32>
      %sub3A_675 = arith.constant 1.000000e+00 : f32
      %sub3A_676 = vector.broadcast %sub3A_675 : f32 to vector<16xf32>
      %sub3A_677 = arith.subf %mul3A_664, %sub3A_676 : vector<16xf32>
      %abs3A_678 = math.absf %sub3A_677 : vector<16xf32>
      %sub3A_679 = arith.constant 1.000000e+00 : f32
      %sub3A_680 = vector.broadcast %sub3A_679 : f32 to vector<16xf32>
      %sub3A_681 = arith.subf %sub3A_680, %abs3A_678 : vector<16xf32>
      %max3A_682 = arith.constant 0.000000e+00 : f32
      %max3A_683 = vector.broadcast %max3A_682 : f32 to vector<16xf32>
      %max3A_684 = arith.maximumf %sub3A_681, %max3A_683 : vector<16xf32>
      %sub3A_685 = arith.constant 2.000000e+00 : f32
      %sub3A_686 = vector.broadcast %sub3A_685 : f32 to vector<16xf32>
      %sub3A_687 = arith.subf %mul3A_664, %sub3A_686 : vector<16xf32>
      %abs3A_688 = math.absf %sub3A_687 : vector<16xf32>
      %sub3A_689 = arith.constant 1.000000e+00 : f32
      %sub3A_690 = vector.broadcast %sub3A_689 : f32 to vector<16xf32>
      %sub3A_691 = arith.subf %sub3A_690, %abs3A_688 : vector<16xf32>
      %max3A_692 = arith.constant 0.000000e+00 : f32
      %max3A_693 = vector.broadcast %max3A_692 : f32 to vector<16xf32>
      %max3A_694 = arith.maximumf %sub3A_691, %max3A_693 : vector<16xf32>
      %sub3A_695 = arith.constant 3.000000e+00 : f32
      %sub3A_696 = vector.broadcast %sub3A_695 : f32 to vector<16xf32>
      %sub3A_697 = arith.subf %mul3A_664, %sub3A_696 : vector<16xf32>
      %abs3A_698 = math.absf %sub3A_697 : vector<16xf32>
      %sub3A_699 = arith.constant 1.000000e+00 : f32
      %sub3A_700 = vector.broadcast %sub3A_699 : f32 to vector<16xf32>
      %sub3A_701 = arith.subf %sub3A_700, %abs3A_698 : vector<16xf32>
      %max3A_702 = arith.constant 0.000000e+00 : f32
      %max3A_703 = vector.broadcast %max3A_702 : f32 to vector<16xf32>
      %max3A_704 = arith.maximumf %sub3A_701, %max3A_703 : vector<16xf32>
      %sub3A_705 = arith.constant 4.000000e+00 : f32
      %sub3A_706 = vector.broadcast %sub3A_705 : f32 to vector<16xf32>
      %sub3A_707 = arith.subf %mul3A_664, %sub3A_706 : vector<16xf32>
      %abs3A_708 = math.absf %sub3A_707 : vector<16xf32>
      %sub3A_709 = arith.constant 1.000000e+00 : f32
      %sub3A_710 = vector.broadcast %sub3A_709 : f32 to vector<16xf32>
      %sub3A_711 = arith.subf %sub3A_710, %abs3A_708 : vector<16xf32>
      %max3A_712 = arith.constant 0.000000e+00 : f32
      %max3A_713 = vector.broadcast %max3A_712 : f32 to vector<16xf32>
      %max3A_714 = arith.maximumf %sub3A_711, %max3A_713 : vector<16xf32>
      %add3A_715 = arith.constant 0 : i32
      %add3A_716 = vector.broadcast %add3A_715 : i32 to vector<16xi32>
      %add3A_717 = arith.addi %gather3A_608, %add3A_716 : vector<16xi32>
      %gather3A_718 = tpu.vector_load_idx %arg8[%add3A_717] : memref<7000xf32, #tpu.memory_space<vmem>>[vector<16xi32>], vector<16xf32>,
      %sub3A_719 = arith.subf %gather3A_718, %gather3A_28 : vector<16xf32>
      %mul3A_720 = arith.mulf %sub3A_719, %div3A_663 : vector<16xf32>
      %max3A_721 = arith.constant 0.000000e+00 : f32
      %max3A_722 = vector.broadcast %max3A_721 : f32 to vector<16xf32>
      %max3A_723 = arith.maximumf %mul3A_720, %max3A_722 : vector<16xf32>
      %mul3A_724 = arith.mulf %max3A_723, %max3A_674 : vector<16xf32>
      %add3A_725 = arith.addf %add3A_482, %mul3A_724 : vector<16xf32>
      %mul3A_726 = arith.mulf %max3A_723, %max3A_684 : vector<16xf32>
      %add3A_727 = arith.addf %add3A_484, %mul3A_726 : vector<16xf32>
      %mul3A_728 = arith.mulf %max3A_723, %max3A_694 : vector<16xf32>
      %add3A_729 = arith.addf %add3A_486, %mul3A_728 : vector<16xf32>
      %mul3A_730 = arith.mulf %max3A_723, %max3A_704 : vector<16xf32>
      %add3A_731 = arith.addf %add3A_488, %mul3A_730 : vector<16xf32>
      %mul3A_732 = arith.mulf %max3A_723, %max3A_714 : vector<16xf32>
      %add3A_733 = arith.addf %add3A_490, %mul3A_732 : vector<16xf32>
      %add3A_734 = arith.constant 1000 : i32
      %add3A_735 = vector.broadcast %add3A_734 : i32 to vector<16xi32>
      %add3A_736 = arith.addi %gather3A_608, %add3A_735 : vector<16xi32>
      %gather3A_737 = tpu.vector_load_idx %arg8[%add3A_736] : memref<7000xf32, #tpu.memory_space<vmem>>[vector<16xi32>], vector<16xf32>,
      %sub3A_738 = arith.subf %gather3A_737, %gather3A_32 : vector<16xf32>
      %mul3A_739 = arith.mulf %sub3A_738, %div3A_663 : vector<16xf32>
      %max3A_740 = arith.constant 0.000000e+00 : f32
      %max3A_741 = vector.broadcast %max3A_740 : f32 to vector<16xf32>
      %max3A_742 = arith.maximumf %mul3A_739, %max3A_741 : vector<16xf32>
      %mul3A_743 = arith.mulf %max3A_742, %max3A_674 : vector<16xf32>
      %add3A_744 = arith.addf %add3A_501, %mul3A_743 : vector<16xf32>
      %mul3A_745 = arith.mulf %max3A_742, %max3A_684 : vector<16xf32>
      %add3A_746 = arith.addf %add3A_503, %mul3A_745 : vector<16xf32>
      %mul3A_747 = arith.mulf %max3A_742, %max3A_694 : vector<16xf32>
      %add3A_748 = arith.addf %add3A_505, %mul3A_747 : vector<16xf32>
      %mul3A_749 = arith.mulf %max3A_742, %max3A_704 : vector<16xf32>
      %add3A_750 = arith.addf %add3A_507, %mul3A_749 : vector<16xf32>
      %mul3A_751 = arith.mulf %max3A_742, %max3A_714 : vector<16xf32>
      %add3A_752 = arith.addf %add3A_509, %mul3A_751 : vector<16xf32>
      %add3A_753 = arith.constant 2000 : i32
      %add3A_754 = vector.broadcast %add3A_753 : i32 to vector<16xi32>
      %add3A_755 = arith.addi %gather3A_608, %add3A_754 : vector<16xi32>
      %gather3A_756 = tpu.vector_load_idx %arg8[%add3A_755] : memref<7000xf32, #tpu.memory_space<vmem>>[vector<16xi32>], vector<16xf32>,
      %sub3A_757 = arith.subf %gather3A_756, %gather3A_36 : vector<16xf32>
      %mul3A_758 = arith.mulf %sub3A_757, %div3A_663 : vector<16xf32>
      %max3A_759 = arith.constant 0.000000e+00 : f32
      %max3A_760 = vector.broadcast %max3A_759 : f32 to vector<16xf32>
      %max3A_761 = arith.maximumf %mul3A_758, %max3A_760 : vector<16xf32>
      %mul3A_762 = arith.mulf %max3A_761, %max3A_674 : vector<16xf32>
      %add3A_763 = arith.addf %add3A_520, %mul3A_762 : vector<16xf32>
      %mul3A_764 = arith.mulf %max3A_761, %max3A_684 : vector<16xf32>
      %add3A_765 = arith.addf %add3A_522, %mul3A_764 : vector<16xf32>
      %mul3A_766 = arith.mulf %max3A_761, %max3A_694 : vector<16xf32>
      %add3A_767 = arith.addf %add3A_524, %mul3A_766 : vector<16xf32>
      %mul3A_768 = arith.mulf %max3A_761, %max3A_704 : vector<16xf32>
      %add3A_769 = arith.addf %add3A_526, %mul3A_768 : vector<16xf32>
      %mul3A_770 = arith.mulf %max3A_761, %max3A_714 : vector<16xf32>
      %add3A_771 = arith.addf %add3A_528, %mul3A_770 : vector<16xf32>
      %add3A_772 = arith.constant 3000 : i32
      %add3A_773 = vector.broadcast %add3A_772 : i32 to vector<16xi32>
      %add3A_774 = arith.addi %gather3A_608, %add3A_773 : vector<16xi32>
      %gather3A_775 = tpu.vector_load_idx %arg8[%add3A_774] : memref<7000xf32, #tpu.memory_space<vmem>>[vector<16xi32>], vector<16xf32>,
      %sub3A_776 = arith.subf %gather3A_775, %gather3A_40 : vector<16xf32>
      %mul3A_777 = arith.mulf %sub3A_776, %div3A_663 : vector<16xf32>
      %max3A_778 = arith.constant 0.000000e+00 : f32
      %max3A_779 = vector.broadcast %max3A_778 : f32 to vector<16xf32>
      %max3A_780 = arith.maximumf %mul3A_777, %max3A_779 : vector<16xf32>
      %mul3A_781 = arith.mulf %max3A_780, %max3A_674 : vector<16xf32>
      %add3A_782 = arith.addf %add3A_539, %mul3A_781 : vector<16xf32>
      %mul3A_783 = arith.mulf %max3A_780, %max3A_684 : vector<16xf32>
      %add3A_784 = arith.addf %add3A_541, %mul3A_783 : vector<16xf32>
      %mul3A_785 = arith.mulf %max3A_780, %max3A_694 : vector<16xf32>
      %add3A_786 = arith.addf %add3A_543, %mul3A_785 : vector<16xf32>
      %mul3A_787 = arith.mulf %max3A_780, %max3A_704 : vector<16xf32>
      %add3A_788 = arith.addf %add3A_545, %mul3A_787 : vector<16xf32>
      %mul3A_789 = arith.mulf %max3A_780, %max3A_714 : vector<16xf32>
      %add3A_790 = arith.addf %add3A_547, %mul3A_789 : vector<16xf32>
      %add3A_791 = arith.constant 4000 : i32
      %add3A_792 = vector.broadcast %add3A_791 : i32 to vector<16xi32>
      %add3A_793 = arith.addi %gather3A_608, %add3A_792 : vector<16xi32>
      %gather3A_794 = tpu.vector_load_idx %arg8[%add3A_793] : memref<7000xf32, #tpu.memory_space<vmem>>[vector<16xi32>], vector<16xf32>,
      %sub3A_795 = arith.subf %gather3A_794, %gather3A_44 : vector<16xf32>
      %mul3A_796 = arith.mulf %sub3A_795, %div3A_663 : vector<16xf32>
      %max3A_797 = arith.constant 0.000000e+00 : f32
      %max3A_798 = vector.broadcast %max3A_797 : f32 to vector<16xf32>
      %max3A_799 = arith.maximumf %mul3A_796, %max3A_798 : vector<16xf32>
      %mul3A_800 = arith.mulf %max3A_799, %max3A_674 : vector<16xf32>
      %add3A_801 = arith.addf %add3A_558, %mul3A_800 : vector<16xf32>
      %mul3A_802 = arith.mulf %max3A_799, %max3A_684 : vector<16xf32>
      %add3A_803 = arith.addf %add3A_560, %mul3A_802 : vector<16xf32>
      %mul3A_804 = arith.mulf %max3A_799, %max3A_694 : vector<16xf32>
      %add3A_805 = arith.addf %add3A_562, %mul3A_804 : vector<16xf32>
      %mul3A_806 = arith.mulf %max3A_799, %max3A_704 : vector<16xf32>
      %add3A_807 = arith.addf %add3A_564, %mul3A_806 : vector<16xf32>
      %mul3A_808 = arith.mulf %max3A_799, %max3A_714 : vector<16xf32>
      %add3A_809 = arith.addf %add3A_566, %mul3A_808 : vector<16xf32>
      %add3A_810 = arith.constant 5000 : i32
      %add3A_811 = vector.broadcast %add3A_810 : i32 to vector<16xi32>
      %add3A_812 = arith.addi %gather3A_608, %add3A_811 : vector<16xi32>
      %gather3A_813 = tpu.vector_load_idx %arg8[%add3A_812] : memref<7000xf32, #tpu.memory_space<vmem>>[vector<16xi32>], vector<16xf32>,
      %sub3A_814 = arith.subf %gather3A_813, %gather3A_48 : vector<16xf32>
      %mul3A_815 = arith.mulf %sub3A_814, %div3A_663 : vector<16xf32>
      %max3A_816 = arith.constant 0.000000e+00 : f32
      %max3A_817 = vector.broadcast %max3A_816 : f32 to vector<16xf32>
      %max3A_818 = arith.maximumf %mul3A_815, %max3A_817 : vector<16xf32>
      %mul3A_819 = arith.mulf %max3A_818, %max3A_674 : vector<16xf32>
      %add3A_820 = arith.addf %add3A_577, %mul3A_819 : vector<16xf32>
      %mul3A_821 = arith.mulf %max3A_818, %max3A_684 : vector<16xf32>
      %add3A_822 = arith.addf %add3A_579, %mul3A_821 : vector<16xf32>
      %mul3A_823 = arith.mulf %max3A_818, %max3A_694 : vector<16xf32>
      %add3A_824 = arith.addf %add3A_581, %mul3A_823 : vector<16xf32>
      %mul3A_825 = arith.mulf %max3A_818, %max3A_704 : vector<16xf32>
      %add3A_826 = arith.addf %add3A_583, %mul3A_825 : vector<16xf32>
      %mul3A_827 = arith.mulf %max3A_818, %max3A_714 : vector<16xf32>
      %add3A_828 = arith.addf %add3A_585, %mul3A_827 : vector<16xf32>
      %add3A_829 = arith.constant 6000 : i32
      %add3A_830 = vector.broadcast %add3A_829 : i32 to vector<16xi32>
      %add3A_831 = arith.addi %gather3A_608, %add3A_830 : vector<16xi32>
      %gather3A_832 = tpu.vector_load_idx %arg8[%add3A_831] : memref<7000xf32, #tpu.memory_space<vmem>>[vector<16xi32>], vector<16xf32>,
      %sub3A_833 = arith.subf %gather3A_832, %gather3A_52 : vector<16xf32>
      %mul3A_834 = arith.mulf %sub3A_833, %div3A_663 : vector<16xf32>
      %max3A_835 = arith.constant 0.000000e+00 : f32
      %max3A_836 = vector.broadcast %max3A_835 : f32 to vector<16xf32>
      %max3A_837 = arith.maximumf %mul3A_834, %max3A_836 : vector<16xf32>
      %mul3A_838 = arith.mulf %max3A_837, %max3A_674 : vector<16xf32>
      %add3A_839 = arith.addf %add3A_596, %mul3A_838 : vector<16xf32>
      %mul3A_840 = arith.mulf %max3A_837, %max3A_684 : vector<16xf32>
      %add3A_841 = arith.addf %add3A_598, %mul3A_840 : vector<16xf32>
      %mul3A_842 = arith.mulf %max3A_837, %max3A_694 : vector<16xf32>
      %add3A_843 = arith.addf %add3A_600, %mul3A_842 : vector<16xf32>
      %mul3A_844 = arith.mulf %max3A_837, %max3A_704 : vector<16xf32>
      %add3A_845 = arith.addf %add3A_602, %mul3A_844 : vector<16xf32>
      %mul3A_846 = arith.mulf %max3A_837, %max3A_714 : vector<16xf32>
      %add3A_847 = arith.addf %add3A_604, %mul3A_846 : vector<16xf32>
      %add3A_848 = arith.constant 3 : i32
      %add3A_849 = vector.broadcast %add3A_848 : i32 to vector<16xi32>
      %add3A_850 = arith.addi %mul3A_124, %add3A_849 : vector<16xi32>
      %gather3A_851 = tpu.vector_load_idx %arg9[%add3A_850] : memref<15000xi32, #tpu.memory_space<vmem>>[vector<16xi32>], vector<16xi32>,
      %broadcast_in_dim3A_852 = arith.constant 0.000000e+00 : f32
      %broadcast_in_dim3A_853 = vector.broadcast %broadcast_in_dim3A_852 : f32 to vector<16xf32>
      %add3A_854 = arith.constant 0 : i32
      %add3A_855 = vector.broadcast %add3A_854 : i32 to vector<16xi32>
      %add3A_856 = arith.addi %gather3A_851, %add3A_855 : vector<16xi32>
      %gather3A_857 = tpu.vector_load_idx %arg7[%add3A_856] : memref<3000xf32, #tpu.memory_space<vmem>>[vector<16xi32>], vector<16xf32>,
      %sub3A_858 = arith.subf %gather3A_857, %gather3A : vector<16xf32>
      %mul3A_859 = arith.mulf %sub3A_858, %sub3A_858 : vector<16xf32>
      %add3A_860 = arith.addf %broadcast_in_dim3A_853, %mul3A_859 : vector<16xf32>
      %add3A_861 = arith.constant 1000 : i32
      %add3A_862 = vector.broadcast %add3A_861 : i32 to vector<16xi32>
      %add3A_863 = arith.addi %gather3A_851, %add3A_862 : vector<16xi32>
      %gather3A_864 = tpu.vector_load_idx %arg7[%add3A_863] : memref<3000xf32, #tpu.memory_space<vmem>>[vector<16xi32>], vector<16xf32>,
      %sub3A_865 = arith.subf %gather3A_864, %gather3A_20 : vector<16xf32>
      %mul3A_866 = arith.mulf %sub3A_865, %sub3A_865 : vector<16xf32>
      %add3A_867 = arith.addf %add3A_860, %mul3A_866 : vector<16xf32>
      %add3A_868 = arith.constant 2000 : i32
      %add3A_869 = vector.broadcast %add3A_868 : i32 to vector<16xi32>
      %add3A_870 = arith.addi %gather3A_851, %add3A_869 : vector<16xi32>
      %gather3A_871 = tpu.vector_load_idx %arg7[%add3A_870] : memref<3000xf32, #tpu.memory_space<vmem>>[vector<16xi32>], vector<16xf32>,
      %sub3A_872 = arith.subf %gather3A_871, %gather3A_24 : vector<16xf32>
      %mul3A_873 = arith.mulf %sub3A_872, %sub3A_872 : vector<16xf32>
      %add3A_874 = arith.addf %add3A_867, %mul3A_873 : vector<16xf32>
      %add3A_875 = arith.constant 9.99999993E-9 : f32
      %add3A_876 = vector.broadcast %add3A_875 : f32 to vector<16xf32>
      %add3A_877 = arith.addf %add3A_874, %add3A_876 : vector<16xf32>
      %bitcast_convert_type3A_878 = tpu.bitcast %add3A_877 : vector<16xf32> -> vector<16xi32>
      %shift_right_arithmetic3A_879 = arith.constant 1 : i32
      %shift_right_arithmetic3A_880 = vector.broadcast %shift_right_arithmetic3A_879 : i32 to vector<16xi32>
      %shift_right_arithmetic3A_881 = arith.shrsi %bitcast_convert_type3A_878, %shift_right_arithmetic3A_880 : vector<16xi32>
      %add3A_882 = arith.constant 532487669 : i32
      %add3A_883 = vector.broadcast %add3A_882 : i32 to vector<16xi32>
      %add3A_884 = arith.addi %shift_right_arithmetic3A_881, %add3A_883 : vector<16xi32>
      %bitcast_convert_type3A_885 = tpu.bitcast %add3A_884 : vector<16xi32> -> vector<16xf32>
      %div3A_886 = arith.divf %add3A_877, %bitcast_convert_type3A_885 : vector<16xf32>
      %add3A_887 = arith.addf %bitcast_convert_type3A_885, %div3A_886 : vector<16xf32>
      %mul3A_888 = arith.constant 5.000000e-01 : f32
      %mul3A_889 = vector.broadcast %mul3A_888 : f32 to vector<16xf32>
      %mul3A_890 = arith.mulf %mul3A_889, %add3A_887 : vector<16xf32>
      %div3A_891 = arith.divf %add3A_877, %mul3A_890 : vector<16xf32>
      %add3A_892 = arith.addf %mul3A_890, %div3A_891 : vector<16xf32>
      %mul3A_893 = arith.constant 5.000000e-01 : f32
      %mul3A_894 = vector.broadcast %mul3A_893 : f32 to vector<16xf32>
      %mul3A_895 = arith.mulf %mul3A_894, %add3A_892 : vector<16xf32>
      %div3A_896 = arith.divf %add3A_877, %mul3A_895 : vector<16xf32>
      %add3A_897 = arith.addf %mul3A_895, %div3A_896 : vector<16xf32>
      %mul3A_898 = arith.constant 5.000000e-01 : f32
      %mul3A_899 = vector.broadcast %mul3A_898 : f32 to vector<16xf32>
      %mul3A_900 = arith.mulf %mul3A_899, %add3A_897 : vector<16xf32>
      %add3A_901 = arith.constant 9.99999993E-9 : f32
      %add3A_902 = vector.broadcast %add3A_901 : f32 to vector<16xf32>
      %add3A_903 = arith.addf %mul3A_900, %add3A_902 : vector<16xf32>
      %div3A_904 = arith.constant 1.000000e+00 : f32
      %div3A_905 = vector.broadcast %div3A_904 : f32 to vector<16xf32>
      %div3A_906 = arith.divf %div3A_905, %add3A_903 : vector<16xf32>
      %mul3A_907 = arith.mulf %mul3A_900, %get3A_1 : vector<16xf32>
      %sub3A_908 = arith.constant 0.000000e+00 : f32
      %sub3A_909 = vector.broadcast %sub3A_908 : f32 to vector<16xf32>
      %sub3A_910 = arith.subf %mul3A_907, %sub3A_909 : vector<16xf32>
      %abs3A_911 = math.absf %sub3A_910 : vector<16xf32>
      %sub3A_912 = arith.constant 1.000000e+00 : f32
      %sub3A_913 = vector.broadcast %sub3A_912 : f32 to vector<16xf32>
      %sub3A_914 = arith.subf %sub3A_913, %abs3A_911 : vector<16xf32>
      %max3A_915 = arith.constant 0.000000e+00 : f32
      %max3A_916 = vector.broadcast %max3A_915 : f32 to vector<16xf32>
      %max3A_917 = arith.maximumf %sub3A_914, %max3A_916 : vector<16xf32>
      %sub3A_918 = arith.constant 1.000000e+00 : f32
      %sub3A_919 = vector.broadcast %sub3A_918 : f32 to vector<16xf32>
      %sub3A_920 = arith.subf %mul3A_907, %sub3A_919 : vector<16xf32>
      %abs3A_921 = math.absf %sub3A_920 : vector<16xf32>
      %sub3A_922 = arith.constant 1.000000e+00 : f32
      %sub3A_923 = vector.broadcast %sub3A_922 : f32 to vector<16xf32>
      %sub3A_924 = arith.subf %sub3A_923, %abs3A_921 : vector<16xf32>
      %max3A_925 = arith.constant 0.000000e+00 : f32
      %max3A_926 = vector.broadcast %max3A_925 : f32 to vector<16xf32>
      %max3A_927 = arith.maximumf %sub3A_924, %max3A_926 : vector<16xf32>
      %sub3A_928 = arith.constant 2.000000e+00 : f32
      %sub3A_929 = vector.broadcast %sub3A_928 : f32 to vector<16xf32>
      %sub3A_930 = arith.subf %mul3A_907, %sub3A_929 : vector<16xf32>
      %abs3A_931 = math.absf %sub3A_930 : vector<16xf32>
      %sub3A_932 = arith.constant 1.000000e+00 : f32
      %sub3A_933 = vector.broadcast %sub3A_932 : f32 to vector<16xf32>
      %sub3A_934 = arith.subf %sub3A_933, %abs3A_931 : vector<16xf32>
      %max3A_935 = arith.constant 0.000000e+00 : f32
      %max3A_936 = vector.broadcast %max3A_935 : f32 to vector<16xf32>
      %max3A_937 = arith.maximumf %sub3A_934, %max3A_936 : vector<16xf32>
      %sub3A_938 = arith.constant 3.000000e+00 : f32
      %sub3A_939 = vector.broadcast %sub3A_938 : f32 to vector<16xf32>
      %sub3A_940 = arith.subf %mul3A_907, %sub3A_939 : vector<16xf32>
      %abs3A_941 = math.absf %sub3A_940 : vector<16xf32>
      %sub3A_942 = arith.constant 1.000000e+00 : f32
      %sub3A_943 = vector.broadcast %sub3A_942 : f32 to vector<16xf32>
      %sub3A_944 = arith.subf %sub3A_943, %abs3A_941 : vector<16xf32>
      %max3A_945 = arith.constant 0.000000e+00 : f32
      %max3A_946 = vector.broadcast %max3A_945 : f32 to vector<16xf32>
      %max3A_947 = arith.maximumf %sub3A_944, %max3A_946 : vector<16xf32>
      %sub3A_948 = arith.constant 4.000000e+00 : f32
      %sub3A_949 = vector.broadcast %sub3A_948 : f32 to vector<16xf32>
      %sub3A_950 = arith.subf %mul3A_907, %sub3A_949 : vector<16xf32>
      %abs3A_951 = math.absf %sub3A_950 : vector<16xf32>
      %sub3A_952 = arith.constant 1.000000e+00 : f32
      %sub3A_953 = vector.broadcast %sub3A_952 : f32 to vector<16xf32>
      %sub3A_954 = arith.subf %sub3A_953, %abs3A_951 : vector<16xf32>
      %max3A_955 = arith.constant 0.000000e+00 : f32
      %max3A_956 = vector.broadcast %max3A_955 : f32 to vector<16xf32>
      %max3A_957 = arith.maximumf %sub3A_954, %max3A_956 : vector<16xf32>
      %add3A_958 = arith.constant 0 : i32
      %add3A_959 = vector.broadcast %add3A_958 : i32 to vector<16xi32>
      %add3A_960 = arith.addi %gather3A_851, %add3A_959 : vector<16xi32>
      %gather3A_961 = tpu.vector_load_idx %arg8[%add3A_960] : memref<7000xf32, #tpu.memory_space<vmem>>[vector<16xi32>], vector<16xf32>,
      %sub3A_962 = arith.subf %gather3A_961, %gather3A_28 : vector<16xf32>
      %mul3A_963 = arith.mulf %sub3A_962, %div3A_906 : vector<16xf32>
      %max3A_964 = arith.constant 0.000000e+00 : f32
      %max3A_965 = vector.broadcast %max3A_964 : f32 to vector<16xf32>
      %max3A_966 = arith.maximumf %mul3A_963, %max3A_965 : vector<16xf32>
      %mul3A_967 = arith.mulf %max3A_966, %max3A_917 : vector<16xf32>
      %add3A_968 = arith.addf %add3A_725, %mul3A_967 : vector<16xf32>
      %mul3A_969 = arith.mulf %max3A_966, %max3A_927 : vector<16xf32>
      %add3A_970 = arith.addf %add3A_727, %mul3A_969 : vector<16xf32>
      %mul3A_971 = arith.mulf %max3A_966, %max3A_937 : vector<16xf32>
      %add3A_972 = arith.addf %add3A_729, %mul3A_971 : vector<16xf32>
      %mul3A_973 = arith.mulf %max3A_966, %max3A_947 : vector<16xf32>
      %add3A_974 = arith.addf %add3A_731, %mul3A_973 : vector<16xf32>
      %mul3A_975 = arith.mulf %max3A_966, %max3A_957 : vector<16xf32>
      %add3A_976 = arith.addf %add3A_733, %mul3A_975 : vector<16xf32>
      %add3A_977 = arith.constant 1000 : i32
      %add3A_978 = vector.broadcast %add3A_977 : i32 to vector<16xi32>
      %add3A_979 = arith.addi %gather3A_851, %add3A_978 : vector<16xi32>
      %gather3A_980 = tpu.vector_load_idx %arg8[%add3A_979] : memref<7000xf32, #tpu.memory_space<vmem>>[vector<16xi32>], vector<16xf32>,
      %sub3A_981 = arith.subf %gather3A_980, %gather3A_32 : vector<16xf32>
      %mul3A_982 = arith.mulf %sub3A_981, %div3A_906 : vector<16xf32>
      %max3A_983 = arith.constant 0.000000e+00 : f32
      %max3A_984 = vector.broadcast %max3A_983 : f32 to vector<16xf32>
      %max3A_985 = arith.maximumf %mul3A_982, %max3A_984 : vector<16xf32>
      %mul3A_986 = arith.mulf %max3A_985, %max3A_917 : vector<16xf32>
      %add3A_987 = arith.addf %add3A_744, %mul3A_986 : vector<16xf32>
      %mul3A_988 = arith.mulf %max3A_985, %max3A_927 : vector<16xf32>
      %add3A_989 = arith.addf %add3A_746, %mul3A_988 : vector<16xf32>
      %mul3A_990 = arith.mulf %max3A_985, %max3A_937 : vector<16xf32>
      %add3A_991 = arith.addf %add3A_748, %mul3A_990 : vector<16xf32>
      %mul3A_992 = arith.mulf %max3A_985, %max3A_947 : vector<16xf32>
      %add3A_993 = arith.addf %add3A_750, %mul3A_992 : vector<16xf32>
      %mul3A_994 = arith.mulf %max3A_985, %max3A_957 : vector<16xf32>
      %add3A_995 = arith.addf %add3A_752, %mul3A_994 : vector<16xf32>
      %add3A_996 = arith.constant 2000 : i32
      %add3A_997 = vector.broadcast %add3A_996 : i32 to vector<16xi32>
      %add3A_998 = arith.addi %gather3A_851, %add3A_997 : vector<16xi32>
      %gather3A_999 = tpu.vector_load_idx %arg8[%add3A_998] : memref<7000xf32, #tpu.memory_space<vmem>>[vector<16xi32>], vector<16xf32>,
      %sub3A_1000 = arith.subf %gather3A_999, %gather3A_36 : vector<16xf32>
      %mul3A_1001 = arith.mulf %sub3A_1000, %div3A_906 : vector<16xf32>
      %max3A_1002 = arith.constant 0.000000e+00 : f32
      %max3A_1003 = vector.broadcast %max3A_1002 : f32 to vector<16xf32>
      %max3A_1004 = arith.maximumf %mul3A_1001, %max3A_1003 : vector<16xf32>
      %mul3A_1005 = arith.mulf %max3A_1004, %max3A_917 : vector<16xf32>
      %add3A_1006 = arith.addf %add3A_763, %mul3A_1005 : vector<16xf32>
      %mul3A_1007 = arith.mulf %max3A_1004, %max3A_927 : vector<16xf32>
      %add3A_1008 = arith.addf %add3A_765, %mul3A_1007 : vector<16xf32>
      %mul3A_1009 = arith.mulf %max3A_1004, %max3A_937 : vector<16xf32>
      %add3A_1010 = arith.addf %add3A_767, %mul3A_1009 : vector<16xf32>
      %mul3A_1011 = arith.mulf %max3A_1004, %max3A_947 : vector<16xf32>
      %add3A_1012 = arith.addf %add3A_769, %mul3A_1011 : vector<16xf32>
      %mul3A_1013 = arith.mulf %max3A_1004, %max3A_957 : vector<16xf32>
      %add3A_1014 = arith.addf %add3A_771, %mul3A_1013 : vector<16xf32>
      %add3A_1015 = arith.constant 3000 : i32
      %add3A_1016 = vector.broadcast %add3A_1015 : i32 to vector<16xi32>
      %add3A_1017 = arith.addi %gather3A_851, %add3A_1016 : vector<16xi32>
      %gather3A_1018 = tpu.vector_load_idx %arg8[%add3A_1017] : memref<7000xf32, #tpu.memory_space<vmem>>[vector<16xi32>], vector<16xf32>,
      %sub3A_1019 = arith.subf %gather3A_1018, %gather3A_40 : vector<16xf32>
      %mul3A_1020 = arith.mulf %sub3A_1019, %div3A_906 : vector<16xf32>
      %max3A_1021 = arith.constant 0.000000e+00 : f32
      %max3A_1022 = vector.broadcast %max3A_1021 : f32 to vector<16xf32>
      %max3A_1023 = arith.maximumf %mul3A_1020, %max3A_1022 : vector<16xf32>
      %mul3A_1024 = arith.mulf %max3A_1023, %max3A_917 : vector<16xf32>
      %add3A_1025 = arith.addf %add3A_782, %mul3A_1024 : vector<16xf32>
      %mul3A_1026 = arith.mulf %max3A_1023, %max3A_927 : vector<16xf32>
      %add3A_1027 = arith.addf %add3A_784, %mul3A_1026 : vector<16xf32>
      %mul3A_1028 = arith.mulf %max3A_1023, %max3A_937 : vector<16xf32>
      %add3A_1029 = arith.addf %add3A_786, %mul3A_1028 : vector<16xf32>
      %mul3A_1030 = arith.mulf %max3A_1023, %max3A_947 : vector<16xf32>
      %add3A_1031 = arith.addf %add3A_788, %mul3A_1030 : vector<16xf32>
      %mul3A_1032 = arith.mulf %max3A_1023, %max3A_957 : vector<16xf32>
      %add3A_1033 = arith.addf %add3A_790, %mul3A_1032 : vector<16xf32>
      %add3A_1034 = arith.constant 4000 : i32
      %add3A_1035 = vector.broadcast %add3A_1034 : i32 to vector<16xi32>
      %add3A_1036 = arith.addi %gather3A_851, %add3A_1035 : vector<16xi32>
      %gather3A_1037 = tpu.vector_load_idx %arg8[%add3A_1036] : memref<7000xf32, #tpu.memory_space<vmem>>[vector<16xi32>], vector<16xf32>,
      %sub3A_1038 = arith.subf %gather3A_1037, %gather3A_44 : vector<16xf32>
      %mul3A_1039 = arith.mulf %sub3A_1038, %div3A_906 : vector<16xf32>
      %max3A_1040 = arith.constant 0.000000e+00 : f32
      %max3A_1041 = vector.broadcast %max3A_1040 : f32 to vector<16xf32>
      %max3A_1042 = arith.maximumf %mul3A_1039, %max3A_1041 : vector<16xf32>
      %mul3A_1043 = arith.mulf %max3A_1042, %max3A_917 : vector<16xf32>
      %add3A_1044 = arith.addf %add3A_801, %mul3A_1043 : vector<16xf32>
      %mul3A_1045 = arith.mulf %max3A_1042, %max3A_927 : vector<16xf32>
      %add3A_1046 = arith.addf %add3A_803, %mul3A_1045 : vector<16xf32>
      %mul3A_1047 = arith.mulf %max3A_1042, %max3A_937 : vector<16xf32>
      %add3A_1048 = arith.addf %add3A_805, %mul3A_1047 : vector<16xf32>
      %mul3A_1049 = arith.mulf %max3A_1042, %max3A_947 : vector<16xf32>
      %add3A_1050 = arith.addf %add3A_807, %mul3A_1049 : vector<16xf32>
      %mul3A_1051 = arith.mulf %max3A_1042, %max3A_957 : vector<16xf32>
      %add3A_1052 = arith.addf %add3A_809, %mul3A_1051 : vector<16xf32>
      %add3A_1053 = arith.constant 5000 : i32
      %add3A_1054 = vector.broadcast %add3A_1053 : i32 to vector<16xi32>
      %add3A_1055 = arith.addi %gather3A_851, %add3A_1054 : vector<16xi32>
      %gather3A_1056 = tpu.vector_load_idx %arg8[%add3A_1055] : memref<7000xf32, #tpu.memory_space<vmem>>[vector<16xi32>], vector<16xf32>,
      %sub3A_1057 = arith.subf %gather3A_1056, %gather3A_48 : vector<16xf32>
      %mul3A_1058 = arith.mulf %sub3A_1057, %div3A_906 : vector<16xf32>
      %max3A_1059 = arith.constant 0.000000e+00 : f32
      %max3A_1060 = vector.broadcast %max3A_1059 : f32 to vector<16xf32>
      %max3A_1061 = arith.maximumf %mul3A_1058, %max3A_1060 : vector<16xf32>
      %mul3A_1062 = arith.mulf %max3A_1061, %max3A_917 : vector<16xf32>
      %add3A_1063 = arith.addf %add3A_820, %mul3A_1062 : vector<16xf32>
      %mul3A_1064 = arith.mulf %max3A_1061, %max3A_927 : vector<16xf32>
      %add3A_1065 = arith.addf %add3A_822, %mul3A_1064 : vector<16xf32>
      %mul3A_1066 = arith.mulf %max3A_1061, %max3A_937 : vector<16xf32>
      %add3A_1067 = arith.addf %add3A_824, %mul3A_1066 : vector<16xf32>
      %mul3A_1068 = arith.mulf %max3A_1061, %max3A_947 : vector<16xf32>
      %add3A_1069 = arith.addf %add3A_826, %mul3A_1068 : vector<16xf32>
      %mul3A_1070 = arith.mulf %max3A_1061, %max3A_957 : vector<16xf32>
      %add3A_1071 = arith.addf %add3A_828, %mul3A_1070 : vector<16xf32>
      %add3A_1072 = arith.constant 6000 : i32
      %add3A_1073 = vector.broadcast %add3A_1072 : i32 to vector<16xi32>
      %add3A_1074 = arith.addi %gather3A_851, %add3A_1073 : vector<16xi32>
      %gather3A_1075 = tpu.vector_load_idx %arg8[%add3A_1074] : memref<7000xf32, #tpu.memory_space<vmem>>[vector<16xi32>], vector<16xf32>,
      %sub3A_1076 = arith.subf %gather3A_1075, %gather3A_52 : vector<16xf32>
      %mul3A_1077 = arith.mulf %sub3A_1076, %div3A_906 : vector<16xf32>
      %max3A_1078 = arith.constant 0.000000e+00 : f32
      %max3A_1079 = vector.broadcast %max3A_1078 : f32 to vector<16xf32>
      %max3A_1080 = arith.maximumf %mul3A_1077, %max3A_1079 : vector<16xf32>
      %mul3A_1081 = arith.mulf %max3A_1080, %max3A_917 : vector<16xf32>
      %add3A_1082 = arith.addf %add3A_839, %mul3A_1081 : vector<16xf32>
      %mul3A_1083 = arith.mulf %max3A_1080, %max3A_927 : vector<16xf32>
      %add3A_1084 = arith.addf %add3A_841, %mul3A_1083 : vector<16xf32>
      %mul3A_1085 = arith.mulf %max3A_1080, %max3A_937 : vector<16xf32>
      %add3A_1086 = arith.addf %add3A_843, %mul3A_1085 : vector<16xf32>
      %mul3A_1087 = arith.mulf %max3A_1080, %max3A_947 : vector<16xf32>
      %add3A_1088 = arith.addf %add3A_845, %mul3A_1087 : vector<16xf32>
      %mul3A_1089 = arith.mulf %max3A_1080, %max3A_957 : vector<16xf32>
      %add3A_1090 = arith.addf %add3A_847, %mul3A_1089 : vector<16xf32>
      %add3A_1091 = arith.constant 4 : i32
      %add3A_1092 = vector.broadcast %add3A_1091 : i32 to vector<16xi32>
      %add3A_1093 = arith.addi %mul3A_124, %add3A_1092 : vector<16xi32>
      %gather3A_1094 = tpu.vector_load_idx %arg9[%add3A_1093] : memref<15000xi32, #tpu.memory_space<vmem>>[vector<16xi32>], vector<16xi32>,
      %broadcast_in_dim3A_1095 = arith.constant 0.000000e+00 : f32
      %broadcast_in_dim3A_1096 = vector.broadcast %broadcast_in_dim3A_1095 : f32 to vector<16xf32>
      %add3A_1097 = arith.constant 0 : i32
      %add3A_1098 = vector.broadcast %add3A_1097 : i32 to vector<16xi32>
      %add3A_1099 = arith.addi %gather3A_1094, %add3A_1098 : vector<16xi32>
      %gather3A_1100 = tpu.vector_load_idx %arg7[%add3A_1099] : memref<3000xf32, #tpu.memory_space<vmem>>[vector<16xi32>], vector<16xf32>,
      %sub3A_1101 = arith.subf %gather3A_1100, %gather3A : vector<16xf32>
      %mul3A_1102 = arith.mulf %sub3A_1101, %sub3A_1101 : vector<16xf32>
      %add3A_1103 = arith.addf %broadcast_in_dim3A_1096, %mul3A_1102 : vector<16xf32>
      %add3A_1104 = arith.constant 1000 : i32
      %add3A_1105 = vector.broadcast %add3A_1104 : i32 to vector<16xi32>
      %add3A_1106 = arith.addi %gather3A_1094, %add3A_1105 : vector<16xi32>
      %gather3A_1107 = tpu.vector_load_idx %arg7[%add3A_1106] : memref<3000xf32, #tpu.memory_space<vmem>>[vector<16xi32>], vector<16xf32>,
      %sub3A_1108 = arith.subf %gather3A_1107, %gather3A_20 : vector<16xf32>
      %mul3A_1109 = arith.mulf %sub3A_1108, %sub3A_1108 : vector<16xf32>
      %add3A_1110 = arith.addf %add3A_1103, %mul3A_1109 : vector<16xf32>
      %add3A_1111 = arith.constant 2000 : i32
      %add3A_1112 = vector.broadcast %add3A_1111 : i32 to vector<16xi32>
      %add3A_1113 = arith.addi %gather3A_1094, %add3A_1112 : vector<16xi32>
      %gather3A_1114 = tpu.vector_load_idx %arg7[%add3A_1113] : memref<3000xf32, #tpu.memory_space<vmem>>[vector<16xi32>], vector<16xf32>,
      %sub3A_1115 = arith.subf %gather3A_1114, %gather3A_24 : vector<16xf32>
      %mul3A_1116 = arith.mulf %sub3A_1115, %sub3A_1115 : vector<16xf32>
      %add3A_1117 = arith.addf %add3A_1110, %mul3A_1116 : vector<16xf32>
      %add3A_1118 = arith.constant 9.99999993E-9 : f32
      %add3A_1119 = vector.broadcast %add3A_1118 : f32 to vector<16xf32>
      %add3A_1120 = arith.addf %add3A_1117, %add3A_1119 : vector<16xf32>
      %bitcast_convert_type3A_1121 = tpu.bitcast %add3A_1120 : vector<16xf32> -> vector<16xi32>
      %shift_right_arithmetic3A_1122 = arith.constant 1 : i32
      %shift_right_arithmetic3A_1123 = vector.broadcast %shift_right_arithmetic3A_1122 : i32 to vector<16xi32>
      %shift_right_arithmetic3A_1124 = arith.shrsi %bitcast_convert_type3A_1121, %shift_right_arithmetic3A_1123 : vector<16xi32>
      %add3A_1125 = arith.constant 532487669 : i32
      %add3A_1126 = vector.broadcast %add3A_1125 : i32 to vector<16xi32>
      %add3A_1127 = arith.addi %shift_right_arithmetic3A_1124, %add3A_1126 : vector<16xi32>
      %bitcast_convert_type3A_1128 = tpu.bitcast %add3A_1127 : vector<16xi32> -> vector<16xf32>
      %div3A_1129 = arith.divf %add3A_1120, %bitcast_convert_type3A_1128 : vector<16xf32>
      %add3A_1130 = arith.addf %bitcast_convert_type3A_1128, %div3A_1129 : vector<16xf32>
      %mul3A_1131 = arith.constant 5.000000e-01 : f32
      %mul3A_1132 = vector.broadcast %mul3A_1131 : f32 to vector<16xf32>
      %mul3A_1133 = arith.mulf %mul3A_1132, %add3A_1130 : vector<16xf32>
      %div3A_1134 = arith.divf %add3A_1120, %mul3A_1133 : vector<16xf32>
      %add3A_1135 = arith.addf %mul3A_1133, %div3A_1134 : vector<16xf32>
      %mul3A_1136 = arith.constant 5.000000e-01 : f32
      %mul3A_1137 = vector.broadcast %mul3A_1136 : f32 to vector<16xf32>
      %mul3A_1138 = arith.mulf %mul3A_1137, %add3A_1135 : vector<16xf32>
      %div3A_1139 = arith.divf %add3A_1120, %mul3A_1138 : vector<16xf32>
      %add3A_1140 = arith.addf %mul3A_1138, %div3A_1139 : vector<16xf32>
      %mul3A_1141 = arith.constant 5.000000e-01 : f32
      %mul3A_1142 = vector.broadcast %mul3A_1141 : f32 to vector<16xf32>
      %mul3A_1143 = arith.mulf %mul3A_1142, %add3A_1140 : vector<16xf32>
      %add3A_1144 = arith.constant 9.99999993E-9 : f32
      %add3A_1145 = vector.broadcast %add3A_1144 : f32 to vector<16xf32>
      %add3A_1146 = arith.addf %mul3A_1143, %add3A_1145 : vector<16xf32>
      %div3A_1147 = arith.constant 1.000000e+00 : f32
      %div3A_1148 = vector.broadcast %div3A_1147 : f32 to vector<16xf32>
      %div3A_1149 = arith.divf %div3A_1148, %add3A_1146 : vector<16xf32>
      %mul3A_1150 = arith.mulf %mul3A_1143, %get3A_1 : vector<16xf32>
      %sub3A_1151 = arith.constant 0.000000e+00 : f32
      %sub3A_1152 = vector.broadcast %sub3A_1151 : f32 to vector<16xf32>
      %sub3A_1153 = arith.subf %mul3A_1150, %sub3A_1152 : vector<16xf32>
      %abs3A_1154 = math.absf %sub3A_1153 : vector<16xf32>
      %sub3A_1155 = arith.constant 1.000000e+00 : f32
      %sub3A_1156 = vector.broadcast %sub3A_1155 : f32 to vector<16xf32>
      %sub3A_1157 = arith.subf %sub3A_1156, %abs3A_1154 : vector<16xf32>
      %max3A_1158 = arith.constant 0.000000e+00 : f32
      %max3A_1159 = vector.broadcast %max3A_1158 : f32 to vector<16xf32>
      %max3A_1160 = arith.maximumf %sub3A_1157, %max3A_1159 : vector<16xf32>
      %sub3A_1161 = arith.constant 1.000000e+00 : f32
      %sub3A_1162 = vector.broadcast %sub3A_1161 : f32 to vector<16xf32>
      %sub3A_1163 = arith.subf %mul3A_1150, %sub3A_1162 : vector<16xf32>
      %abs3A_1164 = math.absf %sub3A_1163 : vector<16xf32>
      %sub3A_1165 = arith.constant 1.000000e+00 : f32
      %sub3A_1166 = vector.broadcast %sub3A_1165 : f32 to vector<16xf32>
      %sub3A_1167 = arith.subf %sub3A_1166, %abs3A_1164 : vector<16xf32>
      %max3A_1168 = arith.constant 0.000000e+00 : f32
      %max3A_1169 = vector.broadcast %max3A_1168 : f32 to vector<16xf32>
      %max3A_1170 = arith.maximumf %sub3A_1167, %max3A_1169 : vector<16xf32>
      %sub3A_1171 = arith.constant 2.000000e+00 : f32
      %sub3A_1172 = vector.broadcast %sub3A_1171 : f32 to vector<16xf32>
      %sub3A_1173 = arith.subf %mul3A_1150, %sub3A_1172 : vector<16xf32>
      %abs3A_1174 = math.absf %sub3A_1173 : vector<16xf32>
      %sub3A_1175 = arith.constant 1.000000e+00 : f32
      %sub3A_1176 = vector.broadcast %sub3A_1175 : f32 to vector<16xf32>
      %sub3A_1177 = arith.subf %sub3A_1176, %abs3A_1174 : vector<16xf32>
      %max3A_1178 = arith.constant 0.000000e+00 : f32
      %max3A_1179 = vector.broadcast %max3A_1178 : f32 to vector<16xf32>
      %max3A_1180 = arith.maximumf %sub3A_1177, %max3A_1179 : vector<16xf32>
      %sub3A_1181 = arith.constant 3.000000e+00 : f32
      %sub3A_1182 = vector.broadcast %sub3A_1181 : f32 to vector<16xf32>
      %sub3A_1183 = arith.subf %mul3A_1150, %sub3A_1182 : vector<16xf32>
      %abs3A_1184 = math.absf %sub3A_1183 : vector<16xf32>
      %sub3A_1185 = arith.constant 1.000000e+00 : f32
      %sub3A_1186 = vector.broadcast %sub3A_1185 : f32 to vector<16xf32>
      %sub3A_1187 = arith.subf %sub3A_1186, %abs3A_1184 : vector<16xf32>
      %max3A_1188 = arith.constant 0.000000e+00 : f32
      %max3A_1189 = vector.broadcast %max3A_1188 : f32 to vector<16xf32>
      %max3A_1190 = arith.maximumf %sub3A_1187, %max3A_1189 : vector<16xf32>
      %sub3A_1191 = arith.constant 4.000000e+00 : f32
      %sub3A_1192 = vector.broadcast %sub3A_1191 : f32 to vector<16xf32>
      %sub3A_1193 = arith.subf %mul3A_1150, %sub3A_1192 : vector<16xf32>
      %abs3A_1194 = math.absf %sub3A_1193 : vector<16xf32>
      %sub3A_1195 = arith.constant 1.000000e+00 : f32
      %sub3A_1196 = vector.broadcast %sub3A_1195 : f32 to vector<16xf32>
      %sub3A_1197 = arith.subf %sub3A_1196, %abs3A_1194 : vector<16xf32>
      %max3A_1198 = arith.constant 0.000000e+00 : f32
      %max3A_1199 = vector.broadcast %max3A_1198 : f32 to vector<16xf32>
      %max3A_1200 = arith.maximumf %sub3A_1197, %max3A_1199 : vector<16xf32>
      %add3A_1201 = arith.constant 0 : i32
      %add3A_1202 = vector.broadcast %add3A_1201 : i32 to vector<16xi32>
      %add3A_1203 = arith.addi %gather3A_1094, %add3A_1202 : vector<16xi32>
      %gather3A_1204 = tpu.vector_load_idx %arg8[%add3A_1203] : memref<7000xf32, #tpu.memory_space<vmem>>[vector<16xi32>], vector<16xf32>,
      %sub3A_1205 = arith.subf %gather3A_1204, %gather3A_28 : vector<16xf32>
      %mul3A_1206 = arith.mulf %sub3A_1205, %div3A_1149 : vector<16xf32>
      %max3A_1207 = arith.constant 0.000000e+00 : f32
      %max3A_1208 = vector.broadcast %max3A_1207 : f32 to vector<16xf32>
      %max3A_1209 = arith.maximumf %mul3A_1206, %max3A_1208 : vector<16xf32>
      %mul3A_1210 = arith.mulf %max3A_1209, %max3A_1160 : vector<16xf32>
      %add3A_1211 = arith.addf %add3A_968, %mul3A_1210 : vector<16xf32>
      %mul3A_1212 = arith.mulf %max3A_1209, %max3A_1170 : vector<16xf32>
      %add3A_1213 = arith.addf %add3A_970, %mul3A_1212 : vector<16xf32>
      %mul3A_1214 = arith.mulf %max3A_1209, %max3A_1180 : vector<16xf32>
      %add3A_1215 = arith.addf %add3A_972, %mul3A_1214 : vector<16xf32>
      %mul3A_1216 = arith.mulf %max3A_1209, %max3A_1190 : vector<16xf32>
      %add3A_1217 = arith.addf %add3A_974, %mul3A_1216 : vector<16xf32>
      %mul3A_1218 = arith.mulf %max3A_1209, %max3A_1200 : vector<16xf32>
      %add3A_1219 = arith.addf %add3A_976, %mul3A_1218 : vector<16xf32>
      %add3A_1220 = arith.constant 1000 : i32
      %add3A_1221 = vector.broadcast %add3A_1220 : i32 to vector<16xi32>
      %add3A_1222 = arith.addi %gather3A_1094, %add3A_1221 : vector<16xi32>
      %gather3A_1223 = tpu.vector_load_idx %arg8[%add3A_1222] : memref<7000xf32, #tpu.memory_space<vmem>>[vector<16xi32>], vector<16xf32>,
      %sub3A_1224 = arith.subf %gather3A_1223, %gather3A_32 : vector<16xf32>
      %mul3A_1225 = arith.mulf %sub3A_1224, %div3A_1149 : vector<16xf32>
      %max3A_1226 = arith.constant 0.000000e+00 : f32
      %max3A_1227 = vector.broadcast %max3A_1226 : f32 to vector<16xf32>
      %max3A_1228 = arith.maximumf %mul3A_1225, %max3A_1227 : vector<16xf32>
      %mul3A_1229 = arith.mulf %max3A_1228, %max3A_1160 : vector<16xf32>
      %add3A_1230 = arith.addf %add3A_987, %mul3A_1229 : vector<16xf32>
      %mul3A_1231 = arith.mulf %max3A_1228, %max3A_1170 : vector<16xf32>
      %add3A_1232 = arith.addf %add3A_989, %mul3A_1231 : vector<16xf32>
      %mul3A_1233 = arith.mulf %max3A_1228, %max3A_1180 : vector<16xf32>
      %add3A_1234 = arith.addf %add3A_991, %mul3A_1233 : vector<16xf32>
      %mul3A_1235 = arith.mulf %max3A_1228, %max3A_1190 : vector<16xf32>
      %add3A_1236 = arith.addf %add3A_993, %mul3A_1235 : vector<16xf32>
      %mul3A_1237 = arith.mulf %max3A_1228, %max3A_1200 : vector<16xf32>
      %add3A_1238 = arith.addf %add3A_995, %mul3A_1237 : vector<16xf32>
      %add3A_1239 = arith.constant 2000 : i32
      %add3A_1240 = vector.broadcast %add3A_1239 : i32 to vector<16xi32>
      %add3A_1241 = arith.addi %gather3A_1094, %add3A_1240 : vector<16xi32>
      %gather3A_1242 = tpu.vector_load_idx %arg8[%add3A_1241] : memref<7000xf32, #tpu.memory_space<vmem>>[vector<16xi32>], vector<16xf32>,
      %sub3A_1243 = arith.subf %gather3A_1242, %gather3A_36 : vector<16xf32>
      %mul3A_1244 = arith.mulf %sub3A_1243, %div3A_1149 : vector<16xf32>
      %max3A_1245 = arith.constant 0.000000e+00 : f32
      %max3A_1246 = vector.broadcast %max3A_1245 : f32 to vector<16xf32>
      %max3A_1247 = arith.maximumf %mul3A_1244, %max3A_1246 : vector<16xf32>
      %mul3A_1248 = arith.mulf %max3A_1247, %max3A_1160 : vector<16xf32>
      %add3A_1249 = arith.addf %add3A_1006, %mul3A_1248 : vector<16xf32>
      %mul3A_1250 = arith.mulf %max3A_1247, %max3A_1170 : vector<16xf32>
      %add3A_1251 = arith.addf %add3A_1008, %mul3A_1250 : vector<16xf32>
      %mul3A_1252 = arith.mulf %max3A_1247, %max3A_1180 : vector<16xf32>
      %add3A_1253 = arith.addf %add3A_1010, %mul3A_1252 : vector<16xf32>
      %mul3A_1254 = arith.mulf %max3A_1247, %max3A_1190 : vector<16xf32>
      %add3A_1255 = arith.addf %add3A_1012, %mul3A_1254 : vector<16xf32>
      %mul3A_1256 = arith.mulf %max3A_1247, %max3A_1200 : vector<16xf32>
      %add3A_1257 = arith.addf %add3A_1014, %mul3A_1256 : vector<16xf32>
      %add3A_1258 = arith.constant 3000 : i32
      %add3A_1259 = vector.broadcast %add3A_1258 : i32 to vector<16xi32>
      %add3A_1260 = arith.addi %gather3A_1094, %add3A_1259 : vector<16xi32>
      %gather3A_1261 = tpu.vector_load_idx %arg8[%add3A_1260] : memref<7000xf32, #tpu.memory_space<vmem>>[vector<16xi32>], vector<16xf32>,
      %sub3A_1262 = arith.subf %gather3A_1261, %gather3A_40 : vector<16xf32>
      %mul3A_1263 = arith.mulf %sub3A_1262, %div3A_1149 : vector<16xf32>
      %max3A_1264 = arith.constant 0.000000e+00 : f32
      %max3A_1265 = vector.broadcast %max3A_1264 : f32 to vector<16xf32>
      %max3A_1266 = arith.maximumf %mul3A_1263, %max3A_1265 : vector<16xf32>
      %mul3A_1267 = arith.mulf %max3A_1266, %max3A_1160 : vector<16xf32>
      %add3A_1268 = arith.addf %add3A_1025, %mul3A_1267 : vector<16xf32>
      %mul3A_1269 = arith.mulf %max3A_1266, %max3A_1170 : vector<16xf32>
      %add3A_1270 = arith.addf %add3A_1027, %mul3A_1269 : vector<16xf32>
      %mul3A_1271 = arith.mulf %max3A_1266, %max3A_1180 : vector<16xf32>
      %add3A_1272 = arith.addf %add3A_1029, %mul3A_1271 : vector<16xf32>
      %mul3A_1273 = arith.mulf %max3A_1266, %max3A_1190 : vector<16xf32>
      %add3A_1274 = arith.addf %add3A_1031, %mul3A_1273 : vector<16xf32>
      %mul3A_1275 = arith.mulf %max3A_1266, %max3A_1200 : vector<16xf32>
      %add3A_1276 = arith.addf %add3A_1033, %mul3A_1275 : vector<16xf32>
      %add3A_1277 = arith.constant 4000 : i32
      %add3A_1278 = vector.broadcast %add3A_1277 : i32 to vector<16xi32>
      %add3A_1279 = arith.addi %gather3A_1094, %add3A_1278 : vector<16xi32>
      %gather3A_1280 = tpu.vector_load_idx %arg8[%add3A_1279] : memref<7000xf32, #tpu.memory_space<vmem>>[vector<16xi32>], vector<16xf32>,
      %sub3A_1281 = arith.subf %gather3A_1280, %gather3A_44 : vector<16xf32>
      %mul3A_1282 = arith.mulf %sub3A_1281, %div3A_1149 : vector<16xf32>
      %max3A_1283 = arith.constant 0.000000e+00 : f32
      %max3A_1284 = vector.broadcast %max3A_1283 : f32 to vector<16xf32>
      %max3A_1285 = arith.maximumf %mul3A_1282, %max3A_1284 : vector<16xf32>
      %mul3A_1286 = arith.mulf %max3A_1285, %max3A_1160 : vector<16xf32>
      %add3A_1287 = arith.addf %add3A_1044, %mul3A_1286 : vector<16xf32>
      %mul3A_1288 = arith.mulf %max3A_1285, %max3A_1170 : vector<16xf32>
      %add3A_1289 = arith.addf %add3A_1046, %mul3A_1288 : vector<16xf32>
      %mul3A_1290 = arith.mulf %max3A_1285, %max3A_1180 : vector<16xf32>
      %add3A_1291 = arith.addf %add3A_1048, %mul3A_1290 : vector<16xf32>
      %mul3A_1292 = arith.mulf %max3A_1285, %max3A_1190 : vector<16xf32>
      %add3A_1293 = arith.addf %add3A_1050, %mul3A_1292 : vector<16xf32>
      %mul3A_1294 = arith.mulf %max3A_1285, %max3A_1200 : vector<16xf32>
      %add3A_1295 = arith.addf %add3A_1052, %mul3A_1294 : vector<16xf32>
      %add3A_1296 = arith.constant 5000 : i32
      %add3A_1297 = vector.broadcast %add3A_1296 : i32 to vector<16xi32>
      %add3A_1298 = arith.addi %gather3A_1094, %add3A_1297 : vector<16xi32>
      %gather3A_1299 = tpu.vector_load_idx %arg8[%add3A_1298] : memref<7000xf32, #tpu.memory_space<vmem>>[vector<16xi32>], vector<16xf32>,
      %sub3A_1300 = arith.subf %gather3A_1299, %gather3A_48 : vector<16xf32>
      %mul3A_1301 = arith.mulf %sub3A_1300, %div3A_1149 : vector<16xf32>
      %max3A_1302 = arith.constant 0.000000e+00 : f32
      %max3A_1303 = vector.broadcast %max3A_1302 : f32 to vector<16xf32>
      %max3A_1304 = arith.maximumf %mul3A_1301, %max3A_1303 : vector<16xf32>
      %mul3A_1305 = arith.mulf %max3A_1304, %max3A_1160 : vector<16xf32>
      %add3A_1306 = arith.addf %add3A_1063, %mul3A_1305 : vector<16xf32>
      %mul3A_1307 = arith.mulf %max3A_1304, %max3A_1170 : vector<16xf32>
      %add3A_1308 = arith.addf %add3A_1065, %mul3A_1307 : vector<16xf32>
      %mul3A_1309 = arith.mulf %max3A_1304, %max3A_1180 : vector<16xf32>
      %add3A_1310 = arith.addf %add3A_1067, %mul3A_1309 : vector<16xf32>
      %mul3A_1311 = arith.mulf %max3A_1304, %max3A_1190 : vector<16xf32>
      %add3A_1312 = arith.addf %add3A_1069, %mul3A_1311 : vector<16xf32>
      %mul3A_1313 = arith.mulf %max3A_1304, %max3A_1200 : vector<16xf32>
      %add3A_1314 = arith.addf %add3A_1071, %mul3A_1313 : vector<16xf32>
      %add3A_1315 = arith.constant 6000 : i32
      %add3A_1316 = vector.broadcast %add3A_1315 : i32 to vector<16xi32>
      %add3A_1317 = arith.addi %gather3A_1094, %add3A_1316 : vector<16xi32>
      %gather3A_1318 = tpu.vector_load_idx %arg8[%add3A_1317] : memref<7000xf32, #tpu.memory_space<vmem>>[vector<16xi32>], vector<16xf32>,
      %sub3A_1319 = arith.subf %gather3A_1318, %gather3A_52 : vector<16xf32>
      %mul3A_1320 = arith.mulf %sub3A_1319, %div3A_1149 : vector<16xf32>
      %max3A_1321 = arith.constant 0.000000e+00 : f32
      %max3A_1322 = vector.broadcast %max3A_1321 : f32 to vector<16xf32>
      %max3A_1323 = arith.maximumf %mul3A_1320, %max3A_1322 : vector<16xf32>
      %mul3A_1324 = arith.mulf %max3A_1323, %max3A_1160 : vector<16xf32>
      %add3A_1325 = arith.addf %add3A_1082, %mul3A_1324 : vector<16xf32>
      %mul3A_1326 = arith.mulf %max3A_1323, %max3A_1170 : vector<16xf32>
      %add3A_1327 = arith.addf %add3A_1084, %mul3A_1326 : vector<16xf32>
      %mul3A_1328 = arith.mulf %max3A_1323, %max3A_1180 : vector<16xf32>
      %add3A_1329 = arith.addf %add3A_1086, %mul3A_1328 : vector<16xf32>
      %mul3A_1330 = arith.mulf %max3A_1323, %max3A_1190 : vector<16xf32>
      %add3A_1331 = arith.addf %add3A_1088, %mul3A_1330 : vector<16xf32>
      %mul3A_1332 = arith.mulf %max3A_1323, %max3A_1200 : vector<16xf32>
      %add3A_1333 = arith.addf %add3A_1090, %mul3A_1332 : vector<16xf32>
      %add3A_1334 = arith.constant 5 : i32
      %add3A_1335 = vector.broadcast %add3A_1334 : i32 to vector<16xi32>
      %add3A_1336 = arith.addi %mul3A_124, %add3A_1335 : vector<16xi32>
      %gather3A_1337 = tpu.vector_load_idx %arg9[%add3A_1336] : memref<15000xi32, #tpu.memory_space<vmem>>[vector<16xi32>], vector<16xi32>,
      %broadcast_in_dim3A_1338 = arith.constant 0.000000e+00 : f32
      %broadcast_in_dim3A_1339 = vector.broadcast %broadcast_in_dim3A_1338 : f32 to vector<16xf32>
      %add3A_1340 = arith.constant 0 : i32
      %add3A_1341 = vector.broadcast %add3A_1340 : i32 to vector<16xi32>
      %add3A_1342 = arith.addi %gather3A_1337, %add3A_1341 : vector<16xi32>
      %gather3A_1343 = tpu.vector_load_idx %arg7[%add3A_1342] : memref<3000xf32, #tpu.memory_space<vmem>>[vector<16xi32>], vector<16xf32>,
      %sub3A_1344 = arith.subf %gather3A_1343, %gather3A : vector<16xf32>
      %mul3A_1345 = arith.mulf %sub3A_1344, %sub3A_1344 : vector<16xf32>
      %add3A_1346 = arith.addf %broadcast_in_dim3A_1339, %mul3A_1345 : vector<16xf32>
      %add3A_1347 = arith.constant 1000 : i32
      %add3A_1348 = vector.broadcast %add3A_1347 : i32 to vector<16xi32>
      %add3A_1349 = arith.addi %gather3A_1337, %add3A_1348 : vector<16xi32>
      %gather3A_1350 = tpu.vector_load_idx %arg7[%add3A_1349] : memref<3000xf32, #tpu.memory_space<vmem>>[vector<16xi32>], vector<16xf32>,
      %sub3A_1351 = arith.subf %gather3A_1350, %gather3A_20 : vector<16xf32>
      %mul3A_1352 = arith.mulf %sub3A_1351, %sub3A_1351 : vector<16xf32>
      %add3A_1353 = arith.addf %add3A_1346, %mul3A_1352 : vector<16xf32>
      %add3A_1354 = arith.constant 2000 : i32
      %add3A_1355 = vector.broadcast %add3A_1354 : i32 to vector<16xi32>
      %add3A_1356 = arith.addi %gather3A_1337, %add3A_1355 : vector<16xi32>
      %gather3A_1357 = tpu.vector_load_idx %arg7[%add3A_1356] : memref<3000xf32, #tpu.memory_space<vmem>>[vector<16xi32>], vector<16xf32>,
      %sub3A_1358 = arith.subf %gather3A_1357, %gather3A_24 : vector<16xf32>
      %mul3A_1359 = arith.mulf %sub3A_1358, %sub3A_1358 : vector<16xf32>
      %add3A_1360 = arith.addf %add3A_1353, %mul3A_1359 : vector<16xf32>
      %add3A_1361 = arith.constant 9.99999993E-9 : f32
      %add3A_1362 = vector.broadcast %add3A_1361 : f32 to vector<16xf32>
      %add3A_1363 = arith.addf %add3A_1360, %add3A_1362 : vector<16xf32>
      %bitcast_convert_type3A_1364 = tpu.bitcast %add3A_1363 : vector<16xf32> -> vector<16xi32>
      %shift_right_arithmetic3A_1365 = arith.constant 1 : i32
      %shift_right_arithmetic3A_1366 = vector.broadcast %shift_right_arithmetic3A_1365 : i32 to vector<16xi32>
      %shift_right_arithmetic3A_1367 = arith.shrsi %bitcast_convert_type3A_1364, %shift_right_arithmetic3A_1366 : vector<16xi32>
      %add3A_1368 = arith.constant 532487669 : i32
      %add3A_1369 = vector.broadcast %add3A_1368 : i32 to vector<16xi32>
      %add3A_1370 = arith.addi %shift_right_arithmetic3A_1367, %add3A_1369 : vector<16xi32>
      %bitcast_convert_type3A_1371 = tpu.bitcast %add3A_1370 : vector<16xi32> -> vector<16xf32>
      %div3A_1372 = arith.divf %add3A_1363, %bitcast_convert_type3A_1371 : vector<16xf32>
      %add3A_1373 = arith.addf %bitcast_convert_type3A_1371, %div3A_1372 : vector<16xf32>
      %mul3A_1374 = arith.constant 5.000000e-01 : f32
      %mul3A_1375 = vector.broadcast %mul3A_1374 : f32 to vector<16xf32>
      %mul3A_1376 = arith.mulf %mul3A_1375, %add3A_1373 : vector<16xf32>
      %div3A_1377 = arith.divf %add3A_1363, %mul3A_1376 : vector<16xf32>
      %add3A_1378 = arith.addf %mul3A_1376, %div3A_1377 : vector<16xf32>
      %mul3A_1379 = arith.constant 5.000000e-01 : f32
      %mul3A_1380 = vector.broadcast %mul3A_1379 : f32 to vector<16xf32>
      %mul3A_1381 = arith.mulf %mul3A_1380, %add3A_1378 : vector<16xf32>
      %div3A_1382 = arith.divf %add3A_1363, %mul3A_1381 : vector<16xf32>
      %add3A_1383 = arith.addf %mul3A_1381, %div3A_1382 : vector<16xf32>
      %mul3A_1384 = arith.constant 5.000000e-01 : f32
      %mul3A_1385 = vector.broadcast %mul3A_1384 : f32 to vector<16xf32>
      %mul3A_1386 = arith.mulf %mul3A_1385, %add3A_1383 : vector<16xf32>
      %add3A_1387 = arith.constant 9.99999993E-9 : f32
      %add3A_1388 = vector.broadcast %add3A_1387 : f32 to vector<16xf32>
      %add3A_1389 = arith.addf %mul3A_1386, %add3A_1388 : vector<16xf32>
      %div3A_1390 = arith.constant 1.000000e+00 : f32
      %div3A_1391 = vector.broadcast %div3A_1390 : f32 to vector<16xf32>
      %div3A_1392 = arith.divf %div3A_1391, %add3A_1389 : vector<16xf32>
      %mul3A_1393 = arith.mulf %mul3A_1386, %get3A_1 : vector<16xf32>
      %sub3A_1394 = arith.constant 0.000000e+00 : f32
      %sub3A_1395 = vector.broadcast %sub3A_1394 : f32 to vector<16xf32>
      %sub3A_1396 = arith.subf %mul3A_1393, %sub3A_1395 : vector<16xf32>
      %abs3A_1397 = math.absf %sub3A_1396 : vector<16xf32>
      %sub3A_1398 = arith.constant 1.000000e+00 : f32
      %sub3A_1399 = vector.broadcast %sub3A_1398 : f32 to vector<16xf32>
      %sub3A_1400 = arith.subf %sub3A_1399, %abs3A_1397 : vector<16xf32>
      %max3A_1401 = arith.constant 0.000000e+00 : f32
      %max3A_1402 = vector.broadcast %max3A_1401 : f32 to vector<16xf32>
      %max3A_1403 = arith.maximumf %sub3A_1400, %max3A_1402 : vector<16xf32>
      %sub3A_1404 = arith.constant 1.000000e+00 : f32
      %sub3A_1405 = vector.broadcast %sub3A_1404 : f32 to vector<16xf32>
      %sub3A_1406 = arith.subf %mul3A_1393, %sub3A_1405 : vector<16xf32>
      %abs3A_1407 = math.absf %sub3A_1406 : vector<16xf32>
      %sub3A_1408 = arith.constant 1.000000e+00 : f32
      %sub3A_1409 = vector.broadcast %sub3A_1408 : f32 to vector<16xf32>
      %sub3A_1410 = arith.subf %sub3A_1409, %abs3A_1407 : vector<16xf32>
      %max3A_1411 = arith.constant 0.000000e+00 : f32
      %max3A_1412 = vector.broadcast %max3A_1411 : f32 to vector<16xf32>
      %max3A_1413 = arith.maximumf %sub3A_1410, %max3A_1412 : vector<16xf32>
      %sub3A_1414 = arith.constant 2.000000e+00 : f32
      %sub3A_1415 = vector.broadcast %sub3A_1414 : f32 to vector<16xf32>
      %sub3A_1416 = arith.subf %mul3A_1393, %sub3A_1415 : vector<16xf32>
      %abs3A_1417 = math.absf %sub3A_1416 : vector<16xf32>
      %sub3A_1418 = arith.constant 1.000000e+00 : f32
      %sub3A_1419 = vector.broadcast %sub3A_1418 : f32 to vector<16xf32>
      %sub3A_1420 = arith.subf %sub3A_1419, %abs3A_1417 : vector<16xf32>
      %max3A_1421 = arith.constant 0.000000e+00 : f32
      %max3A_1422 = vector.broadcast %max3A_1421 : f32 to vector<16xf32>
      %max3A_1423 = arith.maximumf %sub3A_1420, %max3A_1422 : vector<16xf32>
      %sub3A_1424 = arith.constant 3.000000e+00 : f32
      %sub3A_1425 = vector.broadcast %sub3A_1424 : f32 to vector<16xf32>
      %sub3A_1426 = arith.subf %mul3A_1393, %sub3A_1425 : vector<16xf32>
      %abs3A_1427 = math.absf %sub3A_1426 : vector<16xf32>
      %sub3A_1428 = arith.constant 1.000000e+00 : f32
      %sub3A_1429 = vector.broadcast %sub3A_1428 : f32 to vector<16xf32>
      %sub3A_1430 = arith.subf %sub3A_1429, %abs3A_1427 : vector<16xf32>
      %max3A_1431 = arith.constant 0.000000e+00 : f32
      %max3A_1432 = vector.broadcast %max3A_1431 : f32 to vector<16xf32>
      %max3A_1433 = arith.maximumf %sub3A_1430, %max3A_1432 : vector<16xf32>
      %sub3A_1434 = arith.constant 4.000000e+00 : f32
      %sub3A_1435 = vector.broadcast %sub3A_1434 : f32 to vector<16xf32>
      %sub3A_1436 = arith.subf %mul3A_1393, %sub3A_1435 : vector<16xf32>
      %abs3A_1437 = math.absf %sub3A_1436 : vector<16xf32>
      %sub3A_1438 = arith.constant 1.000000e+00 : f32
      %sub3A_1439 = vector.broadcast %sub3A_1438 : f32 to vector<16xf32>
      %sub3A_1440 = arith.subf %sub3A_1439, %abs3A_1437 : vector<16xf32>
      %max3A_1441 = arith.constant 0.000000e+00 : f32
      %max3A_1442 = vector.broadcast %max3A_1441 : f32 to vector<16xf32>
      %max3A_1443 = arith.maximumf %sub3A_1440, %max3A_1442 : vector<16xf32>
      %add3A_1444 = arith.constant 0 : i32
      %add3A_1445 = vector.broadcast %add3A_1444 : i32 to vector<16xi32>
      %add3A_1446 = arith.addi %gather3A_1337, %add3A_1445 : vector<16xi32>
      %gather3A_1447 = tpu.vector_load_idx %arg8[%add3A_1446] : memref<7000xf32, #tpu.memory_space<vmem>>[vector<16xi32>], vector<16xf32>,
      %sub3A_1448 = arith.subf %gather3A_1447, %gather3A_28 : vector<16xf32>
      %mul3A_1449 = arith.mulf %sub3A_1448, %div3A_1392 : vector<16xf32>
      %max3A_1450 = arith.constant 0.000000e+00 : f32
      %max3A_1451 = vector.broadcast %max3A_1450 : f32 to vector<16xf32>
      %max3A_1452 = arith.maximumf %mul3A_1449, %max3A_1451 : vector<16xf32>
      %mul3A_1453 = arith.mulf %max3A_1452, %max3A_1403 : vector<16xf32>
      %add3A_1454 = arith.addf %add3A_1211, %mul3A_1453 : vector<16xf32>
      %mul3A_1455 = arith.mulf %max3A_1452, %max3A_1413 : vector<16xf32>
      %add3A_1456 = arith.addf %add3A_1213, %mul3A_1455 : vector<16xf32>
      %mul3A_1457 = arith.mulf %max3A_1452, %max3A_1423 : vector<16xf32>
      %add3A_1458 = arith.addf %add3A_1215, %mul3A_1457 : vector<16xf32>
      %mul3A_1459 = arith.mulf %max3A_1452, %max3A_1433 : vector<16xf32>
      %add3A_1460 = arith.addf %add3A_1217, %mul3A_1459 : vector<16xf32>
      %mul3A_1461 = arith.mulf %max3A_1452, %max3A_1443 : vector<16xf32>
      %add3A_1462 = arith.addf %add3A_1219, %mul3A_1461 : vector<16xf32>
      %add3A_1463 = arith.constant 1000 : i32
      %add3A_1464 = vector.broadcast %add3A_1463 : i32 to vector<16xi32>
      %add3A_1465 = arith.addi %gather3A_1337, %add3A_1464 : vector<16xi32>
      %gather3A_1466 = tpu.vector_load_idx %arg8[%add3A_1465] : memref<7000xf32, #tpu.memory_space<vmem>>[vector<16xi32>], vector<16xf32>,
      %sub3A_1467 = arith.subf %gather3A_1466, %gather3A_32 : vector<16xf32>
      %mul3A_1468 = arith.mulf %sub3A_1467, %div3A_1392 : vector<16xf32>
      %max3A_1469 = arith.constant 0.000000e+00 : f32
      %max3A_1470 = vector.broadcast %max3A_1469 : f32 to vector<16xf32>
      %max3A_1471 = arith.maximumf %mul3A_1468, %max3A_1470 : vector<16xf32>
      %mul3A_1472 = arith.mulf %max3A_1471, %max3A_1403 : vector<16xf32>
      %add3A_1473 = arith.addf %add3A_1230, %mul3A_1472 : vector<16xf32>
      %mul3A_1474 = arith.mulf %max3A_1471, %max3A_1413 : vector<16xf32>
      %add3A_1475 = arith.addf %add3A_1232, %mul3A_1474 : vector<16xf32>
      %mul3A_1476 = arith.mulf %max3A_1471, %max3A_1423 : vector<16xf32>
      %add3A_1477 = arith.addf %add3A_1234, %mul3A_1476 : vector<16xf32>
      %mul3A_1478 = arith.mulf %max3A_1471, %max3A_1433 : vector<16xf32>
      %add3A_1479 = arith.addf %add3A_1236, %mul3A_1478 : vector<16xf32>
      %mul3A_1480 = arith.mulf %max3A_1471, %max3A_1443 : vector<16xf32>
      %add3A_1481 = arith.addf %add3A_1238, %mul3A_1480 : vector<16xf32>
      %add3A_1482 = arith.constant 2000 : i32
      %add3A_1483 = vector.broadcast %add3A_1482 : i32 to vector<16xi32>
      %add3A_1484 = arith.addi %gather3A_1337, %add3A_1483 : vector<16xi32>
      %gather3A_1485 = tpu.vector_load_idx %arg8[%add3A_1484] : memref<7000xf32, #tpu.memory_space<vmem>>[vector<16xi32>], vector<16xf32>,
      %sub3A_1486 = arith.subf %gather3A_1485, %gather3A_36 : vector<16xf32>
      %mul3A_1487 = arith.mulf %sub3A_1486, %div3A_1392 : vector<16xf32>
      %max3A_1488 = arith.constant 0.000000e+00 : f32
      %max3A_1489 = vector.broadcast %max3A_1488 : f32 to vector<16xf32>
      %max3A_1490 = arith.maximumf %mul3A_1487, %max3A_1489 : vector<16xf32>
      %mul3A_1491 = arith.mulf %max3A_1490, %max3A_1403 : vector<16xf32>
      %add3A_1492 = arith.addf %add3A_1249, %mul3A_1491 : vector<16xf32>
      %mul3A_1493 = arith.mulf %max3A_1490, %max3A_1413 : vector<16xf32>
      %add3A_1494 = arith.addf %add3A_1251, %mul3A_1493 : vector<16xf32>
      %mul3A_1495 = arith.mulf %max3A_1490, %max3A_1423 : vector<16xf32>
      %add3A_1496 = arith.addf %add3A_1253, %mul3A_1495 : vector<16xf32>
      %mul3A_1497 = arith.mulf %max3A_1490, %max3A_1433 : vector<16xf32>
      %add3A_1498 = arith.addf %add3A_1255, %mul3A_1497 : vector<16xf32>
      %mul3A_1499 = arith.mulf %max3A_1490, %max3A_1443 : vector<16xf32>
      %add3A_1500 = arith.addf %add3A_1257, %mul3A_1499 : vector<16xf32>
      %add3A_1501 = arith.constant 3000 : i32
      %add3A_1502 = vector.broadcast %add3A_1501 : i32 to vector<16xi32>
      %add3A_1503 = arith.addi %gather3A_1337, %add3A_1502 : vector<16xi32>
      %gather3A_1504 = tpu.vector_load_idx %arg8[%add3A_1503] : memref<7000xf32, #tpu.memory_space<vmem>>[vector<16xi32>], vector<16xf32>,
      %sub3A_1505 = arith.subf %gather3A_1504, %gather3A_40 : vector<16xf32>
      %mul3A_1506 = arith.mulf %sub3A_1505, %div3A_1392 : vector<16xf32>
      %max3A_1507 = arith.constant 0.000000e+00 : f32
      %max3A_1508 = vector.broadcast %max3A_1507 : f32 to vector<16xf32>
      %max3A_1509 = arith.maximumf %mul3A_1506, %max3A_1508 : vector<16xf32>
      %mul3A_1510 = arith.mulf %max3A_1509, %max3A_1403 : vector<16xf32>
      %add3A_1511 = arith.addf %add3A_1268, %mul3A_1510 : vector<16xf32>
      %mul3A_1512 = arith.mulf %max3A_1509, %max3A_1413 : vector<16xf32>
      %add3A_1513 = arith.addf %add3A_1270, %mul3A_1512 : vector<16xf32>
      %mul3A_1514 = arith.mulf %max3A_1509, %max3A_1423 : vector<16xf32>
      %add3A_1515 = arith.addf %add3A_1272, %mul3A_1514 : vector<16xf32>
      %mul3A_1516 = arith.mulf %max3A_1509, %max3A_1433 : vector<16xf32>
      %add3A_1517 = arith.addf %add3A_1274, %mul3A_1516 : vector<16xf32>
      %mul3A_1518 = arith.mulf %max3A_1509, %max3A_1443 : vector<16xf32>
      %add3A_1519 = arith.addf %add3A_1276, %mul3A_1518 : vector<16xf32>
      %add3A_1520 = arith.constant 4000 : i32
      %add3A_1521 = vector.broadcast %add3A_1520 : i32 to vector<16xi32>
      %add3A_1522 = arith.addi %gather3A_1337, %add3A_1521 : vector<16xi32>
      %gather3A_1523 = tpu.vector_load_idx %arg8[%add3A_1522] : memref<7000xf32, #tpu.memory_space<vmem>>[vector<16xi32>], vector<16xf32>,
      %sub3A_1524 = arith.subf %gather3A_1523, %gather3A_44 : vector<16xf32>
      %mul3A_1525 = arith.mulf %sub3A_1524, %div3A_1392 : vector<16xf32>
      %max3A_1526 = arith.constant 0.000000e+00 : f32
      %max3A_1527 = vector.broadcast %max3A_1526 : f32 to vector<16xf32>
      %max3A_1528 = arith.maximumf %mul3A_1525, %max3A_1527 : vector<16xf32>
      %mul3A_1529 = arith.mulf %max3A_1528, %max3A_1403 : vector<16xf32>
      %add3A_1530 = arith.addf %add3A_1287, %mul3A_1529 : vector<16xf32>
      %mul3A_1531 = arith.mulf %max3A_1528, %max3A_1413 : vector<16xf32>
      %add3A_1532 = arith.addf %add3A_1289, %mul3A_1531 : vector<16xf32>
      %mul3A_1533 = arith.mulf %max3A_1528, %max3A_1423 : vector<16xf32>
      %add3A_1534 = arith.addf %add3A_1291, %mul3A_1533 : vector<16xf32>
      %mul3A_1535 = arith.mulf %max3A_1528, %max3A_1433 : vector<16xf32>
      %add3A_1536 = arith.addf %add3A_1293, %mul3A_1535 : vector<16xf32>
      %mul3A_1537 = arith.mulf %max3A_1528, %max3A_1443 : vector<16xf32>
      %add3A_1538 = arith.addf %add3A_1295, %mul3A_1537 : vector<16xf32>
      %add3A_1539 = arith.constant 5000 : i32
      %add3A_1540 = vector.broadcast %add3A_1539 : i32 to vector<16xi32>
      %add3A_1541 = arith.addi %gather3A_1337, %add3A_1540 : vector<16xi32>
      %gather3A_1542 = tpu.vector_load_idx %arg8[%add3A_1541] : memref<7000xf32, #tpu.memory_space<vmem>>[vector<16xi32>], vector<16xf32>,
      %sub3A_1543 = arith.subf %gather3A_1542, %gather3A_48 : vector<16xf32>
      %mul3A_1544 = arith.mulf %sub3A_1543, %div3A_1392 : vector<16xf32>
      %max3A_1545 = arith.constant 0.000000e+00 : f32
      %max3A_1546 = vector.broadcast %max3A_1545 : f32 to vector<16xf32>
      %max3A_1547 = arith.maximumf %mul3A_1544, %max3A_1546 : vector<16xf32>
      %mul3A_1548 = arith.mulf %max3A_1547, %max3A_1403 : vector<16xf32>
      %add3A_1549 = arith.addf %add3A_1306, %mul3A_1548 : vector<16xf32>
      %mul3A_1550 = arith.mulf %max3A_1547, %max3A_1413 : vector<16xf32>
      %add3A_1551 = arith.addf %add3A_1308, %mul3A_1550 : vector<16xf32>
      %mul3A_1552 = arith.mulf %max3A_1547, %max3A_1423 : vector<16xf32>
      %add3A_1553 = arith.addf %add3A_1310, %mul3A_1552 : vector<16xf32>
      %mul3A_1554 = arith.mulf %max3A_1547, %max3A_1433 : vector<16xf32>
      %add3A_1555 = arith.addf %add3A_1312, %mul3A_1554 : vector<16xf32>
      %mul3A_1556 = arith.mulf %max3A_1547, %max3A_1443 : vector<16xf32>
      %add3A_1557 = arith.addf %add3A_1314, %mul3A_1556 : vector<16xf32>
      %add3A_1558 = arith.constant 6000 : i32
      %add3A_1559 = vector.broadcast %add3A_1558 : i32 to vector<16xi32>
      %add3A_1560 = arith.addi %gather3A_1337, %add3A_1559 : vector<16xi32>
      %gather3A_1561 = tpu.vector_load_idx %arg8[%add3A_1560] : memref<7000xf32, #tpu.memory_space<vmem>>[vector<16xi32>], vector<16xf32>,
      %sub3A_1562 = arith.subf %gather3A_1561, %gather3A_52 : vector<16xf32>
      %mul3A_1563 = arith.mulf %sub3A_1562, %div3A_1392 : vector<16xf32>
      %max3A_1564 = arith.constant 0.000000e+00 : f32
      %max3A_1565 = vector.broadcast %max3A_1564 : f32 to vector<16xf32>
      %max3A_1566 = arith.maximumf %mul3A_1563, %max3A_1565 : vector<16xf32>
      %mul3A_1567 = arith.mulf %max3A_1566, %max3A_1403 : vector<16xf32>
      %add3A_1568 = arith.addf %add3A_1325, %mul3A_1567 : vector<16xf32>
      %mul3A_1569 = arith.mulf %max3A_1566, %max3A_1413 : vector<16xf32>
      %add3A_1570 = arith.addf %add3A_1327, %mul3A_1569 : vector<16xf32>
      %mul3A_1571 = arith.mulf %max3A_1566, %max3A_1423 : vector<16xf32>
      %add3A_1572 = arith.addf %add3A_1329, %mul3A_1571 : vector<16xf32>
      %mul3A_1573 = arith.mulf %max3A_1566, %max3A_1433 : vector<16xf32>
      %add3A_1574 = arith.addf %add3A_1331, %mul3A_1573 : vector<16xf32>
      %mul3A_1575 = arith.mulf %max3A_1566, %max3A_1443 : vector<16xf32>
      %add3A_1576 = arith.addf %add3A_1333, %mul3A_1575 : vector<16xf32>
      %add3A_1577 = arith.constant 6 : i32
      %add3A_1578 = vector.broadcast %add3A_1577 : i32 to vector<16xi32>
      %add3A_1579 = arith.addi %mul3A_124, %add3A_1578 : vector<16xi32>
      %gather3A_1580 = tpu.vector_load_idx %arg9[%add3A_1579] : memref<15000xi32, #tpu.memory_space<vmem>>[vector<16xi32>], vector<16xi32>,
      %broadcast_in_dim3A_1581 = arith.constant 0.000000e+00 : f32
      %broadcast_in_dim3A_1582 = vector.broadcast %broadcast_in_dim3A_1581 : f32 to vector<16xf32>
      %add3A_1583 = arith.constant 0 : i32
      %add3A_1584 = vector.broadcast %add3A_1583 : i32 to vector<16xi32>
      %add3A_1585 = arith.addi %gather3A_1580, %add3A_1584 : vector<16xi32>
      %gather3A_1586 = tpu.vector_load_idx %arg7[%add3A_1585] : memref<3000xf32, #tpu.memory_space<vmem>>[vector<16xi32>], vector<16xf32>,
      %sub3A_1587 = arith.subf %gather3A_1586, %gather3A : vector<16xf32>
      %mul3A_1588 = arith.mulf %sub3A_1587, %sub3A_1587 : vector<16xf32>
      %add3A_1589 = arith.addf %broadcast_in_dim3A_1582, %mul3A_1588 : vector<16xf32>
      %add3A_1590 = arith.constant 1000 : i32
      %add3A_1591 = vector.broadcast %add3A_1590 : i32 to vector<16xi32>
      %add3A_1592 = arith.addi %gather3A_1580, %add3A_1591 : vector<16xi32>
      %gather3A_1593 = tpu.vector_load_idx %arg7[%add3A_1592] : memref<3000xf32, #tpu.memory_space<vmem>>[vector<16xi32>], vector<16xf32>,
      %sub3A_1594 = arith.subf %gather3A_1593, %gather3A_20 : vector<16xf32>
      %mul3A_1595 = arith.mulf %sub3A_1594, %sub3A_1594 : vector<16xf32>
      %add3A_1596 = arith.addf %add3A_1589, %mul3A_1595 : vector<16xf32>
      %add3A_1597 = arith.constant 2000 : i32
      %add3A_1598 = vector.broadcast %add3A_1597 : i32 to vector<16xi32>
      %add3A_1599 = arith.addi %gather3A_1580, %add3A_1598 : vector<16xi32>
      %gather3A_1600 = tpu.vector_load_idx %arg7[%add3A_1599] : memref<3000xf32, #tpu.memory_space<vmem>>[vector<16xi32>], vector<16xf32>,
      %sub3A_1601 = arith.subf %gather3A_1600, %gather3A_24 : vector<16xf32>
      %mul3A_1602 = arith.mulf %sub3A_1601, %sub3A_1601 : vector<16xf32>
      %add3A_1603 = arith.addf %add3A_1596, %mul3A_1602 : vector<16xf32>
      %add3A_1604 = arith.constant 9.99999993E-9 : f32
      %add3A_1605 = vector.broadcast %add3A_1604 : f32 to vector<16xf32>
      %add3A_1606 = arith.addf %add3A_1603, %add3A_1605 : vector<16xf32>
      %bitcast_convert_type3A_1607 = tpu.bitcast %add3A_1606 : vector<16xf32> -> vector<16xi32>
      %shift_right_arithmetic3A_1608 = arith.constant 1 : i32
      %shift_right_arithmetic3A_1609 = vector.broadcast %shift_right_arithmetic3A_1608 : i32 to vector<16xi32>
      %shift_right_arithmetic3A_1610 = arith.shrsi %bitcast_convert_type3A_1607, %shift_right_arithmetic3A_1609 : vector<16xi32>
      %add3A_1611 = arith.constant 532487669 : i32
      %add3A_1612 = vector.broadcast %add3A_1611 : i32 to vector<16xi32>
      %add3A_1613 = arith.addi %shift_right_arithmetic3A_1610, %add3A_1612 : vector<16xi32>
      %bitcast_convert_type3A_1614 = tpu.bitcast %add3A_1613 : vector<16xi32> -> vector<16xf32>
      %div3A_1615 = arith.divf %add3A_1606, %bitcast_convert_type3A_1614 : vector<16xf32>
      %add3A_1616 = arith.addf %bitcast_convert_type3A_1614, %div3A_1615 : vector<16xf32>
      %mul3A_1617 = arith.constant 5.000000e-01 : f32
      %mul3A_1618 = vector.broadcast %mul3A_1617 : f32 to vector<16xf32>
      %mul3A_1619 = arith.mulf %mul3A_1618, %add3A_1616 : vector<16xf32>
      %div3A_1620 = arith.divf %add3A_1606, %mul3A_1619 : vector<16xf32>
      %add3A_1621 = arith.addf %mul3A_1619, %div3A_1620 : vector<16xf32>
      %mul3A_1622 = arith.constant 5.000000e-01 : f32
      %mul3A_1623 = vector.broadcast %mul3A_1622 : f32 to vector<16xf32>
      %mul3A_1624 = arith.mulf %mul3A_1623, %add3A_1621 : vector<16xf32>
      %div3A_1625 = arith.divf %add3A_1606, %mul3A_1624 : vector<16xf32>
      %add3A_1626 = arith.addf %mul3A_1624, %div3A_1625 : vector<16xf32>
      %mul3A_1627 = arith.constant 5.000000e-01 : f32
      %mul3A_1628 = vector.broadcast %mul3A_1627 : f32 to vector<16xf32>
      %mul3A_1629 = arith.mulf %mul3A_1628, %add3A_1626 : vector<16xf32>
      %add3A_1630 = arith.constant 9.99999993E-9 : f32
      %add3A_1631 = vector.broadcast %add3A_1630 : f32 to vector<16xf32>
      %add3A_1632 = arith.addf %mul3A_1629, %add3A_1631 : vector<16xf32>
      %div3A_1633 = arith.constant 1.000000e+00 : f32
      %div3A_1634 = vector.broadcast %div3A_1633 : f32 to vector<16xf32>
      %div3A_1635 = arith.divf %div3A_1634, %add3A_1632 : vector<16xf32>
      %mul3A_1636 = arith.mulf %mul3A_1629, %get3A_1 : vector<16xf32>
      %sub3A_1637 = arith.constant 0.000000e+00 : f32
      %sub3A_1638 = vector.broadcast %sub3A_1637 : f32 to vector<16xf32>
      %sub3A_1639 = arith.subf %mul3A_1636, %sub3A_1638 : vector<16xf32>
      %abs3A_1640 = math.absf %sub3A_1639 : vector<16xf32>
      %sub3A_1641 = arith.constant 1.000000e+00 : f32
      %sub3A_1642 = vector.broadcast %sub3A_1641 : f32 to vector<16xf32>
      %sub3A_1643 = arith.subf %sub3A_1642, %abs3A_1640 : vector<16xf32>
      %max3A_1644 = arith.constant 0.000000e+00 : f32
      %max3A_1645 = vector.broadcast %max3A_1644 : f32 to vector<16xf32>
      %max3A_1646 = arith.maximumf %sub3A_1643, %max3A_1645 : vector<16xf32>
      %sub3A_1647 = arith.constant 1.000000e+00 : f32
      %sub3A_1648 = vector.broadcast %sub3A_1647 : f32 to vector<16xf32>
      %sub3A_1649 = arith.subf %mul3A_1636, %sub3A_1648 : vector<16xf32>
      %abs3A_1650 = math.absf %sub3A_1649 : vector<16xf32>
      %sub3A_1651 = arith.constant 1.000000e+00 : f32
      %sub3A_1652 = vector.broadcast %sub3A_1651 : f32 to vector<16xf32>
      %sub3A_1653 = arith.subf %sub3A_1652, %abs3A_1650 : vector<16xf32>
      %max3A_1654 = arith.constant 0.000000e+00 : f32
      %max3A_1655 = vector.broadcast %max3A_1654 : f32 to vector<16xf32>
      %max3A_1656 = arith.maximumf %sub3A_1653, %max3A_1655 : vector<16xf32>
      %sub3A_1657 = arith.constant 2.000000e+00 : f32
      %sub3A_1658 = vector.broadcast %sub3A_1657 : f32 to vector<16xf32>
      %sub3A_1659 = arith.subf %mul3A_1636, %sub3A_1658 : vector<16xf32>
      %abs3A_1660 = math.absf %sub3A_1659 : vector<16xf32>
      %sub3A_1661 = arith.constant 1.000000e+00 : f32
      %sub3A_1662 = vector.broadcast %sub3A_1661 : f32 to vector<16xf32>
      %sub3A_1663 = arith.subf %sub3A_1662, %abs3A_1660 : vector<16xf32>
      %max3A_1664 = arith.constant 0.000000e+00 : f32
      %max3A_1665 = vector.broadcast %max3A_1664 : f32 to vector<16xf32>
      %max3A_1666 = arith.maximumf %sub3A_1663, %max3A_1665 : vector<16xf32>
      %sub3A_1667 = arith.constant 3.000000e+00 : f32
      %sub3A_1668 = vector.broadcast %sub3A_1667 : f32 to vector<16xf32>
      %sub3A_1669 = arith.subf %mul3A_1636, %sub3A_1668 : vector<16xf32>
      %abs3A_1670 = math.absf %sub3A_1669 : vector<16xf32>
      %sub3A_1671 = arith.constant 1.000000e+00 : f32
      %sub3A_1672 = vector.broadcast %sub3A_1671 : f32 to vector<16xf32>
      %sub3A_1673 = arith.subf %sub3A_1672, %abs3A_1670 : vector<16xf32>
      %max3A_1674 = arith.constant 0.000000e+00 : f32
      %max3A_1675 = vector.broadcast %max3A_1674 : f32 to vector<16xf32>
      %max3A_1676 = arith.maximumf %sub3A_1673, %max3A_1675 : vector<16xf32>
      %sub3A_1677 = arith.constant 4.000000e+00 : f32
      %sub3A_1678 = vector.broadcast %sub3A_1677 : f32 to vector<16xf32>
      %sub3A_1679 = arith.subf %mul3A_1636, %sub3A_1678 : vector<16xf32>
      %abs3A_1680 = math.absf %sub3A_1679 : vector<16xf32>
      %sub3A_1681 = arith.constant 1.000000e+00 : f32
      %sub3A_1682 = vector.broadcast %sub3A_1681 : f32 to vector<16xf32>
      %sub3A_1683 = arith.subf %sub3A_1682, %abs3A_1680 : vector<16xf32>
      %max3A_1684 = arith.constant 0.000000e+00 : f32
      %max3A_1685 = vector.broadcast %max3A_1684 : f32 to vector<16xf32>
      %max3A_1686 = arith.maximumf %sub3A_1683, %max3A_1685 : vector<16xf32>
      %add3A_1687 = arith.constant 0 : i32
      %add3A_1688 = vector.broadcast %add3A_1687 : i32 to vector<16xi32>
      %add3A_1689 = arith.addi %gather3A_1580, %add3A_1688 : vector<16xi32>
      %gather3A_1690 = tpu.vector_load_idx %arg8[%add3A_1689] : memref<7000xf32, #tpu.memory_space<vmem>>[vector<16xi32>], vector<16xf32>,
      %sub3A_1691 = arith.subf %gather3A_1690, %gather3A_28 : vector<16xf32>
      %mul3A_1692 = arith.mulf %sub3A_1691, %div3A_1635 : vector<16xf32>
      %max3A_1693 = arith.constant 0.000000e+00 : f32
      %max3A_1694 = vector.broadcast %max3A_1693 : f32 to vector<16xf32>
      %max3A_1695 = arith.maximumf %mul3A_1692, %max3A_1694 : vector<16xf32>
      %mul3A_1696 = arith.mulf %max3A_1695, %max3A_1646 : vector<16xf32>
      %add3A_1697 = arith.addf %add3A_1454, %mul3A_1696 : vector<16xf32>
      %mul3A_1698 = arith.mulf %max3A_1695, %max3A_1656 : vector<16xf32>
      %add3A_1699 = arith.addf %add3A_1456, %mul3A_1698 : vector<16xf32>
      %mul3A_1700 = arith.mulf %max3A_1695, %max3A_1666 : vector<16xf32>
      %add3A_1701 = arith.addf %add3A_1458, %mul3A_1700 : vector<16xf32>
      %mul3A_1702 = arith.mulf %max3A_1695, %max3A_1676 : vector<16xf32>
      %add3A_1703 = arith.addf %add3A_1460, %mul3A_1702 : vector<16xf32>
      %mul3A_1704 = arith.mulf %max3A_1695, %max3A_1686 : vector<16xf32>
      %add3A_1705 = arith.addf %add3A_1462, %mul3A_1704 : vector<16xf32>
      %add3A_1706 = arith.constant 1000 : i32
      %add3A_1707 = vector.broadcast %add3A_1706 : i32 to vector<16xi32>
      %add3A_1708 = arith.addi %gather3A_1580, %add3A_1707 : vector<16xi32>
      %gather3A_1709 = tpu.vector_load_idx %arg8[%add3A_1708] : memref<7000xf32, #tpu.memory_space<vmem>>[vector<16xi32>], vector<16xf32>,
      %sub3A_1710 = arith.subf %gather3A_1709, %gather3A_32 : vector<16xf32>
      %mul3A_1711 = arith.mulf %sub3A_1710, %div3A_1635 : vector<16xf32>
      %max3A_1712 = arith.constant 0.000000e+00 : f32
      %max3A_1713 = vector.broadcast %max3A_1712 : f32 to vector<16xf32>
      %max3A_1714 = arith.maximumf %mul3A_1711, %max3A_1713 : vector<16xf32>
      %mul3A_1715 = arith.mulf %max3A_1714, %max3A_1646 : vector<16xf32>
      %add3A_1716 = arith.addf %add3A_1473, %mul3A_1715 : vector<16xf32>
      %mul3A_1717 = arith.mulf %max3A_1714, %max3A_1656 : vector<16xf32>
      %add3A_1718 = arith.addf %add3A_1475, %mul3A_1717 : vector<16xf32>
      %mul3A_1719 = arith.mulf %max3A_1714, %max3A_1666 : vector<16xf32>
      %add3A_1720 = arith.addf %add3A_1477, %mul3A_1719 : vector<16xf32>
      %mul3A_1721 = arith.mulf %max3A_1714, %max3A_1676 : vector<16xf32>
      %add3A_1722 = arith.addf %add3A_1479, %mul3A_1721 : vector<16xf32>
      %mul3A_1723 = arith.mulf %max3A_1714, %max3A_1686 : vector<16xf32>
      %add3A_1724 = arith.addf %add3A_1481, %mul3A_1723 : vector<16xf32>
      %add3A_1725 = arith.constant 2000 : i32
      %add3A_1726 = vector.broadcast %add3A_1725 : i32 to vector<16xi32>
      %add3A_1727 = arith.addi %gather3A_1580, %add3A_1726 : vector<16xi32>
      %gather3A_1728 = tpu.vector_load_idx %arg8[%add3A_1727] : memref<7000xf32, #tpu.memory_space<vmem>>[vector<16xi32>], vector<16xf32>,
      %sub3A_1729 = arith.subf %gather3A_1728, %gather3A_36 : vector<16xf32>
      %mul3A_1730 = arith.mulf %sub3A_1729, %div3A_1635 : vector<16xf32>
      %max3A_1731 = arith.constant 0.000000e+00 : f32
      %max3A_1732 = vector.broadcast %max3A_1731 : f32 to vector<16xf32>
      %max3A_1733 = arith.maximumf %mul3A_1730, %max3A_1732 : vector<16xf32>
      %mul3A_1734 = arith.mulf %max3A_1733, %max3A_1646 : vector<16xf32>
      %add3A_1735 = arith.addf %add3A_1492, %mul3A_1734 : vector<16xf32>
      %mul3A_1736 = arith.mulf %max3A_1733, %max3A_1656 : vector<16xf32>
      %add3A_1737 = arith.addf %add3A_1494, %mul3A_1736 : vector<16xf32>
      %mul3A_1738 = arith.mulf %max3A_1733, %max3A_1666 : vector<16xf32>
      %add3A_1739 = arith.addf %add3A_1496, %mul3A_1738 : vector<16xf32>
      %mul3A_1740 = arith.mulf %max3A_1733, %max3A_1676 : vector<16xf32>
      %add3A_1741 = arith.addf %add3A_1498, %mul3A_1740 : vector<16xf32>
      %mul3A_1742 = arith.mulf %max3A_1733, %max3A_1686 : vector<16xf32>
      %add3A_1743 = arith.addf %add3A_1500, %mul3A_1742 : vector<16xf32>
      %add3A_1744 = arith.constant 3000 : i32
      %add3A_1745 = vector.broadcast %add3A_1744 : i32 to vector<16xi32>
      %add3A_1746 = arith.addi %gather3A_1580, %add3A_1745 : vector<16xi32>
      %gather3A_1747 = tpu.vector_load_idx %arg8[%add3A_1746] : memref<7000xf32, #tpu.memory_space<vmem>>[vector<16xi32>], vector<16xf32>,
      %sub3A_1748 = arith.subf %gather3A_1747, %gather3A_40 : vector<16xf32>
      %mul3A_1749 = arith.mulf %sub3A_1748, %div3A_1635 : vector<16xf32>
      %max3A_1750 = arith.constant 0.000000e+00 : f32
      %max3A_1751 = vector.broadcast %max3A_1750 : f32 to vector<16xf32>
      %max3A_1752 = arith.maximumf %mul3A_1749, %max3A_1751 : vector<16xf32>
      %mul3A_1753 = arith.mulf %max3A_1752, %max3A_1646 : vector<16xf32>
      %add3A_1754 = arith.addf %add3A_1511, %mul3A_1753 : vector<16xf32>
      %mul3A_1755 = arith.mulf %max3A_1752, %max3A_1656 : vector<16xf32>
      %add3A_1756 = arith.addf %add3A_1513, %mul3A_1755 : vector<16xf32>
      %mul3A_1757 = arith.mulf %max3A_1752, %max3A_1666 : vector<16xf32>
      %add3A_1758 = arith.addf %add3A_1515, %mul3A_1757 : vector<16xf32>
      %mul3A_1759 = arith.mulf %max3A_1752, %max3A_1676 : vector<16xf32>
      %add3A_1760 = arith.addf %add3A_1517, %mul3A_1759 : vector<16xf32>
      %mul3A_1761 = arith.mulf %max3A_1752, %max3A_1686 : vector<16xf32>
      %add3A_1762 = arith.addf %add3A_1519, %mul3A_1761 : vector<16xf32>
      %add3A_1763 = arith.constant 4000 : i32
      %add3A_1764 = vector.broadcast %add3A_1763 : i32 to vector<16xi32>
      %add3A_1765 = arith.addi %gather3A_1580, %add3A_1764 : vector<16xi32>
      %gather3A_1766 = tpu.vector_load_idx %arg8[%add3A_1765] : memref<7000xf32, #tpu.memory_space<vmem>>[vector<16xi32>], vector<16xf32>,
      %sub3A_1767 = arith.subf %gather3A_1766, %gather3A_44 : vector<16xf32>
      %mul3A_1768 = arith.mulf %sub3A_1767, %div3A_1635 : vector<16xf32>
      %max3A_1769 = arith.constant 0.000000e+00 : f32
      %max3A_1770 = vector.broadcast %max3A_1769 : f32 to vector<16xf32>
      %max3A_1771 = arith.maximumf %mul3A_1768, %max3A_1770 : vector<16xf32>
      %mul3A_1772 = arith.mulf %max3A_1771, %max3A_1646 : vector<16xf32>
      %add3A_1773 = arith.addf %add3A_1530, %mul3A_1772 : vector<16xf32>
      %mul3A_1774 = arith.mulf %max3A_1771, %max3A_1656 : vector<16xf32>
      %add3A_1775 = arith.addf %add3A_1532, %mul3A_1774 : vector<16xf32>
      %mul3A_1776 = arith.mulf %max3A_1771, %max3A_1666 : vector<16xf32>
      %add3A_1777 = arith.addf %add3A_1534, %mul3A_1776 : vector<16xf32>
      %mul3A_1778 = arith.mulf %max3A_1771, %max3A_1676 : vector<16xf32>
      %add3A_1779 = arith.addf %add3A_1536, %mul3A_1778 : vector<16xf32>
      %mul3A_1780 = arith.mulf %max3A_1771, %max3A_1686 : vector<16xf32>
      %add3A_1781 = arith.addf %add3A_1538, %mul3A_1780 : vector<16xf32>
      %add3A_1782 = arith.constant 5000 : i32
      %add3A_1783 = vector.broadcast %add3A_1782 : i32 to vector<16xi32>
      %add3A_1784 = arith.addi %gather3A_1580, %add3A_1783 : vector<16xi32>
      %gather3A_1785 = tpu.vector_load_idx %arg8[%add3A_1784] : memref<7000xf32, #tpu.memory_space<vmem>>[vector<16xi32>], vector<16xf32>,
      %sub3A_1786 = arith.subf %gather3A_1785, %gather3A_48 : vector<16xf32>
      %mul3A_1787 = arith.mulf %sub3A_1786, %div3A_1635 : vector<16xf32>
      %max3A_1788 = arith.constant 0.000000e+00 : f32
      %max3A_1789 = vector.broadcast %max3A_1788 : f32 to vector<16xf32>
      %max3A_1790 = arith.maximumf %mul3A_1787, %max3A_1789 : vector<16xf32>
      %mul3A_1791 = arith.mulf %max3A_1790, %max3A_1646 : vector<16xf32>
      %add3A_1792 = arith.addf %add3A_1549, %mul3A_1791 : vector<16xf32>
      %mul3A_1793 = arith.mulf %max3A_1790, %max3A_1656 : vector<16xf32>
      %add3A_1794 = arith.addf %add3A_1551, %mul3A_1793 : vector<16xf32>
      %mul3A_1795 = arith.mulf %max3A_1790, %max3A_1666 : vector<16xf32>
      %add3A_1796 = arith.addf %add3A_1553, %mul3A_1795 : vector<16xf32>
      %mul3A_1797 = arith.mulf %max3A_1790, %max3A_1676 : vector<16xf32>
      %add3A_1798 = arith.addf %add3A_1555, %mul3A_1797 : vector<16xf32>
      %mul3A_1799 = arith.mulf %max3A_1790, %max3A_1686 : vector<16xf32>
      %add3A_1800 = arith.addf %add3A_1557, %mul3A_1799 : vector<16xf32>
      %add3A_1801 = arith.constant 6000 : i32
      %add3A_1802 = vector.broadcast %add3A_1801 : i32 to vector<16xi32>
      %add3A_1803 = arith.addi %gather3A_1580, %add3A_1802 : vector<16xi32>
      %gather3A_1804 = tpu.vector_load_idx %arg8[%add3A_1803] : memref<7000xf32, #tpu.memory_space<vmem>>[vector<16xi32>], vector<16xf32>,
      %sub3A_1805 = arith.subf %gather3A_1804, %gather3A_52 : vector<16xf32>
      %mul3A_1806 = arith.mulf %sub3A_1805, %div3A_1635 : vector<16xf32>
      %max3A_1807 = arith.constant 0.000000e+00 : f32
      %max3A_1808 = vector.broadcast %max3A_1807 : f32 to vector<16xf32>
      %max3A_1809 = arith.maximumf %mul3A_1806, %max3A_1808 : vector<16xf32>
      %mul3A_1810 = arith.mulf %max3A_1809, %max3A_1646 : vector<16xf32>
      %add3A_1811 = arith.addf %add3A_1568, %mul3A_1810 : vector<16xf32>
      %mul3A_1812 = arith.mulf %max3A_1809, %max3A_1656 : vector<16xf32>
      %add3A_1813 = arith.addf %add3A_1570, %mul3A_1812 : vector<16xf32>
      %mul3A_1814 = arith.mulf %max3A_1809, %max3A_1666 : vector<16xf32>
      %add3A_1815 = arith.addf %add3A_1572, %mul3A_1814 : vector<16xf32>
      %mul3A_1816 = arith.mulf %max3A_1809, %max3A_1676 : vector<16xf32>
      %add3A_1817 = arith.addf %add3A_1574, %mul3A_1816 : vector<16xf32>
      %mul3A_1818 = arith.mulf %max3A_1809, %max3A_1686 : vector<16xf32>
      %add3A_1819 = arith.addf %add3A_1576, %mul3A_1818 : vector<16xf32>
      %add3A_1820 = arith.constant 7 : i32
      %add3A_1821 = vector.broadcast %add3A_1820 : i32 to vector<16xi32>
      %add3A_1822 = arith.addi %mul3A_124, %add3A_1821 : vector<16xi32>
      %gather3A_1823 = tpu.vector_load_idx %arg9[%add3A_1822] : memref<15000xi32, #tpu.memory_space<vmem>>[vector<16xi32>], vector<16xi32>,
      %broadcast_in_dim3A_1824 = arith.constant 0.000000e+00 : f32
      %broadcast_in_dim3A_1825 = vector.broadcast %broadcast_in_dim3A_1824 : f32 to vector<16xf32>
      %add3A_1826 = arith.constant 0 : i32
      %add3A_1827 = vector.broadcast %add3A_1826 : i32 to vector<16xi32>
      %add3A_1828 = arith.addi %gather3A_1823, %add3A_1827 : vector<16xi32>
      %gather3A_1829 = tpu.vector_load_idx %arg7[%add3A_1828] : memref<3000xf32, #tpu.memory_space<vmem>>[vector<16xi32>], vector<16xf32>,
      %sub3A_1830 = arith.subf %gather3A_1829, %gather3A : vector<16xf32>
      %mul3A_1831 = arith.mulf %sub3A_1830, %sub3A_1830 : vector<16xf32>
      %add3A_1832 = arith.addf %broadcast_in_dim3A_1825, %mul3A_1831 : vector<16xf32>
      %add3A_1833 = arith.constant 1000 : i32
      %add3A_1834 = vector.broadcast %add3A_1833 : i32 to vector<16xi32>
      %add3A_1835 = arith.addi %gather3A_1823, %add3A_1834 : vector<16xi32>
      %gather3A_1836 = tpu.vector_load_idx %arg7[%add3A_1835] : memref<3000xf32, #tpu.memory_space<vmem>>[vector<16xi32>], vector<16xf32>,
      %sub3A_1837 = arith.subf %gather3A_1836, %gather3A_20 : vector<16xf32>
      %mul3A_1838 = arith.mulf %sub3A_1837, %sub3A_1837 : vector<16xf32>
      %add3A_1839 = arith.addf %add3A_1832, %mul3A_1838 : vector<16xf32>
      %add3A_1840 = arith.constant 2000 : i32
      %add3A_1841 = vector.broadcast %add3A_1840 : i32 to vector<16xi32>
      %add3A_1842 = arith.addi %gather3A_1823, %add3A_1841 : vector<16xi32>
      %gather3A_1843 = tpu.vector_load_idx %arg7[%add3A_1842] : memref<3000xf32, #tpu.memory_space<vmem>>[vector<16xi32>], vector<16xf32>,
      %sub3A_1844 = arith.subf %gather3A_1843, %gather3A_24 : vector<16xf32>
      %mul3A_1845 = arith.mulf %sub3A_1844, %sub3A_1844 : vector<16xf32>
      %add3A_1846 = arith.addf %add3A_1839, %mul3A_1845 : vector<16xf32>
      %add3A_1847 = arith.constant 9.99999993E-9 : f32
      %add3A_1848 = vector.broadcast %add3A_1847 : f32 to vector<16xf32>
      %add3A_1849 = arith.addf %add3A_1846, %add3A_1848 : vector<16xf32>
      %bitcast_convert_type3A_1850 = tpu.bitcast %add3A_1849 : vector<16xf32> -> vector<16xi32>
      %shift_right_arithmetic3A_1851 = arith.constant 1 : i32
      %shift_right_arithmetic3A_1852 = vector.broadcast %shift_right_arithmetic3A_1851 : i32 to vector<16xi32>
      %shift_right_arithmetic3A_1853 = arith.shrsi %bitcast_convert_type3A_1850, %shift_right_arithmetic3A_1852 : vector<16xi32>
      %add3A_1854 = arith.constant 532487669 : i32
      %add3A_1855 = vector.broadcast %add3A_1854 : i32 to vector<16xi32>
      %add3A_1856 = arith.addi %shift_right_arithmetic3A_1853, %add3A_1855 : vector<16xi32>
      %bitcast_convert_type3A_1857 = tpu.bitcast %add3A_1856 : vector<16xi32> -> vector<16xf32>
      %div3A_1858 = arith.divf %add3A_1849, %bitcast_convert_type3A_1857 : vector<16xf32>
      %add3A_1859 = arith.addf %bitcast_convert_type3A_1857, %div3A_1858 : vector<16xf32>
      %mul3A_1860 = arith.constant 5.000000e-01 : f32
      %mul3A_1861 = vector.broadcast %mul3A_1860 : f32 to vector<16xf32>
      %mul3A_1862 = arith.mulf %mul3A_1861, %add3A_1859 : vector<16xf32>
      %div3A_1863 = arith.divf %add3A_1849, %mul3A_1862 : vector<16xf32>
      %add3A_1864 = arith.addf %mul3A_1862, %div3A_1863 : vector<16xf32>
      %mul3A_1865 = arith.constant 5.000000e-01 : f32
      %mul3A_1866 = vector.broadcast %mul3A_1865 : f32 to vector<16xf32>
      %mul3A_1867 = arith.mulf %mul3A_1866, %add3A_1864 : vector<16xf32>
      %div3A_1868 = arith.divf %add3A_1849, %mul3A_1867 : vector<16xf32>
      %add3A_1869 = arith.addf %mul3A_1867, %div3A_1868 : vector<16xf32>
      %mul3A_1870 = arith.constant 5.000000e-01 : f32
      %mul3A_1871 = vector.broadcast %mul3A_1870 : f32 to vector<16xf32>
      %mul3A_1872 = arith.mulf %mul3A_1871, %add3A_1869 : vector<16xf32>
      %add3A_1873 = arith.constant 9.99999993E-9 : f32
      %add3A_1874 = vector.broadcast %add3A_1873 : f32 to vector<16xf32>
      %add3A_1875 = arith.addf %mul3A_1872, %add3A_1874 : vector<16xf32>
      %div3A_1876 = arith.constant 1.000000e+00 : f32
      %div3A_1877 = vector.broadcast %div3A_1876 : f32 to vector<16xf32>
      %div3A_1878 = arith.divf %div3A_1877, %add3A_1875 : vector<16xf32>
      %mul3A_1879 = arith.mulf %mul3A_1872, %get3A_1 : vector<16xf32>
      %sub3A_1880 = arith.constant 0.000000e+00 : f32
      %sub3A_1881 = vector.broadcast %sub3A_1880 : f32 to vector<16xf32>
      %sub3A_1882 = arith.subf %mul3A_1879, %sub3A_1881 : vector<16xf32>
      %abs3A_1883 = math.absf %sub3A_1882 : vector<16xf32>
      %sub3A_1884 = arith.constant 1.000000e+00 : f32
      %sub3A_1885 = vector.broadcast %sub3A_1884 : f32 to vector<16xf32>
      %sub3A_1886 = arith.subf %sub3A_1885, %abs3A_1883 : vector<16xf32>
      %max3A_1887 = arith.constant 0.000000e+00 : f32
      %max3A_1888 = vector.broadcast %max3A_1887 : f32 to vector<16xf32>
      %max3A_1889 = arith.maximumf %sub3A_1886, %max3A_1888 : vector<16xf32>
      %sub3A_1890 = arith.constant 1.000000e+00 : f32
      %sub3A_1891 = vector.broadcast %sub3A_1890 : f32 to vector<16xf32>
      %sub3A_1892 = arith.subf %mul3A_1879, %sub3A_1891 : vector<16xf32>
      %abs3A_1893 = math.absf %sub3A_1892 : vector<16xf32>
      %sub3A_1894 = arith.constant 1.000000e+00 : f32
      %sub3A_1895 = vector.broadcast %sub3A_1894 : f32 to vector<16xf32>
      %sub3A_1896 = arith.subf %sub3A_1895, %abs3A_1893 : vector<16xf32>
      %max3A_1897 = arith.constant 0.000000e+00 : f32
      %max3A_1898 = vector.broadcast %max3A_1897 : f32 to vector<16xf32>
      %max3A_1899 = arith.maximumf %sub3A_1896, %max3A_1898 : vector<16xf32>
      %sub3A_1900 = arith.constant 2.000000e+00 : f32
      %sub3A_1901 = vector.broadcast %sub3A_1900 : f32 to vector<16xf32>
      %sub3A_1902 = arith.subf %mul3A_1879, %sub3A_1901 : vector<16xf32>
      %abs3A_1903 = math.absf %sub3A_1902 : vector<16xf32>
      %sub3A_1904 = arith.constant 1.000000e+00 : f32
      %sub3A_1905 = vector.broadcast %sub3A_1904 : f32 to vector<16xf32>
      %sub3A_1906 = arith.subf %sub3A_1905, %abs3A_1903 : vector<16xf32>
      %max3A_1907 = arith.constant 0.000000e+00 : f32
      %max3A_1908 = vector.broadcast %max3A_1907 : f32 to vector<16xf32>
      %max3A_1909 = arith.maximumf %sub3A_1906, %max3A_1908 : vector<16xf32>
      %sub3A_1910 = arith.constant 3.000000e+00 : f32
      %sub3A_1911 = vector.broadcast %sub3A_1910 : f32 to vector<16xf32>
      %sub3A_1912 = arith.subf %mul3A_1879, %sub3A_1911 : vector<16xf32>
      %abs3A_1913 = math.absf %sub3A_1912 : vector<16xf32>
      %sub3A_1914 = arith.constant 1.000000e+00 : f32
      %sub3A_1915 = vector.broadcast %sub3A_1914 : f32 to vector<16xf32>
      %sub3A_1916 = arith.subf %sub3A_1915, %abs3A_1913 : vector<16xf32>
      %max3A_1917 = arith.constant 0.000000e+00 : f32
      %max3A_1918 = vector.broadcast %max3A_1917 : f32 to vector<16xf32>
      %max3A_1919 = arith.maximumf %sub3A_1916, %max3A_1918 : vector<16xf32>
      %sub3A_1920 = arith.constant 4.000000e+00 : f32
      %sub3A_1921 = vector.broadcast %sub3A_1920 : f32 to vector<16xf32>
      %sub3A_1922 = arith.subf %mul3A_1879, %sub3A_1921 : vector<16xf32>
      %abs3A_1923 = math.absf %sub3A_1922 : vector<16xf32>
      %sub3A_1924 = arith.constant 1.000000e+00 : f32
      %sub3A_1925 = vector.broadcast %sub3A_1924 : f32 to vector<16xf32>
      %sub3A_1926 = arith.subf %sub3A_1925, %abs3A_1923 : vector<16xf32>
      %max3A_1927 = arith.constant 0.000000e+00 : f32
      %max3A_1928 = vector.broadcast %max3A_1927 : f32 to vector<16xf32>
      %max3A_1929 = arith.maximumf %sub3A_1926, %max3A_1928 : vector<16xf32>
      %add3A_1930 = arith.constant 0 : i32
      %add3A_1931 = vector.broadcast %add3A_1930 : i32 to vector<16xi32>
      %add3A_1932 = arith.addi %gather3A_1823, %add3A_1931 : vector<16xi32>
      %gather3A_1933 = tpu.vector_load_idx %arg8[%add3A_1932] : memref<7000xf32, #tpu.memory_space<vmem>>[vector<16xi32>], vector<16xf32>,
      %sub3A_1934 = arith.subf %gather3A_1933, %gather3A_28 : vector<16xf32>
      %mul3A_1935 = arith.mulf %sub3A_1934, %div3A_1878 : vector<16xf32>
      %max3A_1936 = arith.constant 0.000000e+00 : f32
      %max3A_1937 = vector.broadcast %max3A_1936 : f32 to vector<16xf32>
      %max3A_1938 = arith.maximumf %mul3A_1935, %max3A_1937 : vector<16xf32>
      %mul3A_1939 = arith.mulf %max3A_1938, %max3A_1889 : vector<16xf32>
      %add3A_1940 = arith.addf %add3A_1697, %mul3A_1939 : vector<16xf32>
      %mul3A_1941 = arith.mulf %max3A_1938, %max3A_1899 : vector<16xf32>
      %add3A_1942 = arith.addf %add3A_1699, %mul3A_1941 : vector<16xf32>
      %mul3A_1943 = arith.mulf %max3A_1938, %max3A_1909 : vector<16xf32>
      %add3A_1944 = arith.addf %add3A_1701, %mul3A_1943 : vector<16xf32>
      %mul3A_1945 = arith.mulf %max3A_1938, %max3A_1919 : vector<16xf32>
      %add3A_1946 = arith.addf %add3A_1703, %mul3A_1945 : vector<16xf32>
      %mul3A_1947 = arith.mulf %max3A_1938, %max3A_1929 : vector<16xf32>
      %add3A_1948 = arith.addf %add3A_1705, %mul3A_1947 : vector<16xf32>
      %add3A_1949 = arith.constant 1000 : i32
      %add3A_1950 = vector.broadcast %add3A_1949 : i32 to vector<16xi32>
      %add3A_1951 = arith.addi %gather3A_1823, %add3A_1950 : vector<16xi32>
      %gather3A_1952 = tpu.vector_load_idx %arg8[%add3A_1951] : memref<7000xf32, #tpu.memory_space<vmem>>[vector<16xi32>], vector<16xf32>,
      %sub3A_1953 = arith.subf %gather3A_1952, %gather3A_32 : vector<16xf32>
      %mul3A_1954 = arith.mulf %sub3A_1953, %div3A_1878 : vector<16xf32>
      %max3A_1955 = arith.constant 0.000000e+00 : f32
      %max3A_1956 = vector.broadcast %max3A_1955 : f32 to vector<16xf32>
      %max3A_1957 = arith.maximumf %mul3A_1954, %max3A_1956 : vector<16xf32>
      %mul3A_1958 = arith.mulf %max3A_1957, %max3A_1889 : vector<16xf32>
      %add3A_1959 = arith.addf %add3A_1716, %mul3A_1958 : vector<16xf32>
      %mul3A_1960 = arith.mulf %max3A_1957, %max3A_1899 : vector<16xf32>
      %add3A_1961 = arith.addf %add3A_1718, %mul3A_1960 : vector<16xf32>
      %mul3A_1962 = arith.mulf %max3A_1957, %max3A_1909 : vector<16xf32>
      %add3A_1963 = arith.addf %add3A_1720, %mul3A_1962 : vector<16xf32>
      %mul3A_1964 = arith.mulf %max3A_1957, %max3A_1919 : vector<16xf32>
      %add3A_1965 = arith.addf %add3A_1722, %mul3A_1964 : vector<16xf32>
      %mul3A_1966 = arith.mulf %max3A_1957, %max3A_1929 : vector<16xf32>
      %add3A_1967 = arith.addf %add3A_1724, %mul3A_1966 : vector<16xf32>
      %add3A_1968 = arith.constant 2000 : i32
      %add3A_1969 = vector.broadcast %add3A_1968 : i32 to vector<16xi32>
      %add3A_1970 = arith.addi %gather3A_1823, %add3A_1969 : vector<16xi32>
      %gather3A_1971 = tpu.vector_load_idx %arg8[%add3A_1970] : memref<7000xf32, #tpu.memory_space<vmem>>[vector<16xi32>], vector<16xf32>,
      %sub3A_1972 = arith.subf %gather3A_1971, %gather3A_36 : vector<16xf32>
      %mul3A_1973 = arith.mulf %sub3A_1972, %div3A_1878 : vector<16xf32>
      %max3A_1974 = arith.constant 0.000000e+00 : f32
      %max3A_1975 = vector.broadcast %max3A_1974 : f32 to vector<16xf32>
      %max3A_1976 = arith.maximumf %mul3A_1973, %max3A_1975 : vector<16xf32>
      %mul3A_1977 = arith.mulf %max3A_1976, %max3A_1889 : vector<16xf32>
      %add3A_1978 = arith.addf %add3A_1735, %mul3A_1977 : vector<16xf32>
      %mul3A_1979 = arith.mulf %max3A_1976, %max3A_1899 : vector<16xf32>
      %add3A_1980 = arith.addf %add3A_1737, %mul3A_1979 : vector<16xf32>
      %mul3A_1981 = arith.mulf %max3A_1976, %max3A_1909 : vector<16xf32>
      %add3A_1982 = arith.addf %add3A_1739, %mul3A_1981 : vector<16xf32>
      %mul3A_1983 = arith.mulf %max3A_1976, %max3A_1919 : vector<16xf32>
      %add3A_1984 = arith.addf %add3A_1741, %mul3A_1983 : vector<16xf32>
      %mul3A_1985 = arith.mulf %max3A_1976, %max3A_1929 : vector<16xf32>
      %add3A_1986 = arith.addf %add3A_1743, %mul3A_1985 : vector<16xf32>
      %add3A_1987 = arith.constant 3000 : i32
      %add3A_1988 = vector.broadcast %add3A_1987 : i32 to vector<16xi32>
      %add3A_1989 = arith.addi %gather3A_1823, %add3A_1988 : vector<16xi32>
      %gather3A_1990 = tpu.vector_load_idx %arg8[%add3A_1989] : memref<7000xf32, #tpu.memory_space<vmem>>[vector<16xi32>], vector<16xf32>,
      %sub3A_1991 = arith.subf %gather3A_1990, %gather3A_40 : vector<16xf32>
      %mul3A_1992 = arith.mulf %sub3A_1991, %div3A_1878 : vector<16xf32>
      %max3A_1993 = arith.constant 0.000000e+00 : f32
      %max3A_1994 = vector.broadcast %max3A_1993 : f32 to vector<16xf32>
      %max3A_1995 = arith.maximumf %mul3A_1992, %max3A_1994 : vector<16xf32>
      %mul3A_1996 = arith.mulf %max3A_1995, %max3A_1889 : vector<16xf32>
      %add3A_1997 = arith.addf %add3A_1754, %mul3A_1996 : vector<16xf32>
      %mul3A_1998 = arith.mulf %max3A_1995, %max3A_1899 : vector<16xf32>
      %add3A_1999 = arith.addf %add3A_1756, %mul3A_1998 : vector<16xf32>
      %mul3A_2000 = arith.mulf %max3A_1995, %max3A_1909 : vector<16xf32>
      %add3A_2001 = arith.addf %add3A_1758, %mul3A_2000 : vector<16xf32>
      %mul3A_2002 = arith.mulf %max3A_1995, %max3A_1919 : vector<16xf32>
      %add3A_2003 = arith.addf %add3A_1760, %mul3A_2002 : vector<16xf32>
      %mul3A_2004 = arith.mulf %max3A_1995, %max3A_1929 : vector<16xf32>
      %add3A_2005 = arith.addf %add3A_1762, %mul3A_2004 : vector<16xf32>
      %add3A_2006 = arith.constant 4000 : i32
      %add3A_2007 = vector.broadcast %add3A_2006 : i32 to vector<16xi32>
      %add3A_2008 = arith.addi %gather3A_1823, %add3A_2007 : vector<16xi32>
      %gather3A_2009 = tpu.vector_load_idx %arg8[%add3A_2008] : memref<7000xf32, #tpu.memory_space<vmem>>[vector<16xi32>], vector<16xf32>,
      %sub3A_2010 = arith.subf %gather3A_2009, %gather3A_44 : vector<16xf32>
      %mul3A_2011 = arith.mulf %sub3A_2010, %div3A_1878 : vector<16xf32>
      %max3A_2012 = arith.constant 0.000000e+00 : f32
      %max3A_2013 = vector.broadcast %max3A_2012 : f32 to vector<16xf32>
      %max3A_2014 = arith.maximumf %mul3A_2011, %max3A_2013 : vector<16xf32>
      %mul3A_2015 = arith.mulf %max3A_2014, %max3A_1889 : vector<16xf32>
      %add3A_2016 = arith.addf %add3A_1773, %mul3A_2015 : vector<16xf32>
      %mul3A_2017 = arith.mulf %max3A_2014, %max3A_1899 : vector<16xf32>
      %add3A_2018 = arith.addf %add3A_1775, %mul3A_2017 : vector<16xf32>
      %mul3A_2019 = arith.mulf %max3A_2014, %max3A_1909 : vector<16xf32>
      %add3A_2020 = arith.addf %add3A_1777, %mul3A_2019 : vector<16xf32>
      %mul3A_2021 = arith.mulf %max3A_2014, %max3A_1919 : vector<16xf32>
      %add3A_2022 = arith.addf %add3A_1779, %mul3A_2021 : vector<16xf32>
      %mul3A_2023 = arith.mulf %max3A_2014, %max3A_1929 : vector<16xf32>
      %add3A_2024 = arith.addf %add3A_1781, %mul3A_2023 : vector<16xf32>
      %add3A_2025 = arith.constant 5000 : i32
      %add3A_2026 = vector.broadcast %add3A_2025 : i32 to vector<16xi32>
      %add3A_2027 = arith.addi %gather3A_1823, %add3A_2026 : vector<16xi32>
      %gather3A_2028 = tpu.vector_load_idx %arg8[%add3A_2027] : memref<7000xf32, #tpu.memory_space<vmem>>[vector<16xi32>], vector<16xf32>,
      %sub3A_2029 = arith.subf %gather3A_2028, %gather3A_48 : vector<16xf32>
      %mul3A_2030 = arith.mulf %sub3A_2029, %div3A_1878 : vector<16xf32>
      %max3A_2031 = arith.constant 0.000000e+00 : f32
      %max3A_2032 = vector.broadcast %max3A_2031 : f32 to vector<16xf32>
      %max3A_2033 = arith.maximumf %mul3A_2030, %max3A_2032 : vector<16xf32>
      %mul3A_2034 = arith.mulf %max3A_2033, %max3A_1889 : vector<16xf32>
      %add3A_2035 = arith.addf %add3A_1792, %mul3A_2034 : vector<16xf32>
      %mul3A_2036 = arith.mulf %max3A_2033, %max3A_1899 : vector<16xf32>
      %add3A_2037 = arith.addf %add3A_1794, %mul3A_2036 : vector<16xf32>
      %mul3A_2038 = arith.mulf %max3A_2033, %max3A_1909 : vector<16xf32>
      %add3A_2039 = arith.addf %add3A_1796, %mul3A_2038 : vector<16xf32>
      %mul3A_2040 = arith.mulf %max3A_2033, %max3A_1919 : vector<16xf32>
      %add3A_2041 = arith.addf %add3A_1798, %mul3A_2040 : vector<16xf32>
      %mul3A_2042 = arith.mulf %max3A_2033, %max3A_1929 : vector<16xf32>
      %add3A_2043 = arith.addf %add3A_1800, %mul3A_2042 : vector<16xf32>
      %add3A_2044 = arith.constant 6000 : i32
      %add3A_2045 = vector.broadcast %add3A_2044 : i32 to vector<16xi32>
      %add3A_2046 = arith.addi %gather3A_1823, %add3A_2045 : vector<16xi32>
      %gather3A_2047 = tpu.vector_load_idx %arg8[%add3A_2046] : memref<7000xf32, #tpu.memory_space<vmem>>[vector<16xi32>], vector<16xf32>,
      %sub3A_2048 = arith.subf %gather3A_2047, %gather3A_52 : vector<16xf32>
      %mul3A_2049 = arith.mulf %sub3A_2048, %div3A_1878 : vector<16xf32>
      %max3A_2050 = arith.constant 0.000000e+00 : f32
      %max3A_2051 = vector.broadcast %max3A_2050 : f32 to vector<16xf32>
      %max3A_2052 = arith.maximumf %mul3A_2049, %max3A_2051 : vector<16xf32>
      %mul3A_2053 = arith.mulf %max3A_2052, %max3A_1889 : vector<16xf32>
      %add3A_2054 = arith.addf %add3A_1811, %mul3A_2053 : vector<16xf32>
      %mul3A_2055 = arith.mulf %max3A_2052, %max3A_1899 : vector<16xf32>
      %add3A_2056 = arith.addf %add3A_1813, %mul3A_2055 : vector<16xf32>
      %mul3A_2057 = arith.mulf %max3A_2052, %max3A_1909 : vector<16xf32>
      %add3A_2058 = arith.addf %add3A_1815, %mul3A_2057 : vector<16xf32>
      %mul3A_2059 = arith.mulf %max3A_2052, %max3A_1919 : vector<16xf32>
      %add3A_2060 = arith.addf %add3A_1817, %mul3A_2059 : vector<16xf32>
      %mul3A_2061 = arith.mulf %max3A_2052, %max3A_1929 : vector<16xf32>
      %add3A_2062 = arith.addf %add3A_1819, %mul3A_2061 : vector<16xf32>
      %add3A_2063 = arith.constant 8 : i32
      %add3A_2064 = vector.broadcast %add3A_2063 : i32 to vector<16xi32>
      %add3A_2065 = arith.addi %mul3A_124, %add3A_2064 : vector<16xi32>
      %gather3A_2066 = tpu.vector_load_idx %arg9[%add3A_2065] : memref<15000xi32, #tpu.memory_space<vmem>>[vector<16xi32>], vector<16xi32>,
      %broadcast_in_dim3A_2067 = arith.constant 0.000000e+00 : f32
      %broadcast_in_dim3A_2068 = vector.broadcast %broadcast_in_dim3A_2067 : f32 to vector<16xf32>
      %add3A_2069 = arith.constant 0 : i32
      %add3A_2070 = vector.broadcast %add3A_2069 : i32 to vector<16xi32>
      %add3A_2071 = arith.addi %gather3A_2066, %add3A_2070 : vector<16xi32>
      %gather3A_2072 = tpu.vector_load_idx %arg7[%add3A_2071] : memref<3000xf32, #tpu.memory_space<vmem>>[vector<16xi32>], vector<16xf32>,
      %sub3A_2073 = arith.subf %gather3A_2072, %gather3A : vector<16xf32>
      %mul3A_2074 = arith.mulf %sub3A_2073, %sub3A_2073 : vector<16xf32>
      %add3A_2075 = arith.addf %broadcast_in_dim3A_2068, %mul3A_2074 : vector<16xf32>
      %add3A_2076 = arith.constant 1000 : i32
      %add3A_2077 = vector.broadcast %add3A_2076 : i32 to vector<16xi32>
      %add3A_2078 = arith.addi %gather3A_2066, %add3A_2077 : vector<16xi32>
      %gather3A_2079 = tpu.vector_load_idx %arg7[%add3A_2078] : memref<3000xf32, #tpu.memory_space<vmem>>[vector<16xi32>], vector<16xf32>,
      %sub3A_2080 = arith.subf %gather3A_2079, %gather3A_20 : vector<16xf32>
      %mul3A_2081 = arith.mulf %sub3A_2080, %sub3A_2080 : vector<16xf32>
      %add3A_2082 = arith.addf %add3A_2075, %mul3A_2081 : vector<16xf32>
      %add3A_2083 = arith.constant 2000 : i32
      %add3A_2084 = vector.broadcast %add3A_2083 : i32 to vector<16xi32>
      %add3A_2085 = arith.addi %gather3A_2066, %add3A_2084 : vector<16xi32>
      %gather3A_2086 = tpu.vector_load_idx %arg7[%add3A_2085] : memref<3000xf32, #tpu.memory_space<vmem>>[vector<16xi32>], vector<16xf32>,
      %sub3A_2087 = arith.subf %gather3A_2086, %gather3A_24 : vector<16xf32>
      %mul3A_2088 = arith.mulf %sub3A_2087, %sub3A_2087 : vector<16xf32>
      %add3A_2089 = arith.addf %add3A_2082, %mul3A_2088 : vector<16xf32>
      %add3A_2090 = arith.constant 9.99999993E-9 : f32
      %add3A_2091 = vector.broadcast %add3A_2090 : f32 to vector<16xf32>
      %add3A_2092 = arith.addf %add3A_2089, %add3A_2091 : vector<16xf32>
      %bitcast_convert_type3A_2093 = tpu.bitcast %add3A_2092 : vector<16xf32> -> vector<16xi32>
      %shift_right_arithmetic3A_2094 = arith.constant 1 : i32
      %shift_right_arithmetic3A_2095 = vector.broadcast %shift_right_arithmetic3A_2094 : i32 to vector<16xi32>
      %shift_right_arithmetic3A_2096 = arith.shrsi %bitcast_convert_type3A_2093, %shift_right_arithmetic3A_2095 : vector<16xi32>
      %add3A_2097 = arith.constant 532487669 : i32
      %add3A_2098 = vector.broadcast %add3A_2097 : i32 to vector<16xi32>
      %add3A_2099 = arith.addi %shift_right_arithmetic3A_2096, %add3A_2098 : vector<16xi32>
      %bitcast_convert_type3A_2100 = tpu.bitcast %add3A_2099 : vector<16xi32> -> vector<16xf32>
      %div3A_2101 = arith.divf %add3A_2092, %bitcast_convert_type3A_2100 : vector<16xf32>
      %add3A_2102 = arith.addf %bitcast_convert_type3A_2100, %div3A_2101 : vector<16xf32>
      %mul3A_2103 = arith.constant 5.000000e-01 : f32
      %mul3A_2104 = vector.broadcast %mul3A_2103 : f32 to vector<16xf32>
      %mul3A_2105 = arith.mulf %mul3A_2104, %add3A_2102 : vector<16xf32>
      %div3A_2106 = arith.divf %add3A_2092, %mul3A_2105 : vector<16xf32>
      %add3A_2107 = arith.addf %mul3A_2105, %div3A_2106 : vector<16xf32>
      %mul3A_2108 = arith.constant 5.000000e-01 : f32
      %mul3A_2109 = vector.broadcast %mul3A_2108 : f32 to vector<16xf32>
      %mul3A_2110 = arith.mulf %mul3A_2109, %add3A_2107 : vector<16xf32>
      %div3A_2111 = arith.divf %add3A_2092, %mul3A_2110 : vector<16xf32>
      %add3A_2112 = arith.addf %mul3A_2110, %div3A_2111 : vector<16xf32>
      %mul3A_2113 = arith.constant 5.000000e-01 : f32
      %mul3A_2114 = vector.broadcast %mul3A_2113 : f32 to vector<16xf32>
      %mul3A_2115 = arith.mulf %mul3A_2114, %add3A_2112 : vector<16xf32>
      %add3A_2116 = arith.constant 9.99999993E-9 : f32
      %add3A_2117 = vector.broadcast %add3A_2116 : f32 to vector<16xf32>
      %add3A_2118 = arith.addf %mul3A_2115, %add3A_2117 : vector<16xf32>
      %div3A_2119 = arith.constant 1.000000e+00 : f32
      %div3A_2120 = vector.broadcast %div3A_2119 : f32 to vector<16xf32>
      %div3A_2121 = arith.divf %div3A_2120, %add3A_2118 : vector<16xf32>
      %mul3A_2122 = arith.mulf %mul3A_2115, %get3A_1 : vector<16xf32>
      %sub3A_2123 = arith.constant 0.000000e+00 : f32
      %sub3A_2124 = vector.broadcast %sub3A_2123 : f32 to vector<16xf32>
      %sub3A_2125 = arith.subf %mul3A_2122, %sub3A_2124 : vector<16xf32>
      %abs3A_2126 = math.absf %sub3A_2125 : vector<16xf32>
      %sub3A_2127 = arith.constant 1.000000e+00 : f32
      %sub3A_2128 = vector.broadcast %sub3A_2127 : f32 to vector<16xf32>
      %sub3A_2129 = arith.subf %sub3A_2128, %abs3A_2126 : vector<16xf32>
      %max3A_2130 = arith.constant 0.000000e+00 : f32
      %max3A_2131 = vector.broadcast %max3A_2130 : f32 to vector<16xf32>
      %max3A_2132 = arith.maximumf %sub3A_2129, %max3A_2131 : vector<16xf32>
      %sub3A_2133 = arith.constant 1.000000e+00 : f32
      %sub3A_2134 = vector.broadcast %sub3A_2133 : f32 to vector<16xf32>
      %sub3A_2135 = arith.subf %mul3A_2122, %sub3A_2134 : vector<16xf32>
      %abs3A_2136 = math.absf %sub3A_2135 : vector<16xf32>
      %sub3A_2137 = arith.constant 1.000000e+00 : f32
      %sub3A_2138 = vector.broadcast %sub3A_2137 : f32 to vector<16xf32>
      %sub3A_2139 = arith.subf %sub3A_2138, %abs3A_2136 : vector<16xf32>
      %max3A_2140 = arith.constant 0.000000e+00 : f32
      %max3A_2141 = vector.broadcast %max3A_2140 : f32 to vector<16xf32>
      %max3A_2142 = arith.maximumf %sub3A_2139, %max3A_2141 : vector<16xf32>
      %sub3A_2143 = arith.constant 2.000000e+00 : f32
      %sub3A_2144 = vector.broadcast %sub3A_2143 : f32 to vector<16xf32>
      %sub3A_2145 = arith.subf %mul3A_2122, %sub3A_2144 : vector<16xf32>
      %abs3A_2146 = math.absf %sub3A_2145 : vector<16xf32>
      %sub3A_2147 = arith.constant 1.000000e+00 : f32
      %sub3A_2148 = vector.broadcast %sub3A_2147 : f32 to vector<16xf32>
      %sub3A_2149 = arith.subf %sub3A_2148, %abs3A_2146 : vector<16xf32>
      %max3A_2150 = arith.constant 0.000000e+00 : f32
      %max3A_2151 = vector.broadcast %max3A_2150 : f32 to vector<16xf32>
      %max3A_2152 = arith.maximumf %sub3A_2149, %max3A_2151 : vector<16xf32>
      %sub3A_2153 = arith.constant 3.000000e+00 : f32
      %sub3A_2154 = vector.broadcast %sub3A_2153 : f32 to vector<16xf32>
      %sub3A_2155 = arith.subf %mul3A_2122, %sub3A_2154 : vector<16xf32>
      %abs3A_2156 = math.absf %sub3A_2155 : vector<16xf32>
      %sub3A_2157 = arith.constant 1.000000e+00 : f32
      %sub3A_2158 = vector.broadcast %sub3A_2157 : f32 to vector<16xf32>
      %sub3A_2159 = arith.subf %sub3A_2158, %abs3A_2156 : vector<16xf32>
      %max3A_2160 = arith.constant 0.000000e+00 : f32
      %max3A_2161 = vector.broadcast %max3A_2160 : f32 to vector<16xf32>
      %max3A_2162 = arith.maximumf %sub3A_2159, %max3A_2161 : vector<16xf32>
      %sub3A_2163 = arith.constant 4.000000e+00 : f32
      %sub3A_2164 = vector.broadcast %sub3A_2163 : f32 to vector<16xf32>
      %sub3A_2165 = arith.subf %mul3A_2122, %sub3A_2164 : vector<16xf32>
      %abs3A_2166 = math.absf %sub3A_2165 : vector<16xf32>
      %sub3A_2167 = arith.constant 1.000000e+00 : f32
      %sub3A_2168 = vector.broadcast %sub3A_2167 : f32 to vector<16xf32>
      %sub3A_2169 = arith.subf %sub3A_2168, %abs3A_2166 : vector<16xf32>
      %max3A_2170 = arith.constant 0.000000e+00 : f32
      %max3A_2171 = vector.broadcast %max3A_2170 : f32 to vector<16xf32>
      %max3A_2172 = arith.maximumf %sub3A_2169, %max3A_2171 : vector<16xf32>
      %add3A_2173 = arith.constant 0 : i32
      %add3A_2174 = vector.broadcast %add3A_2173 : i32 to vector<16xi32>
      %add3A_2175 = arith.addi %gather3A_2066, %add3A_2174 : vector<16xi32>
      %gather3A_2176 = tpu.vector_load_idx %arg8[%add3A_2175] : memref<7000xf32, #tpu.memory_space<vmem>>[vector<16xi32>], vector<16xf32>,
      %sub3A_2177 = arith.subf %gather3A_2176, %gather3A_28 : vector<16xf32>
      %mul3A_2178 = arith.mulf %sub3A_2177, %div3A_2121 : vector<16xf32>
      %max3A_2179 = arith.constant 0.000000e+00 : f32
      %max3A_2180 = vector.broadcast %max3A_2179 : f32 to vector<16xf32>
      %max3A_2181 = arith.maximumf %mul3A_2178, %max3A_2180 : vector<16xf32>
      %mul3A_2182 = arith.mulf %max3A_2181, %max3A_2132 : vector<16xf32>
      %add3A_2183 = arith.addf %add3A_1940, %mul3A_2182 : vector<16xf32>
      %mul3A_2184 = arith.mulf %max3A_2181, %max3A_2142 : vector<16xf32>
      %add3A_2185 = arith.addf %add3A_1942, %mul3A_2184 : vector<16xf32>
      %mul3A_2186 = arith.mulf %max3A_2181, %max3A_2152 : vector<16xf32>
      %add3A_2187 = arith.addf %add3A_1944, %mul3A_2186 : vector<16xf32>
      %mul3A_2188 = arith.mulf %max3A_2181, %max3A_2162 : vector<16xf32>
      %add3A_2189 = arith.addf %add3A_1946, %mul3A_2188 : vector<16xf32>
      %mul3A_2190 = arith.mulf %max3A_2181, %max3A_2172 : vector<16xf32>
      %add3A_2191 = arith.addf %add3A_1948, %mul3A_2190 : vector<16xf32>
      %add3A_2192 = arith.constant 1000 : i32
      %add3A_2193 = vector.broadcast %add3A_2192 : i32 to vector<16xi32>
      %add3A_2194 = arith.addi %gather3A_2066, %add3A_2193 : vector<16xi32>
      %gather3A_2195 = tpu.vector_load_idx %arg8[%add3A_2194] : memref<7000xf32, #tpu.memory_space<vmem>>[vector<16xi32>], vector<16xf32>,
      %sub3A_2196 = arith.subf %gather3A_2195, %gather3A_32 : vector<16xf32>
      %mul3A_2197 = arith.mulf %sub3A_2196, %div3A_2121 : vector<16xf32>
      %max3A_2198 = arith.constant 0.000000e+00 : f32
      %max3A_2199 = vector.broadcast %max3A_2198 : f32 to vector<16xf32>
      %max3A_2200 = arith.maximumf %mul3A_2197, %max3A_2199 : vector<16xf32>
      %mul3A_2201 = arith.mulf %max3A_2200, %max3A_2132 : vector<16xf32>
      %add3A_2202 = arith.addf %add3A_1959, %mul3A_2201 : vector<16xf32>
      %mul3A_2203 = arith.mulf %max3A_2200, %max3A_2142 : vector<16xf32>
      %add3A_2204 = arith.addf %add3A_1961, %mul3A_2203 : vector<16xf32>
      %mul3A_2205 = arith.mulf %max3A_2200, %max3A_2152 : vector<16xf32>
      %add3A_2206 = arith.addf %add3A_1963, %mul3A_2205 : vector<16xf32>
      %mul3A_2207 = arith.mulf %max3A_2200, %max3A_2162 : vector<16xf32>
      %add3A_2208 = arith.addf %add3A_1965, %mul3A_2207 : vector<16xf32>
      %mul3A_2209 = arith.mulf %max3A_2200, %max3A_2172 : vector<16xf32>
      %add3A_2210 = arith.addf %add3A_1967, %mul3A_2209 : vector<16xf32>
      %add3A_2211 = arith.constant 2000 : i32
      %add3A_2212 = vector.broadcast %add3A_2211 : i32 to vector<16xi32>
      %add3A_2213 = arith.addi %gather3A_2066, %add3A_2212 : vector<16xi32>
      %gather3A_2214 = tpu.vector_load_idx %arg8[%add3A_2213] : memref<7000xf32, #tpu.memory_space<vmem>>[vector<16xi32>], vector<16xf32>,
      %sub3A_2215 = arith.subf %gather3A_2214, %gather3A_36 : vector<16xf32>
      %mul3A_2216 = arith.mulf %sub3A_2215, %div3A_2121 : vector<16xf32>
      %max3A_2217 = arith.constant 0.000000e+00 : f32
      %max3A_2218 = vector.broadcast %max3A_2217 : f32 to vector<16xf32>
      %max3A_2219 = arith.maximumf %mul3A_2216, %max3A_2218 : vector<16xf32>
      %mul3A_2220 = arith.mulf %max3A_2219, %max3A_2132 : vector<16xf32>
      %add3A_2221 = arith.addf %add3A_1978, %mul3A_2220 : vector<16xf32>
      %mul3A_2222 = arith.mulf %max3A_2219, %max3A_2142 : vector<16xf32>
      %add3A_2223 = arith.addf %add3A_1980, %mul3A_2222 : vector<16xf32>
      %mul3A_2224 = arith.mulf %max3A_2219, %max3A_2152 : vector<16xf32>
      %add3A_2225 = arith.addf %add3A_1982, %mul3A_2224 : vector<16xf32>
      %mul3A_2226 = arith.mulf %max3A_2219, %max3A_2162 : vector<16xf32>
      %add3A_2227 = arith.addf %add3A_1984, %mul3A_2226 : vector<16xf32>
      %mul3A_2228 = arith.mulf %max3A_2219, %max3A_2172 : vector<16xf32>
      %add3A_2229 = arith.addf %add3A_1986, %mul3A_2228 : vector<16xf32>
      %add3A_2230 = arith.constant 3000 : i32
      %add3A_2231 = vector.broadcast %add3A_2230 : i32 to vector<16xi32>
      %add3A_2232 = arith.addi %gather3A_2066, %add3A_2231 : vector<16xi32>
      %gather3A_2233 = tpu.vector_load_idx %arg8[%add3A_2232] : memref<7000xf32, #tpu.memory_space<vmem>>[vector<16xi32>], vector<16xf32>,
      %sub3A_2234 = arith.subf %gather3A_2233, %gather3A_40 : vector<16xf32>
      %mul3A_2235 = arith.mulf %sub3A_2234, %div3A_2121 : vector<16xf32>
      %max3A_2236 = arith.constant 0.000000e+00 : f32
      %max3A_2237 = vector.broadcast %max3A_2236 : f32 to vector<16xf32>
      %max3A_2238 = arith.maximumf %mul3A_2235, %max3A_2237 : vector<16xf32>
      %mul3A_2239 = arith.mulf %max3A_2238, %max3A_2132 : vector<16xf32>
      %add3A_2240 = arith.addf %add3A_1997, %mul3A_2239 : vector<16xf32>
      %mul3A_2241 = arith.mulf %max3A_2238, %max3A_2142 : vector<16xf32>
      %add3A_2242 = arith.addf %add3A_1999, %mul3A_2241 : vector<16xf32>
      %mul3A_2243 = arith.mulf %max3A_2238, %max3A_2152 : vector<16xf32>
      %add3A_2244 = arith.addf %add3A_2001, %mul3A_2243 : vector<16xf32>
      %mul3A_2245 = arith.mulf %max3A_2238, %max3A_2162 : vector<16xf32>
      %add3A_2246 = arith.addf %add3A_2003, %mul3A_2245 : vector<16xf32>
      %mul3A_2247 = arith.mulf %max3A_2238, %max3A_2172 : vector<16xf32>
      %add3A_2248 = arith.addf %add3A_2005, %mul3A_2247 : vector<16xf32>
      %add3A_2249 = arith.constant 4000 : i32
      %add3A_2250 = vector.broadcast %add3A_2249 : i32 to vector<16xi32>
      %add3A_2251 = arith.addi %gather3A_2066, %add3A_2250 : vector<16xi32>
      %gather3A_2252 = tpu.vector_load_idx %arg8[%add3A_2251] : memref<7000xf32, #tpu.memory_space<vmem>>[vector<16xi32>], vector<16xf32>,
      %sub3A_2253 = arith.subf %gather3A_2252, %gather3A_44 : vector<16xf32>
      %mul3A_2254 = arith.mulf %sub3A_2253, %div3A_2121 : vector<16xf32>
      %max3A_2255 = arith.constant 0.000000e+00 : f32
      %max3A_2256 = vector.broadcast %max3A_2255 : f32 to vector<16xf32>
      %max3A_2257 = arith.maximumf %mul3A_2254, %max3A_2256 : vector<16xf32>
      %mul3A_2258 = arith.mulf %max3A_2257, %max3A_2132 : vector<16xf32>
      %add3A_2259 = arith.addf %add3A_2016, %mul3A_2258 : vector<16xf32>
      %mul3A_2260 = arith.mulf %max3A_2257, %max3A_2142 : vector<16xf32>
      %add3A_2261 = arith.addf %add3A_2018, %mul3A_2260 : vector<16xf32>
      %mul3A_2262 = arith.mulf %max3A_2257, %max3A_2152 : vector<16xf32>
      %add3A_2263 = arith.addf %add3A_2020, %mul3A_2262 : vector<16xf32>
      %mul3A_2264 = arith.mulf %max3A_2257, %max3A_2162 : vector<16xf32>
      %add3A_2265 = arith.addf %add3A_2022, %mul3A_2264 : vector<16xf32>
      %mul3A_2266 = arith.mulf %max3A_2257, %max3A_2172 : vector<16xf32>
      %add3A_2267 = arith.addf %add3A_2024, %mul3A_2266 : vector<16xf32>
      %add3A_2268 = arith.constant 5000 : i32
      %add3A_2269 = vector.broadcast %add3A_2268 : i32 to vector<16xi32>
      %add3A_2270 = arith.addi %gather3A_2066, %add3A_2269 : vector<16xi32>
      %gather3A_2271 = tpu.vector_load_idx %arg8[%add3A_2270] : memref<7000xf32, #tpu.memory_space<vmem>>[vector<16xi32>], vector<16xf32>,
      %sub3A_2272 = arith.subf %gather3A_2271, %gather3A_48 : vector<16xf32>
      %mul3A_2273 = arith.mulf %sub3A_2272, %div3A_2121 : vector<16xf32>
      %max3A_2274 = arith.constant 0.000000e+00 : f32
      %max3A_2275 = vector.broadcast %max3A_2274 : f32 to vector<16xf32>
      %max3A_2276 = arith.maximumf %mul3A_2273, %max3A_2275 : vector<16xf32>
      %mul3A_2277 = arith.mulf %max3A_2276, %max3A_2132 : vector<16xf32>
      %add3A_2278 = arith.addf %add3A_2035, %mul3A_2277 : vector<16xf32>
      %mul3A_2279 = arith.mulf %max3A_2276, %max3A_2142 : vector<16xf32>
      %add3A_2280 = arith.addf %add3A_2037, %mul3A_2279 : vector<16xf32>
      %mul3A_2281 = arith.mulf %max3A_2276, %max3A_2152 : vector<16xf32>
      %add3A_2282 = arith.addf %add3A_2039, %mul3A_2281 : vector<16xf32>
      %mul3A_2283 = arith.mulf %max3A_2276, %max3A_2162 : vector<16xf32>
      %add3A_2284 = arith.addf %add3A_2041, %mul3A_2283 : vector<16xf32>
      %mul3A_2285 = arith.mulf %max3A_2276, %max3A_2172 : vector<16xf32>
      %add3A_2286 = arith.addf %add3A_2043, %mul3A_2285 : vector<16xf32>
      %add3A_2287 = arith.constant 6000 : i32
      %add3A_2288 = vector.broadcast %add3A_2287 : i32 to vector<16xi32>
      %add3A_2289 = arith.addi %gather3A_2066, %add3A_2288 : vector<16xi32>
      %gather3A_2290 = tpu.vector_load_idx %arg8[%add3A_2289] : memref<7000xf32, #tpu.memory_space<vmem>>[vector<16xi32>], vector<16xf32>,
      %sub3A_2291 = arith.subf %gather3A_2290, %gather3A_52 : vector<16xf32>
      %mul3A_2292 = arith.mulf %sub3A_2291, %div3A_2121 : vector<16xf32>
      %max3A_2293 = arith.constant 0.000000e+00 : f32
      %max3A_2294 = vector.broadcast %max3A_2293 : f32 to vector<16xf32>
      %max3A_2295 = arith.maximumf %mul3A_2292, %max3A_2294 : vector<16xf32>
      %mul3A_2296 = arith.mulf %max3A_2295, %max3A_2132 : vector<16xf32>
      %add3A_2297 = arith.addf %add3A_2054, %mul3A_2296 : vector<16xf32>
      %mul3A_2298 = arith.mulf %max3A_2295, %max3A_2142 : vector<16xf32>
      %add3A_2299 = arith.addf %add3A_2056, %mul3A_2298 : vector<16xf32>
      %mul3A_2300 = arith.mulf %max3A_2295, %max3A_2152 : vector<16xf32>
      %add3A_2301 = arith.addf %add3A_2058, %mul3A_2300 : vector<16xf32>
      %mul3A_2302 = arith.mulf %max3A_2295, %max3A_2162 : vector<16xf32>
      %add3A_2303 = arith.addf %add3A_2060, %mul3A_2302 : vector<16xf32>
      %mul3A_2304 = arith.mulf %max3A_2295, %max3A_2172 : vector<16xf32>
      %add3A_2305 = arith.addf %add3A_2062, %mul3A_2304 : vector<16xf32>
      %add3A_2306 = arith.constant 9 : i32
      %add3A_2307 = vector.broadcast %add3A_2306 : i32 to vector<16xi32>
      %add3A_2308 = arith.addi %mul3A_124, %add3A_2307 : vector<16xi32>
      %gather3A_2309 = tpu.vector_load_idx %arg9[%add3A_2308] : memref<15000xi32, #tpu.memory_space<vmem>>[vector<16xi32>], vector<16xi32>,
      %broadcast_in_dim3A_2310 = arith.constant 0.000000e+00 : f32
      %broadcast_in_dim3A_2311 = vector.broadcast %broadcast_in_dim3A_2310 : f32 to vector<16xf32>
      %add3A_2312 = arith.constant 0 : i32
      %add3A_2313 = vector.broadcast %add3A_2312 : i32 to vector<16xi32>
      %add3A_2314 = arith.addi %gather3A_2309, %add3A_2313 : vector<16xi32>
      %gather3A_2315 = tpu.vector_load_idx %arg7[%add3A_2314] : memref<3000xf32, #tpu.memory_space<vmem>>[vector<16xi32>], vector<16xf32>,
      %sub3A_2316 = arith.subf %gather3A_2315, %gather3A : vector<16xf32>
      %mul3A_2317 = arith.mulf %sub3A_2316, %sub3A_2316 : vector<16xf32>
      %add3A_2318 = arith.addf %broadcast_in_dim3A_2311, %mul3A_2317 : vector<16xf32>
      %add3A_2319 = arith.constant 1000 : i32
      %add3A_2320 = vector.broadcast %add3A_2319 : i32 to vector<16xi32>
      %add3A_2321 = arith.addi %gather3A_2309, %add3A_2320 : vector<16xi32>
      %gather3A_2322 = tpu.vector_load_idx %arg7[%add3A_2321] : memref<3000xf32, #tpu.memory_space<vmem>>[vector<16xi32>], vector<16xf32>,
      %sub3A_2323 = arith.subf %gather3A_2322, %gather3A_20 : vector<16xf32>
      %mul3A_2324 = arith.mulf %sub3A_2323, %sub3A_2323 : vector<16xf32>
      %add3A_2325 = arith.addf %add3A_2318, %mul3A_2324 : vector<16xf32>
      %add3A_2326 = arith.constant 2000 : i32
      %add3A_2327 = vector.broadcast %add3A_2326 : i32 to vector<16xi32>
      %add3A_2328 = arith.addi %gather3A_2309, %add3A_2327 : vector<16xi32>
      %gather3A_2329 = tpu.vector_load_idx %arg7[%add3A_2328] : memref<3000xf32, #tpu.memory_space<vmem>>[vector<16xi32>], vector<16xf32>,
      %sub3A_2330 = arith.subf %gather3A_2329, %gather3A_24 : vector<16xf32>
      %mul3A_2331 = arith.mulf %sub3A_2330, %sub3A_2330 : vector<16xf32>
      %add3A_2332 = arith.addf %add3A_2325, %mul3A_2331 : vector<16xf32>
      %add3A_2333 = arith.constant 9.99999993E-9 : f32
      %add3A_2334 = vector.broadcast %add3A_2333 : f32 to vector<16xf32>
      %add3A_2335 = arith.addf %add3A_2332, %add3A_2334 : vector<16xf32>
      %bitcast_convert_type3A_2336 = tpu.bitcast %add3A_2335 : vector<16xf32> -> vector<16xi32>
      %shift_right_arithmetic3A_2337 = arith.constant 1 : i32
      %shift_right_arithmetic3A_2338 = vector.broadcast %shift_right_arithmetic3A_2337 : i32 to vector<16xi32>
      %shift_right_arithmetic3A_2339 = arith.shrsi %bitcast_convert_type3A_2336, %shift_right_arithmetic3A_2338 : vector<16xi32>
      %add3A_2340 = arith.constant 532487669 : i32
      %add3A_2341 = vector.broadcast %add3A_2340 : i32 to vector<16xi32>
      %add3A_2342 = arith.addi %shift_right_arithmetic3A_2339, %add3A_2341 : vector<16xi32>
      %bitcast_convert_type3A_2343 = tpu.bitcast %add3A_2342 : vector<16xi32> -> vector<16xf32>
      %div3A_2344 = arith.divf %add3A_2335, %bitcast_convert_type3A_2343 : vector<16xf32>
      %add3A_2345 = arith.addf %bitcast_convert_type3A_2343, %div3A_2344 : vector<16xf32>
      %mul3A_2346 = arith.constant 5.000000e-01 : f32
      %mul3A_2347 = vector.broadcast %mul3A_2346 : f32 to vector<16xf32>
      %mul3A_2348 = arith.mulf %mul3A_2347, %add3A_2345 : vector<16xf32>
      %div3A_2349 = arith.divf %add3A_2335, %mul3A_2348 : vector<16xf32>
      %add3A_2350 = arith.addf %mul3A_2348, %div3A_2349 : vector<16xf32>
      %mul3A_2351 = arith.constant 5.000000e-01 : f32
      %mul3A_2352 = vector.broadcast %mul3A_2351 : f32 to vector<16xf32>
      %mul3A_2353 = arith.mulf %mul3A_2352, %add3A_2350 : vector<16xf32>
      %div3A_2354 = arith.divf %add3A_2335, %mul3A_2353 : vector<16xf32>
      %add3A_2355 = arith.addf %mul3A_2353, %div3A_2354 : vector<16xf32>
      %mul3A_2356 = arith.constant 5.000000e-01 : f32
      %mul3A_2357 = vector.broadcast %mul3A_2356 : f32 to vector<16xf32>
      %mul3A_2358 = arith.mulf %mul3A_2357, %add3A_2355 : vector<16xf32>
      %add3A_2359 = arith.constant 9.99999993E-9 : f32
      %add3A_2360 = vector.broadcast %add3A_2359 : f32 to vector<16xf32>
      %add3A_2361 = arith.addf %mul3A_2358, %add3A_2360 : vector<16xf32>
      %div3A_2362 = arith.constant 1.000000e+00 : f32
      %div3A_2363 = vector.broadcast %div3A_2362 : f32 to vector<16xf32>
      %div3A_2364 = arith.divf %div3A_2363, %add3A_2361 : vector<16xf32>
      %mul3A_2365 = arith.mulf %mul3A_2358, %get3A_1 : vector<16xf32>
      %sub3A_2366 = arith.constant 0.000000e+00 : f32
      %sub3A_2367 = vector.broadcast %sub3A_2366 : f32 to vector<16xf32>
      %sub3A_2368 = arith.subf %mul3A_2365, %sub3A_2367 : vector<16xf32>
      %abs3A_2369 = math.absf %sub3A_2368 : vector<16xf32>
      %sub3A_2370 = arith.constant 1.000000e+00 : f32
      %sub3A_2371 = vector.broadcast %sub3A_2370 : f32 to vector<16xf32>
      %sub3A_2372 = arith.subf %sub3A_2371, %abs3A_2369 : vector<16xf32>
      %max3A_2373 = arith.constant 0.000000e+00 : f32
      %max3A_2374 = vector.broadcast %max3A_2373 : f32 to vector<16xf32>
      %max3A_2375 = arith.maximumf %sub3A_2372, %max3A_2374 : vector<16xf32>
      %sub3A_2376 = arith.constant 1.000000e+00 : f32
      %sub3A_2377 = vector.broadcast %sub3A_2376 : f32 to vector<16xf32>
      %sub3A_2378 = arith.subf %mul3A_2365, %sub3A_2377 : vector<16xf32>
      %abs3A_2379 = math.absf %sub3A_2378 : vector<16xf32>
      %sub3A_2380 = arith.constant 1.000000e+00 : f32
      %sub3A_2381 = vector.broadcast %sub3A_2380 : f32 to vector<16xf32>
      %sub3A_2382 = arith.subf %sub3A_2381, %abs3A_2379 : vector<16xf32>
      %max3A_2383 = arith.constant 0.000000e+00 : f32
      %max3A_2384 = vector.broadcast %max3A_2383 : f32 to vector<16xf32>
      %max3A_2385 = arith.maximumf %sub3A_2382, %max3A_2384 : vector<16xf32>
      %sub3A_2386 = arith.constant 2.000000e+00 : f32
      %sub3A_2387 = vector.broadcast %sub3A_2386 : f32 to vector<16xf32>
      %sub3A_2388 = arith.subf %mul3A_2365, %sub3A_2387 : vector<16xf32>
      %abs3A_2389 = math.absf %sub3A_2388 : vector<16xf32>
      %sub3A_2390 = arith.constant 1.000000e+00 : f32
      %sub3A_2391 = vector.broadcast %sub3A_2390 : f32 to vector<16xf32>
      %sub3A_2392 = arith.subf %sub3A_2391, %abs3A_2389 : vector<16xf32>
      %max3A_2393 = arith.constant 0.000000e+00 : f32
      %max3A_2394 = vector.broadcast %max3A_2393 : f32 to vector<16xf32>
      %max3A_2395 = arith.maximumf %sub3A_2392, %max3A_2394 : vector<16xf32>
      %sub3A_2396 = arith.constant 3.000000e+00 : f32
      %sub3A_2397 = vector.broadcast %sub3A_2396 : f32 to vector<16xf32>
      %sub3A_2398 = arith.subf %mul3A_2365, %sub3A_2397 : vector<16xf32>
      %abs3A_2399 = math.absf %sub3A_2398 : vector<16xf32>
      %sub3A_2400 = arith.constant 1.000000e+00 : f32
      %sub3A_2401 = vector.broadcast %sub3A_2400 : f32 to vector<16xf32>
      %sub3A_2402 = arith.subf %sub3A_2401, %abs3A_2399 : vector<16xf32>
      %max3A_2403 = arith.constant 0.000000e+00 : f32
      %max3A_2404 = vector.broadcast %max3A_2403 : f32 to vector<16xf32>
      %max3A_2405 = arith.maximumf %sub3A_2402, %max3A_2404 : vector<16xf32>
      %sub3A_2406 = arith.constant 4.000000e+00 : f32
      %sub3A_2407 = vector.broadcast %sub3A_2406 : f32 to vector<16xf32>
      %sub3A_2408 = arith.subf %mul3A_2365, %sub3A_2407 : vector<16xf32>
      %abs3A_2409 = math.absf %sub3A_2408 : vector<16xf32>
      %sub3A_2410 = arith.constant 1.000000e+00 : f32
      %sub3A_2411 = vector.broadcast %sub3A_2410 : f32 to vector<16xf32>
      %sub3A_2412 = arith.subf %sub3A_2411, %abs3A_2409 : vector<16xf32>
      %max3A_2413 = arith.constant 0.000000e+00 : f32
      %max3A_2414 = vector.broadcast %max3A_2413 : f32 to vector<16xf32>
      %max3A_2415 = arith.maximumf %sub3A_2412, %max3A_2414 : vector<16xf32>
      %add3A_2416 = arith.constant 0 : i32
      %add3A_2417 = vector.broadcast %add3A_2416 : i32 to vector<16xi32>
      %add3A_2418 = arith.addi %gather3A_2309, %add3A_2417 : vector<16xi32>
      %gather3A_2419 = tpu.vector_load_idx %arg8[%add3A_2418] : memref<7000xf32, #tpu.memory_space<vmem>>[vector<16xi32>], vector<16xf32>,
      %sub3A_2420 = arith.subf %gather3A_2419, %gather3A_28 : vector<16xf32>
      %mul3A_2421 = arith.mulf %sub3A_2420, %div3A_2364 : vector<16xf32>
      %max3A_2422 = arith.constant 0.000000e+00 : f32
      %max3A_2423 = vector.broadcast %max3A_2422 : f32 to vector<16xf32>
      %max3A_2424 = arith.maximumf %mul3A_2421, %max3A_2423 : vector<16xf32>
      %mul3A_2425 = arith.mulf %max3A_2424, %max3A_2375 : vector<16xf32>
      %add3A_2426 = arith.addf %add3A_2183, %mul3A_2425 : vector<16xf32>
      %mul3A_2427 = arith.mulf %max3A_2424, %max3A_2385 : vector<16xf32>
      %add3A_2428 = arith.addf %add3A_2185, %mul3A_2427 : vector<16xf32>
      %mul3A_2429 = arith.mulf %max3A_2424, %max3A_2395 : vector<16xf32>
      %add3A_2430 = arith.addf %add3A_2187, %mul3A_2429 : vector<16xf32>
      %mul3A_2431 = arith.mulf %max3A_2424, %max3A_2405 : vector<16xf32>
      %add3A_2432 = arith.addf %add3A_2189, %mul3A_2431 : vector<16xf32>
      %mul3A_2433 = arith.mulf %max3A_2424, %max3A_2415 : vector<16xf32>
      %add3A_2434 = arith.addf %add3A_2191, %mul3A_2433 : vector<16xf32>
      %add3A_2435 = arith.constant 1000 : i32
      %add3A_2436 = vector.broadcast %add3A_2435 : i32 to vector<16xi32>
      %add3A_2437 = arith.addi %gather3A_2309, %add3A_2436 : vector<16xi32>
      %gather3A_2438 = tpu.vector_load_idx %arg8[%add3A_2437] : memref<7000xf32, #tpu.memory_space<vmem>>[vector<16xi32>], vector<16xf32>,
      %sub3A_2439 = arith.subf %gather3A_2438, %gather3A_32 : vector<16xf32>
      %mul3A_2440 = arith.mulf %sub3A_2439, %div3A_2364 : vector<16xf32>
      %max3A_2441 = arith.constant 0.000000e+00 : f32
      %max3A_2442 = vector.broadcast %max3A_2441 : f32 to vector<16xf32>
      %max3A_2443 = arith.maximumf %mul3A_2440, %max3A_2442 : vector<16xf32>
      %mul3A_2444 = arith.mulf %max3A_2443, %max3A_2375 : vector<16xf32>
      %add3A_2445 = arith.addf %add3A_2202, %mul3A_2444 : vector<16xf32>
      %mul3A_2446 = arith.mulf %max3A_2443, %max3A_2385 : vector<16xf32>
      %add3A_2447 = arith.addf %add3A_2204, %mul3A_2446 : vector<16xf32>
      %mul3A_2448 = arith.mulf %max3A_2443, %max3A_2395 : vector<16xf32>
      %add3A_2449 = arith.addf %add3A_2206, %mul3A_2448 : vector<16xf32>
      %mul3A_2450 = arith.mulf %max3A_2443, %max3A_2405 : vector<16xf32>
      %add3A_2451 = arith.addf %add3A_2208, %mul3A_2450 : vector<16xf32>
      %mul3A_2452 = arith.mulf %max3A_2443, %max3A_2415 : vector<16xf32>
      %add3A_2453 = arith.addf %add3A_2210, %mul3A_2452 : vector<16xf32>
      %add3A_2454 = arith.constant 2000 : i32
      %add3A_2455 = vector.broadcast %add3A_2454 : i32 to vector<16xi32>
      %add3A_2456 = arith.addi %gather3A_2309, %add3A_2455 : vector<16xi32>
      %gather3A_2457 = tpu.vector_load_idx %arg8[%add3A_2456] : memref<7000xf32, #tpu.memory_space<vmem>>[vector<16xi32>], vector<16xf32>,
      %sub3A_2458 = arith.subf %gather3A_2457, %gather3A_36 : vector<16xf32>
      %mul3A_2459 = arith.mulf %sub3A_2458, %div3A_2364 : vector<16xf32>
      %max3A_2460 = arith.constant 0.000000e+00 : f32
      %max3A_2461 = vector.broadcast %max3A_2460 : f32 to vector<16xf32>
      %max3A_2462 = arith.maximumf %mul3A_2459, %max3A_2461 : vector<16xf32>
      %mul3A_2463 = arith.mulf %max3A_2462, %max3A_2375 : vector<16xf32>
      %add3A_2464 = arith.addf %add3A_2221, %mul3A_2463 : vector<16xf32>
      %mul3A_2465 = arith.mulf %max3A_2462, %max3A_2385 : vector<16xf32>
      %add3A_2466 = arith.addf %add3A_2223, %mul3A_2465 : vector<16xf32>
      %mul3A_2467 = arith.mulf %max3A_2462, %max3A_2395 : vector<16xf32>
      %add3A_2468 = arith.addf %add3A_2225, %mul3A_2467 : vector<16xf32>
      %mul3A_2469 = arith.mulf %max3A_2462, %max3A_2405 : vector<16xf32>
      %add3A_2470 = arith.addf %add3A_2227, %mul3A_2469 : vector<16xf32>
      %mul3A_2471 = arith.mulf %max3A_2462, %max3A_2415 : vector<16xf32>
      %add3A_2472 = arith.addf %add3A_2229, %mul3A_2471 : vector<16xf32>
      %add3A_2473 = arith.constant 3000 : i32
      %add3A_2474 = vector.broadcast %add3A_2473 : i32 to vector<16xi32>
      %add3A_2475 = arith.addi %gather3A_2309, %add3A_2474 : vector<16xi32>
      %gather3A_2476 = tpu.vector_load_idx %arg8[%add3A_2475] : memref<7000xf32, #tpu.memory_space<vmem>>[vector<16xi32>], vector<16xf32>,
      %sub3A_2477 = arith.subf %gather3A_2476, %gather3A_40 : vector<16xf32>
      %mul3A_2478 = arith.mulf %sub3A_2477, %div3A_2364 : vector<16xf32>
      %max3A_2479 = arith.constant 0.000000e+00 : f32
      %max3A_2480 = vector.broadcast %max3A_2479 : f32 to vector<16xf32>
      %max3A_2481 = arith.maximumf %mul3A_2478, %max3A_2480 : vector<16xf32>
      %mul3A_2482 = arith.mulf %max3A_2481, %max3A_2375 : vector<16xf32>
      %add3A_2483 = arith.addf %add3A_2240, %mul3A_2482 : vector<16xf32>
      %mul3A_2484 = arith.mulf %max3A_2481, %max3A_2385 : vector<16xf32>
      %add3A_2485 = arith.addf %add3A_2242, %mul3A_2484 : vector<16xf32>
      %mul3A_2486 = arith.mulf %max3A_2481, %max3A_2395 : vector<16xf32>
      %add3A_2487 = arith.addf %add3A_2244, %mul3A_2486 : vector<16xf32>
      %mul3A_2488 = arith.mulf %max3A_2481, %max3A_2405 : vector<16xf32>
      %add3A_2489 = arith.addf %add3A_2246, %mul3A_2488 : vector<16xf32>
      %mul3A_2490 = arith.mulf %max3A_2481, %max3A_2415 : vector<16xf32>
      %add3A_2491 = arith.addf %add3A_2248, %mul3A_2490 : vector<16xf32>
      %add3A_2492 = arith.constant 4000 : i32
      %add3A_2493 = vector.broadcast %add3A_2492 : i32 to vector<16xi32>
      %add3A_2494 = arith.addi %gather3A_2309, %add3A_2493 : vector<16xi32>
      %gather3A_2495 = tpu.vector_load_idx %arg8[%add3A_2494] : memref<7000xf32, #tpu.memory_space<vmem>>[vector<16xi32>], vector<16xf32>,
      %sub3A_2496 = arith.subf %gather3A_2495, %gather3A_44 : vector<16xf32>
      %mul3A_2497 = arith.mulf %sub3A_2496, %div3A_2364 : vector<16xf32>
      %max3A_2498 = arith.constant 0.000000e+00 : f32
      %max3A_2499 = vector.broadcast %max3A_2498 : f32 to vector<16xf32>
      %max3A_2500 = arith.maximumf %mul3A_2497, %max3A_2499 : vector<16xf32>
      %mul3A_2501 = arith.mulf %max3A_2500, %max3A_2375 : vector<16xf32>
      %add3A_2502 = arith.addf %add3A_2259, %mul3A_2501 : vector<16xf32>
      %mul3A_2503 = arith.mulf %max3A_2500, %max3A_2385 : vector<16xf32>
      %add3A_2504 = arith.addf %add3A_2261, %mul3A_2503 : vector<16xf32>
      %mul3A_2505 = arith.mulf %max3A_2500, %max3A_2395 : vector<16xf32>
      %add3A_2506 = arith.addf %add3A_2263, %mul3A_2505 : vector<16xf32>
      %mul3A_2507 = arith.mulf %max3A_2500, %max3A_2405 : vector<16xf32>
      %add3A_2508 = arith.addf %add3A_2265, %mul3A_2507 : vector<16xf32>
      %mul3A_2509 = arith.mulf %max3A_2500, %max3A_2415 : vector<16xf32>
      %add3A_2510 = arith.addf %add3A_2267, %mul3A_2509 : vector<16xf32>
      %add3A_2511 = arith.constant 5000 : i32
      %add3A_2512 = vector.broadcast %add3A_2511 : i32 to vector<16xi32>
      %add3A_2513 = arith.addi %gather3A_2309, %add3A_2512 : vector<16xi32>
      %gather3A_2514 = tpu.vector_load_idx %arg8[%add3A_2513] : memref<7000xf32, #tpu.memory_space<vmem>>[vector<16xi32>], vector<16xf32>,
      %sub3A_2515 = arith.subf %gather3A_2514, %gather3A_48 : vector<16xf32>
      %mul3A_2516 = arith.mulf %sub3A_2515, %div3A_2364 : vector<16xf32>
      %max3A_2517 = arith.constant 0.000000e+00 : f32
      %max3A_2518 = vector.broadcast %max3A_2517 : f32 to vector<16xf32>
      %max3A_2519 = arith.maximumf %mul3A_2516, %max3A_2518 : vector<16xf32>
      %mul3A_2520 = arith.mulf %max3A_2519, %max3A_2375 : vector<16xf32>
      %add3A_2521 = arith.addf %add3A_2278, %mul3A_2520 : vector<16xf32>
      %mul3A_2522 = arith.mulf %max3A_2519, %max3A_2385 : vector<16xf32>
      %add3A_2523 = arith.addf %add3A_2280, %mul3A_2522 : vector<16xf32>
      %mul3A_2524 = arith.mulf %max3A_2519, %max3A_2395 : vector<16xf32>
      %add3A_2525 = arith.addf %add3A_2282, %mul3A_2524 : vector<16xf32>
      %mul3A_2526 = arith.mulf %max3A_2519, %max3A_2405 : vector<16xf32>
      %add3A_2527 = arith.addf %add3A_2284, %mul3A_2526 : vector<16xf32>
      %mul3A_2528 = arith.mulf %max3A_2519, %max3A_2415 : vector<16xf32>
      %add3A_2529 = arith.addf %add3A_2286, %mul3A_2528 : vector<16xf32>
      %add3A_2530 = arith.constant 6000 : i32
      %add3A_2531 = vector.broadcast %add3A_2530 : i32 to vector<16xi32>
      %add3A_2532 = arith.addi %gather3A_2309, %add3A_2531 : vector<16xi32>
      %gather3A_2533 = tpu.vector_load_idx %arg8[%add3A_2532] : memref<7000xf32, #tpu.memory_space<vmem>>[vector<16xi32>], vector<16xf32>,
      %sub3A_2534 = arith.subf %gather3A_2533, %gather3A_52 : vector<16xf32>
      %mul3A_2535 = arith.mulf %sub3A_2534, %div3A_2364 : vector<16xf32>
      %max3A_2536 = arith.constant 0.000000e+00 : f32
      %max3A_2537 = vector.broadcast %max3A_2536 : f32 to vector<16xf32>
      %max3A_2538 = arith.maximumf %mul3A_2535, %max3A_2537 : vector<16xf32>
      %mul3A_2539 = arith.mulf %max3A_2538, %max3A_2375 : vector<16xf32>
      %add3A_2540 = arith.addf %add3A_2297, %mul3A_2539 : vector<16xf32>
      %mul3A_2541 = arith.mulf %max3A_2538, %max3A_2385 : vector<16xf32>
      %add3A_2542 = arith.addf %add3A_2299, %mul3A_2541 : vector<16xf32>
      %mul3A_2543 = arith.mulf %max3A_2538, %max3A_2395 : vector<16xf32>
      %add3A_2544 = arith.addf %add3A_2301, %mul3A_2543 : vector<16xf32>
      %mul3A_2545 = arith.mulf %max3A_2538, %max3A_2405 : vector<16xf32>
      %add3A_2546 = arith.addf %add3A_2303, %mul3A_2545 : vector<16xf32>
      %mul3A_2547 = arith.mulf %max3A_2538, %max3A_2415 : vector<16xf32>
      %add3A_2548 = arith.addf %add3A_2305, %mul3A_2547 : vector<16xf32>
      %add3A_2549 = arith.constant 10 : i32
      %add3A_2550 = vector.broadcast %add3A_2549 : i32 to vector<16xi32>
      %add3A_2551 = arith.addi %mul3A_124, %add3A_2550 : vector<16xi32>
      %gather3A_2552 = tpu.vector_load_idx %arg9[%add3A_2551] : memref<15000xi32, #tpu.memory_space<vmem>>[vector<16xi32>], vector<16xi32>,
      %broadcast_in_dim3A_2553 = arith.constant 0.000000e+00 : f32
      %broadcast_in_dim3A_2554 = vector.broadcast %broadcast_in_dim3A_2553 : f32 to vector<16xf32>
      %add3A_2555 = arith.constant 0 : i32
      %add3A_2556 = vector.broadcast %add3A_2555 : i32 to vector<16xi32>
      %add3A_2557 = arith.addi %gather3A_2552, %add3A_2556 : vector<16xi32>
      %gather3A_2558 = tpu.vector_load_idx %arg7[%add3A_2557] : memref<3000xf32, #tpu.memory_space<vmem>>[vector<16xi32>], vector<16xf32>,
      %sub3A_2559 = arith.subf %gather3A_2558, %gather3A : vector<16xf32>
      %mul3A_2560 = arith.mulf %sub3A_2559, %sub3A_2559 : vector<16xf32>
      %add3A_2561 = arith.addf %broadcast_in_dim3A_2554, %mul3A_2560 : vector<16xf32>
      %add3A_2562 = arith.constant 1000 : i32
      %add3A_2563 = vector.broadcast %add3A_2562 : i32 to vector<16xi32>
      %add3A_2564 = arith.addi %gather3A_2552, %add3A_2563 : vector<16xi32>
      %gather3A_2565 = tpu.vector_load_idx %arg7[%add3A_2564] : memref<3000xf32, #tpu.memory_space<vmem>>[vector<16xi32>], vector<16xf32>,
      %sub3A_2566 = arith.subf %gather3A_2565, %gather3A_20 : vector<16xf32>
      %mul3A_2567 = arith.mulf %sub3A_2566, %sub3A_2566 : vector<16xf32>
      %add3A_2568 = arith.addf %add3A_2561, %mul3A_2567 : vector<16xf32>
      %add3A_2569 = arith.constant 2000 : i32
      %add3A_2570 = vector.broadcast %add3A_2569 : i32 to vector<16xi32>
      %add3A_2571 = arith.addi %gather3A_2552, %add3A_2570 : vector<16xi32>
      %gather3A_2572 = tpu.vector_load_idx %arg7[%add3A_2571] : memref<3000xf32, #tpu.memory_space<vmem>>[vector<16xi32>], vector<16xf32>,
      %sub3A_2573 = arith.subf %gather3A_2572, %gather3A_24 : vector<16xf32>
      %mul3A_2574 = arith.mulf %sub3A_2573, %sub3A_2573 : vector<16xf32>
      %add3A_2575 = arith.addf %add3A_2568, %mul3A_2574 : vector<16xf32>
      %add3A_2576 = arith.constant 9.99999993E-9 : f32
      %add3A_2577 = vector.broadcast %add3A_2576 : f32 to vector<16xf32>
      %add3A_2578 = arith.addf %add3A_2575, %add3A_2577 : vector<16xf32>
      %bitcast_convert_type3A_2579 = tpu.bitcast %add3A_2578 : vector<16xf32> -> vector<16xi32>
      %shift_right_arithmetic3A_2580 = arith.constant 1 : i32
      %shift_right_arithmetic3A_2581 = vector.broadcast %shift_right_arithmetic3A_2580 : i32 to vector<16xi32>
      %shift_right_arithmetic3A_2582 = arith.shrsi %bitcast_convert_type3A_2579, %shift_right_arithmetic3A_2581 : vector<16xi32>
      %add3A_2583 = arith.constant 532487669 : i32
      %add3A_2584 = vector.broadcast %add3A_2583 : i32 to vector<16xi32>
      %add3A_2585 = arith.addi %shift_right_arithmetic3A_2582, %add3A_2584 : vector<16xi32>
      %bitcast_convert_type3A_2586 = tpu.bitcast %add3A_2585 : vector<16xi32> -> vector<16xf32>
      %div3A_2587 = arith.divf %add3A_2578, %bitcast_convert_type3A_2586 : vector<16xf32>
      %add3A_2588 = arith.addf %bitcast_convert_type3A_2586, %div3A_2587 : vector<16xf32>
      %mul3A_2589 = arith.constant 5.000000e-01 : f32
      %mul3A_2590 = vector.broadcast %mul3A_2589 : f32 to vector<16xf32>
      %mul3A_2591 = arith.mulf %mul3A_2590, %add3A_2588 : vector<16xf32>
      %div3A_2592 = arith.divf %add3A_2578, %mul3A_2591 : vector<16xf32>
      %add3A_2593 = arith.addf %mul3A_2591, %div3A_2592 : vector<16xf32>
      %mul3A_2594 = arith.constant 5.000000e-01 : f32
      %mul3A_2595 = vector.broadcast %mul3A_2594 : f32 to vector<16xf32>
      %mul3A_2596 = arith.mulf %mul3A_2595, %add3A_2593 : vector<16xf32>
      %div3A_2597 = arith.divf %add3A_2578, %mul3A_2596 : vector<16xf32>
      %add3A_2598 = arith.addf %mul3A_2596, %div3A_2597 : vector<16xf32>
      %mul3A_2599 = arith.constant 5.000000e-01 : f32
      %mul3A_2600 = vector.broadcast %mul3A_2599 : f32 to vector<16xf32>
      %mul3A_2601 = arith.mulf %mul3A_2600, %add3A_2598 : vector<16xf32>
      %add3A_2602 = arith.constant 9.99999993E-9 : f32
      %add3A_2603 = vector.broadcast %add3A_2602 : f32 to vector<16xf32>
      %add3A_2604 = arith.addf %mul3A_2601, %add3A_2603 : vector<16xf32>
      %div3A_2605 = arith.constant 1.000000e+00 : f32
      %div3A_2606 = vector.broadcast %div3A_2605 : f32 to vector<16xf32>
      %div3A_2607 = arith.divf %div3A_2606, %add3A_2604 : vector<16xf32>
      %mul3A_2608 = arith.mulf %mul3A_2601, %get3A_1 : vector<16xf32>
      %sub3A_2609 = arith.constant 0.000000e+00 : f32
      %sub3A_2610 = vector.broadcast %sub3A_2609 : f32 to vector<16xf32>
      %sub3A_2611 = arith.subf %mul3A_2608, %sub3A_2610 : vector<16xf32>
      %abs3A_2612 = math.absf %sub3A_2611 : vector<16xf32>
      %sub3A_2613 = arith.constant 1.000000e+00 : f32
      %sub3A_2614 = vector.broadcast %sub3A_2613 : f32 to vector<16xf32>
      %sub3A_2615 = arith.subf %sub3A_2614, %abs3A_2612 : vector<16xf32>
      %max3A_2616 = arith.constant 0.000000e+00 : f32
      %max3A_2617 = vector.broadcast %max3A_2616 : f32 to vector<16xf32>
      %max3A_2618 = arith.maximumf %sub3A_2615, %max3A_2617 : vector<16xf32>
      %sub3A_2619 = arith.constant 1.000000e+00 : f32
      %sub3A_2620 = vector.broadcast %sub3A_2619 : f32 to vector<16xf32>
      %sub3A_2621 = arith.subf %mul3A_2608, %sub3A_2620 : vector<16xf32>
      %abs3A_2622 = math.absf %sub3A_2621 : vector<16xf32>
      %sub3A_2623 = arith.constant 1.000000e+00 : f32
      %sub3A_2624 = vector.broadcast %sub3A_2623 : f32 to vector<16xf32>
      %sub3A_2625 = arith.subf %sub3A_2624, %abs3A_2622 : vector<16xf32>
      %max3A_2626 = arith.constant 0.000000e+00 : f32
      %max3A_2627 = vector.broadcast %max3A_2626 : f32 to vector<16xf32>
      %max3A_2628 = arith.maximumf %sub3A_2625, %max3A_2627 : vector<16xf32>
      %sub3A_2629 = arith.constant 2.000000e+00 : f32
      %sub3A_2630 = vector.broadcast %sub3A_2629 : f32 to vector<16xf32>
      %sub3A_2631 = arith.subf %mul3A_2608, %sub3A_2630 : vector<16xf32>
      %abs3A_2632 = math.absf %sub3A_2631 : vector<16xf32>
      %sub3A_2633 = arith.constant 1.000000e+00 : f32
      %sub3A_2634 = vector.broadcast %sub3A_2633 : f32 to vector<16xf32>
      %sub3A_2635 = arith.subf %sub3A_2634, %abs3A_2632 : vector<16xf32>
      %max3A_2636 = arith.constant 0.000000e+00 : f32
      %max3A_2637 = vector.broadcast %max3A_2636 : f32 to vector<16xf32>
      %max3A_2638 = arith.maximumf %sub3A_2635, %max3A_2637 : vector<16xf32>
      %sub3A_2639 = arith.constant 3.000000e+00 : f32
      %sub3A_2640 = vector.broadcast %sub3A_2639 : f32 to vector<16xf32>
      %sub3A_2641 = arith.subf %mul3A_2608, %sub3A_2640 : vector<16xf32>
      %abs3A_2642 = math.absf %sub3A_2641 : vector<16xf32>
      %sub3A_2643 = arith.constant 1.000000e+00 : f32
      %sub3A_2644 = vector.broadcast %sub3A_2643 : f32 to vector<16xf32>
      %sub3A_2645 = arith.subf %sub3A_2644, %abs3A_2642 : vector<16xf32>
      %max3A_2646 = arith.constant 0.000000e+00 : f32
      %max3A_2647 = vector.broadcast %max3A_2646 : f32 to vector<16xf32>
      %max3A_2648 = arith.maximumf %sub3A_2645, %max3A_2647 : vector<16xf32>
      %sub3A_2649 = arith.constant 4.000000e+00 : f32
      %sub3A_2650 = vector.broadcast %sub3A_2649 : f32 to vector<16xf32>
      %sub3A_2651 = arith.subf %mul3A_2608, %sub3A_2650 : vector<16xf32>
      %abs3A_2652 = math.absf %sub3A_2651 : vector<16xf32>
      %sub3A_2653 = arith.constant 1.000000e+00 : f32
      %sub3A_2654 = vector.broadcast %sub3A_2653 : f32 to vector<16xf32>
      %sub3A_2655 = arith.subf %sub3A_2654, %abs3A_2652 : vector<16xf32>
      %max3A_2656 = arith.constant 0.000000e+00 : f32
      %max3A_2657 = vector.broadcast %max3A_2656 : f32 to vector<16xf32>
      %max3A_2658 = arith.maximumf %sub3A_2655, %max3A_2657 : vector<16xf32>
      %add3A_2659 = arith.constant 0 : i32
      %add3A_2660 = vector.broadcast %add3A_2659 : i32 to vector<16xi32>
      %add3A_2661 = arith.addi %gather3A_2552, %add3A_2660 : vector<16xi32>
      %gather3A_2662 = tpu.vector_load_idx %arg8[%add3A_2661] : memref<7000xf32, #tpu.memory_space<vmem>>[vector<16xi32>], vector<16xf32>,
      %sub3A_2663 = arith.subf %gather3A_2662, %gather3A_28 : vector<16xf32>
      %mul3A_2664 = arith.mulf %sub3A_2663, %div3A_2607 : vector<16xf32>
      %max3A_2665 = arith.constant 0.000000e+00 : f32
      %max3A_2666 = vector.broadcast %max3A_2665 : f32 to vector<16xf32>
      %max3A_2667 = arith.maximumf %mul3A_2664, %max3A_2666 : vector<16xf32>
      %mul3A_2668 = arith.mulf %max3A_2667, %max3A_2618 : vector<16xf32>
      %add3A_2669 = arith.addf %add3A_2426, %mul3A_2668 : vector<16xf32>
      %mul3A_2670 = arith.mulf %max3A_2667, %max3A_2628 : vector<16xf32>
      %add3A_2671 = arith.addf %add3A_2428, %mul3A_2670 : vector<16xf32>
      %mul3A_2672 = arith.mulf %max3A_2667, %max3A_2638 : vector<16xf32>
      %add3A_2673 = arith.addf %add3A_2430, %mul3A_2672 : vector<16xf32>
      %mul3A_2674 = arith.mulf %max3A_2667, %max3A_2648 : vector<16xf32>
      %add3A_2675 = arith.addf %add3A_2432, %mul3A_2674 : vector<16xf32>
      %mul3A_2676 = arith.mulf %max3A_2667, %max3A_2658 : vector<16xf32>
      %add3A_2677 = arith.addf %add3A_2434, %mul3A_2676 : vector<16xf32>
      %add3A_2678 = arith.constant 1000 : i32
      %add3A_2679 = vector.broadcast %add3A_2678 : i32 to vector<16xi32>
      %add3A_2680 = arith.addi %gather3A_2552, %add3A_2679 : vector<16xi32>
      %gather3A_2681 = tpu.vector_load_idx %arg8[%add3A_2680] : memref<7000xf32, #tpu.memory_space<vmem>>[vector<16xi32>], vector<16xf32>,
      %sub3A_2682 = arith.subf %gather3A_2681, %gather3A_32 : vector<16xf32>
      %mul3A_2683 = arith.mulf %sub3A_2682, %div3A_2607 : vector<16xf32>
      %max3A_2684 = arith.constant 0.000000e+00 : f32
      %max3A_2685 = vector.broadcast %max3A_2684 : f32 to vector<16xf32>
      %max3A_2686 = arith.maximumf %mul3A_2683, %max3A_2685 : vector<16xf32>
      %mul3A_2687 = arith.mulf %max3A_2686, %max3A_2618 : vector<16xf32>
      %add3A_2688 = arith.addf %add3A_2445, %mul3A_2687 : vector<16xf32>
      %mul3A_2689 = arith.mulf %max3A_2686, %max3A_2628 : vector<16xf32>
      %add3A_2690 = arith.addf %add3A_2447, %mul3A_2689 : vector<16xf32>
      %mul3A_2691 = arith.mulf %max3A_2686, %max3A_2638 : vector<16xf32>
      %add3A_2692 = arith.addf %add3A_2449, %mul3A_2691 : vector<16xf32>
      %mul3A_2693 = arith.mulf %max3A_2686, %max3A_2648 : vector<16xf32>
      %add3A_2694 = arith.addf %add3A_2451, %mul3A_2693 : vector<16xf32>
      %mul3A_2695 = arith.mulf %max3A_2686, %max3A_2658 : vector<16xf32>
      %add3A_2696 = arith.addf %add3A_2453, %mul3A_2695 : vector<16xf32>
      %add3A_2697 = arith.constant 2000 : i32
      %add3A_2698 = vector.broadcast %add3A_2697 : i32 to vector<16xi32>
      %add3A_2699 = arith.addi %gather3A_2552, %add3A_2698 : vector<16xi32>
      %gather3A_2700 = tpu.vector_load_idx %arg8[%add3A_2699] : memref<7000xf32, #tpu.memory_space<vmem>>[vector<16xi32>], vector<16xf32>,
      %sub3A_2701 = arith.subf %gather3A_2700, %gather3A_36 : vector<16xf32>
      %mul3A_2702 = arith.mulf %sub3A_2701, %div3A_2607 : vector<16xf32>
      %max3A_2703 = arith.constant 0.000000e+00 : f32
      %max3A_2704 = vector.broadcast %max3A_2703 : f32 to vector<16xf32>
      %max3A_2705 = arith.maximumf %mul3A_2702, %max3A_2704 : vector<16xf32>
      %mul3A_2706 = arith.mulf %max3A_2705, %max3A_2618 : vector<16xf32>
      %add3A_2707 = arith.addf %add3A_2464, %mul3A_2706 : vector<16xf32>
      %mul3A_2708 = arith.mulf %max3A_2705, %max3A_2628 : vector<16xf32>
      %add3A_2709 = arith.addf %add3A_2466, %mul3A_2708 : vector<16xf32>
      %mul3A_2710 = arith.mulf %max3A_2705, %max3A_2638 : vector<16xf32>
      %add3A_2711 = arith.addf %add3A_2468, %mul3A_2710 : vector<16xf32>
      %mul3A_2712 = arith.mulf %max3A_2705, %max3A_2648 : vector<16xf32>
      %add3A_2713 = arith.addf %add3A_2470, %mul3A_2712 : vector<16xf32>
      %mul3A_2714 = arith.mulf %max3A_2705, %max3A_2658 : vector<16xf32>
      %add3A_2715 = arith.addf %add3A_2472, %mul3A_2714 : vector<16xf32>
      %add3A_2716 = arith.constant 3000 : i32
      %add3A_2717 = vector.broadcast %add3A_2716 : i32 to vector<16xi32>
      %add3A_2718 = arith.addi %gather3A_2552, %add3A_2717 : vector<16xi32>
      %gather3A_2719 = tpu.vector_load_idx %arg8[%add3A_2718] : memref<7000xf32, #tpu.memory_space<vmem>>[vector<16xi32>], vector<16xf32>,
      %sub3A_2720 = arith.subf %gather3A_2719, %gather3A_40 : vector<16xf32>
      %mul3A_2721 = arith.mulf %sub3A_2720, %div3A_2607 : vector<16xf32>
      %max3A_2722 = arith.constant 0.000000e+00 : f32
      %max3A_2723 = vector.broadcast %max3A_2722 : f32 to vector<16xf32>
      %max3A_2724 = arith.maximumf %mul3A_2721, %max3A_2723 : vector<16xf32>
      %mul3A_2725 = arith.mulf %max3A_2724, %max3A_2618 : vector<16xf32>
      %add3A_2726 = arith.addf %add3A_2483, %mul3A_2725 : vector<16xf32>
      %mul3A_2727 = arith.mulf %max3A_2724, %max3A_2628 : vector<16xf32>
      %add3A_2728 = arith.addf %add3A_2485, %mul3A_2727 : vector<16xf32>
      %mul3A_2729 = arith.mulf %max3A_2724, %max3A_2638 : vector<16xf32>
      %add3A_2730 = arith.addf %add3A_2487, %mul3A_2729 : vector<16xf32>
      %mul3A_2731 = arith.mulf %max3A_2724, %max3A_2648 : vector<16xf32>
      %add3A_2732 = arith.addf %add3A_2489, %mul3A_2731 : vector<16xf32>
      %mul3A_2733 = arith.mulf %max3A_2724, %max3A_2658 : vector<16xf32>
      %add3A_2734 = arith.addf %add3A_2491, %mul3A_2733 : vector<16xf32>
      %add3A_2735 = arith.constant 4000 : i32
      %add3A_2736 = vector.broadcast %add3A_2735 : i32 to vector<16xi32>
      %add3A_2737 = arith.addi %gather3A_2552, %add3A_2736 : vector<16xi32>
      %gather3A_2738 = tpu.vector_load_idx %arg8[%add3A_2737] : memref<7000xf32, #tpu.memory_space<vmem>>[vector<16xi32>], vector<16xf32>,
      %sub3A_2739 = arith.subf %gather3A_2738, %gather3A_44 : vector<16xf32>
      %mul3A_2740 = arith.mulf %sub3A_2739, %div3A_2607 : vector<16xf32>
      %max3A_2741 = arith.constant 0.000000e+00 : f32
      %max3A_2742 = vector.broadcast %max3A_2741 : f32 to vector<16xf32>
      %max3A_2743 = arith.maximumf %mul3A_2740, %max3A_2742 : vector<16xf32>
      %mul3A_2744 = arith.mulf %max3A_2743, %max3A_2618 : vector<16xf32>
      %add3A_2745 = arith.addf %add3A_2502, %mul3A_2744 : vector<16xf32>
      %mul3A_2746 = arith.mulf %max3A_2743, %max3A_2628 : vector<16xf32>
      %add3A_2747 = arith.addf %add3A_2504, %mul3A_2746 : vector<16xf32>
      %mul3A_2748 = arith.mulf %max3A_2743, %max3A_2638 : vector<16xf32>
      %add3A_2749 = arith.addf %add3A_2506, %mul3A_2748 : vector<16xf32>
      %mul3A_2750 = arith.mulf %max3A_2743, %max3A_2648 : vector<16xf32>
      %add3A_2751 = arith.addf %add3A_2508, %mul3A_2750 : vector<16xf32>
      %mul3A_2752 = arith.mulf %max3A_2743, %max3A_2658 : vector<16xf32>
      %add3A_2753 = arith.addf %add3A_2510, %mul3A_2752 : vector<16xf32>
      %add3A_2754 = arith.constant 5000 : i32
      %add3A_2755 = vector.broadcast %add3A_2754 : i32 to vector<16xi32>
      %add3A_2756 = arith.addi %gather3A_2552, %add3A_2755 : vector<16xi32>
      %gather3A_2757 = tpu.vector_load_idx %arg8[%add3A_2756] : memref<7000xf32, #tpu.memory_space<vmem>>[vector<16xi32>], vector<16xf32>,
      %sub3A_2758 = arith.subf %gather3A_2757, %gather3A_48 : vector<16xf32>
      %mul3A_2759 = arith.mulf %sub3A_2758, %div3A_2607 : vector<16xf32>
      %max3A_2760 = arith.constant 0.000000e+00 : f32
      %max3A_2761 = vector.broadcast %max3A_2760 : f32 to vector<16xf32>
      %max3A_2762 = arith.maximumf %mul3A_2759, %max3A_2761 : vector<16xf32>
      %mul3A_2763 = arith.mulf %max3A_2762, %max3A_2618 : vector<16xf32>
      %add3A_2764 = arith.addf %add3A_2521, %mul3A_2763 : vector<16xf32>
      %mul3A_2765 = arith.mulf %max3A_2762, %max3A_2628 : vector<16xf32>
      %add3A_2766 = arith.addf %add3A_2523, %mul3A_2765 : vector<16xf32>
      %mul3A_2767 = arith.mulf %max3A_2762, %max3A_2638 : vector<16xf32>
      %add3A_2768 = arith.addf %add3A_2525, %mul3A_2767 : vector<16xf32>
      %mul3A_2769 = arith.mulf %max3A_2762, %max3A_2648 : vector<16xf32>
      %add3A_2770 = arith.addf %add3A_2527, %mul3A_2769 : vector<16xf32>
      %mul3A_2771 = arith.mulf %max3A_2762, %max3A_2658 : vector<16xf32>
      %add3A_2772 = arith.addf %add3A_2529, %mul3A_2771 : vector<16xf32>
      %add3A_2773 = arith.constant 6000 : i32
      %add3A_2774 = vector.broadcast %add3A_2773 : i32 to vector<16xi32>
      %add3A_2775 = arith.addi %gather3A_2552, %add3A_2774 : vector<16xi32>
      %gather3A_2776 = tpu.vector_load_idx %arg8[%add3A_2775] : memref<7000xf32, #tpu.memory_space<vmem>>[vector<16xi32>], vector<16xf32>,
      %sub3A_2777 = arith.subf %gather3A_2776, %gather3A_52 : vector<16xf32>
      %mul3A_2778 = arith.mulf %sub3A_2777, %div3A_2607 : vector<16xf32>
      %max3A_2779 = arith.constant 0.000000e+00 : f32
      %max3A_2780 = vector.broadcast %max3A_2779 : f32 to vector<16xf32>
      %max3A_2781 = arith.maximumf %mul3A_2778, %max3A_2780 : vector<16xf32>
      %mul3A_2782 = arith.mulf %max3A_2781, %max3A_2618 : vector<16xf32>
      %add3A_2783 = arith.addf %add3A_2540, %mul3A_2782 : vector<16xf32>
      %mul3A_2784 = arith.mulf %max3A_2781, %max3A_2628 : vector<16xf32>
      %add3A_2785 = arith.addf %add3A_2542, %mul3A_2784 : vector<16xf32>
      %mul3A_2786 = arith.mulf %max3A_2781, %max3A_2638 : vector<16xf32>
      %add3A_2787 = arith.addf %add3A_2544, %mul3A_2786 : vector<16xf32>
      %mul3A_2788 = arith.mulf %max3A_2781, %max3A_2648 : vector<16xf32>
      %add3A_2789 = arith.addf %add3A_2546, %mul3A_2788 : vector<16xf32>
      %mul3A_2790 = arith.mulf %max3A_2781, %max3A_2658 : vector<16xf32>
      %add3A_2791 = arith.addf %add3A_2548, %mul3A_2790 : vector<16xf32>
      %add3A_2792 = arith.constant 11 : i32
      %add3A_2793 = vector.broadcast %add3A_2792 : i32 to vector<16xi32>
      %add3A_2794 = arith.addi %mul3A_124, %add3A_2793 : vector<16xi32>
      %gather3A_2795 = tpu.vector_load_idx %arg9[%add3A_2794] : memref<15000xi32, #tpu.memory_space<vmem>>[vector<16xi32>], vector<16xi32>,
      %broadcast_in_dim3A_2796 = arith.constant 0.000000e+00 : f32
      %broadcast_in_dim3A_2797 = vector.broadcast %broadcast_in_dim3A_2796 : f32 to vector<16xf32>
      %add3A_2798 = arith.constant 0 : i32
      %add3A_2799 = vector.broadcast %add3A_2798 : i32 to vector<16xi32>
      %add3A_2800 = arith.addi %gather3A_2795, %add3A_2799 : vector<16xi32>
      %gather3A_2801 = tpu.vector_load_idx %arg7[%add3A_2800] : memref<3000xf32, #tpu.memory_space<vmem>>[vector<16xi32>], vector<16xf32>,
      %sub3A_2802 = arith.subf %gather3A_2801, %gather3A : vector<16xf32>
      %mul3A_2803 = arith.mulf %sub3A_2802, %sub3A_2802 : vector<16xf32>
      %add3A_2804 = arith.addf %broadcast_in_dim3A_2797, %mul3A_2803 : vector<16xf32>
      %add3A_2805 = arith.constant 1000 : i32
      %add3A_2806 = vector.broadcast %add3A_2805 : i32 to vector<16xi32>
      %add3A_2807 = arith.addi %gather3A_2795, %add3A_2806 : vector<16xi32>
      %gather3A_2808 = tpu.vector_load_idx %arg7[%add3A_2807] : memref<3000xf32, #tpu.memory_space<vmem>>[vector<16xi32>], vector<16xf32>,
      %sub3A_2809 = arith.subf %gather3A_2808, %gather3A_20 : vector<16xf32>
      %mul3A_2810 = arith.mulf %sub3A_2809, %sub3A_2809 : vector<16xf32>
      %add3A_2811 = arith.addf %add3A_2804, %mul3A_2810 : vector<16xf32>
      %add3A_2812 = arith.constant 2000 : i32
      %add3A_2813 = vector.broadcast %add3A_2812 : i32 to vector<16xi32>
      %add3A_2814 = arith.addi %gather3A_2795, %add3A_2813 : vector<16xi32>
      %gather3A_2815 = tpu.vector_load_idx %arg7[%add3A_2814] : memref<3000xf32, #tpu.memory_space<vmem>>[vector<16xi32>], vector<16xf32>,
      %sub3A_2816 = arith.subf %gather3A_2815, %gather3A_24 : vector<16xf32>
      %mul3A_2817 = arith.mulf %sub3A_2816, %sub3A_2816 : vector<16xf32>
      %add3A_2818 = arith.addf %add3A_2811, %mul3A_2817 : vector<16xf32>
      %add3A_2819 = arith.constant 9.99999993E-9 : f32
      %add3A_2820 = vector.broadcast %add3A_2819 : f32 to vector<16xf32>
      %add3A_2821 = arith.addf %add3A_2818, %add3A_2820 : vector<16xf32>
      %bitcast_convert_type3A_2822 = tpu.bitcast %add3A_2821 : vector<16xf32> -> vector<16xi32>
      %shift_right_arithmetic3A_2823 = arith.constant 1 : i32
      %shift_right_arithmetic3A_2824 = vector.broadcast %shift_right_arithmetic3A_2823 : i32 to vector<16xi32>
      %shift_right_arithmetic3A_2825 = arith.shrsi %bitcast_convert_type3A_2822, %shift_right_arithmetic3A_2824 : vector<16xi32>
      %add3A_2826 = arith.constant 532487669 : i32
      %add3A_2827 = vector.broadcast %add3A_2826 : i32 to vector<16xi32>
      %add3A_2828 = arith.addi %shift_right_arithmetic3A_2825, %add3A_2827 : vector<16xi32>
      %bitcast_convert_type3A_2829 = tpu.bitcast %add3A_2828 : vector<16xi32> -> vector<16xf32>
      %div3A_2830 = arith.divf %add3A_2821, %bitcast_convert_type3A_2829 : vector<16xf32>
      %add3A_2831 = arith.addf %bitcast_convert_type3A_2829, %div3A_2830 : vector<16xf32>
      %mul3A_2832 = arith.constant 5.000000e-01 : f32
      %mul3A_2833 = vector.broadcast %mul3A_2832 : f32 to vector<16xf32>
      %mul3A_2834 = arith.mulf %mul3A_2833, %add3A_2831 : vector<16xf32>
      %div3A_2835 = arith.divf %add3A_2821, %mul3A_2834 : vector<16xf32>
      %add3A_2836 = arith.addf %mul3A_2834, %div3A_2835 : vector<16xf32>
      %mul3A_2837 = arith.constant 5.000000e-01 : f32
      %mul3A_2838 = vector.broadcast %mul3A_2837 : f32 to vector<16xf32>
      %mul3A_2839 = arith.mulf %mul3A_2838, %add3A_2836 : vector<16xf32>
      %div3A_2840 = arith.divf %add3A_2821, %mul3A_2839 : vector<16xf32>
      %add3A_2841 = arith.addf %mul3A_2839, %div3A_2840 : vector<16xf32>
      %mul3A_2842 = arith.constant 5.000000e-01 : f32
      %mul3A_2843 = vector.broadcast %mul3A_2842 : f32 to vector<16xf32>
      %mul3A_2844 = arith.mulf %mul3A_2843, %add3A_2841 : vector<16xf32>
      %add3A_2845 = arith.constant 9.99999993E-9 : f32
      %add3A_2846 = vector.broadcast %add3A_2845 : f32 to vector<16xf32>
      %add3A_2847 = arith.addf %mul3A_2844, %add3A_2846 : vector<16xf32>
      %div3A_2848 = arith.constant 1.000000e+00 : f32
      %div3A_2849 = vector.broadcast %div3A_2848 : f32 to vector<16xf32>
      %div3A_2850 = arith.divf %div3A_2849, %add3A_2847 : vector<16xf32>
      %mul3A_2851 = arith.mulf %mul3A_2844, %get3A_1 : vector<16xf32>
      %sub3A_2852 = arith.constant 0.000000e+00 : f32
      %sub3A_2853 = vector.broadcast %sub3A_2852 : f32 to vector<16xf32>
      %sub3A_2854 = arith.subf %mul3A_2851, %sub3A_2853 : vector<16xf32>
      %abs3A_2855 = math.absf %sub3A_2854 : vector<16xf32>
      %sub3A_2856 = arith.constant 1.000000e+00 : f32
      %sub3A_2857 = vector.broadcast %sub3A_2856 : f32 to vector<16xf32>
      %sub3A_2858 = arith.subf %sub3A_2857, %abs3A_2855 : vector<16xf32>
      %max3A_2859 = arith.constant 0.000000e+00 : f32
      %max3A_2860 = vector.broadcast %max3A_2859 : f32 to vector<16xf32>
      %max3A_2861 = arith.maximumf %sub3A_2858, %max3A_2860 : vector<16xf32>
      %sub3A_2862 = arith.constant 1.000000e+00 : f32
      %sub3A_2863 = vector.broadcast %sub3A_2862 : f32 to vector<16xf32>
      %sub3A_2864 = arith.subf %mul3A_2851, %sub3A_2863 : vector<16xf32>
      %abs3A_2865 = math.absf %sub3A_2864 : vector<16xf32>
      %sub3A_2866 = arith.constant 1.000000e+00 : f32
      %sub3A_2867 = vector.broadcast %sub3A_2866 : f32 to vector<16xf32>
      %sub3A_2868 = arith.subf %sub3A_2867, %abs3A_2865 : vector<16xf32>
      %max3A_2869 = arith.constant 0.000000e+00 : f32
      %max3A_2870 = vector.broadcast %max3A_2869 : f32 to vector<16xf32>
      %max3A_2871 = arith.maximumf %sub3A_2868, %max3A_2870 : vector<16xf32>
      %sub3A_2872 = arith.constant 2.000000e+00 : f32
      %sub3A_2873 = vector.broadcast %sub3A_2872 : f32 to vector<16xf32>
      %sub3A_2874 = arith.subf %mul3A_2851, %sub3A_2873 : vector<16xf32>
      %abs3A_2875 = math.absf %sub3A_2874 : vector<16xf32>
      %sub3A_2876 = arith.constant 1.000000e+00 : f32
      %sub3A_2877 = vector.broadcast %sub3A_2876 : f32 to vector<16xf32>
      %sub3A_2878 = arith.subf %sub3A_2877, %abs3A_2875 : vector<16xf32>
      %max3A_2879 = arith.constant 0.000000e+00 : f32
      %max3A_2880 = vector.broadcast %max3A_2879 : f32 to vector<16xf32>
      %max3A_2881 = arith.maximumf %sub3A_2878, %max3A_2880 : vector<16xf32>
      %sub3A_2882 = arith.constant 3.000000e+00 : f32
      %sub3A_2883 = vector.broadcast %sub3A_2882 : f32 to vector<16xf32>
      %sub3A_2884 = arith.subf %mul3A_2851, %sub3A_2883 : vector<16xf32>
      %abs3A_2885 = math.absf %sub3A_2884 : vector<16xf32>
      %sub3A_2886 = arith.constant 1.000000e+00 : f32
      %sub3A_2887 = vector.broadcast %sub3A_2886 : f32 to vector<16xf32>
      %sub3A_2888 = arith.subf %sub3A_2887, %abs3A_2885 : vector<16xf32>
      %max3A_2889 = arith.constant 0.000000e+00 : f32
      %max3A_2890 = vector.broadcast %max3A_2889 : f32 to vector<16xf32>
      %max3A_2891 = arith.maximumf %sub3A_2888, %max3A_2890 : vector<16xf32>
      %sub3A_2892 = arith.constant 4.000000e+00 : f32
      %sub3A_2893 = vector.broadcast %sub3A_2892 : f32 to vector<16xf32>
      %sub3A_2894 = arith.subf %mul3A_2851, %sub3A_2893 : vector<16xf32>
      %abs3A_2895 = math.absf %sub3A_2894 : vector<16xf32>
      %sub3A_2896 = arith.constant 1.000000e+00 : f32
      %sub3A_2897 = vector.broadcast %sub3A_2896 : f32 to vector<16xf32>
      %sub3A_2898 = arith.subf %sub3A_2897, %abs3A_2895 : vector<16xf32>
      %max3A_2899 = arith.constant 0.000000e+00 : f32
      %max3A_2900 = vector.broadcast %max3A_2899 : f32 to vector<16xf32>
      %max3A_2901 = arith.maximumf %sub3A_2898, %max3A_2900 : vector<16xf32>
      %add3A_2902 = arith.constant 0 : i32
      %add3A_2903 = vector.broadcast %add3A_2902 : i32 to vector<16xi32>
      %add3A_2904 = arith.addi %gather3A_2795, %add3A_2903 : vector<16xi32>
      %gather3A_2905 = tpu.vector_load_idx %arg8[%add3A_2904] : memref<7000xf32, #tpu.memory_space<vmem>>[vector<16xi32>], vector<16xf32>,
      %sub3A_2906 = arith.subf %gather3A_2905, %gather3A_28 : vector<16xf32>
      %mul3A_2907 = arith.mulf %sub3A_2906, %div3A_2850 : vector<16xf32>
      %max3A_2908 = arith.constant 0.000000e+00 : f32
      %max3A_2909 = vector.broadcast %max3A_2908 : f32 to vector<16xf32>
      %max3A_2910 = arith.maximumf %mul3A_2907, %max3A_2909 : vector<16xf32>
      %mul3A_2911 = arith.mulf %max3A_2910, %max3A_2861 : vector<16xf32>
      %add3A_2912 = arith.addf %add3A_2669, %mul3A_2911 : vector<16xf32>
      %mul3A_2913 = arith.mulf %max3A_2910, %max3A_2871 : vector<16xf32>
      %add3A_2914 = arith.addf %add3A_2671, %mul3A_2913 : vector<16xf32>
      %mul3A_2915 = arith.mulf %max3A_2910, %max3A_2881 : vector<16xf32>
      %add3A_2916 = arith.addf %add3A_2673, %mul3A_2915 : vector<16xf32>
      %mul3A_2917 = arith.mulf %max3A_2910, %max3A_2891 : vector<16xf32>
      %add3A_2918 = arith.addf %add3A_2675, %mul3A_2917 : vector<16xf32>
      %mul3A_2919 = arith.mulf %max3A_2910, %max3A_2901 : vector<16xf32>
      %add3A_2920 = arith.addf %add3A_2677, %mul3A_2919 : vector<16xf32>
      %add3A_2921 = arith.constant 1000 : i32
      %add3A_2922 = vector.broadcast %add3A_2921 : i32 to vector<16xi32>
      %add3A_2923 = arith.addi %gather3A_2795, %add3A_2922 : vector<16xi32>
      %gather3A_2924 = tpu.vector_load_idx %arg8[%add3A_2923] : memref<7000xf32, #tpu.memory_space<vmem>>[vector<16xi32>], vector<16xf32>,
      %sub3A_2925 = arith.subf %gather3A_2924, %gather3A_32 : vector<16xf32>
      %mul3A_2926 = arith.mulf %sub3A_2925, %div3A_2850 : vector<16xf32>
      %max3A_2927 = arith.constant 0.000000e+00 : f32
      %max3A_2928 = vector.broadcast %max3A_2927 : f32 to vector<16xf32>
      %max3A_2929 = arith.maximumf %mul3A_2926, %max3A_2928 : vector<16xf32>
      %mul3A_2930 = arith.mulf %max3A_2929, %max3A_2861 : vector<16xf32>
      %add3A_2931 = arith.addf %add3A_2688, %mul3A_2930 : vector<16xf32>
      %mul3A_2932 = arith.mulf %max3A_2929, %max3A_2871 : vector<16xf32>
      %add3A_2933 = arith.addf %add3A_2690, %mul3A_2932 : vector<16xf32>
      %mul3A_2934 = arith.mulf %max3A_2929, %max3A_2881 : vector<16xf32>
      %add3A_2935 = arith.addf %add3A_2692, %mul3A_2934 : vector<16xf32>
      %mul3A_2936 = arith.mulf %max3A_2929, %max3A_2891 : vector<16xf32>
      %add3A_2937 = arith.addf %add3A_2694, %mul3A_2936 : vector<16xf32>
      %mul3A_2938 = arith.mulf %max3A_2929, %max3A_2901 : vector<16xf32>
      %add3A_2939 = arith.addf %add3A_2696, %mul3A_2938 : vector<16xf32>
      %add3A_2940 = arith.constant 2000 : i32
      %add3A_2941 = vector.broadcast %add3A_2940 : i32 to vector<16xi32>
      %add3A_2942 = arith.addi %gather3A_2795, %add3A_2941 : vector<16xi32>
      %gather3A_2943 = tpu.vector_load_idx %arg8[%add3A_2942] : memref<7000xf32, #tpu.memory_space<vmem>>[vector<16xi32>], vector<16xf32>,
      %sub3A_2944 = arith.subf %gather3A_2943, %gather3A_36 : vector<16xf32>
      %mul3A_2945 = arith.mulf %sub3A_2944, %div3A_2850 : vector<16xf32>
      %max3A_2946 = arith.constant 0.000000e+00 : f32
      %max3A_2947 = vector.broadcast %max3A_2946 : f32 to vector<16xf32>
      %max3A_2948 = arith.maximumf %mul3A_2945, %max3A_2947 : vector<16xf32>
      %mul3A_2949 = arith.mulf %max3A_2948, %max3A_2861 : vector<16xf32>
      %add3A_2950 = arith.addf %add3A_2707, %mul3A_2949 : vector<16xf32>
      %mul3A_2951 = arith.mulf %max3A_2948, %max3A_2871 : vector<16xf32>
      %add3A_2952 = arith.addf %add3A_2709, %mul3A_2951 : vector<16xf32>
      %mul3A_2953 = arith.mulf %max3A_2948, %max3A_2881 : vector<16xf32>
      %add3A_2954 = arith.addf %add3A_2711, %mul3A_2953 : vector<16xf32>
      %mul3A_2955 = arith.mulf %max3A_2948, %max3A_2891 : vector<16xf32>
      %add3A_2956 = arith.addf %add3A_2713, %mul3A_2955 : vector<16xf32>
      %mul3A_2957 = arith.mulf %max3A_2948, %max3A_2901 : vector<16xf32>
      %add3A_2958 = arith.addf %add3A_2715, %mul3A_2957 : vector<16xf32>
      %add3A_2959 = arith.constant 3000 : i32
      %add3A_2960 = vector.broadcast %add3A_2959 : i32 to vector<16xi32>
      %add3A_2961 = arith.addi %gather3A_2795, %add3A_2960 : vector<16xi32>
      %gather3A_2962 = tpu.vector_load_idx %arg8[%add3A_2961] : memref<7000xf32, #tpu.memory_space<vmem>>[vector<16xi32>], vector<16xf32>,
      %sub3A_2963 = arith.subf %gather3A_2962, %gather3A_40 : vector<16xf32>
      %mul3A_2964 = arith.mulf %sub3A_2963, %div3A_2850 : vector<16xf32>
      %max3A_2965 = arith.constant 0.000000e+00 : f32
      %max3A_2966 = vector.broadcast %max3A_2965 : f32 to vector<16xf32>
      %max3A_2967 = arith.maximumf %mul3A_2964, %max3A_2966 : vector<16xf32>
      %mul3A_2968 = arith.mulf %max3A_2967, %max3A_2861 : vector<16xf32>
      %add3A_2969 = arith.addf %add3A_2726, %mul3A_2968 : vector<16xf32>
      %mul3A_2970 = arith.mulf %max3A_2967, %max3A_2871 : vector<16xf32>
      %add3A_2971 = arith.addf %add3A_2728, %mul3A_2970 : vector<16xf32>
      %mul3A_2972 = arith.mulf %max3A_2967, %max3A_2881 : vector<16xf32>
      %add3A_2973 = arith.addf %add3A_2730, %mul3A_2972 : vector<16xf32>
      %mul3A_2974 = arith.mulf %max3A_2967, %max3A_2891 : vector<16xf32>
      %add3A_2975 = arith.addf %add3A_2732, %mul3A_2974 : vector<16xf32>
      %mul3A_2976 = arith.mulf %max3A_2967, %max3A_2901 : vector<16xf32>
      %add3A_2977 = arith.addf %add3A_2734, %mul3A_2976 : vector<16xf32>
      %add3A_2978 = arith.constant 4000 : i32
      %add3A_2979 = vector.broadcast %add3A_2978 : i32 to vector<16xi32>
      %add3A_2980 = arith.addi %gather3A_2795, %add3A_2979 : vector<16xi32>
      %gather3A_2981 = tpu.vector_load_idx %arg8[%add3A_2980] : memref<7000xf32, #tpu.memory_space<vmem>>[vector<16xi32>], vector<16xf32>,
      %sub3A_2982 = arith.subf %gather3A_2981, %gather3A_44 : vector<16xf32>
      %mul3A_2983 = arith.mulf %sub3A_2982, %div3A_2850 : vector<16xf32>
      %max3A_2984 = arith.constant 0.000000e+00 : f32
      %max3A_2985 = vector.broadcast %max3A_2984 : f32 to vector<16xf32>
      %max3A_2986 = arith.maximumf %mul3A_2983, %max3A_2985 : vector<16xf32>
      %mul3A_2987 = arith.mulf %max3A_2986, %max3A_2861 : vector<16xf32>
      %add3A_2988 = arith.addf %add3A_2745, %mul3A_2987 : vector<16xf32>
      %mul3A_2989 = arith.mulf %max3A_2986, %max3A_2871 : vector<16xf32>
      %add3A_2990 = arith.addf %add3A_2747, %mul3A_2989 : vector<16xf32>
      %mul3A_2991 = arith.mulf %max3A_2986, %max3A_2881 : vector<16xf32>
      %add3A_2992 = arith.addf %add3A_2749, %mul3A_2991 : vector<16xf32>
      %mul3A_2993 = arith.mulf %max3A_2986, %max3A_2891 : vector<16xf32>
      %add3A_2994 = arith.addf %add3A_2751, %mul3A_2993 : vector<16xf32>
      %mul3A_2995 = arith.mulf %max3A_2986, %max3A_2901 : vector<16xf32>
      %add3A_2996 = arith.addf %add3A_2753, %mul3A_2995 : vector<16xf32>
      %add3A_2997 = arith.constant 5000 : i32
      %add3A_2998 = vector.broadcast %add3A_2997 : i32 to vector<16xi32>
      %add3A_2999 = arith.addi %gather3A_2795, %add3A_2998 : vector<16xi32>
      %gather3A_3000 = tpu.vector_load_idx %arg8[%add3A_2999] : memref<7000xf32, #tpu.memory_space<vmem>>[vector<16xi32>], vector<16xf32>,
      %sub3A_3001 = arith.subf %gather3A_3000, %gather3A_48 : vector<16xf32>
      %mul3A_3002 = arith.mulf %sub3A_3001, %div3A_2850 : vector<16xf32>
      %max3A_3003 = arith.constant 0.000000e+00 : f32
      %max3A_3004 = vector.broadcast %max3A_3003 : f32 to vector<16xf32>
      %max3A_3005 = arith.maximumf %mul3A_3002, %max3A_3004 : vector<16xf32>
      %mul3A_3006 = arith.mulf %max3A_3005, %max3A_2861 : vector<16xf32>
      %add3A_3007 = arith.addf %add3A_2764, %mul3A_3006 : vector<16xf32>
      %mul3A_3008 = arith.mulf %max3A_3005, %max3A_2871 : vector<16xf32>
      %add3A_3009 = arith.addf %add3A_2766, %mul3A_3008 : vector<16xf32>
      %mul3A_3010 = arith.mulf %max3A_3005, %max3A_2881 : vector<16xf32>
      %add3A_3011 = arith.addf %add3A_2768, %mul3A_3010 : vector<16xf32>
      %mul3A_3012 = arith.mulf %max3A_3005, %max3A_2891 : vector<16xf32>
      %add3A_3013 = arith.addf %add3A_2770, %mul3A_3012 : vector<16xf32>
      %mul3A_3014 = arith.mulf %max3A_3005, %max3A_2901 : vector<16xf32>
      %add3A_3015 = arith.addf %add3A_2772, %mul3A_3014 : vector<16xf32>
      %add3A_3016 = arith.constant 6000 : i32
      %add3A_3017 = vector.broadcast %add3A_3016 : i32 to vector<16xi32>
      %add3A_3018 = arith.addi %gather3A_2795, %add3A_3017 : vector<16xi32>
      %gather3A_3019 = tpu.vector_load_idx %arg8[%add3A_3018] : memref<7000xf32, #tpu.memory_space<vmem>>[vector<16xi32>], vector<16xf32>,
      %sub3A_3020 = arith.subf %gather3A_3019, %gather3A_52 : vector<16xf32>
      %mul3A_3021 = arith.mulf %sub3A_3020, %div3A_2850 : vector<16xf32>
      %max3A_3022 = arith.constant 0.000000e+00 : f32
      %max3A_3023 = vector.broadcast %max3A_3022 : f32 to vector<16xf32>
      %max3A_3024 = arith.maximumf %mul3A_3021, %max3A_3023 : vector<16xf32>
      %mul3A_3025 = arith.mulf %max3A_3024, %max3A_2861 : vector<16xf32>
      %add3A_3026 = arith.addf %add3A_2783, %mul3A_3025 : vector<16xf32>
      %mul3A_3027 = arith.mulf %max3A_3024, %max3A_2871 : vector<16xf32>
      %add3A_3028 = arith.addf %add3A_2785, %mul3A_3027 : vector<16xf32>
      %mul3A_3029 = arith.mulf %max3A_3024, %max3A_2881 : vector<16xf32>
      %add3A_3030 = arith.addf %add3A_2787, %mul3A_3029 : vector<16xf32>
      %mul3A_3031 = arith.mulf %max3A_3024, %max3A_2891 : vector<16xf32>
      %add3A_3032 = arith.addf %add3A_2789, %mul3A_3031 : vector<16xf32>
      %mul3A_3033 = arith.mulf %max3A_3024, %max3A_2901 : vector<16xf32>
      %add3A_3034 = arith.addf %add3A_2791, %mul3A_3033 : vector<16xf32>
      %add3A_3035 = arith.constant 12 : i32
      %add3A_3036 = vector.broadcast %add3A_3035 : i32 to vector<16xi32>
      %add3A_3037 = arith.addi %mul3A_124, %add3A_3036 : vector<16xi32>
      %gather3A_3038 = tpu.vector_load_idx %arg9[%add3A_3037] : memref<15000xi32, #tpu.memory_space<vmem>>[vector<16xi32>], vector<16xi32>,
      %broadcast_in_dim3A_3039 = arith.constant 0.000000e+00 : f32
      %broadcast_in_dim3A_3040 = vector.broadcast %broadcast_in_dim3A_3039 : f32 to vector<16xf32>
      %add3A_3041 = arith.constant 0 : i32
      %add3A_3042 = vector.broadcast %add3A_3041 : i32 to vector<16xi32>
      %add3A_3043 = arith.addi %gather3A_3038, %add3A_3042 : vector<16xi32>
      %gather3A_3044 = tpu.vector_load_idx %arg7[%add3A_3043] : memref<3000xf32, #tpu.memory_space<vmem>>[vector<16xi32>], vector<16xf32>,
      %sub3A_3045 = arith.subf %gather3A_3044, %gather3A : vector<16xf32>
      %mul3A_3046 = arith.mulf %sub3A_3045, %sub3A_3045 : vector<16xf32>
      %add3A_3047 = arith.addf %broadcast_in_dim3A_3040, %mul3A_3046 : vector<16xf32>
      %add3A_3048 = arith.constant 1000 : i32
      %add3A_3049 = vector.broadcast %add3A_3048 : i32 to vector<16xi32>
      %add3A_3050 = arith.addi %gather3A_3038, %add3A_3049 : vector<16xi32>
      %gather3A_3051 = tpu.vector_load_idx %arg7[%add3A_3050] : memref<3000xf32, #tpu.memory_space<vmem>>[vector<16xi32>], vector<16xf32>,
      %sub3A_3052 = arith.subf %gather3A_3051, %gather3A_20 : vector<16xf32>
      %mul3A_3053 = arith.mulf %sub3A_3052, %sub3A_3052 : vector<16xf32>
      %add3A_3054 = arith.addf %add3A_3047, %mul3A_3053 : vector<16xf32>
      %add3A_3055 = arith.constant 2000 : i32
      %add3A_3056 = vector.broadcast %add3A_3055 : i32 to vector<16xi32>
      %add3A_3057 = arith.addi %gather3A_3038, %add3A_3056 : vector<16xi32>
      %gather3A_3058 = tpu.vector_load_idx %arg7[%add3A_3057] : memref<3000xf32, #tpu.memory_space<vmem>>[vector<16xi32>], vector<16xf32>,
      %sub3A_3059 = arith.subf %gather3A_3058, %gather3A_24 : vector<16xf32>
      %mul3A_3060 = arith.mulf %sub3A_3059, %sub3A_3059 : vector<16xf32>
      %add3A_3061 = arith.addf %add3A_3054, %mul3A_3060 : vector<16xf32>
      %add3A_3062 = arith.constant 9.99999993E-9 : f32
      %add3A_3063 = vector.broadcast %add3A_3062 : f32 to vector<16xf32>
      %add3A_3064 = arith.addf %add3A_3061, %add3A_3063 : vector<16xf32>
      %bitcast_convert_type3A_3065 = tpu.bitcast %add3A_3064 : vector<16xf32> -> vector<16xi32>
      %shift_right_arithmetic3A_3066 = arith.constant 1 : i32
      %shift_right_arithmetic3A_3067 = vector.broadcast %shift_right_arithmetic3A_3066 : i32 to vector<16xi32>
      %shift_right_arithmetic3A_3068 = arith.shrsi %bitcast_convert_type3A_3065, %shift_right_arithmetic3A_3067 : vector<16xi32>
      %add3A_3069 = arith.constant 532487669 : i32
      %add3A_3070 = vector.broadcast %add3A_3069 : i32 to vector<16xi32>
      %add3A_3071 = arith.addi %shift_right_arithmetic3A_3068, %add3A_3070 : vector<16xi32>
      %bitcast_convert_type3A_3072 = tpu.bitcast %add3A_3071 : vector<16xi32> -> vector<16xf32>
      %div3A_3073 = arith.divf %add3A_3064, %bitcast_convert_type3A_3072 : vector<16xf32>
      %add3A_3074 = arith.addf %bitcast_convert_type3A_3072, %div3A_3073 : vector<16xf32>
      %mul3A_3075 = arith.constant 5.000000e-01 : f32
      %mul3A_3076 = vector.broadcast %mul3A_3075 : f32 to vector<16xf32>
      %mul3A_3077 = arith.mulf %mul3A_3076, %add3A_3074 : vector<16xf32>
      %div3A_3078 = arith.divf %add3A_3064, %mul3A_3077 : vector<16xf32>
      %add3A_3079 = arith.addf %mul3A_3077, %div3A_3078 : vector<16xf32>
      %mul3A_3080 = arith.constant 5.000000e-01 : f32
      %mul3A_3081 = vector.broadcast %mul3A_3080 : f32 to vector<16xf32>
      %mul3A_3082 = arith.mulf %mul3A_3081, %add3A_3079 : vector<16xf32>
      %div3A_3083 = arith.divf %add3A_3064, %mul3A_3082 : vector<16xf32>
      %add3A_3084 = arith.addf %mul3A_3082, %div3A_3083 : vector<16xf32>
      %mul3A_3085 = arith.constant 5.000000e-01 : f32
      %mul3A_3086 = vector.broadcast %mul3A_3085 : f32 to vector<16xf32>
      %mul3A_3087 = arith.mulf %mul3A_3086, %add3A_3084 : vector<16xf32>
      %add3A_3088 = arith.constant 9.99999993E-9 : f32
      %add3A_3089 = vector.broadcast %add3A_3088 : f32 to vector<16xf32>
      %add3A_3090 = arith.addf %mul3A_3087, %add3A_3089 : vector<16xf32>
      %div3A_3091 = arith.constant 1.000000e+00 : f32
      %div3A_3092 = vector.broadcast %div3A_3091 : f32 to vector<16xf32>
      %div3A_3093 = arith.divf %div3A_3092, %add3A_3090 : vector<16xf32>
      %mul3A_3094 = arith.mulf %mul3A_3087, %get3A_1 : vector<16xf32>
      %sub3A_3095 = arith.constant 0.000000e+00 : f32
      %sub3A_3096 = vector.broadcast %sub3A_3095 : f32 to vector<16xf32>
      %sub3A_3097 = arith.subf %mul3A_3094, %sub3A_3096 : vector<16xf32>
      %abs3A_3098 = math.absf %sub3A_3097 : vector<16xf32>
      %sub3A_3099 = arith.constant 1.000000e+00 : f32
      %sub3A_3100 = vector.broadcast %sub3A_3099 : f32 to vector<16xf32>
      %sub3A_3101 = arith.subf %sub3A_3100, %abs3A_3098 : vector<16xf32>
      %max3A_3102 = arith.constant 0.000000e+00 : f32
      %max3A_3103 = vector.broadcast %max3A_3102 : f32 to vector<16xf32>
      %max3A_3104 = arith.maximumf %sub3A_3101, %max3A_3103 : vector<16xf32>
      %sub3A_3105 = arith.constant 1.000000e+00 : f32
      %sub3A_3106 = vector.broadcast %sub3A_3105 : f32 to vector<16xf32>
      %sub3A_3107 = arith.subf %mul3A_3094, %sub3A_3106 : vector<16xf32>
      %abs3A_3108 = math.absf %sub3A_3107 : vector<16xf32>
      %sub3A_3109 = arith.constant 1.000000e+00 : f32
      %sub3A_3110 = vector.broadcast %sub3A_3109 : f32 to vector<16xf32>
      %sub3A_3111 = arith.subf %sub3A_3110, %abs3A_3108 : vector<16xf32>
      %max3A_3112 = arith.constant 0.000000e+00 : f32
      %max3A_3113 = vector.broadcast %max3A_3112 : f32 to vector<16xf32>
      %max3A_3114 = arith.maximumf %sub3A_3111, %max3A_3113 : vector<16xf32>
      %sub3A_3115 = arith.constant 2.000000e+00 : f32
      %sub3A_3116 = vector.broadcast %sub3A_3115 : f32 to vector<16xf32>
      %sub3A_3117 = arith.subf %mul3A_3094, %sub3A_3116 : vector<16xf32>
      %abs3A_3118 = math.absf %sub3A_3117 : vector<16xf32>
      %sub3A_3119 = arith.constant 1.000000e+00 : f32
      %sub3A_3120 = vector.broadcast %sub3A_3119 : f32 to vector<16xf32>
      %sub3A_3121 = arith.subf %sub3A_3120, %abs3A_3118 : vector<16xf32>
      %max3A_3122 = arith.constant 0.000000e+00 : f32
      %max3A_3123 = vector.broadcast %max3A_3122 : f32 to vector<16xf32>
      %max3A_3124 = arith.maximumf %sub3A_3121, %max3A_3123 : vector<16xf32>
      %sub3A_3125 = arith.constant 3.000000e+00 : f32
      %sub3A_3126 = vector.broadcast %sub3A_3125 : f32 to vector<16xf32>
      %sub3A_3127 = arith.subf %mul3A_3094, %sub3A_3126 : vector<16xf32>
      %abs3A_3128 = math.absf %sub3A_3127 : vector<16xf32>
      %sub3A_3129 = arith.constant 1.000000e+00 : f32
      %sub3A_3130 = vector.broadcast %sub3A_3129 : f32 to vector<16xf32>
      %sub3A_3131 = arith.subf %sub3A_3130, %abs3A_3128 : vector<16xf32>
      %max3A_3132 = arith.constant 0.000000e+00 : f32
      %max3A_3133 = vector.broadcast %max3A_3132 : f32 to vector<16xf32>
      %max3A_3134 = arith.maximumf %sub3A_3131, %max3A_3133 : vector<16xf32>
      %sub3A_3135 = arith.constant 4.000000e+00 : f32
      %sub3A_3136 = vector.broadcast %sub3A_3135 : f32 to vector<16xf32>
      %sub3A_3137 = arith.subf %mul3A_3094, %sub3A_3136 : vector<16xf32>
      %abs3A_3138 = math.absf %sub3A_3137 : vector<16xf32>
      %sub3A_3139 = arith.constant 1.000000e+00 : f32
      %sub3A_3140 = vector.broadcast %sub3A_3139 : f32 to vector<16xf32>
      %sub3A_3141 = arith.subf %sub3A_3140, %abs3A_3138 : vector<16xf32>
      %max3A_3142 = arith.constant 0.000000e+00 : f32
      %max3A_3143 = vector.broadcast %max3A_3142 : f32 to vector<16xf32>
      %max3A_3144 = arith.maximumf %sub3A_3141, %max3A_3143 : vector<16xf32>
      %add3A_3145 = arith.constant 0 : i32
      %add3A_3146 = vector.broadcast %add3A_3145 : i32 to vector<16xi32>
      %add3A_3147 = arith.addi %gather3A_3038, %add3A_3146 : vector<16xi32>
      %gather3A_3148 = tpu.vector_load_idx %arg8[%add3A_3147] : memref<7000xf32, #tpu.memory_space<vmem>>[vector<16xi32>], vector<16xf32>,
      %sub3A_3149 = arith.subf %gather3A_3148, %gather3A_28 : vector<16xf32>
      %mul3A_3150 = arith.mulf %sub3A_3149, %div3A_3093 : vector<16xf32>
      %max3A_3151 = arith.constant 0.000000e+00 : f32
      %max3A_3152 = vector.broadcast %max3A_3151 : f32 to vector<16xf32>
      %max3A_3153 = arith.maximumf %mul3A_3150, %max3A_3152 : vector<16xf32>
      %mul3A_3154 = arith.mulf %max3A_3153, %max3A_3104 : vector<16xf32>
      %add3A_3155 = arith.addf %add3A_2912, %mul3A_3154 : vector<16xf32>
      %mul3A_3156 = arith.mulf %max3A_3153, %max3A_3114 : vector<16xf32>
      %add3A_3157 = arith.addf %add3A_2914, %mul3A_3156 : vector<16xf32>
      %mul3A_3158 = arith.mulf %max3A_3153, %max3A_3124 : vector<16xf32>
      %add3A_3159 = arith.addf %add3A_2916, %mul3A_3158 : vector<16xf32>
      %mul3A_3160 = arith.mulf %max3A_3153, %max3A_3134 : vector<16xf32>
      %add3A_3161 = arith.addf %add3A_2918, %mul3A_3160 : vector<16xf32>
      %mul3A_3162 = arith.mulf %max3A_3153, %max3A_3144 : vector<16xf32>
      %add3A_3163 = arith.addf %add3A_2920, %mul3A_3162 : vector<16xf32>
      %add3A_3164 = arith.constant 1000 : i32
      %add3A_3165 = vector.broadcast %add3A_3164 : i32 to vector<16xi32>
      %add3A_3166 = arith.addi %gather3A_3038, %add3A_3165 : vector<16xi32>
      %gather3A_3167 = tpu.vector_load_idx %arg8[%add3A_3166] : memref<7000xf32, #tpu.memory_space<vmem>>[vector<16xi32>], vector<16xf32>,
      %sub3A_3168 = arith.subf %gather3A_3167, %gather3A_32 : vector<16xf32>
      %mul3A_3169 = arith.mulf %sub3A_3168, %div3A_3093 : vector<16xf32>
      %max3A_3170 = arith.constant 0.000000e+00 : f32
      %max3A_3171 = vector.broadcast %max3A_3170 : f32 to vector<16xf32>
      %max3A_3172 = arith.maximumf %mul3A_3169, %max3A_3171 : vector<16xf32>
      %mul3A_3173 = arith.mulf %max3A_3172, %max3A_3104 : vector<16xf32>
      %add3A_3174 = arith.addf %add3A_2931, %mul3A_3173 : vector<16xf32>
      %mul3A_3175 = arith.mulf %max3A_3172, %max3A_3114 : vector<16xf32>
      %add3A_3176 = arith.addf %add3A_2933, %mul3A_3175 : vector<16xf32>
      %mul3A_3177 = arith.mulf %max3A_3172, %max3A_3124 : vector<16xf32>
      %add3A_3178 = arith.addf %add3A_2935, %mul3A_3177 : vector<16xf32>
      %mul3A_3179 = arith.mulf %max3A_3172, %max3A_3134 : vector<16xf32>
      %add3A_3180 = arith.addf %add3A_2937, %mul3A_3179 : vector<16xf32>
      %mul3A_3181 = arith.mulf %max3A_3172, %max3A_3144 : vector<16xf32>
      %add3A_3182 = arith.addf %add3A_2939, %mul3A_3181 : vector<16xf32>
      %add3A_3183 = arith.constant 2000 : i32
      %add3A_3184 = vector.broadcast %add3A_3183 : i32 to vector<16xi32>
      %add3A_3185 = arith.addi %gather3A_3038, %add3A_3184 : vector<16xi32>
      %gather3A_3186 = tpu.vector_load_idx %arg8[%add3A_3185] : memref<7000xf32, #tpu.memory_space<vmem>>[vector<16xi32>], vector<16xf32>,
      %sub3A_3187 = arith.subf %gather3A_3186, %gather3A_36 : vector<16xf32>
      %mul3A_3188 = arith.mulf %sub3A_3187, %div3A_3093 : vector<16xf32>
      %max3A_3189 = arith.constant 0.000000e+00 : f32
      %max3A_3190 = vector.broadcast %max3A_3189 : f32 to vector<16xf32>
      %max3A_3191 = arith.maximumf %mul3A_3188, %max3A_3190 : vector<16xf32>
      %mul3A_3192 = arith.mulf %max3A_3191, %max3A_3104 : vector<16xf32>
      %add3A_3193 = arith.addf %add3A_2950, %mul3A_3192 : vector<16xf32>
      %mul3A_3194 = arith.mulf %max3A_3191, %max3A_3114 : vector<16xf32>
      %add3A_3195 = arith.addf %add3A_2952, %mul3A_3194 : vector<16xf32>
      %mul3A_3196 = arith.mulf %max3A_3191, %max3A_3124 : vector<16xf32>
      %add3A_3197 = arith.addf %add3A_2954, %mul3A_3196 : vector<16xf32>
      %mul3A_3198 = arith.mulf %max3A_3191, %max3A_3134 : vector<16xf32>
      %add3A_3199 = arith.addf %add3A_2956, %mul3A_3198 : vector<16xf32>
      %mul3A_3200 = arith.mulf %max3A_3191, %max3A_3144 : vector<16xf32>
      %add3A_3201 = arith.addf %add3A_2958, %mul3A_3200 : vector<16xf32>
      %add3A_3202 = arith.constant 3000 : i32
      %add3A_3203 = vector.broadcast %add3A_3202 : i32 to vector<16xi32>
      %add3A_3204 = arith.addi %gather3A_3038, %add3A_3203 : vector<16xi32>
      %gather3A_3205 = tpu.vector_load_idx %arg8[%add3A_3204] : memref<7000xf32, #tpu.memory_space<vmem>>[vector<16xi32>], vector<16xf32>,
      %sub3A_3206 = arith.subf %gather3A_3205, %gather3A_40 : vector<16xf32>
      %mul3A_3207 = arith.mulf %sub3A_3206, %div3A_3093 : vector<16xf32>
      %max3A_3208 = arith.constant 0.000000e+00 : f32
      %max3A_3209 = vector.broadcast %max3A_3208 : f32 to vector<16xf32>
      %max3A_3210 = arith.maximumf %mul3A_3207, %max3A_3209 : vector<16xf32>
      %mul3A_3211 = arith.mulf %max3A_3210, %max3A_3104 : vector<16xf32>
      %add3A_3212 = arith.addf %add3A_2969, %mul3A_3211 : vector<16xf32>
      %mul3A_3213 = arith.mulf %max3A_3210, %max3A_3114 : vector<16xf32>
      %add3A_3214 = arith.addf %add3A_2971, %mul3A_3213 : vector<16xf32>
      %mul3A_3215 = arith.mulf %max3A_3210, %max3A_3124 : vector<16xf32>
      %add3A_3216 = arith.addf %add3A_2973, %mul3A_3215 : vector<16xf32>
      %mul3A_3217 = arith.mulf %max3A_3210, %max3A_3134 : vector<16xf32>
      %add3A_3218 = arith.addf %add3A_2975, %mul3A_3217 : vector<16xf32>
      %mul3A_3219 = arith.mulf %max3A_3210, %max3A_3144 : vector<16xf32>
      %add3A_3220 = arith.addf %add3A_2977, %mul3A_3219 : vector<16xf32>
      %add3A_3221 = arith.constant 4000 : i32
      %add3A_3222 = vector.broadcast %add3A_3221 : i32 to vector<16xi32>
      %add3A_3223 = arith.addi %gather3A_3038, %add3A_3222 : vector<16xi32>
      %gather3A_3224 = tpu.vector_load_idx %arg8[%add3A_3223] : memref<7000xf32, #tpu.memory_space<vmem>>[vector<16xi32>], vector<16xf32>,
      %sub3A_3225 = arith.subf %gather3A_3224, %gather3A_44 : vector<16xf32>
      %mul3A_3226 = arith.mulf %sub3A_3225, %div3A_3093 : vector<16xf32>
      %max3A_3227 = arith.constant 0.000000e+00 : f32
      %max3A_3228 = vector.broadcast %max3A_3227 : f32 to vector<16xf32>
      %max3A_3229 = arith.maximumf %mul3A_3226, %max3A_3228 : vector<16xf32>
      %mul3A_3230 = arith.mulf %max3A_3229, %max3A_3104 : vector<16xf32>
      %add3A_3231 = arith.addf %add3A_2988, %mul3A_3230 : vector<16xf32>
      %mul3A_3232 = arith.mulf %max3A_3229, %max3A_3114 : vector<16xf32>
      %add3A_3233 = arith.addf %add3A_2990, %mul3A_3232 : vector<16xf32>
      %mul3A_3234 = arith.mulf %max3A_3229, %max3A_3124 : vector<16xf32>
      %add3A_3235 = arith.addf %add3A_2992, %mul3A_3234 : vector<16xf32>
      %mul3A_3236 = arith.mulf %max3A_3229, %max3A_3134 : vector<16xf32>
      %add3A_3237 = arith.addf %add3A_2994, %mul3A_3236 : vector<16xf32>
      %mul3A_3238 = arith.mulf %max3A_3229, %max3A_3144 : vector<16xf32>
      %add3A_3239 = arith.addf %add3A_2996, %mul3A_3238 : vector<16xf32>
      %add3A_3240 = arith.constant 5000 : i32
      %add3A_3241 = vector.broadcast %add3A_3240 : i32 to vector<16xi32>
      %add3A_3242 = arith.addi %gather3A_3038, %add3A_3241 : vector<16xi32>
      %gather3A_3243 = tpu.vector_load_idx %arg8[%add3A_3242] : memref<7000xf32, #tpu.memory_space<vmem>>[vector<16xi32>], vector<16xf32>,
      %sub3A_3244 = arith.subf %gather3A_3243, %gather3A_48 : vector<16xf32>
      %mul3A_3245 = arith.mulf %sub3A_3244, %div3A_3093 : vector<16xf32>
      %max3A_3246 = arith.constant 0.000000e+00 : f32
      %max3A_3247 = vector.broadcast %max3A_3246 : f32 to vector<16xf32>
      %max3A_3248 = arith.maximumf %mul3A_3245, %max3A_3247 : vector<16xf32>
      %mul3A_3249 = arith.mulf %max3A_3248, %max3A_3104 : vector<16xf32>
      %add3A_3250 = arith.addf %add3A_3007, %mul3A_3249 : vector<16xf32>
      %mul3A_3251 = arith.mulf %max3A_3248, %max3A_3114 : vector<16xf32>
      %add3A_3252 = arith.addf %add3A_3009, %mul3A_3251 : vector<16xf32>
      %mul3A_3253 = arith.mulf %max3A_3248, %max3A_3124 : vector<16xf32>
      %add3A_3254 = arith.addf %add3A_3011, %mul3A_3253 : vector<16xf32>
      %mul3A_3255 = arith.mulf %max3A_3248, %max3A_3134 : vector<16xf32>
      %add3A_3256 = arith.addf %add3A_3013, %mul3A_3255 : vector<16xf32>
      %mul3A_3257 = arith.mulf %max3A_3248, %max3A_3144 : vector<16xf32>
      %add3A_3258 = arith.addf %add3A_3015, %mul3A_3257 : vector<16xf32>
      %add3A_3259 = arith.constant 6000 : i32
      %add3A_3260 = vector.broadcast %add3A_3259 : i32 to vector<16xi32>
      %add3A_3261 = arith.addi %gather3A_3038, %add3A_3260 : vector<16xi32>
      %gather3A_3262 = tpu.vector_load_idx %arg8[%add3A_3261] : memref<7000xf32, #tpu.memory_space<vmem>>[vector<16xi32>], vector<16xf32>,
      %sub3A_3263 = arith.subf %gather3A_3262, %gather3A_52 : vector<16xf32>
      %mul3A_3264 = arith.mulf %sub3A_3263, %div3A_3093 : vector<16xf32>
      %max3A_3265 = arith.constant 0.000000e+00 : f32
      %max3A_3266 = vector.broadcast %max3A_3265 : f32 to vector<16xf32>
      %max3A_3267 = arith.maximumf %mul3A_3264, %max3A_3266 : vector<16xf32>
      %mul3A_3268 = arith.mulf %max3A_3267, %max3A_3104 : vector<16xf32>
      %add3A_3269 = arith.addf %add3A_3026, %mul3A_3268 : vector<16xf32>
      %mul3A_3270 = arith.mulf %max3A_3267, %max3A_3114 : vector<16xf32>
      %add3A_3271 = arith.addf %add3A_3028, %mul3A_3270 : vector<16xf32>
      %mul3A_3272 = arith.mulf %max3A_3267, %max3A_3124 : vector<16xf32>
      %add3A_3273 = arith.addf %add3A_3030, %mul3A_3272 : vector<16xf32>
      %mul3A_3274 = arith.mulf %max3A_3267, %max3A_3134 : vector<16xf32>
      %add3A_3275 = arith.addf %add3A_3032, %mul3A_3274 : vector<16xf32>
      %mul3A_3276 = arith.mulf %max3A_3267, %max3A_3144 : vector<16xf32>
      %add3A_3277 = arith.addf %add3A_3034, %mul3A_3276 : vector<16xf32>
      %add3A_3278 = arith.constant 13 : i32
      %add3A_3279 = vector.broadcast %add3A_3278 : i32 to vector<16xi32>
      %add3A_3280 = arith.addi %mul3A_124, %add3A_3279 : vector<16xi32>
      %gather3A_3281 = tpu.vector_load_idx %arg9[%add3A_3280] : memref<15000xi32, #tpu.memory_space<vmem>>[vector<16xi32>], vector<16xi32>,
      %broadcast_in_dim3A_3282 = arith.constant 0.000000e+00 : f32
      %broadcast_in_dim3A_3283 = vector.broadcast %broadcast_in_dim3A_3282 : f32 to vector<16xf32>
      %add3A_3284 = arith.constant 0 : i32
      %add3A_3285 = vector.broadcast %add3A_3284 : i32 to vector<16xi32>
      %add3A_3286 = arith.addi %gather3A_3281, %add3A_3285 : vector<16xi32>
      %gather3A_3287 = tpu.vector_load_idx %arg7[%add3A_3286] : memref<3000xf32, #tpu.memory_space<vmem>>[vector<16xi32>], vector<16xf32>,
      %sub3A_3288 = arith.subf %gather3A_3287, %gather3A : vector<16xf32>
      %mul3A_3289 = arith.mulf %sub3A_3288, %sub3A_3288 : vector<16xf32>
      %add3A_3290 = arith.addf %broadcast_in_dim3A_3283, %mul3A_3289 : vector<16xf32>
      %add3A_3291 = arith.constant 1000 : i32
      %add3A_3292 = vector.broadcast %add3A_3291 : i32 to vector<16xi32>
      %add3A_3293 = arith.addi %gather3A_3281, %add3A_3292 : vector<16xi32>
      %gather3A_3294 = tpu.vector_load_idx %arg7[%add3A_3293] : memref<3000xf32, #tpu.memory_space<vmem>>[vector<16xi32>], vector<16xf32>,
      %sub3A_3295 = arith.subf %gather3A_3294, %gather3A_20 : vector<16xf32>
      %mul3A_3296 = arith.mulf %sub3A_3295, %sub3A_3295 : vector<16xf32>
      %add3A_3297 = arith.addf %add3A_3290, %mul3A_3296 : vector<16xf32>
      %add3A_3298 = arith.constant 2000 : i32
      %add3A_3299 = vector.broadcast %add3A_3298 : i32 to vector<16xi32>
      %add3A_3300 = arith.addi %gather3A_3281, %add3A_3299 : vector<16xi32>
      %gather3A_3301 = tpu.vector_load_idx %arg7[%add3A_3300] : memref<3000xf32, #tpu.memory_space<vmem>>[vector<16xi32>], vector<16xf32>,
      %sub3A_3302 = arith.subf %gather3A_3301, %gather3A_24 : vector<16xf32>
      %mul3A_3303 = arith.mulf %sub3A_3302, %sub3A_3302 : vector<16xf32>
      %add3A_3304 = arith.addf %add3A_3297, %mul3A_3303 : vector<16xf32>
      %add3A_3305 = arith.constant 9.99999993E-9 : f32
      %add3A_3306 = vector.broadcast %add3A_3305 : f32 to vector<16xf32>
      %add3A_3307 = arith.addf %add3A_3304, %add3A_3306 : vector<16xf32>
      %bitcast_convert_type3A_3308 = tpu.bitcast %add3A_3307 : vector<16xf32> -> vector<16xi32>
      %shift_right_arithmetic3A_3309 = arith.constant 1 : i32
      %shift_right_arithmetic3A_3310 = vector.broadcast %shift_right_arithmetic3A_3309 : i32 to vector<16xi32>
      %shift_right_arithmetic3A_3311 = arith.shrsi %bitcast_convert_type3A_3308, %shift_right_arithmetic3A_3310 : vector<16xi32>
      %add3A_3312 = arith.constant 532487669 : i32
      %add3A_3313 = vector.broadcast %add3A_3312 : i32 to vector<16xi32>
      %add3A_3314 = arith.addi %shift_right_arithmetic3A_3311, %add3A_3313 : vector<16xi32>
      %bitcast_convert_type3A_3315 = tpu.bitcast %add3A_3314 : vector<16xi32> -> vector<16xf32>
      %div3A_3316 = arith.divf %add3A_3307, %bitcast_convert_type3A_3315 : vector<16xf32>
      %add3A_3317 = arith.addf %bitcast_convert_type3A_3315, %div3A_3316 : vector<16xf32>
      %mul3A_3318 = arith.constant 5.000000e-01 : f32
      %mul3A_3319 = vector.broadcast %mul3A_3318 : f32 to vector<16xf32>
      %mul3A_3320 = arith.mulf %mul3A_3319, %add3A_3317 : vector<16xf32>
      %div3A_3321 = arith.divf %add3A_3307, %mul3A_3320 : vector<16xf32>
      %add3A_3322 = arith.addf %mul3A_3320, %div3A_3321 : vector<16xf32>
      %mul3A_3323 = arith.constant 5.000000e-01 : f32
      %mul3A_3324 = vector.broadcast %mul3A_3323 : f32 to vector<16xf32>
      %mul3A_3325 = arith.mulf %mul3A_3324, %add3A_3322 : vector<16xf32>
      %div3A_3326 = arith.divf %add3A_3307, %mul3A_3325 : vector<16xf32>
      %add3A_3327 = arith.addf %mul3A_3325, %div3A_3326 : vector<16xf32>
      %mul3A_3328 = arith.constant 5.000000e-01 : f32
      %mul3A_3329 = vector.broadcast %mul3A_3328 : f32 to vector<16xf32>
      %mul3A_3330 = arith.mulf %mul3A_3329, %add3A_3327 : vector<16xf32>
      %add3A_3331 = arith.constant 9.99999993E-9 : f32
      %add3A_3332 = vector.broadcast %add3A_3331 : f32 to vector<16xf32>
      %add3A_3333 = arith.addf %mul3A_3330, %add3A_3332 : vector<16xf32>
      %div3A_3334 = arith.constant 1.000000e+00 : f32
      %div3A_3335 = vector.broadcast %div3A_3334 : f32 to vector<16xf32>
      %div3A_3336 = arith.divf %div3A_3335, %add3A_3333 : vector<16xf32>
      %mul3A_3337 = arith.mulf %mul3A_3330, %get3A_1 : vector<16xf32>
      %sub3A_3338 = arith.constant 0.000000e+00 : f32
      %sub3A_3339 = vector.broadcast %sub3A_3338 : f32 to vector<16xf32>
      %sub3A_3340 = arith.subf %mul3A_3337, %sub3A_3339 : vector<16xf32>
      %abs3A_3341 = math.absf %sub3A_3340 : vector<16xf32>
      %sub3A_3342 = arith.constant 1.000000e+00 : f32
      %sub3A_3343 = vector.broadcast %sub3A_3342 : f32 to vector<16xf32>
      %sub3A_3344 = arith.subf %sub3A_3343, %abs3A_3341 : vector<16xf32>
      %max3A_3345 = arith.constant 0.000000e+00 : f32
      %max3A_3346 = vector.broadcast %max3A_3345 : f32 to vector<16xf32>
      %max3A_3347 = arith.maximumf %sub3A_3344, %max3A_3346 : vector<16xf32>
      %sub3A_3348 = arith.constant 1.000000e+00 : f32
      %sub3A_3349 = vector.broadcast %sub3A_3348 : f32 to vector<16xf32>
      %sub3A_3350 = arith.subf %mul3A_3337, %sub3A_3349 : vector<16xf32>
      %abs3A_3351 = math.absf %sub3A_3350 : vector<16xf32>
      %sub3A_3352 = arith.constant 1.000000e+00 : f32
      %sub3A_3353 = vector.broadcast %sub3A_3352 : f32 to vector<16xf32>
      %sub3A_3354 = arith.subf %sub3A_3353, %abs3A_3351 : vector<16xf32>
      %max3A_3355 = arith.constant 0.000000e+00 : f32
      %max3A_3356 = vector.broadcast %max3A_3355 : f32 to vector<16xf32>
      %max3A_3357 = arith.maximumf %sub3A_3354, %max3A_3356 : vector<16xf32>
      %sub3A_3358 = arith.constant 2.000000e+00 : f32
      %sub3A_3359 = vector.broadcast %sub3A_3358 : f32 to vector<16xf32>
      %sub3A_3360 = arith.subf %mul3A_3337, %sub3A_3359 : vector<16xf32>
      %abs3A_3361 = math.absf %sub3A_3360 : vector<16xf32>
      %sub3A_3362 = arith.constant 1.000000e+00 : f32
      %sub3A_3363 = vector.broadcast %sub3A_3362 : f32 to vector<16xf32>
      %sub3A_3364 = arith.subf %sub3A_3363, %abs3A_3361 : vector<16xf32>
      %max3A_3365 = arith.constant 0.000000e+00 : f32
      %max3A_3366 = vector.broadcast %max3A_3365 : f32 to vector<16xf32>
      %max3A_3367 = arith.maximumf %sub3A_3364, %max3A_3366 : vector<16xf32>
      %sub3A_3368 = arith.constant 3.000000e+00 : f32
      %sub3A_3369 = vector.broadcast %sub3A_3368 : f32 to vector<16xf32>
      %sub3A_3370 = arith.subf %mul3A_3337, %sub3A_3369 : vector<16xf32>
      %abs3A_3371 = math.absf %sub3A_3370 : vector<16xf32>
      %sub3A_3372 = arith.constant 1.000000e+00 : f32
      %sub3A_3373 = vector.broadcast %sub3A_3372 : f32 to vector<16xf32>
      %sub3A_3374 = arith.subf %sub3A_3373, %abs3A_3371 : vector<16xf32>
      %max3A_3375 = arith.constant 0.000000e+00 : f32
      %max3A_3376 = vector.broadcast %max3A_3375 : f32 to vector<16xf32>
      %max3A_3377 = arith.maximumf %sub3A_3374, %max3A_3376 : vector<16xf32>
      %sub3A_3378 = arith.constant 4.000000e+00 : f32
      %sub3A_3379 = vector.broadcast %sub3A_3378 : f32 to vector<16xf32>
      %sub3A_3380 = arith.subf %mul3A_3337, %sub3A_3379 : vector<16xf32>
      %abs3A_3381 = math.absf %sub3A_3380 : vector<16xf32>
      %sub3A_3382 = arith.constant 1.000000e+00 : f32
      %sub3A_3383 = vector.broadcast %sub3A_3382 : f32 to vector<16xf32>
      %sub3A_3384 = arith.subf %sub3A_3383, %abs3A_3381 : vector<16xf32>
      %max3A_3385 = arith.constant 0.000000e+00 : f32
      %max3A_3386 = vector.broadcast %max3A_3385 : f32 to vector<16xf32>
      %max3A_3387 = arith.maximumf %sub3A_3384, %max3A_3386 : vector<16xf32>
      %add3A_3388 = arith.constant 0 : i32
      %add3A_3389 = vector.broadcast %add3A_3388 : i32 to vector<16xi32>
      %add3A_3390 = arith.addi %gather3A_3281, %add3A_3389 : vector<16xi32>
      %gather3A_3391 = tpu.vector_load_idx %arg8[%add3A_3390] : memref<7000xf32, #tpu.memory_space<vmem>>[vector<16xi32>], vector<16xf32>,
      %sub3A_3392 = arith.subf %gather3A_3391, %gather3A_28 : vector<16xf32>
      %mul3A_3393 = arith.mulf %sub3A_3392, %div3A_3336 : vector<16xf32>
      %max3A_3394 = arith.constant 0.000000e+00 : f32
      %max3A_3395 = vector.broadcast %max3A_3394 : f32 to vector<16xf32>
      %max3A_3396 = arith.maximumf %mul3A_3393, %max3A_3395 : vector<16xf32>
      %mul3A_3397 = arith.mulf %max3A_3396, %max3A_3347 : vector<16xf32>
      %add3A_3398 = arith.addf %add3A_3155, %mul3A_3397 : vector<16xf32>
      %mul3A_3399 = arith.mulf %max3A_3396, %max3A_3357 : vector<16xf32>
      %add3A_3400 = arith.addf %add3A_3157, %mul3A_3399 : vector<16xf32>
      %mul3A_3401 = arith.mulf %max3A_3396, %max3A_3367 : vector<16xf32>
      %add3A_3402 = arith.addf %add3A_3159, %mul3A_3401 : vector<16xf32>
      %mul3A_3403 = arith.mulf %max3A_3396, %max3A_3377 : vector<16xf32>
      %add3A_3404 = arith.addf %add3A_3161, %mul3A_3403 : vector<16xf32>
      %mul3A_3405 = arith.mulf %max3A_3396, %max3A_3387 : vector<16xf32>
      %add3A_3406 = arith.addf %add3A_3163, %mul3A_3405 : vector<16xf32>
      %add3A_3407 = arith.constant 1000 : i32
      %add3A_3408 = vector.broadcast %add3A_3407 : i32 to vector<16xi32>
      %add3A_3409 = arith.addi %gather3A_3281, %add3A_3408 : vector<16xi32>
      %gather3A_3410 = tpu.vector_load_idx %arg8[%add3A_3409] : memref<7000xf32, #tpu.memory_space<vmem>>[vector<16xi32>], vector<16xf32>,
      %sub3A_3411 = arith.subf %gather3A_3410, %gather3A_32 : vector<16xf32>
      %mul3A_3412 = arith.mulf %sub3A_3411, %div3A_3336 : vector<16xf32>
      %max3A_3413 = arith.constant 0.000000e+00 : f32
      %max3A_3414 = vector.broadcast %max3A_3413 : f32 to vector<16xf32>
      %max3A_3415 = arith.maximumf %mul3A_3412, %max3A_3414 : vector<16xf32>
      %mul3A_3416 = arith.mulf %max3A_3415, %max3A_3347 : vector<16xf32>
      %add3A_3417 = arith.addf %add3A_3174, %mul3A_3416 : vector<16xf32>
      %mul3A_3418 = arith.mulf %max3A_3415, %max3A_3357 : vector<16xf32>
      %add3A_3419 = arith.addf %add3A_3176, %mul3A_3418 : vector<16xf32>
      %mul3A_3420 = arith.mulf %max3A_3415, %max3A_3367 : vector<16xf32>
      %add3A_3421 = arith.addf %add3A_3178, %mul3A_3420 : vector<16xf32>
      %mul3A_3422 = arith.mulf %max3A_3415, %max3A_3377 : vector<16xf32>
      %add3A_3423 = arith.addf %add3A_3180, %mul3A_3422 : vector<16xf32>
      %mul3A_3424 = arith.mulf %max3A_3415, %max3A_3387 : vector<16xf32>
      %add3A_3425 = arith.addf %add3A_3182, %mul3A_3424 : vector<16xf32>
      %add3A_3426 = arith.constant 2000 : i32
      %add3A_3427 = vector.broadcast %add3A_3426 : i32 to vector<16xi32>
      %add3A_3428 = arith.addi %gather3A_3281, %add3A_3427 : vector<16xi32>
      %gather3A_3429 = tpu.vector_load_idx %arg8[%add3A_3428] : memref<7000xf32, #tpu.memory_space<vmem>>[vector<16xi32>], vector<16xf32>,
      %sub3A_3430 = arith.subf %gather3A_3429, %gather3A_36 : vector<16xf32>
      %mul3A_3431 = arith.mulf %sub3A_3430, %div3A_3336 : vector<16xf32>
      %max3A_3432 = arith.constant 0.000000e+00 : f32
      %max3A_3433 = vector.broadcast %max3A_3432 : f32 to vector<16xf32>
      %max3A_3434 = arith.maximumf %mul3A_3431, %max3A_3433 : vector<16xf32>
      %mul3A_3435 = arith.mulf %max3A_3434, %max3A_3347 : vector<16xf32>
      %add3A_3436 = arith.addf %add3A_3193, %mul3A_3435 : vector<16xf32>
      %mul3A_3437 = arith.mulf %max3A_3434, %max3A_3357 : vector<16xf32>
      %add3A_3438 = arith.addf %add3A_3195, %mul3A_3437 : vector<16xf32>
      %mul3A_3439 = arith.mulf %max3A_3434, %max3A_3367 : vector<16xf32>
      %add3A_3440 = arith.addf %add3A_3197, %mul3A_3439 : vector<16xf32>
      %mul3A_3441 = arith.mulf %max3A_3434, %max3A_3377 : vector<16xf32>
      %add3A_3442 = arith.addf %add3A_3199, %mul3A_3441 : vector<16xf32>
      %mul3A_3443 = arith.mulf %max3A_3434, %max3A_3387 : vector<16xf32>
      %add3A_3444 = arith.addf %add3A_3201, %mul3A_3443 : vector<16xf32>
      %add3A_3445 = arith.constant 3000 : i32
      %add3A_3446 = vector.broadcast %add3A_3445 : i32 to vector<16xi32>
      %add3A_3447 = arith.addi %gather3A_3281, %add3A_3446 : vector<16xi32>
      %gather3A_3448 = tpu.vector_load_idx %arg8[%add3A_3447] : memref<7000xf32, #tpu.memory_space<vmem>>[vector<16xi32>], vector<16xf32>,
      %sub3A_3449 = arith.subf %gather3A_3448, %gather3A_40 : vector<16xf32>
      %mul3A_3450 = arith.mulf %sub3A_3449, %div3A_3336 : vector<16xf32>
      %max3A_3451 = arith.constant 0.000000e+00 : f32
      %max3A_3452 = vector.broadcast %max3A_3451 : f32 to vector<16xf32>
      %max3A_3453 = arith.maximumf %mul3A_3450, %max3A_3452 : vector<16xf32>
      %mul3A_3454 = arith.mulf %max3A_3453, %max3A_3347 : vector<16xf32>
      %add3A_3455 = arith.addf %add3A_3212, %mul3A_3454 : vector<16xf32>
      %mul3A_3456 = arith.mulf %max3A_3453, %max3A_3357 : vector<16xf32>
      %add3A_3457 = arith.addf %add3A_3214, %mul3A_3456 : vector<16xf32>
      %mul3A_3458 = arith.mulf %max3A_3453, %max3A_3367 : vector<16xf32>
      %add3A_3459 = arith.addf %add3A_3216, %mul3A_3458 : vector<16xf32>
      %mul3A_3460 = arith.mulf %max3A_3453, %max3A_3377 : vector<16xf32>
      %add3A_3461 = arith.addf %add3A_3218, %mul3A_3460 : vector<16xf32>
      %mul3A_3462 = arith.mulf %max3A_3453, %max3A_3387 : vector<16xf32>
      %add3A_3463 = arith.addf %add3A_3220, %mul3A_3462 : vector<16xf32>
      %add3A_3464 = arith.constant 4000 : i32
      %add3A_3465 = vector.broadcast %add3A_3464 : i32 to vector<16xi32>
      %add3A_3466 = arith.addi %gather3A_3281, %add3A_3465 : vector<16xi32>
      %gather3A_3467 = tpu.vector_load_idx %arg8[%add3A_3466] : memref<7000xf32, #tpu.memory_space<vmem>>[vector<16xi32>], vector<16xf32>,
      %sub3A_3468 = arith.subf %gather3A_3467, %gather3A_44 : vector<16xf32>
      %mul3A_3469 = arith.mulf %sub3A_3468, %div3A_3336 : vector<16xf32>
      %max3A_3470 = arith.constant 0.000000e+00 : f32
      %max3A_3471 = vector.broadcast %max3A_3470 : f32 to vector<16xf32>
      %max3A_3472 = arith.maximumf %mul3A_3469, %max3A_3471 : vector<16xf32>
      %mul3A_3473 = arith.mulf %max3A_3472, %max3A_3347 : vector<16xf32>
      %add3A_3474 = arith.addf %add3A_3231, %mul3A_3473 : vector<16xf32>
      %mul3A_3475 = arith.mulf %max3A_3472, %max3A_3357 : vector<16xf32>
      %add3A_3476 = arith.addf %add3A_3233, %mul3A_3475 : vector<16xf32>
      %mul3A_3477 = arith.mulf %max3A_3472, %max3A_3367 : vector<16xf32>
      %add3A_3478 = arith.addf %add3A_3235, %mul3A_3477 : vector<16xf32>
      %mul3A_3479 = arith.mulf %max3A_3472, %max3A_3377 : vector<16xf32>
      %add3A_3480 = arith.addf %add3A_3237, %mul3A_3479 : vector<16xf32>
      %mul3A_3481 = arith.mulf %max3A_3472, %max3A_3387 : vector<16xf32>
      %add3A_3482 = arith.addf %add3A_3239, %mul3A_3481 : vector<16xf32>
      %add3A_3483 = arith.constant 5000 : i32
      %add3A_3484 = vector.broadcast %add3A_3483 : i32 to vector<16xi32>
      %add3A_3485 = arith.addi %gather3A_3281, %add3A_3484 : vector<16xi32>
      %gather3A_3486 = tpu.vector_load_idx %arg8[%add3A_3485] : memref<7000xf32, #tpu.memory_space<vmem>>[vector<16xi32>], vector<16xf32>,
      %sub3A_3487 = arith.subf %gather3A_3486, %gather3A_48 : vector<16xf32>
      %mul3A_3488 = arith.mulf %sub3A_3487, %div3A_3336 : vector<16xf32>
      %max3A_3489 = arith.constant 0.000000e+00 : f32
      %max3A_3490 = vector.broadcast %max3A_3489 : f32 to vector<16xf32>
      %max3A_3491 = arith.maximumf %mul3A_3488, %max3A_3490 : vector<16xf32>
      %mul3A_3492 = arith.mulf %max3A_3491, %max3A_3347 : vector<16xf32>
      %add3A_3493 = arith.addf %add3A_3250, %mul3A_3492 : vector<16xf32>
      %mul3A_3494 = arith.mulf %max3A_3491, %max3A_3357 : vector<16xf32>
      %add3A_3495 = arith.addf %add3A_3252, %mul3A_3494 : vector<16xf32>
      %mul3A_3496 = arith.mulf %max3A_3491, %max3A_3367 : vector<16xf32>
      %add3A_3497 = arith.addf %add3A_3254, %mul3A_3496 : vector<16xf32>
      %mul3A_3498 = arith.mulf %max3A_3491, %max3A_3377 : vector<16xf32>
      %add3A_3499 = arith.addf %add3A_3256, %mul3A_3498 : vector<16xf32>
      %mul3A_3500 = arith.mulf %max3A_3491, %max3A_3387 : vector<16xf32>
      %add3A_3501 = arith.addf %add3A_3258, %mul3A_3500 : vector<16xf32>
      %add3A_3502 = arith.constant 6000 : i32
      %add3A_3503 = vector.broadcast %add3A_3502 : i32 to vector<16xi32>
      %add3A_3504 = arith.addi %gather3A_3281, %add3A_3503 : vector<16xi32>
      %gather3A_3505 = tpu.vector_load_idx %arg8[%add3A_3504] : memref<7000xf32, #tpu.memory_space<vmem>>[vector<16xi32>], vector<16xf32>,
      %sub3A_3506 = arith.subf %gather3A_3505, %gather3A_52 : vector<16xf32>
      %mul3A_3507 = arith.mulf %sub3A_3506, %div3A_3336 : vector<16xf32>
      %max3A_3508 = arith.constant 0.000000e+00 : f32
      %max3A_3509 = vector.broadcast %max3A_3508 : f32 to vector<16xf32>
      %max3A_3510 = arith.maximumf %mul3A_3507, %max3A_3509 : vector<16xf32>
      %mul3A_3511 = arith.mulf %max3A_3510, %max3A_3347 : vector<16xf32>
      %add3A_3512 = arith.addf %add3A_3269, %mul3A_3511 : vector<16xf32>
      %mul3A_3513 = arith.mulf %max3A_3510, %max3A_3357 : vector<16xf32>
      %add3A_3514 = arith.addf %add3A_3271, %mul3A_3513 : vector<16xf32>
      %mul3A_3515 = arith.mulf %max3A_3510, %max3A_3367 : vector<16xf32>
      %add3A_3516 = arith.addf %add3A_3273, %mul3A_3515 : vector<16xf32>
      %mul3A_3517 = arith.mulf %max3A_3510, %max3A_3377 : vector<16xf32>
      %add3A_3518 = arith.addf %add3A_3275, %mul3A_3517 : vector<16xf32>
      %mul3A_3519 = arith.mulf %max3A_3510, %max3A_3387 : vector<16xf32>
      %add3A_3520 = arith.addf %add3A_3277, %mul3A_3519 : vector<16xf32>
      %add3A_3521 = arith.constant 14 : i32
      %add3A_3522 = vector.broadcast %add3A_3521 : i32 to vector<16xi32>
      %add3A_3523 = arith.addi %mul3A_124, %add3A_3522 : vector<16xi32>
      %gather3A_3524 = tpu.vector_load_idx %arg9[%add3A_3523] : memref<15000xi32, #tpu.memory_space<vmem>>[vector<16xi32>], vector<16xi32>,
      %broadcast_in_dim3A_3525 = arith.constant 0.000000e+00 : f32
      %broadcast_in_dim3A_3526 = vector.broadcast %broadcast_in_dim3A_3525 : f32 to vector<16xf32>
      %add3A_3527 = arith.constant 0 : i32
      %add3A_3528 = vector.broadcast %add3A_3527 : i32 to vector<16xi32>
      %add3A_3529 = arith.addi %gather3A_3524, %add3A_3528 : vector<16xi32>
      %gather3A_3530 = tpu.vector_load_idx %arg7[%add3A_3529] : memref<3000xf32, #tpu.memory_space<vmem>>[vector<16xi32>], vector<16xf32>,
      %sub3A_3531 = arith.subf %gather3A_3530, %gather3A : vector<16xf32>
      %mul3A_3532 = arith.mulf %sub3A_3531, %sub3A_3531 : vector<16xf32>
      %add3A_3533 = arith.addf %broadcast_in_dim3A_3526, %mul3A_3532 : vector<16xf32>
      %add3A_3534 = arith.constant 1000 : i32
      %add3A_3535 = vector.broadcast %add3A_3534 : i32 to vector<16xi32>
      %add3A_3536 = arith.addi %gather3A_3524, %add3A_3535 : vector<16xi32>
      %gather3A_3537 = tpu.vector_load_idx %arg7[%add3A_3536] : memref<3000xf32, #tpu.memory_space<vmem>>[vector<16xi32>], vector<16xf32>,
      %sub3A_3538 = arith.subf %gather3A_3537, %gather3A_20 : vector<16xf32>
      %mul3A_3539 = arith.mulf %sub3A_3538, %sub3A_3538 : vector<16xf32>
      %add3A_3540 = arith.addf %add3A_3533, %mul3A_3539 : vector<16xf32>
      %add3A_3541 = arith.constant 2000 : i32
      %add3A_3542 = vector.broadcast %add3A_3541 : i32 to vector<16xi32>
      %add3A_3543 = arith.addi %gather3A_3524, %add3A_3542 : vector<16xi32>
      %gather3A_3544 = tpu.vector_load_idx %arg7[%add3A_3543] : memref<3000xf32, #tpu.memory_space<vmem>>[vector<16xi32>], vector<16xf32>,
      %sub3A_3545 = arith.subf %gather3A_3544, %gather3A_24 : vector<16xf32>
      %mul3A_3546 = arith.mulf %sub3A_3545, %sub3A_3545 : vector<16xf32>
      %add3A_3547 = arith.addf %add3A_3540, %mul3A_3546 : vector<16xf32>
      %add3A_3548 = arith.constant 9.99999993E-9 : f32
      %add3A_3549 = vector.broadcast %add3A_3548 : f32 to vector<16xf32>
      %add3A_3550 = arith.addf %add3A_3547, %add3A_3549 : vector<16xf32>
      %bitcast_convert_type3A_3551 = tpu.bitcast %add3A_3550 : vector<16xf32> -> vector<16xi32>
      %shift_right_arithmetic3A_3552 = arith.constant 1 : i32
      %shift_right_arithmetic3A_3553 = vector.broadcast %shift_right_arithmetic3A_3552 : i32 to vector<16xi32>
      %shift_right_arithmetic3A_3554 = arith.shrsi %bitcast_convert_type3A_3551, %shift_right_arithmetic3A_3553 : vector<16xi32>
      %add3A_3555 = arith.constant 532487669 : i32
      %add3A_3556 = vector.broadcast %add3A_3555 : i32 to vector<16xi32>
      %add3A_3557 = arith.addi %shift_right_arithmetic3A_3554, %add3A_3556 : vector<16xi32>
      %bitcast_convert_type3A_3558 = tpu.bitcast %add3A_3557 : vector<16xi32> -> vector<16xf32>
      %div3A_3559 = arith.divf %add3A_3550, %bitcast_convert_type3A_3558 : vector<16xf32>
      %add3A_3560 = arith.addf %bitcast_convert_type3A_3558, %div3A_3559 : vector<16xf32>
      %mul3A_3561 = arith.constant 5.000000e-01 : f32
      %mul3A_3562 = vector.broadcast %mul3A_3561 : f32 to vector<16xf32>
      %mul3A_3563 = arith.mulf %mul3A_3562, %add3A_3560 : vector<16xf32>
      %div3A_3564 = arith.divf %add3A_3550, %mul3A_3563 : vector<16xf32>
      %add3A_3565 = arith.addf %mul3A_3563, %div3A_3564 : vector<16xf32>
      %mul3A_3566 = arith.constant 5.000000e-01 : f32
      %mul3A_3567 = vector.broadcast %mul3A_3566 : f32 to vector<16xf32>
      %mul3A_3568 = arith.mulf %mul3A_3567, %add3A_3565 : vector<16xf32>
      %div3A_3569 = arith.divf %add3A_3550, %mul3A_3568 : vector<16xf32>
      %add3A_3570 = arith.addf %mul3A_3568, %div3A_3569 : vector<16xf32>
      %mul3A_3571 = arith.constant 5.000000e-01 : f32
      %mul3A_3572 = vector.broadcast %mul3A_3571 : f32 to vector<16xf32>
      %mul3A_3573 = arith.mulf %mul3A_3572, %add3A_3570 : vector<16xf32>
      %add3A_3574 = arith.constant 9.99999993E-9 : f32
      %add3A_3575 = vector.broadcast %add3A_3574 : f32 to vector<16xf32>
      %add3A_3576 = arith.addf %mul3A_3573, %add3A_3575 : vector<16xf32>
      %div3A_3577 = arith.constant 1.000000e+00 : f32
      %div3A_3578 = vector.broadcast %div3A_3577 : f32 to vector<16xf32>
      %div3A_3579 = arith.divf %div3A_3578, %add3A_3576 : vector<16xf32>
      %mul3A_3580 = arith.mulf %mul3A_3573, %get3A_1 : vector<16xf32>
      %sub3A_3581 = arith.constant 0.000000e+00 : f32
      %sub3A_3582 = vector.broadcast %sub3A_3581 : f32 to vector<16xf32>
      %sub3A_3583 = arith.subf %mul3A_3580, %sub3A_3582 : vector<16xf32>
      %abs3A_3584 = math.absf %sub3A_3583 : vector<16xf32>
      %sub3A_3585 = arith.constant 1.000000e+00 : f32
      %sub3A_3586 = vector.broadcast %sub3A_3585 : f32 to vector<16xf32>
      %sub3A_3587 = arith.subf %sub3A_3586, %abs3A_3584 : vector<16xf32>
      %max3A_3588 = arith.constant 0.000000e+00 : f32
      %max3A_3589 = vector.broadcast %max3A_3588 : f32 to vector<16xf32>
      %max3A_3590 = arith.maximumf %sub3A_3587, %max3A_3589 : vector<16xf32>
      %sub3A_3591 = arith.constant 1.000000e+00 : f32
      %sub3A_3592 = vector.broadcast %sub3A_3591 : f32 to vector<16xf32>
      %sub3A_3593 = arith.subf %mul3A_3580, %sub3A_3592 : vector<16xf32>
      %abs3A_3594 = math.absf %sub3A_3593 : vector<16xf32>
      %sub3A_3595 = arith.constant 1.000000e+00 : f32
      %sub3A_3596 = vector.broadcast %sub3A_3595 : f32 to vector<16xf32>
      %sub3A_3597 = arith.subf %sub3A_3596, %abs3A_3594 : vector<16xf32>
      %max3A_3598 = arith.constant 0.000000e+00 : f32
      %max3A_3599 = vector.broadcast %max3A_3598 : f32 to vector<16xf32>
      %max3A_3600 = arith.maximumf %sub3A_3597, %max3A_3599 : vector<16xf32>
      %sub3A_3601 = arith.constant 2.000000e+00 : f32
      %sub3A_3602 = vector.broadcast %sub3A_3601 : f32 to vector<16xf32>
      %sub3A_3603 = arith.subf %mul3A_3580, %sub3A_3602 : vector<16xf32>
      %abs3A_3604 = math.absf %sub3A_3603 : vector<16xf32>
      %sub3A_3605 = arith.constant 1.000000e+00 : f32
      %sub3A_3606 = vector.broadcast %sub3A_3605 : f32 to vector<16xf32>
      %sub3A_3607 = arith.subf %sub3A_3606, %abs3A_3604 : vector<16xf32>
      %max3A_3608 = arith.constant 0.000000e+00 : f32
      %max3A_3609 = vector.broadcast %max3A_3608 : f32 to vector<16xf32>
      %max3A_3610 = arith.maximumf %sub3A_3607, %max3A_3609 : vector<16xf32>
      %sub3A_3611 = arith.constant 3.000000e+00 : f32
      %sub3A_3612 = vector.broadcast %sub3A_3611 : f32 to vector<16xf32>
      %sub3A_3613 = arith.subf %mul3A_3580, %sub3A_3612 : vector<16xf32>
      %abs3A_3614 = math.absf %sub3A_3613 : vector<16xf32>
      %sub3A_3615 = arith.constant 1.000000e+00 : f32
      %sub3A_3616 = vector.broadcast %sub3A_3615 : f32 to vector<16xf32>
      %sub3A_3617 = arith.subf %sub3A_3616, %abs3A_3614 : vector<16xf32>
      %max3A_3618 = arith.constant 0.000000e+00 : f32
      %max3A_3619 = vector.broadcast %max3A_3618 : f32 to vector<16xf32>
      %max3A_3620 = arith.maximumf %sub3A_3617, %max3A_3619 : vector<16xf32>
      %sub3A_3621 = arith.constant 4.000000e+00 : f32
      %sub3A_3622 = vector.broadcast %sub3A_3621 : f32 to vector<16xf32>
      %sub3A_3623 = arith.subf %mul3A_3580, %sub3A_3622 : vector<16xf32>
      %abs3A_3624 = math.absf %sub3A_3623 : vector<16xf32>
      %sub3A_3625 = arith.constant 1.000000e+00 : f32
      %sub3A_3626 = vector.broadcast %sub3A_3625 : f32 to vector<16xf32>
      %sub3A_3627 = arith.subf %sub3A_3626, %abs3A_3624 : vector<16xf32>
      %max3A_3628 = arith.constant 0.000000e+00 : f32
      %max3A_3629 = vector.broadcast %max3A_3628 : f32 to vector<16xf32>
      %max3A_3630 = arith.maximumf %sub3A_3627, %max3A_3629 : vector<16xf32>
      %add3A_3631 = arith.constant 0 : i32
      %add3A_3632 = vector.broadcast %add3A_3631 : i32 to vector<16xi32>
      %add3A_3633 = arith.addi %gather3A_3524, %add3A_3632 : vector<16xi32>
      %gather3A_3634 = tpu.vector_load_idx %arg8[%add3A_3633] : memref<7000xf32, #tpu.memory_space<vmem>>[vector<16xi32>], vector<16xf32>,
      %sub3A_3635 = arith.subf %gather3A_3634, %gather3A_28 : vector<16xf32>
      %mul3A_3636 = arith.mulf %sub3A_3635, %div3A_3579 : vector<16xf32>
      %max3A_3637 = arith.constant 0.000000e+00 : f32
      %max3A_3638 = vector.broadcast %max3A_3637 : f32 to vector<16xf32>
      %max3A_3639 = arith.maximumf %mul3A_3636, %max3A_3638 : vector<16xf32>
      %mul3A_3640 = arith.mulf %max3A_3639, %max3A_3590 : vector<16xf32>
      %add3A_3641 = arith.addf %add3A_3398, %mul3A_3640 : vector<16xf32>
      %mul3A_3642 = arith.mulf %max3A_3639, %max3A_3600 : vector<16xf32>
      %add3A_3643 = arith.addf %add3A_3400, %mul3A_3642 : vector<16xf32>
      %mul3A_3644 = arith.mulf %max3A_3639, %max3A_3610 : vector<16xf32>
      %add3A_3645 = arith.addf %add3A_3402, %mul3A_3644 : vector<16xf32>
      %mul3A_3646 = arith.mulf %max3A_3639, %max3A_3620 : vector<16xf32>
      %add3A_3647 = arith.addf %add3A_3404, %mul3A_3646 : vector<16xf32>
      %mul3A_3648 = arith.mulf %max3A_3639, %max3A_3630 : vector<16xf32>
      %add3A_3649 = arith.addf %add3A_3406, %mul3A_3648 : vector<16xf32>
      %add3A_3650 = arith.constant 1000 : i32
      %add3A_3651 = vector.broadcast %add3A_3650 : i32 to vector<16xi32>
      %add3A_3652 = arith.addi %gather3A_3524, %add3A_3651 : vector<16xi32>
      %gather3A_3653 = tpu.vector_load_idx %arg8[%add3A_3652] : memref<7000xf32, #tpu.memory_space<vmem>>[vector<16xi32>], vector<16xf32>,
      %sub3A_3654 = arith.subf %gather3A_3653, %gather3A_32 : vector<16xf32>
      %mul3A_3655 = arith.mulf %sub3A_3654, %div3A_3579 : vector<16xf32>
      %max3A_3656 = arith.constant 0.000000e+00 : f32
      %max3A_3657 = vector.broadcast %max3A_3656 : f32 to vector<16xf32>
      %max3A_3658 = arith.maximumf %mul3A_3655, %max3A_3657 : vector<16xf32>
      %mul3A_3659 = arith.mulf %max3A_3658, %max3A_3590 : vector<16xf32>
      %add3A_3660 = arith.addf %add3A_3417, %mul3A_3659 : vector<16xf32>
      %mul3A_3661 = arith.mulf %max3A_3658, %max3A_3600 : vector<16xf32>
      %add3A_3662 = arith.addf %add3A_3419, %mul3A_3661 : vector<16xf32>
      %mul3A_3663 = arith.mulf %max3A_3658, %max3A_3610 : vector<16xf32>
      %add3A_3664 = arith.addf %add3A_3421, %mul3A_3663 : vector<16xf32>
      %mul3A_3665 = arith.mulf %max3A_3658, %max3A_3620 : vector<16xf32>
      %add3A_3666 = arith.addf %add3A_3423, %mul3A_3665 : vector<16xf32>
      %mul3A_3667 = arith.mulf %max3A_3658, %max3A_3630 : vector<16xf32>
      %add3A_3668 = arith.addf %add3A_3425, %mul3A_3667 : vector<16xf32>
      %add3A_3669 = arith.constant 2000 : i32
      %add3A_3670 = vector.broadcast %add3A_3669 : i32 to vector<16xi32>
      %add3A_3671 = arith.addi %gather3A_3524, %add3A_3670 : vector<16xi32>
      %gather3A_3672 = tpu.vector_load_idx %arg8[%add3A_3671] : memref<7000xf32, #tpu.memory_space<vmem>>[vector<16xi32>], vector<16xf32>,
      %sub3A_3673 = arith.subf %gather3A_3672, %gather3A_36 : vector<16xf32>
      %mul3A_3674 = arith.mulf %sub3A_3673, %div3A_3579 : vector<16xf32>
      %max3A_3675 = arith.constant 0.000000e+00 : f32
      %max3A_3676 = vector.broadcast %max3A_3675 : f32 to vector<16xf32>
      %max3A_3677 = arith.maximumf %mul3A_3674, %max3A_3676 : vector<16xf32>
      %mul3A_3678 = arith.mulf %max3A_3677, %max3A_3590 : vector<16xf32>
      %add3A_3679 = arith.addf %add3A_3436, %mul3A_3678 : vector<16xf32>
      %mul3A_3680 = arith.mulf %max3A_3677, %max3A_3600 : vector<16xf32>
      %add3A_3681 = arith.addf %add3A_3438, %mul3A_3680 : vector<16xf32>
      %mul3A_3682 = arith.mulf %max3A_3677, %max3A_3610 : vector<16xf32>
      %add3A_3683 = arith.addf %add3A_3440, %mul3A_3682 : vector<16xf32>
      %mul3A_3684 = arith.mulf %max3A_3677, %max3A_3620 : vector<16xf32>
      %add3A_3685 = arith.addf %add3A_3442, %mul3A_3684 : vector<16xf32>
      %mul3A_3686 = arith.mulf %max3A_3677, %max3A_3630 : vector<16xf32>
      %add3A_3687 = arith.addf %add3A_3444, %mul3A_3686 : vector<16xf32>
      %add3A_3688 = arith.constant 3000 : i32
      %add3A_3689 = vector.broadcast %add3A_3688 : i32 to vector<16xi32>
      %add3A_3690 = arith.addi %gather3A_3524, %add3A_3689 : vector<16xi32>
      %gather3A_3691 = tpu.vector_load_idx %arg8[%add3A_3690] : memref<7000xf32, #tpu.memory_space<vmem>>[vector<16xi32>], vector<16xf32>,
      %sub3A_3692 = arith.subf %gather3A_3691, %gather3A_40 : vector<16xf32>
      %mul3A_3693 = arith.mulf %sub3A_3692, %div3A_3579 : vector<16xf32>
      %max3A_3694 = arith.constant 0.000000e+00 : f32
      %max3A_3695 = vector.broadcast %max3A_3694 : f32 to vector<16xf32>
      %max3A_3696 = arith.maximumf %mul3A_3693, %max3A_3695 : vector<16xf32>
      %mul3A_3697 = arith.mulf %max3A_3696, %max3A_3590 : vector<16xf32>
      %add3A_3698 = arith.addf %add3A_3455, %mul3A_3697 : vector<16xf32>
      %mul3A_3699 = arith.mulf %max3A_3696, %max3A_3600 : vector<16xf32>
      %add3A_3700 = arith.addf %add3A_3457, %mul3A_3699 : vector<16xf32>
      %mul3A_3701 = arith.mulf %max3A_3696, %max3A_3610 : vector<16xf32>
      %add3A_3702 = arith.addf %add3A_3459, %mul3A_3701 : vector<16xf32>
      %mul3A_3703 = arith.mulf %max3A_3696, %max3A_3620 : vector<16xf32>
      %add3A_3704 = arith.addf %add3A_3461, %mul3A_3703 : vector<16xf32>
      %mul3A_3705 = arith.mulf %max3A_3696, %max3A_3630 : vector<16xf32>
      %add3A_3706 = arith.addf %add3A_3463, %mul3A_3705 : vector<16xf32>
      %add3A_3707 = arith.constant 4000 : i32
      %add3A_3708 = vector.broadcast %add3A_3707 : i32 to vector<16xi32>
      %add3A_3709 = arith.addi %gather3A_3524, %add3A_3708 : vector<16xi32>
      %gather3A_3710 = tpu.vector_load_idx %arg8[%add3A_3709] : memref<7000xf32, #tpu.memory_space<vmem>>[vector<16xi32>], vector<16xf32>,
      %sub3A_3711 = arith.subf %gather3A_3710, %gather3A_44 : vector<16xf32>
      %mul3A_3712 = arith.mulf %sub3A_3711, %div3A_3579 : vector<16xf32>
      %max3A_3713 = arith.constant 0.000000e+00 : f32
      %max3A_3714 = vector.broadcast %max3A_3713 : f32 to vector<16xf32>
      %max3A_3715 = arith.maximumf %mul3A_3712, %max3A_3714 : vector<16xf32>
      %mul3A_3716 = arith.mulf %max3A_3715, %max3A_3590 : vector<16xf32>
      %add3A_3717 = arith.addf %add3A_3474, %mul3A_3716 : vector<16xf32>
      %mul3A_3718 = arith.mulf %max3A_3715, %max3A_3600 : vector<16xf32>
      %add3A_3719 = arith.addf %add3A_3476, %mul3A_3718 : vector<16xf32>
      %mul3A_3720 = arith.mulf %max3A_3715, %max3A_3610 : vector<16xf32>
      %add3A_3721 = arith.addf %add3A_3478, %mul3A_3720 : vector<16xf32>
      %mul3A_3722 = arith.mulf %max3A_3715, %max3A_3620 : vector<16xf32>
      %add3A_3723 = arith.addf %add3A_3480, %mul3A_3722 : vector<16xf32>
      %mul3A_3724 = arith.mulf %max3A_3715, %max3A_3630 : vector<16xf32>
      %add3A_3725 = arith.addf %add3A_3482, %mul3A_3724 : vector<16xf32>
      %add3A_3726 = arith.constant 5000 : i32
      %add3A_3727 = vector.broadcast %add3A_3726 : i32 to vector<16xi32>
      %add3A_3728 = arith.addi %gather3A_3524, %add3A_3727 : vector<16xi32>
      %gather3A_3729 = tpu.vector_load_idx %arg8[%add3A_3728] : memref<7000xf32, #tpu.memory_space<vmem>>[vector<16xi32>], vector<16xf32>,
      %sub3A_3730 = arith.subf %gather3A_3729, %gather3A_48 : vector<16xf32>
      %mul3A_3731 = arith.mulf %sub3A_3730, %div3A_3579 : vector<16xf32>
      %max3A_3732 = arith.constant 0.000000e+00 : f32
      %max3A_3733 = vector.broadcast %max3A_3732 : f32 to vector<16xf32>
      %max3A_3734 = arith.maximumf %mul3A_3731, %max3A_3733 : vector<16xf32>
      %mul3A_3735 = arith.mulf %max3A_3734, %max3A_3590 : vector<16xf32>
      %add3A_3736 = arith.addf %add3A_3493, %mul3A_3735 : vector<16xf32>
      %mul3A_3737 = arith.mulf %max3A_3734, %max3A_3600 : vector<16xf32>
      %add3A_3738 = arith.addf %add3A_3495, %mul3A_3737 : vector<16xf32>
      %mul3A_3739 = arith.mulf %max3A_3734, %max3A_3610 : vector<16xf32>
      %add3A_3740 = arith.addf %add3A_3497, %mul3A_3739 : vector<16xf32>
      %mul3A_3741 = arith.mulf %max3A_3734, %max3A_3620 : vector<16xf32>
      %add3A_3742 = arith.addf %add3A_3499, %mul3A_3741 : vector<16xf32>
      %mul3A_3743 = arith.mulf %max3A_3734, %max3A_3630 : vector<16xf32>
      %add3A_3744 = arith.addf %add3A_3501, %mul3A_3743 : vector<16xf32>
      %add3A_3745 = arith.constant 6000 : i32
      %add3A_3746 = vector.broadcast %add3A_3745 : i32 to vector<16xi32>
      %add3A_3747 = arith.addi %gather3A_3524, %add3A_3746 : vector<16xi32>
      %gather3A_3748 = tpu.vector_load_idx %arg8[%add3A_3747] : memref<7000xf32, #tpu.memory_space<vmem>>[vector<16xi32>], vector<16xf32>,
      %sub3A_3749 = arith.subf %gather3A_3748, %gather3A_52 : vector<16xf32>
      %mul3A_3750 = arith.mulf %sub3A_3749, %div3A_3579 : vector<16xf32>
      %max3A_3751 = arith.constant 0.000000e+00 : f32
      %max3A_3752 = vector.broadcast %max3A_3751 : f32 to vector<16xf32>
      %max3A_3753 = arith.maximumf %mul3A_3750, %max3A_3752 : vector<16xf32>
      %mul3A_3754 = arith.mulf %max3A_3753, %max3A_3590 : vector<16xf32>
      %add3A_3755 = arith.addf %add3A_3512, %mul3A_3754 : vector<16xf32>
      %mul3A_3756 = arith.mulf %max3A_3753, %max3A_3600 : vector<16xf32>
      %add3A_3757 = arith.addf %add3A_3514, %mul3A_3756 : vector<16xf32>
      %mul3A_3758 = arith.mulf %max3A_3753, %max3A_3610 : vector<16xf32>
      %add3A_3759 = arith.addf %add3A_3516, %mul3A_3758 : vector<16xf32>
      %mul3A_3760 = arith.mulf %max3A_3753, %max3A_3620 : vector<16xf32>
      %add3A_3761 = arith.addf %add3A_3518, %mul3A_3760 : vector<16xf32>
      %mul3A_3762 = arith.mulf %max3A_3753, %max3A_3630 : vector<16xf32>
      %add3A_3763 = arith.addf %add3A_3520, %mul3A_3762 : vector<16xf32>
      %add3A_3764 = vector.broadcast %mul3A_9 : i32 to vector<16xi32>
      %add3A_3765 = arith.addi %add3A_3764, %iota3A : vector<16xi32>
      %mul3A_3766 = arith.constant 35 : i32
      %mul3A_3767 = vector.broadcast %mul3A_3766 : i32 to vector<16xi32>
      %mul3A_3768 = arith.muli %add3A_3765, %mul3A_3767 : vector<16xi32>
      %add3A_3769 = arith.constant 0 : i32
      %add3A_3770 = vector.broadcast %add3A_3769 : i32 to vector<16xi32>
      %add3A_3771 = arith.addi %mul3A_3768, %add3A_3770 : vector<16xi32>
      tpu.vector_store_idx %arg11[%add3A_3771], %add3A_3641 : memref<35280xf32, #tpu.memory_space<vmem>>[vector<16xi32>], vector<16xf32>,
      %add3A_3772 = arith.constant 1 : i32
      %add3A_3773 = vector.broadcast %add3A_3772 : i32 to vector<16xi32>
      %add3A_3774 = arith.addi %mul3A_3768, %add3A_3773 : vector<16xi32>
      tpu.vector_store_idx %arg11[%add3A_3774], %add3A_3643 : memref<35280xf32, #tpu.memory_space<vmem>>[vector<16xi32>], vector<16xf32>,
      %add3A_3775 = arith.constant 2 : i32
      %add3A_3776 = vector.broadcast %add3A_3775 : i32 to vector<16xi32>
      %add3A_3777 = arith.addi %mul3A_3768, %add3A_3776 : vector<16xi32>
      tpu.vector_store_idx %arg11[%add3A_3777], %add3A_3645 : memref<35280xf32, #tpu.memory_space<vmem>>[vector<16xi32>], vector<16xf32>,
      %add3A_3778 = arith.constant 3 : i32
      %add3A_3779 = vector.broadcast %add3A_3778 : i32 to vector<16xi32>
      %add3A_3780 = arith.addi %mul3A_3768, %add3A_3779 : vector<16xi32>
      tpu.vector_store_idx %arg11[%add3A_3780], %add3A_3647 : memref<35280xf32, #tpu.memory_space<vmem>>[vector<16xi32>], vector<16xf32>,
      %add3A_3781 = arith.constant 4 : i32
      %add3A_3782 = vector.broadcast %add3A_3781 : i32 to vector<16xi32>
      %add3A_3783 = arith.addi %mul3A_3768, %add3A_3782 : vector<16xi32>
      tpu.vector_store_idx %arg11[%add3A_3783], %add3A_3649 : memref<35280xf32, #tpu.memory_space<vmem>>[vector<16xi32>], vector<16xf32>,
      %add3A_3784 = arith.constant 5 : i32
      %add3A_3785 = vector.broadcast %add3A_3784 : i32 to vector<16xi32>
      %add3A_3786 = arith.addi %mul3A_3768, %add3A_3785 : vector<16xi32>
      tpu.vector_store_idx %arg11[%add3A_3786], %add3A_3660 : memref<35280xf32, #tpu.memory_space<vmem>>[vector<16xi32>], vector<16xf32>,
      %add3A_3787 = arith.constant 6 : i32
      %add3A_3788 = vector.broadcast %add3A_3787 : i32 to vector<16xi32>
      %add3A_3789 = arith.addi %mul3A_3768, %add3A_3788 : vector<16xi32>
      tpu.vector_store_idx %arg11[%add3A_3789], %add3A_3662 : memref<35280xf32, #tpu.memory_space<vmem>>[vector<16xi32>], vector<16xf32>,
      %add3A_3790 = arith.constant 7 : i32
      %add3A_3791 = vector.broadcast %add3A_3790 : i32 to vector<16xi32>
      %add3A_3792 = arith.addi %mul3A_3768, %add3A_3791 : vector<16xi32>
      tpu.vector_store_idx %arg11[%add3A_3792], %add3A_3664 : memref<35280xf32, #tpu.memory_space<vmem>>[vector<16xi32>], vector<16xf32>,
      %add3A_3793 = arith.constant 8 : i32
      %add3A_3794 = vector.broadcast %add3A_3793 : i32 to vector<16xi32>
      %add3A_3795 = arith.addi %mul3A_3768, %add3A_3794 : vector<16xi32>
      tpu.vector_store_idx %arg11[%add3A_3795], %add3A_3666 : memref<35280xf32, #tpu.memory_space<vmem>>[vector<16xi32>], vector<16xf32>,
      %add3A_3796 = arith.constant 9 : i32
      %add3A_3797 = vector.broadcast %add3A_3796 : i32 to vector<16xi32>
      %add3A_3798 = arith.addi %mul3A_3768, %add3A_3797 : vector<16xi32>
      tpu.vector_store_idx %arg11[%add3A_3798], %add3A_3668 : memref<35280xf32, #tpu.memory_space<vmem>>[vector<16xi32>], vector<16xf32>,
      %add3A_3799 = arith.constant 10 : i32
      %add3A_3800 = vector.broadcast %add3A_3799 : i32 to vector<16xi32>
      %add3A_3801 = arith.addi %mul3A_3768, %add3A_3800 : vector<16xi32>
      tpu.vector_store_idx %arg11[%add3A_3801], %add3A_3679 : memref<35280xf32, #tpu.memory_space<vmem>>[vector<16xi32>], vector<16xf32>,
      %add3A_3802 = arith.constant 11 : i32
      %add3A_3803 = vector.broadcast %add3A_3802 : i32 to vector<16xi32>
      %add3A_3804 = arith.addi %mul3A_3768, %add3A_3803 : vector<16xi32>
      tpu.vector_store_idx %arg11[%add3A_3804], %add3A_3681 : memref<35280xf32, #tpu.memory_space<vmem>>[vector<16xi32>], vector<16xf32>,
      %add3A_3805 = arith.constant 12 : i32
      %add3A_3806 = vector.broadcast %add3A_3805 : i32 to vector<16xi32>
      %add3A_3807 = arith.addi %mul3A_3768, %add3A_3806 : vector<16xi32>
      tpu.vector_store_idx %arg11[%add3A_3807], %add3A_3683 : memref<35280xf32, #tpu.memory_space<vmem>>[vector<16xi32>], vector<16xf32>,
      %add3A_3808 = arith.constant 13 : i32
      %add3A_3809 = vector.broadcast %add3A_3808 : i32 to vector<16xi32>
      %add3A_3810 = arith.addi %mul3A_3768, %add3A_3809 : vector<16xi32>
      tpu.vector_store_idx %arg11[%add3A_3810], %add3A_3685 : memref<35280xf32, #tpu.memory_space<vmem>>[vector<16xi32>], vector<16xf32>,
      %add3A_3811 = arith.constant 14 : i32
      %add3A_3812 = vector.broadcast %add3A_3811 : i32 to vector<16xi32>
      %add3A_3813 = arith.addi %mul3A_3768, %add3A_3812 : vector<16xi32>
      tpu.vector_store_idx %arg11[%add3A_3813], %add3A_3687 : memref<35280xf32, #tpu.memory_space<vmem>>[vector<16xi32>], vector<16xf32>,
      %add3A_3814 = arith.constant 15 : i32
      %add3A_3815 = vector.broadcast %add3A_3814 : i32 to vector<16xi32>
      %add3A_3816 = arith.addi %mul3A_3768, %add3A_3815 : vector<16xi32>
      tpu.vector_store_idx %arg11[%add3A_3816], %add3A_3698 : memref<35280xf32, #tpu.memory_space<vmem>>[vector<16xi32>], vector<16xf32>,
      %add3A_3817 = arith.constant 16 : i32
      %add3A_3818 = vector.broadcast %add3A_3817 : i32 to vector<16xi32>
      %add3A_3819 = arith.addi %mul3A_3768, %add3A_3818 : vector<16xi32>
      tpu.vector_store_idx %arg11[%add3A_3819], %add3A_3700 : memref<35280xf32, #tpu.memory_space<vmem>>[vector<16xi32>], vector<16xf32>,
      %add3A_3820 = arith.constant 17 : i32
      %add3A_3821 = vector.broadcast %add3A_3820 : i32 to vector<16xi32>
      %add3A_3822 = arith.addi %mul3A_3768, %add3A_3821 : vector<16xi32>
      tpu.vector_store_idx %arg11[%add3A_3822], %add3A_3702 : memref<35280xf32, #tpu.memory_space<vmem>>[vector<16xi32>], vector<16xf32>,
      %add3A_3823 = arith.constant 18 : i32
      %add3A_3824 = vector.broadcast %add3A_3823 : i32 to vector<16xi32>
      %add3A_3825 = arith.addi %mul3A_3768, %add3A_3824 : vector<16xi32>
      tpu.vector_store_idx %arg11[%add3A_3825], %add3A_3704 : memref<35280xf32, #tpu.memory_space<vmem>>[vector<16xi32>], vector<16xf32>,
      %add3A_3826 = arith.constant 19 : i32
      %add3A_3827 = vector.broadcast %add3A_3826 : i32 to vector<16xi32>
      %add3A_3828 = arith.addi %mul3A_3768, %add3A_3827 : vector<16xi32>
      tpu.vector_store_idx %arg11[%add3A_3828], %add3A_3706 : memref<35280xf32, #tpu.memory_space<vmem>>[vector<16xi32>], vector<16xf32>,
      %add3A_3829 = arith.constant 20 : i32
      %add3A_3830 = vector.broadcast %add3A_3829 : i32 to vector<16xi32>
      %add3A_3831 = arith.addi %mul3A_3768, %add3A_3830 : vector<16xi32>
      tpu.vector_store_idx %arg11[%add3A_3831], %add3A_3717 : memref<35280xf32, #tpu.memory_space<vmem>>[vector<16xi32>], vector<16xf32>,
      %add3A_3832 = arith.constant 21 : i32
      %add3A_3833 = vector.broadcast %add3A_3832 : i32 to vector<16xi32>
      %add3A_3834 = arith.addi %mul3A_3768, %add3A_3833 : vector<16xi32>
      tpu.vector_store_idx %arg11[%add3A_3834], %add3A_3719 : memref<35280xf32, #tpu.memory_space<vmem>>[vector<16xi32>], vector<16xf32>,
      %add3A_3835 = arith.constant 22 : i32
      %add3A_3836 = vector.broadcast %add3A_3835 : i32 to vector<16xi32>
      %add3A_3837 = arith.addi %mul3A_3768, %add3A_3836 : vector<16xi32>
      tpu.vector_store_idx %arg11[%add3A_3837], %add3A_3721 : memref<35280xf32, #tpu.memory_space<vmem>>[vector<16xi32>], vector<16xf32>,
      %add3A_3838 = arith.constant 23 : i32
      %add3A_3839 = vector.broadcast %add3A_3838 : i32 to vector<16xi32>
      %add3A_3840 = arith.addi %mul3A_3768, %add3A_3839 : vector<16xi32>
      tpu.vector_store_idx %arg11[%add3A_3840], %add3A_3723 : memref<35280xf32, #tpu.memory_space<vmem>>[vector<16xi32>], vector<16xf32>,
      %add3A_3841 = arith.constant 24 : i32
      %add3A_3842 = vector.broadcast %add3A_3841 : i32 to vector<16xi32>
      %add3A_3843 = arith.addi %mul3A_3768, %add3A_3842 : vector<16xi32>
      tpu.vector_store_idx %arg11[%add3A_3843], %add3A_3725 : memref<35280xf32, #tpu.memory_space<vmem>>[vector<16xi32>], vector<16xf32>,
      %add3A_3844 = arith.constant 25 : i32
      %add3A_3845 = vector.broadcast %add3A_3844 : i32 to vector<16xi32>
      %add3A_3846 = arith.addi %mul3A_3768, %add3A_3845 : vector<16xi32>
      tpu.vector_store_idx %arg11[%add3A_3846], %add3A_3736 : memref<35280xf32, #tpu.memory_space<vmem>>[vector<16xi32>], vector<16xf32>,
      %add3A_3847 = arith.constant 26 : i32
      %add3A_3848 = vector.broadcast %add3A_3847 : i32 to vector<16xi32>
      %add3A_3849 = arith.addi %mul3A_3768, %add3A_3848 : vector<16xi32>
      tpu.vector_store_idx %arg11[%add3A_3849], %add3A_3738 : memref<35280xf32, #tpu.memory_space<vmem>>[vector<16xi32>], vector<16xf32>,
      %add3A_3850 = arith.constant 27 : i32
      %add3A_3851 = vector.broadcast %add3A_3850 : i32 to vector<16xi32>
      %add3A_3852 = arith.addi %mul3A_3768, %add3A_3851 : vector<16xi32>
      tpu.vector_store_idx %arg11[%add3A_3852], %add3A_3740 : memref<35280xf32, #tpu.memory_space<vmem>>[vector<16xi32>], vector<16xf32>,
      %add3A_3853 = arith.constant 28 : i32
      %add3A_3854 = vector.broadcast %add3A_3853 : i32 to vector<16xi32>
      %add3A_3855 = arith.addi %mul3A_3768, %add3A_3854 : vector<16xi32>
      tpu.vector_store_idx %arg11[%add3A_3855], %add3A_3742 : memref<35280xf32, #tpu.memory_space<vmem>>[vector<16xi32>], vector<16xf32>,
      %add3A_3856 = arith.constant 29 : i32
      %add3A_3857 = vector.broadcast %add3A_3856 : i32 to vector<16xi32>
      %add3A_3858 = arith.addi %mul3A_3768, %add3A_3857 : vector<16xi32>
      tpu.vector_store_idx %arg11[%add3A_3858], %add3A_3744 : memref<35280xf32, #tpu.memory_space<vmem>>[vector<16xi32>], vector<16xf32>,
      %add3A_3859 = arith.constant 30 : i32
      %add3A_3860 = vector.broadcast %add3A_3859 : i32 to vector<16xi32>
      %add3A_3861 = arith.addi %mul3A_3768, %add3A_3860 : vector<16xi32>
      tpu.vector_store_idx %arg11[%add3A_3861], %add3A_3755 : memref<35280xf32, #tpu.memory_space<vmem>>[vector<16xi32>], vector<16xf32>,
      %add3A_3862 = arith.constant 31 : i32
      %add3A_3863 = vector.broadcast %add3A_3862 : i32 to vector<16xi32>
      %add3A_3864 = arith.addi %mul3A_3768, %add3A_3863 : vector<16xi32>
      tpu.vector_store_idx %arg11[%add3A_3864], %add3A_3757 : memref<35280xf32, #tpu.memory_space<vmem>>[vector<16xi32>], vector<16xf32>,
      %add3A_3865 = arith.constant 32 : i32
      %add3A_3866 = vector.broadcast %add3A_3865 : i32 to vector<16xi32>
      %add3A_3867 = arith.addi %mul3A_3768, %add3A_3866 : vector<16xi32>
      tpu.vector_store_idx %arg11[%add3A_3867], %add3A_3759 : memref<35280xf32, #tpu.memory_space<vmem>>[vector<16xi32>], vector<16xf32>,
      %add3A_3868 = arith.constant 33 : i32
      %add3A_3869 = vector.broadcast %add3A_3868 : i32 to vector<16xi32>
      %add3A_3870 = arith.addi %mul3A_3768, %add3A_3869 : vector<16xi32>
      tpu.vector_store_idx %arg11[%add3A_3870], %add3A_3761 : memref<35280xf32, #tpu.memory_space<vmem>>[vector<16xi32>], vector<16xf32>,
      %add3A_3871 = arith.constant 34 : i32
      %add3A_3872 = vector.broadcast %add3A_3871 : i32 to vector<16xi32>
      %add3A_3873 = arith.addi %mul3A_3768, %add3A_3872 : vector<16xi32>
      tpu.vector_store_idx %arg11[%add3A_3873], %add3A_3763 : memref<35280xf32, #tpu.memory_space<vmem>>[vector<16xi32>], vector<16xf32>,
    }
    %scan3A_6 = arith.constant 63 : i32
    "tpu.region"() ({
      %run_scoped3A = tpu.sem_alloc : memref<!tpu.dma_semaphore, #tpu.memory_space<semaphore_mem>>
      %dma_start3A = arith.constant 0 : i32
      %dma_start3A_7 = tpu.memref_slice %arg6[%add3A, %dma_start3A] : memref<32x35280xf32, #tpu.memory_space<hbm>> -> memref<1x35280xf32, #tpu.memory_space<hbm>>
      %dma_start3A_8 = tpu.memref_squeeze %dma_start3A_7 : memref<1x35280xf32, #tpu.memory_space<hbm>> -> memref<35280xf32, #tpu.memory_space<hbm>>
      %dma_start3A_9 = arith.constant 0 : i32
      %dma_start3A_10 = tpu.memref_slice %arg6[%add3A, %dma_start3A_9] : memref<32x35280xf32, #tpu.memory_space<hbm>> -> memref<1x35280xf32, #tpu.memory_space<hbm>>
      %dma_start3A_11 = tpu.memref_squeeze %dma_start3A_10 : memref<1x35280xf32, #tpu.memory_space<hbm>> -> memref<35280xf32, #tpu.memory_space<hbm>>
      tpu.enqueue_dma source(%arg11 : memref<35280xf32, #tpu.memory_space<vmem>>) target(%dma_start3A_11 : memref<35280xf32, #tpu.memory_space<hbm>>) target_semaphore(%run_scoped3A : memref<!tpu.dma_semaphore, #tpu.memory_space<semaphore_mem>>)
      %dma_wait3A = arith.constant 0 : i32
      %dma_wait3A_12 = tpu.memref_slice %arg6[%add3A, %dma_wait3A] : memref<32x35280xf32, #tpu.memory_space<hbm>> -> memref<1x35280xf32, #tpu.memory_space<hbm>>
      %dma_wait3A_13 = tpu.memref_squeeze %dma_wait3A_12 : memref<1x35280xf32, #tpu.memory_space<hbm>> -> memref<35280xf32, #tpu.memory_space<hbm>>
      %dma_wait3A_14 = arith.constant 0 : i32
      %dma_wait3A_15 = tpu.memref_slice %arg6[%add3A, %dma_wait3A_14] : memref<32x35280xf32, #tpu.memory_space<hbm>> -> memref<1x35280xf32, #tpu.memory_space<hbm>>
      %dma_wait3A_16 = tpu.memref_squeeze %dma_wait3A_15 : memref<1x35280xf32, #tpu.memory_space<hbm>> -> memref<35280xf32, #tpu.memory_space<hbm>>
      tpu.wait_dma2 semaphore(%run_scoped3A : memref<!tpu.dma_semaphore, #tpu.memory_space<semaphore_mem>>) src(%arg11 : memref<35280xf32, #tpu.memory_space<vmem>>) dst(%dma_wait3A_16 : memref<35280xf32, #tpu.memory_space<hbm>>)
      tpu.yield
    }) : () -> ()
    return
  }
}

module attributes {stable_mosaic.version = 14 : i64} {
  func.func @_k1(%arg0: i32, %arg1: i32, %arg2: memref<1x1000x3xf32, #tpu.memory_space<vmem>>, %arg3: memref<1x3x1000xf32, #tpu.memory_space<vmem>>, %arg4: memref<7x3xf32, #tpu.memory_space<vmem>>, %arg5: memref<1x1000x15xi32, #tpu.memory_space<vmem>>, %arg6: memref<1x1xf32, #tpu.memory_space<vmem>>, %arg7: memref<1x7x1000xf32, #tpu.memory_space<vmem>>) attributes {dimension_semantics = [#tpu.dimension_semantics<arbitrary>, #tpu.dimension_semantics<arbitrary>], iteration_bounds = array<i64: 32, 1>, scalar_prefetch = 0 : i64, scratch_operands = 0 : i64, tpu.core_type = #tpu.core_type<tc>, window_params = [{transform_indices = @transform_0, window_bounds = array<i64: 1, 1000, 3>}, {transform_indices = @transform_1, window_bounds = array<i64: 1, 3, 1000>}, {pipeline_mode = #tpu.pipeline_mode<synchronous>, transform_indices = @transform_2, window_bounds = array<i64: 7, 3>}, {transform_indices = @transform_3, window_bounds = array<i64: 1, 1000, 15>}, {pipeline_mode = #tpu.pipeline_mode<synchronous>, transform_indices = @transform_4, window_bounds = array<i64: 1, 1>}, {transform_indices = @transform_5, window_bounds = array<i64: 1, 7, 1000>}]} {
    %get3A = arith.constant 0 : index
    %get3A_0 = arith.constant 0 : index
    %get3A_1 = arith.constant 0 : index
    %get3A_2 = vector.load %arg2[%get3A, %get3A_0, %get3A_1] : memref<1x1000x3xf32, #tpu.memory_space<vmem>>, vector<1x1000x3xf32>
    %get3A_3 = vector.shape_cast %get3A_2 : vector<1x1000x3xf32> to vector<1000x3xf32>
    %get3A_4 = arith.constant 0 : index
    %get3A_5 = arith.constant 0 : index
    %get3A_6 = arith.constant 0 : index
    %get3A_7 = vector.load %arg3[%get3A_4, %get3A_5, %get3A_6] : memref<1x3x1000xf32, #tpu.memory_space<vmem>>, vector<1x3x1000xf32>
    %get3A_8 = vector.shape_cast %get3A_7 : vector<1x3x1000xf32> to vector<3x1000xf32>
    %mul3A = arith.mulf %get3A_3, %get3A_3 : vector<1000x3xf32>
    %reduce_sum3A = arith.constant dense<0.000000e+00> : vector<1000xf32>
    %reduce_sum3A_9 = vector.multi_reduction <add>, %mul3A, %reduce_sum3A [1] : vector<1000x3xf32> to vector<1000xf32>
    %broadcast_in_dim3A = vector.shape_cast %reduce_sum3A_9 : vector<1000xf32> to vector<1000x1xf32>
    %mul3A_10 = arith.mulf %get3A_8, %get3A_8 : vector<3x1000xf32>
    %reduce_sum3A_11 = arith.constant dense<0.000000e+00> : vector<1000xf32>
    %reduce_sum3A_12 = vector.multi_reduction <add>, %mul3A_10, %reduce_sum3A_11 [0] : vector<3x1000xf32> to vector<1000xf32>
    %broadcast_in_dim3A_13 = vector.shape_cast %reduce_sum3A_12 : vector<1000xf32> to vector<1x1000xf32>
    %dot_general3A = arith.constant dense<0.000000e+00> : vector<1000x1000xf32>
    %dot_general3A_14 = tpu.matmul %get3A_3, %get3A_8, %dot_general3A {dimension_numbers = #tpu.dot_dimension_numbers<[1], [0], [0], [1], [0, 0, 1, 1], [], []>, transpose_lhs_hint = false} : vector<1000x3xf32>, vector<3x1000xf32>, vector<1000x1000xf32> -> vector<1000x1000xf32>
    %add3A = vector.broadcast %broadcast_in_dim3A : vector<1000x1xf32> to vector<1000x1000xf32>
    %add3A_15 = vector.broadcast %broadcast_in_dim3A_13 : vector<1x1000xf32> to vector<1000x1000xf32>
    %add3A_16 = arith.addf %add3A, %add3A_15 : vector<1000x1000xf32>
    %mul3A_17 = arith.constant 2.000000e+00 : f32
    %mul3A_18 = vector.broadcast %mul3A_17 : f32 to vector<1000x1000xf32>
    %mul3A_19 = arith.mulf %mul3A_18, %dot_general3A_14 : vector<1000x1000xf32>
    %sub3A = arith.subf %add3A_16, %mul3A_19 : vector<1000x1000xf32>
    %max3A = arith.constant 1.000000e-35 : f32
    %max3A_20 = vector.broadcast %max3A : f32 to vector<1000x1000xf32>
    %max3A_21 = arith.maximumf %sub3A, %max3A_20 : vector<1000x1000xf32>
    %iota3A = tpu.iota {dimensions = array<i32: 0>} : vector<1000x1000xi32>
    %mul3A_22 = arith.constant 1000 : i32
    %mul3A_23 = arith.muli %arg1, %mul3A_22 : i32
    %add3A_24 = vector.broadcast %mul3A_23 : i32 to vector<1000x1000xi32>
    %add3A_25 = arith.addi %iota3A, %add3A_24 : vector<1000x1000xi32>
    %iota3A_26 = tpu.iota {dimensions = array<i32: 1>} : vector<1000x1000xi32>
    %eq3A = arith.cmpi eq, %add3A_25, %iota3A_26 : vector<1000x1000xi32>
    %jit3A = arith.constant 1.000000e+30 : f32
    %broadcast_in_dim3A_27 = vector.broadcast %jit3A : f32 to vector<1000x1000xf32>
    %select_n3A = arith.select %eq3A, %broadcast_in_dim3A_27, %max3A_21 : vector<1000x1000xi1>, vector<1000x1000xf32>
    %bitcast_convert_type3A = tpu.bitcast %select_n3A : vector<1000x1000xf32> -> vector<1000x1000xi32>
    %and3A = arith.constant -1024 : i32
    %and3A_28 = vector.broadcast %and3A : i32 to vector<1000x1000xi32>
    %and3A_29 = arith.andi %bitcast_convert_type3A, %and3A_28 : vector<1000x1000xi32>
    %or3A = arith.ori %and3A_29, %iota3A_26 : vector<1000x1000xi32>
    %bitcast_convert_type3A_30 = tpu.bitcast %or3A : vector<1000x1000xi32> -> vector<1000x1000xf32>
    %reduce_min3A = arith.constant dense<0x7F800000> : vector<1000xf32>
    %reduce_min3A_31 = vector.multi_reduction <minimumf>, %bitcast_convert_type3A_30, %reduce_min3A [1] : vector<1000x1000xf32> to vector<1000xf32>
    %broadcast_in_dim3A_32 = vector.shape_cast %reduce_min3A_31 : vector<1000xf32> to vector<1000x1xf32>
    %bitcast_convert_type3A_33 = tpu.bitcast %broadcast_in_dim3A_32 : vector<1000x1xf32> -> vector<1000x1xi32>
    %and3A_34 = arith.constant 1023 : i32
    %and3A_35 = vector.broadcast %and3A_34 : i32 to vector<1000x1xi32>
    %and3A_36 = arith.andi %bitcast_convert_type3A_33, %and3A_35 : vector<1000x1xi32>
    %gt3A = vector.broadcast %broadcast_in_dim3A_32 : vector<1000x1xf32> to vector<1000x1000xf32>
    %gt3A_37 = arith.cmpf ogt, %bitcast_convert_type3A_30, %gt3A : vector<1000x1000xf32>
    %jit3A_38 = arith.constant 1.70141183E+38 : f32
    %broadcast_in_dim3A_39 = vector.broadcast %jit3A_38 : f32 to vector<1000x1000xf32>
    %select_n3A_40 = arith.select %gt3A_37, %bitcast_convert_type3A_30, %broadcast_in_dim3A_39 : vector<1000x1000xi1>, vector<1000x1000xf32>
    %reduce_min3A_41 = arith.constant dense<0x7F800000> : vector<1000xf32>
    %reduce_min3A_42 = vector.multi_reduction <minimumf>, %select_n3A_40, %reduce_min3A_41 [1] : vector<1000x1000xf32> to vector<1000xf32>
    %broadcast_in_dim3A_43 = vector.shape_cast %reduce_min3A_42 : vector<1000xf32> to vector<1000x1xf32>
    %bitcast_convert_type3A_44 = tpu.bitcast %broadcast_in_dim3A_43 : vector<1000x1xf32> -> vector<1000x1xi32>
    %and3A_45 = arith.constant 1023 : i32
    %and3A_46 = vector.broadcast %and3A_45 : i32 to vector<1000x1xi32>
    %and3A_47 = arith.andi %bitcast_convert_type3A_44, %and3A_46 : vector<1000x1xi32>
    %gt3A_48 = vector.broadcast %broadcast_in_dim3A_43 : vector<1000x1xf32> to vector<1000x1000xf32>
    %gt3A_49 = arith.cmpf ogt, %bitcast_convert_type3A_30, %gt3A_48 : vector<1000x1000xf32>
    %jit3A_50 = arith.constant 1.70141183E+38 : f32
    %broadcast_in_dim3A_51 = vector.broadcast %jit3A_50 : f32 to vector<1000x1000xf32>
    %select_n3A_52 = arith.select %gt3A_49, %bitcast_convert_type3A_30, %broadcast_in_dim3A_51 : vector<1000x1000xi1>, vector<1000x1000xf32>
    %reduce_min3A_53 = arith.constant dense<0x7F800000> : vector<1000xf32>
    %reduce_min3A_54 = vector.multi_reduction <minimumf>, %select_n3A_52, %reduce_min3A_53 [1] : vector<1000x1000xf32> to vector<1000xf32>
    %broadcast_in_dim3A_55 = vector.shape_cast %reduce_min3A_54 : vector<1000xf32> to vector<1000x1xf32>
    %bitcast_convert_type3A_56 = tpu.bitcast %broadcast_in_dim3A_55 : vector<1000x1xf32> -> vector<1000x1xi32>
    %and3A_57 = arith.constant 1023 : i32
    %and3A_58 = vector.broadcast %and3A_57 : i32 to vector<1000x1xi32>
    %and3A_59 = arith.andi %bitcast_convert_type3A_56, %and3A_58 : vector<1000x1xi32>
    %gt3A_60 = vector.broadcast %broadcast_in_dim3A_55 : vector<1000x1xf32> to vector<1000x1000xf32>
    %gt3A_61 = arith.cmpf ogt, %bitcast_convert_type3A_30, %gt3A_60 : vector<1000x1000xf32>
    %jit3A_62 = arith.constant 1.70141183E+38 : f32
    %broadcast_in_dim3A_63 = vector.broadcast %jit3A_62 : f32 to vector<1000x1000xf32>
    %select_n3A_64 = arith.select %gt3A_61, %bitcast_convert_type3A_30, %broadcast_in_dim3A_63 : vector<1000x1000xi1>, vector<1000x1000xf32>
    %reduce_min3A_65 = arith.constant dense<0x7F800000> : vector<1000xf32>
    %reduce_min3A_66 = vector.multi_reduction <minimumf>, %select_n3A_64, %reduce_min3A_65 [1] : vector<1000x1000xf32> to vector<1000xf32>
    %broadcast_in_dim3A_67 = vector.shape_cast %reduce_min3A_66 : vector<1000xf32> to vector<1000x1xf32>
    %bitcast_convert_type3A_68 = tpu.bitcast %broadcast_in_dim3A_67 : vector<1000x1xf32> -> vector<1000x1xi32>
    %and3A_69 = arith.constant 1023 : i32
    %and3A_70 = vector.broadcast %and3A_69 : i32 to vector<1000x1xi32>
    %and3A_71 = arith.andi %bitcast_convert_type3A_68, %and3A_70 : vector<1000x1xi32>
    %gt3A_72 = vector.broadcast %broadcast_in_dim3A_67 : vector<1000x1xf32> to vector<1000x1000xf32>
    %gt3A_73 = arith.cmpf ogt, %bitcast_convert_type3A_30, %gt3A_72 : vector<1000x1000xf32>
    %jit3A_74 = arith.constant 1.70141183E+38 : f32
    %broadcast_in_dim3A_75 = vector.broadcast %jit3A_74 : f32 to vector<1000x1000xf32>
    %select_n3A_76 = arith.select %gt3A_73, %bitcast_convert_type3A_30, %broadcast_in_dim3A_75 : vector<1000x1000xi1>, vector<1000x1000xf32>
    %reduce_min3A_77 = arith.constant dense<0x7F800000> : vector<1000xf32>
    %reduce_min3A_78 = vector.multi_reduction <minimumf>, %select_n3A_76, %reduce_min3A_77 [1] : vector<1000x1000xf32> to vector<1000xf32>
    %broadcast_in_dim3A_79 = vector.shape_cast %reduce_min3A_78 : vector<1000xf32> to vector<1000x1xf32>
    %bitcast_convert_type3A_80 = tpu.bitcast %broadcast_in_dim3A_79 : vector<1000x1xf32> -> vector<1000x1xi32>
    %and3A_81 = arith.constant 1023 : i32
    %and3A_82 = vector.broadcast %and3A_81 : i32 to vector<1000x1xi32>
    %and3A_83 = arith.andi %bitcast_convert_type3A_80, %and3A_82 : vector<1000x1xi32>
    %gt3A_84 = vector.broadcast %broadcast_in_dim3A_79 : vector<1000x1xf32> to vector<1000x1000xf32>
    %gt3A_85 = arith.cmpf ogt, %bitcast_convert_type3A_30, %gt3A_84 : vector<1000x1000xf32>
    %jit3A_86 = arith.constant 1.70141183E+38 : f32
    %broadcast_in_dim3A_87 = vector.broadcast %jit3A_86 : f32 to vector<1000x1000xf32>
    %select_n3A_88 = arith.select %gt3A_85, %bitcast_convert_type3A_30, %broadcast_in_dim3A_87 : vector<1000x1000xi1>, vector<1000x1000xf32>
    %reduce_min3A_89 = arith.constant dense<0x7F800000> : vector<1000xf32>
    %reduce_min3A_90 = vector.multi_reduction <minimumf>, %select_n3A_88, %reduce_min3A_89 [1] : vector<1000x1000xf32> to vector<1000xf32>
    %broadcast_in_dim3A_91 = vector.shape_cast %reduce_min3A_90 : vector<1000xf32> to vector<1000x1xf32>
    %bitcast_convert_type3A_92 = tpu.bitcast %broadcast_in_dim3A_91 : vector<1000x1xf32> -> vector<1000x1xi32>
    %and3A_93 = arith.constant 1023 : i32
    %and3A_94 = vector.broadcast %and3A_93 : i32 to vector<1000x1xi32>
    %and3A_95 = arith.andi %bitcast_convert_type3A_92, %and3A_94 : vector<1000x1xi32>
    %gt3A_96 = vector.broadcast %broadcast_in_dim3A_91 : vector<1000x1xf32> to vector<1000x1000xf32>
    %gt3A_97 = arith.cmpf ogt, %bitcast_convert_type3A_30, %gt3A_96 : vector<1000x1000xf32>
    %jit3A_98 = arith.constant 1.70141183E+38 : f32
    %broadcast_in_dim3A_99 = vector.broadcast %jit3A_98 : f32 to vector<1000x1000xf32>
    %select_n3A_100 = arith.select %gt3A_97, %bitcast_convert_type3A_30, %broadcast_in_dim3A_99 : vector<1000x1000xi1>, vector<1000x1000xf32>
    %reduce_min3A_101 = arith.constant dense<0x7F800000> : vector<1000xf32>
    %reduce_min3A_102 = vector.multi_reduction <minimumf>, %select_n3A_100, %reduce_min3A_101 [1] : vector<1000x1000xf32> to vector<1000xf32>
    %broadcast_in_dim3A_103 = vector.shape_cast %reduce_min3A_102 : vector<1000xf32> to vector<1000x1xf32>
    %bitcast_convert_type3A_104 = tpu.bitcast %broadcast_in_dim3A_103 : vector<1000x1xf32> -> vector<1000x1xi32>
    %and3A_105 = arith.constant 1023 : i32
    %and3A_106 = vector.broadcast %and3A_105 : i32 to vector<1000x1xi32>
    %and3A_107 = arith.andi %bitcast_convert_type3A_104, %and3A_106 : vector<1000x1xi32>
    %gt3A_108 = vector.broadcast %broadcast_in_dim3A_103 : vector<1000x1xf32> to vector<1000x1000xf32>
    %gt3A_109 = arith.cmpf ogt, %bitcast_convert_type3A_30, %gt3A_108 : vector<1000x1000xf32>
    %jit3A_110 = arith.constant 1.70141183E+38 : f32
    %broadcast_in_dim3A_111 = vector.broadcast %jit3A_110 : f32 to vector<1000x1000xf32>
    %select_n3A_112 = arith.select %gt3A_109, %bitcast_convert_type3A_30, %broadcast_in_dim3A_111 : vector<1000x1000xi1>, vector<1000x1000xf32>
    %reduce_min3A_113 = arith.constant dense<0x7F800000> : vector<1000xf32>
    %reduce_min3A_114 = vector.multi_reduction <minimumf>, %select_n3A_112, %reduce_min3A_113 [1] : vector<1000x1000xf32> to vector<1000xf32>
    %broadcast_in_dim3A_115 = vector.shape_cast %reduce_min3A_114 : vector<1000xf32> to vector<1000x1xf32>
    %bitcast_convert_type3A_116 = tpu.bitcast %broadcast_in_dim3A_115 : vector<1000x1xf32> -> vector<1000x1xi32>
    %and3A_117 = arith.constant 1023 : i32
    %and3A_118 = vector.broadcast %and3A_117 : i32 to vector<1000x1xi32>
    %and3A_119 = arith.andi %bitcast_convert_type3A_116, %and3A_118 : vector<1000x1xi32>
    %gt3A_120 = vector.broadcast %broadcast_in_dim3A_115 : vector<1000x1xf32> to vector<1000x1000xf32>
    %gt3A_121 = arith.cmpf ogt, %bitcast_convert_type3A_30, %gt3A_120 : vector<1000x1000xf32>
    %jit3A_122 = arith.constant 1.70141183E+38 : f32
    %broadcast_in_dim3A_123 = vector.broadcast %jit3A_122 : f32 to vector<1000x1000xf32>
    %select_n3A_124 = arith.select %gt3A_121, %bitcast_convert_type3A_30, %broadcast_in_dim3A_123 : vector<1000x1000xi1>, vector<1000x1000xf32>
    %reduce_min3A_125 = arith.constant dense<0x7F800000> : vector<1000xf32>
    %reduce_min3A_126 = vector.multi_reduction <minimumf>, %select_n3A_124, %reduce_min3A_125 [1] : vector<1000x1000xf32> to vector<1000xf32>
    %broadcast_in_dim3A_127 = vector.shape_cast %reduce_min3A_126 : vector<1000xf32> to vector<1000x1xf32>
    %bitcast_convert_type3A_128 = tpu.bitcast %broadcast_in_dim3A_127 : vector<1000x1xf32> -> vector<1000x1xi32>
    %and3A_129 = arith.constant 1023 : i32
    %and3A_130 = vector.broadcast %and3A_129 : i32 to vector<1000x1xi32>
    %and3A_131 = arith.andi %bitcast_convert_type3A_128, %and3A_130 : vector<1000x1xi32>
    %gt3A_132 = vector.broadcast %broadcast_in_dim3A_127 : vector<1000x1xf32> to vector<1000x1000xf32>
    %gt3A_133 = arith.cmpf ogt, %bitcast_convert_type3A_30, %gt3A_132 : vector<1000x1000xf32>
    %jit3A_134 = arith.constant 1.70141183E+38 : f32
    %broadcast_in_dim3A_135 = vector.broadcast %jit3A_134 : f32 to vector<1000x1000xf32>
    %select_n3A_136 = arith.select %gt3A_133, %bitcast_convert_type3A_30, %broadcast_in_dim3A_135 : vector<1000x1000xi1>, vector<1000x1000xf32>
    %reduce_min3A_137 = arith.constant dense<0x7F800000> : vector<1000xf32>
    %reduce_min3A_138 = vector.multi_reduction <minimumf>, %select_n3A_136, %reduce_min3A_137 [1] : vector<1000x1000xf32> to vector<1000xf32>
    %broadcast_in_dim3A_139 = vector.shape_cast %reduce_min3A_138 : vector<1000xf32> to vector<1000x1xf32>
    %bitcast_convert_type3A_140 = tpu.bitcast %broadcast_in_dim3A_139 : vector<1000x1xf32> -> vector<1000x1xi32>
    %and3A_141 = arith.constant 1023 : i32
    %and3A_142 = vector.broadcast %and3A_141 : i32 to vector<1000x1xi32>
    %and3A_143 = arith.andi %bitcast_convert_type3A_140, %and3A_142 : vector<1000x1xi32>
    %gt3A_144 = vector.broadcast %broadcast_in_dim3A_139 : vector<1000x1xf32> to vector<1000x1000xf32>
    %gt3A_145 = arith.cmpf ogt, %bitcast_convert_type3A_30, %gt3A_144 : vector<1000x1000xf32>
    %jit3A_146 = arith.constant 1.70141183E+38 : f32
    %broadcast_in_dim3A_147 = vector.broadcast %jit3A_146 : f32 to vector<1000x1000xf32>
    %select_n3A_148 = arith.select %gt3A_145, %bitcast_convert_type3A_30, %broadcast_in_dim3A_147 : vector<1000x1000xi1>, vector<1000x1000xf32>
    %reduce_min3A_149 = arith.constant dense<0x7F800000> : vector<1000xf32>
    %reduce_min3A_150 = vector.multi_reduction <minimumf>, %select_n3A_148, %reduce_min3A_149 [1] : vector<1000x1000xf32> to vector<1000xf32>
    %broadcast_in_dim3A_151 = vector.shape_cast %reduce_min3A_150 : vector<1000xf32> to vector<1000x1xf32>
    %bitcast_convert_type3A_152 = tpu.bitcast %broadcast_in_dim3A_151 : vector<1000x1xf32> -> vector<1000x1xi32>
    %and3A_153 = arith.constant 1023 : i32
    %and3A_154 = vector.broadcast %and3A_153 : i32 to vector<1000x1xi32>
    %and3A_155 = arith.andi %bitcast_convert_type3A_152, %and3A_154 : vector<1000x1xi32>
    %gt3A_156 = vector.broadcast %broadcast_in_dim3A_151 : vector<1000x1xf32> to vector<1000x1000xf32>
    %gt3A_157 = arith.cmpf ogt, %bitcast_convert_type3A_30, %gt3A_156 : vector<1000x1000xf32>
    %jit3A_158 = arith.constant 1.70141183E+38 : f32
    %broadcast_in_dim3A_159 = vector.broadcast %jit3A_158 : f32 to vector<1000x1000xf32>
    %select_n3A_160 = arith.select %gt3A_157, %bitcast_convert_type3A_30, %broadcast_in_dim3A_159 : vector<1000x1000xi1>, vector<1000x1000xf32>
    %reduce_min3A_161 = arith.constant dense<0x7F800000> : vector<1000xf32>
    %reduce_min3A_162 = vector.multi_reduction <minimumf>, %select_n3A_160, %reduce_min3A_161 [1] : vector<1000x1000xf32> to vector<1000xf32>
    %broadcast_in_dim3A_163 = vector.shape_cast %reduce_min3A_162 : vector<1000xf32> to vector<1000x1xf32>
    %bitcast_convert_type3A_164 = tpu.bitcast %broadcast_in_dim3A_163 : vector<1000x1xf32> -> vector<1000x1xi32>
    %and3A_165 = arith.constant 1023 : i32
    %and3A_166 = vector.broadcast %and3A_165 : i32 to vector<1000x1xi32>
    %and3A_167 = arith.andi %bitcast_convert_type3A_164, %and3A_166 : vector<1000x1xi32>
    %gt3A_168 = vector.broadcast %broadcast_in_dim3A_163 : vector<1000x1xf32> to vector<1000x1000xf32>
    %gt3A_169 = arith.cmpf ogt, %bitcast_convert_type3A_30, %gt3A_168 : vector<1000x1000xf32>
    %jit3A_170 = arith.constant 1.70141183E+38 : f32
    %broadcast_in_dim3A_171 = vector.broadcast %jit3A_170 : f32 to vector<1000x1000xf32>
    %select_n3A_172 = arith.select %gt3A_169, %bitcast_convert_type3A_30, %broadcast_in_dim3A_171 : vector<1000x1000xi1>, vector<1000x1000xf32>
    %reduce_min3A_173 = arith.constant dense<0x7F800000> : vector<1000xf32>
    %reduce_min3A_174 = vector.multi_reduction <minimumf>, %select_n3A_172, %reduce_min3A_173 [1] : vector<1000x1000xf32> to vector<1000xf32>
    %broadcast_in_dim3A_175 = vector.shape_cast %reduce_min3A_174 : vector<1000xf32> to vector<1000x1xf32>
    %bitcast_convert_type3A_176 = tpu.bitcast %broadcast_in_dim3A_175 : vector<1000x1xf32> -> vector<1000x1xi32>
    %and3A_177 = arith.constant 1023 : i32
    %and3A_178 = vector.broadcast %and3A_177 : i32 to vector<1000x1xi32>
    %and3A_179 = arith.andi %bitcast_convert_type3A_176, %and3A_178 : vector<1000x1xi32>
    %gt3A_180 = vector.broadcast %broadcast_in_dim3A_175 : vector<1000x1xf32> to vector<1000x1000xf32>
    %gt3A_181 = arith.cmpf ogt, %bitcast_convert_type3A_30, %gt3A_180 : vector<1000x1000xf32>
    %jit3A_182 = arith.constant 1.70141183E+38 : f32
    %broadcast_in_dim3A_183 = vector.broadcast %jit3A_182 : f32 to vector<1000x1000xf32>
    %select_n3A_184 = arith.select %gt3A_181, %bitcast_convert_type3A_30, %broadcast_in_dim3A_183 : vector<1000x1000xi1>, vector<1000x1000xf32>
    %reduce_min3A_185 = arith.constant dense<0x7F800000> : vector<1000xf32>
    %reduce_min3A_186 = vector.multi_reduction <minimumf>, %select_n3A_184, %reduce_min3A_185 [1] : vector<1000x1000xf32> to vector<1000xf32>
    %broadcast_in_dim3A_187 = vector.shape_cast %reduce_min3A_186 : vector<1000xf32> to vector<1000x1xf32>
    %bitcast_convert_type3A_188 = tpu.bitcast %broadcast_in_dim3A_187 : vector<1000x1xf32> -> vector<1000x1xi32>
    %and3A_189 = arith.constant 1023 : i32
    %and3A_190 = vector.broadcast %and3A_189 : i32 to vector<1000x1xi32>
    %and3A_191 = arith.andi %bitcast_convert_type3A_188, %and3A_190 : vector<1000x1xi32>
    %gt3A_192 = vector.broadcast %broadcast_in_dim3A_187 : vector<1000x1xf32> to vector<1000x1000xf32>
    %gt3A_193 = arith.cmpf ogt, %bitcast_convert_type3A_30, %gt3A_192 : vector<1000x1000xf32>
    %jit3A_194 = arith.constant 1.70141183E+38 : f32
    %broadcast_in_dim3A_195 = vector.broadcast %jit3A_194 : f32 to vector<1000x1000xf32>
    %select_n3A_196 = arith.select %gt3A_193, %bitcast_convert_type3A_30, %broadcast_in_dim3A_195 : vector<1000x1000xi1>, vector<1000x1000xf32>
    %reduce_min3A_197 = arith.constant dense<0x7F800000> : vector<1000xf32>
    %reduce_min3A_198 = vector.multi_reduction <minimumf>, %select_n3A_196, %reduce_min3A_197 [1] : vector<1000x1000xf32> to vector<1000xf32>
    %broadcast_in_dim3A_199 = vector.shape_cast %reduce_min3A_198 : vector<1000xf32> to vector<1000x1xf32>
    %bitcast_convert_type3A_200 = tpu.bitcast %broadcast_in_dim3A_199 : vector<1000x1xf32> -> vector<1000x1xi32>
    %and3A_201 = arith.constant 1023 : i32
    %and3A_202 = vector.broadcast %and3A_201 : i32 to vector<1000x1xi32>
    %and3A_203 = arith.andi %bitcast_convert_type3A_200, %and3A_202 : vector<1000x1xi32>
    %concatenate3A = tpu.concatenate %and3A_36, %and3A_47, %and3A_59, %and3A_71, %and3A_83, %and3A_95, %and3A_107, %and3A_119, %and3A_131, %and3A_143, %and3A_155, %and3A_167, %and3A_179, %and3A_191, %and3A_203 in 1 : vector<1000x1xi32>, vector<1000x1xi32>, vector<1000x1xi32>, vector<1000x1xi32>, vector<1000x1xi32>, vector<1000x1xi32>, vector<1000x1xi32>, vector<1000x1xi32>, vector<1000x1xi32>, vector<1000x1xi32>, vector<1000x1xi32>, vector<1000x1xi32>, vector<1000x1xi32>, vector<1000x1xi32>, vector<1000x1xi32> -> vector<1000x15xi32>
    %swap3A = arith.constant 0 : index
    %swap3A_204 = arith.constant 0 : index
    %swap3A_205 = arith.constant 0 : index
    %swap3A_206 = vector.load %arg5[%swap3A, %swap3A_204, %swap3A_205] : memref<1x1000x15xi32, #tpu.memory_space<vmem>>, vector<1x1000x15xi32>
    %swap3A_207 = vector.shape_cast %swap3A_206 : vector<1x1000x15xi32> to vector<1000x15xi32>
    %swap3A_208 = vector.shape_cast %concatenate3A : vector<1000x15xi32> to vector<1x1000x15xi32>
    tpu.vector_store %arg5[%swap3A, %swap3A_204, %swap3A_205], %swap3A_208 {strides = array<i32>} : memref<1x1000x15xi32, #tpu.memory_space<vmem>>, vector<1x1000x15xi32>,
    %bitcast_convert_type3A_209 = tpu.bitcast %broadcast_in_dim3A_199 : vector<1000x1xf32> -> vector<1000x1xi32>
    %and3A_210 = arith.constant -1024 : i32
    %and3A_211 = vector.broadcast %and3A_210 : i32 to vector<1000x1xi32>
    %and3A_212 = arith.andi %bitcast_convert_type3A_209, %and3A_211 : vector<1000x1xi32>
    %bitcast_convert_type3A_213 = tpu.bitcast %and3A_212 : vector<1000x1xi32> -> vector<1000x1xf32>
    %reduce_max3A = vector.shape_cast %bitcast_convert_type3A_213 : vector<1000x1xf32> to vector<1x1000x1xf32>
    %reduce_max3A_214 = arith.constant dense<0xFF800000> : vector<1xf32>
    %reduce_max3A_215 = vector.multi_reduction <maximumf>, %reduce_max3A, %reduce_max3A_214 [1, 2] : vector<1x1000x1xf32> to vector<1xf32>
    %reduce_max3A_216 = vector.shape_cast %reduce_max3A_215 : vector<1xf32> to vector<1x1x1xf32>
    %reduce_max3A_217 = vector.extract %reduce_max3A_216[0, 0, 0] : f32 from vector<1x1x1xf32>
    %broadcast_in_dim3A_218 = vector.broadcast %reduce_max3A_217 : f32 to vector<1x1xf32>
    %eq3A_219 = arith.constant 0 : i32
    %eq3A_220 = arith.cmpi eq, %arg0, %eq3A_219 : i32
    %eq3A_221 = arith.constant 0 : i32
    %eq3A_222 = arith.cmpi eq, %arg1, %eq3A_221 : i32
    %and3A_223 = arith.andi %eq3A_220, %eq3A_222 : i1
    %convert_element_type3A = arith.extui %and3A_223 : i1 to i32
    %cond3A = arith.constant 0 : i32
    %cond3A_224 = arith.cmpi ne, %convert_element_type3A, %cond3A : i32
    scf.if %cond3A_224 {
      %broadcast_in_dim3A_237 = arith.constant -1.000000e+00 : f32
      %broadcast_in_dim3A_238 = vector.broadcast %broadcast_in_dim3A_237 : f32 to vector<1x1xf32>
      %swap3A_239 = arith.constant 0 : index
      %swap3A_240 = arith.constant 0 : index
      %swap3A_241 = vector.load %arg6[%swap3A_239, %swap3A_240] : memref<1x1xf32, #tpu.memory_space<vmem>>, vector<1x1xf32>
      tpu.vector_store %arg6[%swap3A_239, %swap3A_240], %broadcast_in_dim3A_238 {strides = array<i32>} : memref<1x1xf32, #tpu.memory_space<vmem>>, vector<1x1xf32>,
    } else {
    }
    %get3A_225 = arith.constant 0 : index
    %get3A_226 = arith.constant 0 : index
    %get3A_227 = vector.load %arg6[%get3A_225, %get3A_226] : memref<1x1xf32, #tpu.memory_space<vmem>>, vector<1x1xf32>
    %max3A_228 = arith.maximumf %get3A_227, %broadcast_in_dim3A_218 : vector<1x1xf32>
    %swap3A_229 = arith.constant 0 : index
    %swap3A_230 = arith.constant 0 : index
    %swap3A_231 = vector.load %arg6[%swap3A_229, %swap3A_230] : memref<1x1xf32, #tpu.memory_space<vmem>>, vector<1x1xf32>
    tpu.vector_store %arg6[%swap3A_229, %swap3A_230], %max3A_228 {strides = array<i32>} : memref<1x1xf32, #tpu.memory_space<vmem>>, vector<1x1xf32>,
    %eq3A_232 = arith.constant 0 : i32
    %eq3A_233 = arith.cmpi eq, %arg1, %eq3A_232 : i32
    %convert_element_type3A_234 = arith.extui %eq3A_233 : i1 to i32
    %cond3A_235 = arith.constant 0 : i32
    %cond3A_236 = arith.cmpi ne, %convert_element_type3A_234, %cond3A_235 : i32
    scf.if %cond3A_236 {
      %get3A_237 = arith.constant 0 : index
      %get3A_238 = arith.constant 0 : index
      %get3A_239 = vector.load %arg4[%get3A_237, %get3A_238] : memref<7x3xf32, #tpu.memory_space<vmem>>, vector<7x3xf32>
      %mul3A_240 = arith.mulf %get3A_239, %get3A_239 : vector<7x3xf32>
      %reduce_sum3A_241 = arith.constant dense<0.000000e+00> : vector<7xf32>
      %reduce_sum3A_242 = vector.multi_reduction <add>, %mul3A_240, %reduce_sum3A_241 [1] : vector<7x3xf32> to vector<7xf32>
      %broadcast_in_dim3A_243 = vector.shape_cast %reduce_sum3A_242 : vector<7xf32> to vector<7x1xf32>
      %sqrt3A = math.sqrt %broadcast_in_dim3A_243 : vector<7x1xf32>
      %add3A_244 = arith.constant 9.99999993E-9 : f32
      %add3A_245 = vector.broadcast %add3A_244 : f32 to vector<7x1xf32>
      %add3A_246 = arith.addf %sqrt3A, %add3A_245 : vector<7x1xf32>
      %div3A = vector.broadcast %add3A_246 : vector<7x1xf32> to vector<7x3xf32>
      %div3A_247 = arith.divf %get3A_239, %div3A : vector<7x3xf32>
      %get3A_248 = arith.constant 0 : index
      %get3A_249 = arith.constant 0 : index
      %get3A_250 = arith.constant 0 : index
      %get3A_251 = vector.load %arg3[%get3A_248, %get3A_249, %get3A_250] : memref<1x3x1000xf32, #tpu.memory_space<vmem>>, vector<1x3x1000xf32>
      %get3A_252 = vector.shape_cast %get3A_251 : vector<1x3x1000xf32> to vector<3x1000xf32>
      %dot_general3A_253 = arith.constant dense<0.000000e+00> : vector<7x1000xf32>
      %dot_general3A_254 = tpu.matmul %div3A_247, %get3A_252, %dot_general3A_253 {dimension_numbers = #tpu.dot_dimension_numbers<[1], [0], [0], [1], [0, 0, 1, 1], [], []>, transpose_lhs_hint = false} : vector<7x3xf32>, vector<3x1000xf32>, vector<7x1000xf32> -> vector<7x1000xf32>
      %swap3A_255 = arith.constant 0 : index
      %swap3A_256 = arith.constant 0 : index
      %swap3A_257 = arith.constant 0 : index
      %swap3A_258 = vector.load %arg7[%swap3A_255, %swap3A_256, %swap3A_257] : memref<1x7x1000xf32, #tpu.memory_space<vmem>>, vector<1x7x1000xf32>
      %swap3A_259 = vector.shape_cast %swap3A_258 : vector<1x7x1000xf32> to vector<7x1000xf32>
      %swap3A_260 = vector.shape_cast %dot_general3A_254 : vector<7x1000xf32> to vector<1x7x1000xf32>
      tpu.vector_store %arg7[%swap3A_255, %swap3A_256, %swap3A_257], %swap3A_260 {strides = array<i32>} : memref<1x7x1000xf32, #tpu.memory_space<vmem>>, vector<1x7x1000xf32>,
    } else {
    }
    return
  }
  func.func @transform_0(%arg0: i32, %arg1: i32) -> (i32, i32, i32) {
    %c0_i32 = arith.constant 0 : i32
    %c0_i32_0 = arith.constant 0 : i32
    return %arg0, %arg1, %c0_i32 : i32, i32, i32
  }
  func.func @transform_1(%arg0: i32, %arg1: i32) -> (i32, i32, i32) {
    %c0_i32 = arith.constant 0 : i32
    %c0_i32_0 = arith.constant 0 : i32
    %c0_i32_1 = arith.constant 0 : i32
    return %arg0, %c0_i32, %c0_i32_0 : i32, i32, i32
  }
  func.func @transform_2(%arg0: i32, %arg1: i32) -> (i32, i32) {
    %c0_i32 = arith.constant 0 : i32
    %c0_i32_0 = arith.constant 0 : i32
    %c0_i32_1 = arith.constant 0 : i32
    return %c0_i32, %c0_i32_0 : i32, i32
  }
  func.func @transform_3(%arg0: i32, %arg1: i32) -> (i32, i32, i32) {
    %c0_i32 = arith.constant 0 : i32
    %c0_i32_0 = arith.constant 0 : i32
    return %arg0, %arg1, %c0_i32 : i32, i32, i32
  }
  func.func @transform_4(%arg0: i32, %arg1: i32) -> (i32, i32) {
    %c0_i32 = arith.constant 0 : i32
    %c0_i32_0 = arith.constant 0 : i32
    %c0_i32_1 = arith.constant 0 : i32
    return %c0_i32, %c0_i32_0 : i32, i32
  }
  func.func @transform_5(%arg0: i32, %arg1: i32) -> (i32, i32, i32) {
    %c0_i32 = arith.constant 0 : i32
    %c0_i32_0 = arith.constant 0 : i32
    %c0_i32_1 = arith.constant 0 : i32
    return %arg0, %c0_i32, %c0_i32_0 : i32, i32, i32
  }
}

module attributes {stable_mosaic.version = 14 : i64} {
  func.func @_k3(%arg0: i32, %arg1: memref<1x1008x35xf32, #tpu.memory_space<vmem>>, %arg2: memref<35x10xf32, #tpu.memory_space<vmem>>, %arg3: memref<1x10xf32, #tpu.memory_space<vmem>>, %arg4: memref<10x256xf32, #tpu.memory_space<vmem>>, %arg5: memref<1x256xf32, #tpu.memory_space<vmem>>, %arg6: memref<256x40xf32, #tpu.memory_space<vmem>>, %arg7: memref<1x40xf32, #tpu.memory_space<vmem>>, %arg8: memref<32x40xf32, #tpu.memory_space<vmem>>, %arg9: memref<32x10xf32, #tpu.memory_space<vmem>>) attributes {dimension_semantics = [#tpu.dimension_semantics<arbitrary>], iteration_bounds = array<i64: 32>, scalar_prefetch = 0 : i64, scratch_operands = 1 : i64, tpu.core_type = #tpu.core_type<tc>, window_params = [{transform_indices = @transform_0, window_bounds = array<i64: 1, 1008, 35>}, {pipeline_mode = #tpu.pipeline_mode<synchronous>, transform_indices = @transform_1, window_bounds = array<i64: 35, 10>}, {pipeline_mode = #tpu.pipeline_mode<synchronous>, transform_indices = @transform_2, window_bounds = array<i64: 1, 10>}, {pipeline_mode = #tpu.pipeline_mode<synchronous>, transform_indices = @transform_3, window_bounds = array<i64: 10, 256>}, {pipeline_mode = #tpu.pipeline_mode<synchronous>, transform_indices = @transform_4, window_bounds = array<i64: 1, 256>}, {pipeline_mode = #tpu.pipeline_mode<synchronous>, transform_indices = @transform_5, window_bounds = array<i64: 256, 40>}, {pipeline_mode = #tpu.pipeline_mode<synchronous>, transform_indices = @transform_6, window_bounds = array<i64: 1, 40>}, {pipeline_mode = #tpu.pipeline_mode<synchronous>, transform_indices = @transform_7, window_bounds = array<i64: 32, 40>}]} {
    %get3A = arith.constant 0 : index
    %get3A_0 = arith.constant 0 : index
    %get3A_1 = arith.constant 0 : index
    %get3A_2 = vector.load %arg1[%get3A, %get3A_0, %get3A_1] : memref<1x1008x35xf32, #tpu.memory_space<vmem>>, vector<1x1008x35xf32>
    %get3A_3 = vector.shape_cast %get3A_2 : vector<1x1008x35xf32> to vector<1008x35xf32>
    %get3A_4 = arith.constant 0 : index
    %get3A_5 = arith.constant 0 : index
    %get3A_6 = vector.load %arg2[%get3A_4, %get3A_5] : memref<35x10xf32, #tpu.memory_space<vmem>>, vector<35x10xf32>
    %dot_general3A = arith.constant dense<0.000000e+00> : vector<1008x10xf32>
    %dot_general3A_7 = tpu.matmul %get3A_3, %get3A_6, %dot_general3A {dimension_numbers = #tpu.dot_dimension_numbers<[1], [0], [0], [1], [0, 0, 1, 1], [], []>, transpose_lhs_hint = false} : vector<1008x35xf32>, vector<35x10xf32>, vector<1008x10xf32> -> vector<1008x10xf32>
    %div3A = arith.constant 1.500000e+01 : f32
    %div3A_8 = vector.broadcast %div3A : f32 to vector<1008x10xf32>
    %div3A_9 = arith.divf %dot_general3A_7, %div3A_8 : vector<1008x10xf32>
    %get3A_10 = arith.constant 0 : index
    %get3A_11 = arith.constant 0 : index
    %get3A_12 = vector.load %arg3[%get3A_10, %get3A_11] : memref<1x10xf32, #tpu.memory_space<vmem>>, vector<1x10xf32>
    %add3A = vector.broadcast %get3A_12 : vector<1x10xf32> to vector<1008x10xf32>
    %add3A_13 = arith.addf %div3A_9, %add3A : vector<1008x10xf32>
    %neg3A = arith.constant 0.000000e+00 : f32
    %neg3A_14 = vector.broadcast %neg3A : f32 to vector<1008x10xf32>
    %neg3A_15 = arith.subf %neg3A_14, %add3A_13 : vector<1008x10xf32>
    %exp3A = math.exp %neg3A_15 : vector<1008x10xf32>
    %add3A_16 = arith.constant 1.000000e+00 : f32
    %add3A_17 = vector.broadcast %add3A_16 : f32 to vector<1008x10xf32>
    %add3A_18 = arith.addf %add3A_17, %exp3A : vector<1008x10xf32>
    %div3A_19 = arith.constant 1.000000e+00 : f32
    %div3A_20 = vector.broadcast %div3A_19 : f32 to vector<1008x10xf32>
    %div3A_21 = arith.divf %div3A_20, %add3A_18 : vector<1008x10xf32>
    %iota3A = tpu.iota {dimensions = array<i32: 0>} : vector<1008x10xi32>
    %lt3A = arith.constant 1000 : i32
    %lt3A_22 = vector.broadcast %lt3A : i32 to vector<1008x10xi32>
    %lt3A_23 = arith.cmpi slt, %iota3A, %lt3A_22 : vector<1008x10xi32>
    %jit3A = arith.constant 0.000000e+00 : f32
    %broadcast_in_dim3A = vector.broadcast %jit3A : f32 to vector<1008x10xf32>
    %select_n3A = arith.select %lt3A_23, %div3A_21, %broadcast_in_dim3A : vector<1008x10xi1>, vector<1008x10xf32>
    %reduce_sum3A = arith.constant dense<0.000000e+00> : vector<10xf32>
    %reduce_sum3A_24 = vector.multi_reduction <add>, %select_n3A, %reduce_sum3A [0] : vector<1008x10xf32> to vector<10xf32>
    %broadcast_in_dim3A_25 = vector.shape_cast %reduce_sum3A_24 : vector<10xf32> to vector<1x10xf32>
    %swap3A = arith.index_cast %arg0 : i32 to index
    %swap3A_26 = arith.constant 0 : index
    %swap3A_27 = vector.load %arg9[%swap3A, %swap3A_26] : memref<32x10xf32, #tpu.memory_space<vmem>>, vector<1x10xf32>
    tpu.vector_store %arg9[%swap3A, %swap3A_26], %broadcast_in_dim3A_25 {strides = array<i32>} : memref<32x10xf32, #tpu.memory_space<vmem>>, vector<1x10xf32>,
    %eq3A = arith.constant 31 : i32
    %eq3A_28 = arith.cmpi eq, %arg0, %eq3A : i32
    %convert_element_type3A = arith.extui %eq3A_28 : i1 to i32
    %cond3A = arith.constant 0 : i32
    %cond3A_29 = arith.cmpi ne, %convert_element_type3A, %cond3A : i32
    scf.if %cond3A_29 {
      %get3A_30 = arith.constant 0 : index
      %get3A_31 = arith.constant 0 : index
      %get3A_32 = vector.load %arg9[%get3A_30, %get3A_31] : memref<32x10xf32, #tpu.memory_space<vmem>>, vector<32x10xf32>
      %mul3A = arith.constant 1.000000e-03 : f32
      %mul3A_33 = vector.broadcast %mul3A : f32 to vector<32x10xf32>
      %mul3A_34 = arith.mulf %get3A_32, %mul3A_33 : vector<32x10xf32>
      %get3A_35 = arith.constant 0 : index
      %get3A_36 = arith.constant 0 : index
      %get3A_37 = vector.load %arg4[%get3A_35, %get3A_36] : memref<10x256xf32, #tpu.memory_space<vmem>>, vector<10x256xf32>
      %dot_general3A_38 = arith.constant dense<0.000000e+00> : vector<32x256xf32>
      %dot_general3A_39 = tpu.matmul %mul3A_34, %get3A_37, %dot_general3A_38 {dimension_numbers = #tpu.dot_dimension_numbers<[1], [0], [0], [1], [0, 0, 1, 1], [], []>, transpose_lhs_hint = false} : vector<32x10xf32>, vector<10x256xf32>, vector<32x256xf32> -> vector<32x256xf32>
      %get3A_40 = arith.constant 0 : index
      %get3A_41 = arith.constant 0 : index
      %get3A_42 = vector.load %arg5[%get3A_40, %get3A_41] : memref<1x256xf32, #tpu.memory_space<vmem>>, vector<1x256xf32>
      %add3A_43 = vector.broadcast %get3A_42 : vector<1x256xf32> to vector<32x256xf32>
      %add3A_44 = arith.addf %dot_general3A_39, %add3A_43 : vector<32x256xf32>
      %gt3A = arith.constant 0.000000e+00 : f32
      %gt3A_45 = vector.broadcast %gt3A : f32 to vector<32x256xf32>
      %gt3A_46 = arith.cmpf ogt, %add3A_44, %gt3A_45 : vector<32x256xf32>
      %min3A = arith.constant 0.000000e+00 : f32
      %min3A_47 = vector.broadcast %min3A : f32 to vector<32x256xf32>
      %min3A_48 = arith.minimumf %add3A_44, %min3A_47 : vector<32x256xf32>
      %exp3A_49 = math.exp %min3A_48 : vector<32x256xf32>
      %sub3A = arith.constant 1.000000e+00 : f32
      %sub3A_50 = vector.broadcast %sub3A : f32 to vector<32x256xf32>
      %sub3A_51 = arith.subf %exp3A_49, %sub3A_50 : vector<32x256xf32>
      %select_n3A_52 = arith.select %gt3A_46, %add3A_44, %sub3A_51 : vector<32x256xi1>, vector<32x256xf32>
      %get3A_53 = arith.constant 0 : index
      %get3A_54 = arith.constant 0 : index
      %get3A_55 = vector.load %arg6[%get3A_53, %get3A_54] : memref<256x40xf32, #tpu.memory_space<vmem>>, vector<256x40xf32>
      %dot_general3A_56 = arith.constant dense<0.000000e+00> : vector<32x40xf32>
      %dot_general3A_57 = tpu.matmul %select_n3A_52, %get3A_55, %dot_general3A_56 {dimension_numbers = #tpu.dot_dimension_numbers<[1], [0], [0], [1], [0, 0, 1, 1], [], []>, transpose_lhs_hint = false} : vector<32x256xf32>, vector<256x40xf32>, vector<32x40xf32> -> vector<32x40xf32>
      %get3A_58 = arith.constant 0 : index
      %get3A_59 = arith.constant 0 : index
      %get3A_60 = vector.load %arg7[%get3A_58, %get3A_59] : memref<1x40xf32, #tpu.memory_space<vmem>>, vector<1x40xf32>
      %add3A_61 = vector.broadcast %get3A_60 : vector<1x40xf32> to vector<32x40xf32>
      %add3A_62 = arith.addf %dot_general3A_57, %add3A_61 : vector<32x40xf32>
      %reduce_max3A = arith.constant dense<0xFF800000> : vector<32xf32>
      %reduce_max3A_63 = vector.multi_reduction <maximumf>, %add3A_62, %reduce_max3A [1] : vector<32x40xf32> to vector<32xf32>
      %broadcast_in_dim3A_64 = vector.shape_cast %reduce_max3A_63 : vector<32xf32> to vector<32x1xf32>
      %sub3A_65 = vector.broadcast %broadcast_in_dim3A_64 : vector<32x1xf32> to vector<32x40xf32>
      %sub3A_66 = arith.subf %add3A_62, %sub3A_65 : vector<32x40xf32>
      %exp3A_67 = math.exp %sub3A_66 : vector<32x40xf32>
      %reduce_sum3A_68 = arith.constant dense<0.000000e+00> : vector<32xf32>
      %reduce_sum3A_69 = vector.multi_reduction <add>, %exp3A_67, %reduce_sum3A_68 [1] : vector<32x40xf32> to vector<32xf32>
      %broadcast_in_dim3A_70 = vector.shape_cast %reduce_sum3A_69 : vector<32xf32> to vector<32x1xf32>
      %log3A = math.log %broadcast_in_dim3A_70 : vector<32x1xf32>
      %sub3A_71 = vector.broadcast %log3A : vector<32x1xf32> to vector<32x40xf32>
      %sub3A_72 = arith.subf %sub3A_66, %sub3A_71 : vector<32x40xf32>
      %swap3A_73 = arith.constant 0 : index
      %swap3A_74 = arith.constant 0 : index
      %swap3A_75 = vector.load %arg8[%swap3A_73, %swap3A_74] : memref<32x40xf32, #tpu.memory_space<vmem>>, vector<32x40xf32>
      tpu.vector_store %arg8[%swap3A_73, %swap3A_74], %sub3A_72 {strides = array<i32>} : memref<32x40xf32, #tpu.memory_space<vmem>>, vector<32x40xf32>,
    } else {
    }
    return
  }
  func.func @transform_0(%arg0: i32) -> (i32, i32, i32) {
    %c0_i32 = arith.constant 0 : i32
    %c0_i32_0 = arith.constant 0 : i32
    %c0_i32_1 = arith.constant 0 : i32
    return %arg0, %c0_i32, %c0_i32_0 : i32, i32, i32
  }
  func.func @transform_1(%arg0: i32) -> (i32, i32) {
    %c0_i32 = arith.constant 0 : i32
    %c0_i32_0 = arith.constant 0 : i32
    %c0_i32_1 = arith.constant 0 : i32
    return %c0_i32, %c0_i32_0 : i32, i32
  }
  func.func @transform_2(%arg0: i32) -> (i32, i32) {
    %c0_i32 = arith.constant 0 : i32
    %c0_i32_0 = arith.constant 0 : i32
    %c0_i32_1 = arith.constant 0 : i32
    return %c0_i32, %c0_i32_0 : i32, i32
  }
  func.func @transform_3(%arg0: i32) -> (i32, i32) {
    %c0_i32 = arith.constant 0 : i32
    %c0_i32_0 = arith.constant 0 : i32
    %c0_i32_1 = arith.constant 0 : i32
    return %c0_i32, %c0_i32_0 : i32, i32
  }
  func.func @transform_4(%arg0: i32) -> (i32, i32) {
    %c0_i32 = arith.constant 0 : i32
    %c0_i32_0 = arith.constant 0 : i32
    %c0_i32_1 = arith.constant 0 : i32
    return %c0_i32, %c0_i32_0 : i32, i32
  }
  func.func @transform_5(%arg0: i32) -> (i32, i32) {
    %c0_i32 = arith.constant 0 : i32
    %c0_i32_0 = arith.constant 0 : i32
    %c0_i32_1 = arith.constant 0 : i32
    return %c0_i32, %c0_i32_0 : i32, i32
  }
  func.func @transform_6(%arg0: i32) -> (i32, i32) {
    %c0_i32 = arith.constant 0 : i32
    %c0_i32_0 = arith.constant 0 : i32
    %c0_i32_1 = arith.constant 0 : i32
    return %c0_i32, %c0_i32_0 : i32, i32
  }
  func.func @transform_7(%arg0: i32) -> (i32, i32) {
    %c0_i32 = arith.constant 0 : i32
    %c0_i32_0 = arith.constant 0 : i32
    %c0_i32_1 = arith.constant 0 : i32
    return %c0_i32, %c0_i32_0 : i32, i32
  }
}

</mosaic_0001>

<sc_bundles>
// kernel: kernel.5.cloned.1.call-start
scs
__scs_entry_jumppad:
0x0: {  	(pc) =	sbr.rel $0x88, $3  }
0x1: {  	(tag) =	ssettag $0x0;
	lr =	simm.s32 $0x1  }
0x2: {  	[smem:$0x3F99] =	sst lr;
	_ =	strace $0xD0000000  }
0x3: {  	_ = 	snop  }
0x4: {  	_ = 	snop  }
0x5: {  	_ = 	snop  }
0x6: {  	_ = 	snop  }
0x7: {  	_ = 	snop  }
__scs_overlays_trampoline_lowered:
0x8: {  	[smem:$0x3FA8] =	sst s0  }
0x9: {  	[smem:$0x3FA9] =	sst s1  }
0xa: {  	[smem:$0x3FAA] =	sst s2  }
0xb: {  	[smem:$0x3FAB] =	sst s3  }
0xc: {  	[smem:$0x3FAC] =	sst s4  }
0xd: {  	[smem:$0x3FAD] =	sst s5  }
0xe: {  	[smem:$0x3FAE] =	sst s6  }
0xf: {  	[smem:$0x3FAF] =	sst s7  }
0x10: {  	[smem:$0x3FB0] =	sst s8  }
0x11: {  	[smem:$0x3FB1] =	sst s9;
	s0 =	simm.s32 @!p0 $0x0  }
0x12: {  	s1 =	sld [smem:$0x3F97];
	s0 =	simm.s32 @p0 $0x1  }
0x13: {  	[smem:$0x3FB2] =	sst s0;
	s0 =	simm.s32 @!p1 $0x0  }
0x14: {  	s2 =	sld [smem:$0x3F96];
	s0 =	simm.s32 @p1 $0x1  }
0x15: {  	[smem:$0x3FB3] =	sst s0;
	s0 =	simm.s32 @!p2 $0x0  }
0x16: {  	s3 =	sld [smem:$0x3FDB];
	s0 =	simm.s32 @p2 $0x1  }
0x17: {  	s4 =	simm.s32 $0x1BF5;
	[smem:$0x3FB5] =	sst s0  }
0x18: {  	s0 =	sld [smem:$0x3F98];
	_ =	swait.ge [sflag:s4], $0x0  }
0x19: {  	s7 =	sld [smem:$0x3F99]  }
0x1a: {  	s8 =	sadd.s32 $0xFFFFE003, lr  }
0x1b: {  	s9 =	sadd.s32 $0xFFFFFEF7, lr;
	s5 =	simm.s32 $0xFFFFFFFF;
	p2 =	slt.u32 s8, $0xFFFFF086  }
0x1c: {  	p1 =	slt.u32 s9, $0xF7A;
	s5 =	simm.s32 @!p2 $0x0  }
0x1d: {  	s5 =	simm.s32 @p1 $0x1;
	p0 =	seq.s32 s7, s2  }
0x1e: {  	s7 =	smul.u32 @!p0 $0xF7A, s2;
	p2 =	seq.s32 @!p0 s5, $0x0  }
0x1f: {  	s9 =	smul.u32 $0xF7A, s1;
	s8 =	simm.s32 @!p0 $0x1BF5;
	p2 =	por !p2, p0  }
0x20: {  	[sflag:s8] =	ssyncset.s32 @!p0 $0xFFFFF086;
	s6 =	sadd.s32 @!p0 s3, s7;
	s7 =	simm.s32 @!p0 $0x108  }
0x21: {  	s3 =	sadd.s32 s3, s9;
	s6 =	sadd.s32 @!p0 $0x88, s6;
	s7 =	simm.s32 @p2 $0x1082  }
0x22: {  	[simem:s7], [sflag:s8] =	dma.local @!p0 [hbm:s6], $0xF7A  }
0x23: {  	s9 =	sor.u32 $0xD0000000, s2;
	s6 =	simm.s32 $0x108;
	_ =	swait.ge @!p0 [sflag:s8], $0x0  }
0x24: {  	s3 =	sadd.s32 $0x88, s3;
	s6 =	simm.s32 @!p1 $0x1082;
	[sflag:s4] =	ssyncset.s32 $0xFFFFF086  }
0x25: {  	[simem:s6], [sflag:s4] =	dma.local [hbm:s3], $0xF7A  }
0x26: {  	[smem:$0x3F99] =	sst s1;
	(tag) =	ssettag s2;
	_ =	strace s9  }
0x27: {  	s1 =	sld [smem:$0x3FA9]  }
0x28: {  	s2 =	sld [smem:$0x3FAA]  }
0x29: {  	s4 =	sld [smem:$0x3FAC]  }
0x2a: {  	p0 =	seq.s32 s5, $0x0;
	s5 =	sld [smem:$0x3FAD]  }
0x2b: {  	s6 =	sld [smem:$0x3FAE]  }
0x2c: {  	s7 =	sld [smem:$0x3FAF]  }
0x2d: {  	s3 =	simm.s32 $0x108;
	s8 =	sld [smem:$0x3FB0]  }
0x2e: {  	s3 =	simm.s32 @!p0 $0x1082;
	s9 =	sld [smem:$0x3FB1]  }
0x2f: {  	lr =	sadd.s32 s0, s3;
	s0 =	sld [smem:$0x3FA8]  }
0x30: {  	s3 =	sld [smem:$0x3FAB]  }
0x31: {  	[smem:$0x3FB4] =	sst s10  }
0x32: {  	s10 =	sld [smem:$0x3FB2];
	_ =	sdelay $0x3  }
0x33: {  	p0 =	seq.s32 s10, $0x1;
	s10 =	sld [smem:$0x3FB4];
	_ =	sdelay $0x3  }
0x34: {  	[smem:$0x3FB4] =	sst s10  }
0x35: {  	s10 =	sld [smem:$0x3FB3];
	_ =	sdelay $0x3  }
0x36: {  	p1 =	seq.s32 s10, $0x1;
	s10 =	sld [smem:$0x3FB4];
	_ =	sdelay $0x3  }
0x37: {  	[smem:$0x3FB4] =	sst s10  }
0x38: {  	s10 =	sld [smem:$0x3FB5]  }
0x39: {  	_ = 	snop;
	(pc) =	sbr.ind lr, $3  }
0x3a: {  	_ = 	snop  }
0x3b: {  	_ = 	snop  }
0x3c: {  	p2 =	seq.s32 s10, $0x1;
	s10 =	sld [smem:$0x3FB4]  }
0x3d: {  	_ =	shalt  }
0x3e: {  	_ =	shalt  }
0x3f: {  	_ =	shalt  }
0x40: {  	_ =	shalt  }
0x41: {  	_ =	shalt  }
0x42: {  	_ =	shalt  }
0x43: {  	_ =	shalt  }
0x44: {  	_ =	shalt  }
0x45: {  	_ =	shalt  }
0x46: {  	_ =	shalt  }
0x47: {  	_ =	shalt  }
0x48: {  	_ =	shalt  }
0x49: {  	_ =	shalt  }
0x4a: {  	_ =	shalt  }
0x4b: {  	_ =	shalt  }
0x4c: {  	_ =	shalt  }
0x4d: {  	_ =	shalt  }
0x4e: {  	_ =	shalt  }
0x4f: {  	_ =	shalt  }
0x50: {  	_ =	shalt  }
0x51: {  	_ =	shalt  }
0x52: {  	_ =	shalt  }
0x53: {  	_ =	shalt  }
0x54: {  	_ =	shalt  }
0x55: {  	_ =	shalt  }
0x56: {  	_ =	shalt  }
0x57: {  	_ =	shalt  }
0x58: {  	_ =	shalt  }
0x59: {  	_ =	shalt  }
0x5a: {  	_ =	shalt  }
0x5b: {  	_ =	shalt  }
0x5c: {  	_ =	shalt  }
0x5d: {  	_ =	shalt  }
0x5e: {  	_ =	shalt  }
0x5f: {  	_ =	shalt  }
0x60: {  	_ =	shalt  }
0x61: {  	_ =	shalt  }
0x62: {  	_ =	shalt  }
0x63: {  	_ =	shalt  }
0x64: {  	_ =	shalt  }
0x65: {  	_ =	shalt  }
0x66: {  	_ =	shalt  }
0x67: {  	_ =	shalt  }
0x68: {  	_ =	shalt  }
0x69: {  	_ =	shalt  }
0x6a: {  	_ =	shalt  }
0x6b: {  	_ =	shalt  }
0x6c: {  	_ =	shalt  }
0x6d: {  	_ =	shalt  }
0x6e: {  	_ =	shalt  }
0x6f: {  	_ =	shalt  }
0x70: {  	_ =	shalt  }
0x71: {  	_ =	shalt  }
0x72: {  	_ =	shalt  }
0x73: {  	_ =	shalt  }
0x74: {  	_ =	shalt  }
0x75: {  	_ =	shalt  }
0x76: {  	_ =	shalt  }
0x77: {  	_ =	shalt  }
0x78: {  	_ =	shalt  }
0x79: {  	_ =	shalt  }
0x7a: {  	_ =	shalt  }
0x7b: {  	_ =	shalt  }
0x7c: {  	_ =	shalt  }
0x7d: {  	_ =	shalt  }
0x7e: {  	_ =	shalt  }
0x7f: {  	_ =	shalt  }
0x80: {  	_ =	shalt  }
0x81: {  	_ =	shalt  }
0x82: {  	_ =	shalt  }
0x83: {  	_ =	shalt  }
0x84: {  	_ =	shalt  }
0x85: {  	_ =	shalt  }
0x86: {  	_ =	shalt  }
0x87: {  	_ =	shalt  }
.Lfunc_end0:
.L_simem_size_0:
called_computation_lowered:
.L_overlay_start_0:
0x88: {  	s2 =	sld [smem:$0x3FD9]  }
0x89: {  	s3 =	sld [smem:$0x3FFE];
	_ =	sdelay $0x1  }
0x8a: {  	s1 =	srdreg.scid  }
0x8b: {  	s0 =	sand.u32 $0x1, s1  }
0x8c: {  	s16 =	sshll.u32 s0, $0xA;
	s2 =	sadd.s32 s3, s2  }
0x8d: {  	s2 =	sadd.s32 s2, s16  }
0x8e: {  	[smem:$0x3FC0] =	sst s2  }
0x8f: {  	_ = 	snop  }
0x90: {  	(tm) =	ssettm $0x1  }
0x91: {  	s17 =	sld [smem:$0x3FFB];
	_ =	sdelay $0x3  }
0x92: {  	_ =	strace s17  }
0x93: {  	s2 =	sld [smem:$0x3FFC];
	_ =	sdelay $0x3  }
0x94: {  	_ =	strace s2  }
0x95: {  	s2 =	sld [smem:$0x3FFD];
	_ =	sdelay $0x3  }
0x96: {  	_ =	strace s2  }
0x97: {  	_ =	strace $0x8FFFFFFF  }
0x98: {  	s18 =	sld [smem:$0x3FDB];
	_ =	sdelay $0x1  }
0x99: {  	s19 =	simm.s32 $_scs_section_size  }
0x9a: {  	s4 =	simm.s32 $_size__tile_overlayer_lowered;
	s5 =	simm.s32 $_tile_overlayer_lowered  }
0x9b: {  	s22 =	simm.s32 $0x1BFF;
	s21 =	sshll.u32 s5, $0x1;
	s2 =	sadd.s32 s19, s18  }
0x9c: {  	s6 =	simm.s32 $0x0;
	s20 =	sshll.u32 s4, $0x1;
	s4 =	sadd.s32 s21, s2  }
0x9d: {  	[timem:s6], [sflag:s22] =	dma.local [hbm:s4], s20  }
0x9e: {  	_ =	swait.ge [sflag:s22], s20  }
0x9f: {  	s3 =	ssub.s32 $0x0, s20;
	[sflag:s22] =	ssyncset.done $0x0  }
0xa0: {  	[sflag:s22] =	ssyncadd.s32 s3;
	_ =	sdelay $0x1  }
0xa1: {  	s23 =	simm.s32 $0x1B8B  }
0xa2: {  	_ =	swait.ge [sflag:s23], $0x1  }
0xa3: {  	[sflag:s23] =	ssyncset.done $0x0  }
0xa4: {  	s25 =	simm.s32 $0x1B8E;
	s24 =	sld [smem:$0x3FFE];
	[sflag:s23] =	ssyncadd.s32 $0xFFFFFFFF  }
0xa5: {  	s26 =	simm.s32 $execute0_lowered;
	[smem:$0x3FD2] =	sst s25  }
0xa6: {  	s4 =	sshll.u32 s26, $0x1;
	_ =	strace $0x80000046;
	[dreg:$0x1] =	wrdreg $0xFFFFFFFF  }
0xa7: {  	s28 =	simm.s32 $_size_execute0_lowered;
	s2 =	sadd.s32 s2, s4;
	[dreg:$0x0] =	wrdreg $0x0  }
0xa8: {  	s4 =	sshll.u32 s28, $0x1;
	[dreg:$0x2] =	wrdreg s2  }
0xa9: {  	[dreg:$0x3] =	wrdreg s4  }
0xaa: {  	[dreg:$0x4] =	wrdreg $0xC0  }
0xab: {  	_ =	task [dreg:s6], $0x5FFFF  }
0xac: {  	[dreg:$0x1] =	wrdreg $0xFFFFFFFF  }
0xad: {  	[dreg:$0x0] =	wrdreg $0x60  }
0xae: {  	[dreg:$0x2] =	wrdreg s24  }
0xaf: {  	[dreg:$0x3] =	wrdreg $0x9  }
0xb0: {  	_ =	task.clear_ibuf [dreg:s6], $0x4FFFF;
	_ =	strace $0x90000046  }
0xb1: {  	s29 =	simm.s32 $0x9;
	_ =	strace $0x80000048  }
0xb2: {  	_ =	swait.ge [sflag:s29], $0x1  }
0xb3: {  	[sflag:s29] =	ssyncadd.s32 $0xFFFFFFFF  }
0xb4: {  	_ =	strace $0x90000048  }
0xb5: {  	_ =	sfence  }
0xb6: {  	s30 =	sld [smem:$0x0];
	_ =	sdelay $0x2  }
0xb7: {  	s31 =	sshll.u32 s1, $0xD;
	s1 =	sshrl.u32 s1, $0x2  }
0xb8: {  	s3 =	sand.u32 $0x4000, s31;
	s1 =	sadd.s32 s1, s30  }
0xb9: {  	s0 =	sor.u32 s3, s0;
	s1 =	sshll.u32 s1, $0x11  }
0xba: {  	s0 =	sor.u32 s1, s0  }
0xbb: {  	s0 =	sadd.s32 $0x8F2B, s0  }
0xbc: {  	[sflag:s0] =	ssyncadd.remote.s32 $0x1  }
0xbd: {  	_ =	sfence.sel $0xFFFF  }
0xbe: {  	[dreg:$0x0] =	wrdreg $0xFFFFFFFF;
	(pc) =	sbr.abs _section_cstart, $3  }
0xbf: {  	[dreg:$0x1] =	wrdreg $0xFFFFFFFF  }
0xc0: {  	_ =	task.clear_ibuf [dreg:s6], $0x2FFFF;
	_ =	strace $0x9FFFFFFF  }
0xc1: {  	(tm) =	ssettm $0x7FFFFFFF  }
tec
execute0_lowered:
.L_overlay_start_1:
0x0: {  	(tag) =	ssettag $0x1  }
0x1: {  	s4 =	rddreg [dreg:$0x0]  }
0x2: {  	s0 =	rddreg [dreg:$0x1]  }
0x3: {  	s2 =	srdreg.scid;
	s1 =	stileid.u32  }
0x4: {  	s12 =	simm.s32 $0xC00;
	s13 =	simm.s32 $0x2780;
	s14 =	simm.s32 $0x6280  }
0x5: {  	s15 =	simm.s32 $0x6300;
	s16 =	simm.s32 $0x0;
	s5 =	sshrl.u32 s1, $0x2  }
0x6: {  	s3 =	sand.u32 $0x1, s2;
	s29 =	sshll.u32 s1, $0x8;
	s8 =	smul.u32 $0x6000, s5  }
0x7: {  	s2 =	simm.s32 $0x0;
	s6 =	sshll.u32 s3, $0x7;
	s30 =	smul.u32 $0xDC00, s5  }
0x8: {  	s7 =	sand.u32 $0x300, s29;
	[smem:$0x7FF] =	sst s2;
	s9 =	smul.u32 $0x1D800, s5  }
0x9: {  	s5 =	smul.u32 $0x45000, s5;
	s31 =	ssub.s32 $0x2, s3;
	s3 =	sadd.s32 $0x16E00, s4  }
0xa: {  	s6 =	sor.u32 s6, s7;
	_ =	strace $0x80000047;
	s10 =	sshrl.u32 s31, $0x1  }
0xb: {  	s8 =	sor.u32 s8, s6;
	s7 =	sor.u32 s30, s6;
	s9 =	sor.u32 s9, s6  }
0xc: {  	s5 =	sor.u32 s5, s6;
	s10 =	ssub.s32 s31, s10;
	s8 =	sshrl.u32 s8, $0x3  }
0xd: {  	s7 =	sshrl.u32 s7, $0x3;
	s9 =	sshrl.u32 s9, $0x3;
	s5 =	sshrl.u32 s5, $0x3  }
0xe: {  	s8 =	sadd.s32 s8, s4;
	s7 =	sadd.s32 s7, s4;
	s9 =	sadd.s32 s9, s4  }
0xf: {  	s11 =	sadd.s32 s5, s4;
	s4 =	sadd.s32 $0x7E400, s8;
	s5 =	sadd.s32 $0x10000, s7  }
0x10: {  	s6 =	sadd.s32 $0x1400, s9;
	s7 =	sadd.s32 $0x17000, s11;
	s8 =	smax.u32 s10, $0x1  }
0x11: {  	v0 =	vlaneseq.u32;
	s9 =	simm.s32 $0x80;
	s10 =	simm.s32 $0x400;
	s11 =	simm.s32 $0x1  }
.LBB2_1:
0x12: {  	[tilespmem:s2], [sflag:$0x1] =	stream.strided.gather [hbm4b:s4+s9], $0xC00, s10, s9, $0x38;
	[tilespmem:$0xED00] =	vst v63  }
0x13: {  	_ =	swait.ge [sflag:s11], $0xC00  }
0x14: {  	[sflag:s11] =	ssyncset.done $0x0  }
0x15: {  	[sflag:s11] =	ssyncadd.s32 $0xFFFFF400  }
0x16: {  	[tilespmem:s12], [sflag:$0x1] =	stream.strided.gather [hbm4b:s5+s9], $0x1B80, s10, s9, $0x38;
	[tilespmem:$0xED00] =	vst v63  }
0x17: {  	_ =	swait.ge [sflag:s11], $0x1B80  }
0x18: {  	[sflag:s11] =	ssyncset.done $0x0  }
0x19: {  	[sflag:s11] =	ssyncadd.s32 $0xFFFFE480  }
0x1a: {  	[tilespmem:s13], [sflag:$0x1] =	stream.strided.gather [hbm4b:s6+s9], $0x3B00, s10, s9, $0x38;
	[tilespmem:$0xED00] =	vst v63  }
0x1b: {  	_ =	swait.ge [sflag:s11], $0x3B00  }
0x1c: {  	[sflag:s11] =	ssyncset.done $0x0  }
0x1d: {  	[sflag:s11] =	ssyncadd.s32 $0xFFFFC500  }
0x1e: {  	[tilespmem:s14], [sflag:$0x1] =	stream.linear.gather [hbm4b:s3+s2], $0x80, $0x38;
	[tilespmem:$0xED00] =	vst v63  }
0x1f: {  	_ =	swait.ge [sflag:s11], $0x80  }
0x20: {  	[sflag:s11] =	ssyncset.done $0x0  }
0x21: {  	[sflag:s11] =	ssyncadd.s32 $0xFFFFFF80  }
0x22: {  	v1 =	vld [tilespmem:$0x6280];
	_ =	sdelay $0x4  }
0x23: {  	s17 =	simm.s32 $0x0;
	[tilespmem:$0x1FFF0] =	vst v1  }
.LBB2_2:
0x24: {  	v0 =	vor.u32 s17, v0  }
0x25: {  	vm0 =	vlt.s32 v0, $0x3E7  }
0x26: {  	v23 =	vnsel vm0, $0x3E7, v0  }
0x27: {  	v45 =	vmul.u32 $0xF, v23;
	_ =	sdelay $0x5  }
0x28: {  	v8 =	vld.idx.msk [tilespmem:v45+s13+$0x0], $0xffff;
	_ =	sdelay $0x2  }
0x29: {  	v4 =	vadd.s32 $0x3E8, v23;
	_ =	sdelay $0x1  }
0x2a: {  	v3 =	vadd.s32 $0x3E8, v8  }
0x2b: {  	v2 =	vadd.s32 $0x7D0, v23  }
0x2c: {  	v32 =	vld.idx.msk [tilespmem:v23+s2+$0x0], $0xffff;
	v1 =	vadd.s32 $0x7D0, v8  }
0x2d: {  	v14 =	vld.idx.msk [tilespmem:v4+s2+$0x0], $0xffff  }
0x2e: {  	[tilespmem:$0x1FFD0] =	vst v0;
	v0 =	vld.idx.msk [tilespmem:v8+s2+$0x0], $0xffff  }
0x2f: {  	v5 =	vld.idx.msk [tilespmem:v3+s2+$0x0], $0xffff  }
0x30: {  	v13 =	vld.idx.msk [tilespmem:v2+s2+$0x0], $0xffff  }
0x31: {  	v6 =	vld.idx.msk [tilespmem:v1+s2+$0x0], $0xffff;
	_ =	sdelay $0x2  }
0x32: {  	v0 =	vsub.f32 v0, v32;
	v5 =	vsub.f32 v5, v14;
	_ =	sdelay $0x1  }
0x33: {  	v0 =	vmul.f32 v0, v0;
	v6 =	vsub.f32 v6, v13;
	v5 =	vmul.f32 v5, v5;
	_ =	sdelay $0x1  }
0x34: {  	v55 =	vmul.f32 v6, v6;
	v0 =	vadd.f32 v5, v0;
	_ =	sdelay $0x1  }
0x35: {  	v0 =	vadd.f32 v55, v0;
	_ =	sdelay $0x1  }
0x36: {  	v0 =	vadd.f32 $9.999999930e-09, v0;
	_ =	sdelay $0x1  }
0x37: {  	v56 =	vshra.s32 v0, $0x1  }
0x38: {  	v5 =	vadd.s32 $0x1FBD1DF5, v56  }
0x39: {  	(erf) = vrcp.f32 v5;
	_ =	sdelay $0x8  }
0x3a: {  	v57 =	vpop (erf)  }
0x3b: {  	v6 =	vmul.f32 v57, v0;
	_ =	sdelay $0x1  }
0x3c: {  	v5 =	vadd.f32 v5, v6;
	_ =	sdelay $0x1  }
0x3d: {  	v5 =	vmul.f32 $5.000000000e-01, v5;
	_ =	sdelay $0x1  }
0x3e: {  	(erf) = vrcp.f32 v5;
	_ =	sdelay $0x2  }
0x3f: {  	v58 =	vadd.s32 $0x1, v45;
	_ =	sdelay $0x4  }
0x40: {  	v26 =	vld.idx.msk [tilespmem:v58+s13+$0x0], $0xffff  }
0x41: {  	v59 =	vpop (erf)  }
0x42: {  	v6 =	vmul.f32 v59, v0;
	_ =	sdelay $0x1  }
0x43: {  	v5 =	vadd.f32 v6, v5  }
0x44: {  	v9 =	vadd.s32 $0x3E8, v26  }
0x45: {  	v5 =	vmul.f32 $5.000000000e-01, v5  }
0x46: {  	v7 =	vadd.s32 $0x7D0, v26  }
0x47: {  	(erf) = vrcp.f32 v5  }
0x48: {  	v60 =	vld.idx.msk [tilespmem:v26+s2+$0x0], $0xffff  }
0x49: {  	v10 =	vld.idx.msk [tilespmem:v9+s2+$0x0], $0xffff;
	_ =	sdelay $0x1  }
0x4a: {  	v11 =	vld.idx.msk [tilespmem:v7+s2+$0x0], $0xffff;
	_ =	sdelay $0x2  }
0x4b: {  	v10 =	vsub.f32 v10, v14;
	v6 =	vsub.f32 v60, v32;
	_ =	sdelay $0x1  }
0x4c: {  	v11 =	vsub.f32 v11, v13;
	v10 =	vmul.f32 v10, v10;
	v6 =	vmul.f32 v6, v6;
	v12 =	vpop (erf)  }
0x4d: {  	v0 =	vmul.f32 v12, v0  }
0x4e: {  	v61 =	vmul.f32 v11, v11;
	v6 =	vadd.f32 v10, v6  }
0x4f: {  	v0 =	vadd.f32 v0, v5  }
0x50: {  	v62 =	vadd.f32 v61, v6  }
0x51: {  	v0 =	vmul.f32 $5.000000000e-01, v0  }
0x52: {  	v5 =	vadd.f32 $9.999999930e-09, v62  }
0x53: {  	v63 =	vadd.f32 $9.999999930e-09, v0  }
0x54: {  	v12 =	vshra.s32 v5, $0x1  }
0x55: {  	v15 =	vadd.s32 $0x1FBD1DF5, v12;
	(erf) = vrcp.f32 v63  }
0x56: {  	(erf) = vrcp.f32 v15;
	_ =	sdelay $0x7  }
0x57: {  	v25 =	vpop (erf)  }
0x58: {  	v16 =	vpop (erf)  }
0x59: {  	v10 =	vmul.f32 v16, v5;
	_ =	sdelay $0x1  }
0x5a: {  	v6 =	vadd.f32 v15, v10;
	_ =	sdelay $0x1  }
0x5b: {  	v6 =	vmul.f32 $5.000000000e-01, v6;
	_ =	sdelay $0x1  }
0x5c: {  	(erf) = vrcp.f32 v6;
	_ =	sdelay $0x2  }
0x5d: {  	v17 =	vadd.s32 $0x2, v45;
	_ =	sdelay $0x4  }
0x5e: {  	v21 =	vld.idx.msk [tilespmem:v17+s13+$0x0], $0xffff  }
0x5f: {  	v18 =	vpop (erf)  }
0x60: {  	v10 =	vmul.f32 v18, v5;
	_ =	sdelay $0x1  }
0x61: {  	v6 =	vadd.f32 v10, v6  }
0x62: {  	v19 =	vadd.s32 $0x3E8, v21  }
0x63: {  	v6 =	vmul.f32 $5.000000000e-01, v6  }
0x64: {  	v20 =	vadd.s32 $0x7D0, v21  }
0x65: {  	(erf) = vrcp.f32 v6  }
0x66: {  	v22 =	vld.idx.msk [tilespmem:v21+s2+$0x0], $0xffff  }
0x67: {  	v11 =	vld.idx.msk [tilespmem:v19+s2+$0x0], $0xffff;
	_ =	sdelay $0x1  }
0x68: {  	v12 =	vld.idx.msk [tilespmem:v20+s2+$0x0], $0xffff;
	_ =	sdelay $0x2  }
0x69: {  	v11 =	vsub.f32 v11, v14;
	v10 =	vsub.f32 v22, v32;
	_ =	sdelay $0x1  }
0x6a: {  	v11 =	vmul.f32 v11, v11;
	v12 =	vsub.f32 v12, v13;
	v10 =	vmul.f32 v10, v10;
	v24 =	vpop (erf)  }
0x6b: {  	v5 =	vmul.f32 v24, v5  }
0x6c: {  	v27 =	vmul.f32 v12, v12;
	v10 =	vadd.f32 v11, v10  }
0x6d: {  	v5 =	vadd.f32 v5, v6  }
0x6e: {  	v28 =	vadd.f32 v27, v10  }
0x6f: {  	v5 =	vmul.f32 $5.000000000e-01, v5  }
0x70: {  	v6 =	vadd.f32 $9.999999930e-09, v28  }
0x71: {  	v29 =	vadd.f32 $9.999999930e-09, v5  }
0x72: {  	v30 =	vshra.s32 v6, $0x1  }
0x73: {  	v31 =	vadd.s32 $0x1FBD1DF5, v30;
	(erf) = vrcp.f32 v29  }
0x74: {  	(erf) = vrcp.f32 v31;
	_ =	sdelay $0x7  }
0x75: {  	v27 =	vpop (erf)  }
0x76: {  	v33 =	vpop (erf)  }
0x77: {  	v11 =	vmul.f32 v33, v6;
	_ =	sdelay $0x1  }
0x78: {  	v10 =	vadd.f32 v31, v11;
	_ =	sdelay $0x1  }
0x79: {  	v10 =	vmul.f32 $5.000000000e-01, v10;
	_ =	sdelay $0x1  }
0x7a: {  	(erf) = vrcp.f32 v10;
	_ =	sdelay $0x1  }
0x7b: {  	v34 =	vadd.s32 $0x3, v45;
	_ =	sdelay $0x4  }
0x7c: {  	v46 =	vld.idx.msk [tilespmem:v34+s13+$0x0], $0xffff;
	_ =	sdelay $0x1  }
0x7d: {  	v35 =	vpop (erf)  }
0x7e: {  	v11 =	vmul.f32 v35, v6;
	_ =	sdelay $0x1  }
0x7f: {  	v48 =	vld [tilespmem:$0x1FFF0];
	[tilespmem:$0x1F760] =	vst v20;
	v20 =	vadd.s32 $0x3E8, v46;
	v10 =	vadd.f32 v11, v10  }
0x80: {  	v43 =	vld.idx.msk [tilespmem:v4+s12+$0x0], $0xffff  }
0x81: {  	v37 =	vld.idx.msk [tilespmem:v8+s12+$0x0], $0xffff;
	v10 =	vmul.f32 $5.000000000e-01, v10  }
0x82: {  	v3 =	vld.idx.msk [tilespmem:v3+s12+$0x0], $0xffff;
	v22 =	vadd.s32 $0x7D0, v46  }
0x83: {  	v9 =	vld.idx.msk [tilespmem:v9+s12+$0x0], $0xffff;
	(erf) = vrcp.f32 v10  }
0x84: {  	[tilespmem:$0x1F840] =	vst v20;
	v20 =	vld.idx.msk [tilespmem:v20+s2+$0x0], $0xffff  }
0x85: {  	v36 =	vmul.f32 v0, v48;
	v18 =	vld.idx.msk [tilespmem:v46+s2+$0x0], $0xffff  }
0x86: {  	v15 =	vld.idx.msk [tilespmem:v23+s12+$0x0], $0xffff  }
0x87: {  	v34 =	vadd.s32 $0xBB8, v23;
	v3 =	vsub.f32 v3, v43;
	v38 =	vadd.f32 $-2.000000000e+00, v36;
	v31 =	vld.idx.msk [tilespmem:v22+s2+$0x0], $0xffff  }
0x88: {  	v17 =	vmovc v14;
	v9 =	vsub.f32 v9, v43;
	v55 =	vadd.s32 $0xBB8, v8;
	v0 =	vadd.f32 $-1.000000000e+00, v36  }
0x89: {  	v39 =	vadd.f32 $-3.000000000e+00, v36;
	v14 =	vand.u32 $0x7FFFFFFF, v38;
	v44 =	vsub.f32 v20, v17  }
0x8a: {  	[tilespmem:$0x1F750] =	vst v19;
	v19 =	vand.u32 $0x7FFFFFFF, v36;
	v14 =	vsub.f32 $1.000000000e+00, v14;
	v42 =	vsub.f32 v18, v32  }
0x8b: {  	v19 =	vsub.f32 $1.000000000e+00, v19;
	v12 =	vsub.f32 v37, v15;
	v18 =	vmul.f32 v44, v44  }
0x8c: {  	v57 =	vld.idx.msk [tilespmem:v1+s12+$0x0], $0xffff;
	v28 =	vmax.f32 v14, $0.0e+00;
	v14 =	vmul.f32 v42, v42;
	v49 =	vsub.f32 v31, v13;
	v47 =	vpop (erf)  }
0x8d: {  	v51 =	vmovc v17;
	v41 =	vand.u32 $0x7FFFFFFF, v39;
	v17 =	vld.idx.msk [tilespmem:v2+s12+$0x0], $0xffff;
	v3 =	vmul.f32 v25, v3;
	v6 =	vmul.f32 v47, v6  }
0x8e: {  	v12 =	vmul.f32 v25, v12;
	v53 =	vadd.f32 v18, v14;
	v54 =	vmul.f32 v49, v49  }
0x8f: {  	v0 =	vand.u32 $0x7FFFFFFF, v0;
	v4 =	vsub.f32 $1.000000000e+00, v41;
	v6 =	vadd.f32 v6, v10  }
0x90: {  	v61 =	vld.idx.msk [tilespmem:v55+s12+$0x0], $0xffff;
	v3 =	vmax.f32 v3, $0.0e+00;
	v52 =	vmax.f32 v12, $0.0e+00;
	v1 =	vadd.f32 v54, v53  }
0x91: {  	[tilespmem:$0x1F850] =	vst v22;
	v24 =	vsub.f32 $1.000000000e+00, v0;
	v58 =	vmul.f32 v28, v52;
	v22 =	vmovc v13;
	v13 =	vld.idx.msk [tilespmem:v34+s12+$0x0], $0xffff;
	v16 =	vmul.f32 $5.000000000e-01, v6  }
0x92: {  	v30 =	vmax.f32 v19, $0.0e+00;
	v19 =	vsub.f32 v57, v17;
	v1 =	vadd.f32 $9.999999930e-09, v1  }
0x93: {  	v2 =	vmul.f32 v30, v52;
	v5 =	vmul.f32 v5, v48;
	v60 =	vadd.f32 $9.999999930e-09, v16  }
0x94: {  	v19 =	vmul.f32 v25, v19;
	v29 =	vmax.f32 v24, $0.0e+00;
	v62 =	vshra.s32 v1, $0x1  }
0x95: {  	v2 =	vadd.f32 $0.0e+00, v2;
	v63 =	vadd.s32 $0x1FBD1DF5, v62;
	(erf) = vrcp.f32 v60  }
0x96: {  	v19 =	vmax.f32 v19, $0.0e+00;
	v14 =	vsub.f32 v61, v13;
	(erf) = vrcp.f32 v63  }
0x97: {  	v41 =	vadd.f32 $-1.000000000e+00, v5;
	v56 =	vmul.f32 v29, v52;
	v37 =	vmul.f32 v28, v19  }
0x98: {  	v9 =	vmul.f32 v27, v9;
	v31 =	vmax.f32 v4, $0.0e+00;
	v14 =	vmul.f32 v25, v14  }
0x99: {  	v4 =	vadd.f32 $0.0e+00, v56;
	v56 =	vmul.f32 v28, v3;
	v11 =	vadd.f32 $-4.000000000e+00, v36  }
0x9a: {  	v59 =	vmul.f32 v31, v52;
	v57 =	vmul.f32 v31, v3;
	v39 =	vmax.f32 v14, $0.0e+00;
	v14 =	vld.idx.msk [tilespmem:v26+s12+$0x0], $0xffff  }
0x9b: {  	v38 =	vmul.f32 v31, v19;
	v49 =	vadd.f32 $-2.000000000e+00, v5;
	v11 =	vand.u32 $0x7FFFFFFF, v11  }
0x9c: {  	v34 =	vadd.f32 $0.0e+00, v57;
	v54 =	vmul.f32 v30, v3;
	v50 =	vsub.f32 $1.000000000e+00, v11  }
0x9d: {  	v53 =	vadd.f32 $-3.000000000e+00, v5;
	v62 =	vand.u32 $0x7FFFFFFF, v5;
	v5 =	vadd.f32 $-4.000000000e+00, v5  }
0x9e: {  	v18 =	vadd.f32 $0.0e+00, v54;
	v35 =	vmul.f32 v30, v19;
	v33 =	vmax.f32 v50, $0.0e+00;
	v24 =	vpop (erf)  }
0x9f: {  	v5 =	vand.u32 $0x7FFFFFFF, v5;
	v14 =	vsub.f32 v14, v15;
	v11 =	vmul.f32 v33, v52;
	v40 =	vpop (erf)  }
0xa0: {  	v36 =	vadd.f32 $0.0e+00, v56;
	v5 =	vsub.f32 $1.000000000e+00, v5;
	v61 =	vmul.f32 v40, v1  }
0xa1: {  	v14 =	vmul.f32 v27, v14;
	v52 =	vand.u32 $0x7FFFFFFF, v49;
	v11 =	vadd.f32 $0.0e+00, v11  }
0xa2: {  	v10 =	vadd.f32 $0.0e+00, v59;
	v59 =	vmul.f32 v33, v19;
	v12 =	vadd.f32 v63, v61  }
0xa3: {  	v6 =	vadd.f32 $0.0e+00, v58;
	v58 =	vmul.f32 v29, v19;
	v60 =	vmul.f32 v30, v39  }
0xa4: {  	v50 =	vadd.f32 $0.0e+00, v59;
	v40 =	vsub.f32 $1.000000000e+00, v62;
	v12 =	vmul.f32 $5.000000000e-01, v12  }
0xa5: {  	v49 =	vmax.f32 v14, $0.0e+00;
	v44 =	vadd.f32 $0.0e+00, v58;
	v54 =	vadd.f32 $0.0e+00, v60  }
0xa6: {  	v60 =	vsub.f32 $1.000000000e+00, v52;
	v57 =	vmax.f32 v40, $0.0e+00;
	(erf) = vrcp.f32 v12  }
0xa7: {  	v7 =	vld.idx.msk [tilespmem:v7+s12+$0x0], $0xffff;
	v63 =	vand.u32 $0x7FFFFFFF, v41;
	v61 =	vand.u32 $0x7FFFFFFF, v53;
	v14 =	vmul.f32 v57, v49  }
0xa8: {  	v59 =	vmax.f32 v60, $0.0e+00;
	v19 =	vsub.f32 $1.000000000e+00, v63;
	v63 =	vsub.f32 $1.000000000e+00, v61  }
0xa9: {  	v40 =	vadd.s32 $0x4, v45;
	v56 =	vadd.f32 v14, v2;
	v2 =	vmul.f32 v59, v49  }
0xaa: {  	v61 =	vmax.f32 v5, $0.0e+00;
	v58 =	vmax.f32 v19, $0.0e+00;
	v60 =	vmax.f32 v63, $0.0e+00  }
0xab: {  	v14 =	vmul.f32 v60, v49;
	v19 =	vadd.f32 v2, v6;
	v2 =	vmul.f32 v61, v49  }
0xac: {  	v7 =	vsub.f32 v7, v17;
	v42 =	vadd.s32 $0xBB8, v26;
	v5 =	vmax.f32 v9, $0.0e+00  }
0xad: {  	v55 =	vmul.f32 v29, v3;
	v41 =	vmul.f32 v57, v5;
	v2 =	vadd.f32 v2, v11  }
0xae: {  	v7 =	vmul.f32 v27, v7;
	v3 =	vmul.f32 v33, v3  }
0xaf: {  	v0 =	vadd.s32 $0xFA0, v23;
	v63 =	vld.idx.msk [tilespmem:v40+s13+$0x0], $0xffff;
	v52 =	vadd.f32 v14, v10;
	[tilespmem:$0x1F770] =	vst v2;
	v2 =	vadd.f32 v41, v18;
	v14 =	vpop (erf)  }
0xb0: {  	v20 =	vadd.f32 $0.0e+00, v55;
	v53 =	vmul.f32 v58, v49;
	v18 =	vmul.f32 v14, v1  }
0xb1: {  	v37 =	vadd.f32 $0.0e+00, v37;
	v49 =	vmul.f32 v58, v5;
	[tilespmem:$0x1F780] =	vst v2;
	v2 =	vld.idx.msk [tilespmem:v42+s12+$0x0], $0xffff;
	v42 =	vmul.f32 v59, v5  }
0xb2: {  	v3 =	vadd.f32 $0.0e+00, v3;
	v6 =	vadd.f32 v18, v12;
	v18 =	vmul.f32 v61, v5  }
0xb3: {  	v40 =	vadd.f32 v49, v20;
	v20 =	vmax.f32 v7, $0.0e+00;
	v41 =	vadd.f32 v42, v36  }
0xb4: {  	v42 =	vadd.s32 $0x7D0, v63;
	v36 =	vadd.f32 v18, v3;
	v3 =	vmul.f32 v58, v20  }
0xb5: {  	v35 =	vadd.f32 $0.0e+00, v35;
	v49 =	vmul.f32 v60, v5;
	v14 =	vadd.s32 $0x3E8, v63  }
0xb6: {  	v7 =	vmul.f32 v57, v20;
	v2 =	vsub.f32 v2, v13;
	v3 =	vadd.f32 v3, v44  }
0xb7: {  	v38 =	vadd.f32 $0.0e+00, v38;
	v49 =	vadd.f32 v49, v34  }
0xb8: {  	v9 =	vadd.s32 $0xFA0, v26;
	v34 =	vadd.f32 v7, v35;
	v7 =	vld.idx.msk [tilespmem:v63+s2+$0x0], $0xffff;
	[tilespmem:$0x1F7A0] =	vst v3;
	v3 =	vmul.f32 v27, v2  }
0xb9: {  	v47 =	vmul.f32 v29, v39;
	v62 =	vadd.s32 $0xFA0, v8;
	v35 =	vmul.f32 v59, v20;
	[tilespmem:$0x1F8D0] =	vst v42;
	v42 =	vld.idx.msk [tilespmem:v42+s2+$0x0], $0xffff  }
0xba: {  	[tilespmem:$0x1F790] =	vst v34;
	v34 =	vmul.f32 v31, v39;
	v6 =	vmul.f32 $5.000000000e-01, v6;
	v10 =	vld.idx.msk [tilespmem:v14+s2+$0x0], $0xffff;
	v11 =	vmax.f32 v3, $0.0e+00  }
0xbb: {  	[tilespmem:$0x1F8C0] =	vst v14;
	v2 =	vadd.f32 v35, v37;
	v35 =	vld.idx.msk [tilespmem:v0+s12+$0x0], $0xffff;
	v0 =	vadd.f32 $0.0e+00, v47;
	v14 =	vmul.f32 v58, v11  }
0xbc: {  	v55 =	vmul.f32 v28, v39;
	v53 =	vadd.f32 v53, v4;
	(erf) = vrcp.f32 v6  }
0xbd: {  	v9 =	vld.idx.msk [tilespmem:v9+s12+$0x0], $0xffff;
	v4 =	vadd.f32 $0.0e+00, v34;
	v37 =	vmul.f32 v60, v20;
	v0 =	vadd.f32 v14, v0  }
0xbe: {  	v5 =	vmul.f32 v61, v20;
	v12 =	vadd.f32 $0.0e+00, v55;
	v55 =	vld.idx.msk [tilespmem:v62+s12+$0x0], $0xffff;
	v7 =	vsub.f32 v7, v32  }
0xbf: {  	v47 =	vadd.f32 v37, v38;
	v10 =	vsub.f32 v10, v51;
	[tilespmem:$0x1F7E0] =	vst v0;
	v0 =	vmul.f32 v59, v11  }
0xc0: {  	v38 =	vmul.f32 v7, v7;
	v7 =	vsub.f32 v42, v22;
	v62 =	vmul.f32 v57, v11  }
0xc1: {  	v44 =	vmul.f32 v60, v11;
	v10 =	vmul.f32 v10, v10;
	v0 =	vadd.f32 v0, v12  }
0xc2: {  	[tilespmem:$0x1FEB0] =	vst v51;
	v7 =	vmul.f32 v7, v7;
	v3 =	vadd.f32 v62, v54;
	v54 =	vadd.s32 $0x1388, v23  }
0xc3: {  	v20 =	vmovc v51;
	v9 =	vsub.f32 v9, v35;
	v62 =	vadd.s32 $0x1388, v8;
	[tilespmem:$0x1F7F0] =	vst v0;
	v0 =	vsub.f32 v55, v35  }
0xc4: {  	v51 =	vadd.f32 v10, v38;
	[tilespmem:$0x1F7D0] =	vst v3;
	v3 =	vadd.f32 v44, v4;
	v11 =	vmul.f32 v61, v11  }
0xc5: {  	v37 =	vadd.f32 v5, v50;
	v50 =	vpop (erf);
	v9 =	vmul.f32 v27, v9;
	v0 =	vmul.f32 v25, v0  }
0xc6: {  	[tilespmem:$0x1FEC0] =	vst v22;
	v44 =	vadd.s32 $0x1770, v23;
	v1 =	vmul.f32 v50, v1;
	v4 =	vadd.f32 v7, v51  }
0xc7: {  	[tilespmem:$0x1F800] =	vst v3;
	v5 =	vmax.f32 v9, $0.0e+00;
	v55 =	vmul.f32 v33, v39;
	v0 =	vmax.f32 v0, $0.0e+00  }
0xc8: {  	v1 =	vadd.f32 v1, v6;
	v14 =	vld.idx.msk [tilespmem:v54+s12+$0x0], $0xffff;
	v3 =	vmovc v22;
	v22 =	vadd.s32 $0x1388, v26;
	v34 =	vmul.f32 v30, v0  }
0xc9: {  	v50 =	vmul.f32 v58, v5;
	v23 =	vadd.f32 $9.999999930e-09, v4;
	v39 =	vld.idx.msk [tilespmem:v62+s12+$0x0], $0xffff;
	v10 =	vadd.f32 $0.0e+00, v55  }
0xca: {  	v6 =	vadd.f32 $0.0e+00, v34;
	v34 =	vmul.f32 $5.000000000e-01, v1;
	v1 =	vmul.f32 v57, v5  }
0xcb: {  	[tilespmem:$0x1F7B0] =	vst v13;
	v18 =	vmul.f32 v59, v5;
	v62 =	vadd.s32 $0x1770, v26;
	v13 =	vshra.s32 v23, $0x1  }
0xcc: {  	v42 =	vadd.f32 v11, v10;
	v38 =	vmul.f32 v29, v0;
	v1 =	vadd.f32 v1, v6  }
0xcd: {  	v10 =	vadd.s32 $0x1FBD1DF5, v13;
	v51 =	vld.idx.msk [tilespmem:v22+s12+$0x0], $0xffff;
	v55 =	vmul.f32 v28, v0;
	v12 =	vmul.f32 v31, v0  }
0xce: {  	v9 =	vsub.f32 v39, v14;
	v7 =	vadd.f32 $0.0e+00, v38;
	[tilespmem:$0x1F810] =	vst v1;
	v1 =	vadd.s32 $0x1770, v8  }
0xcf: {  	v0 =	vmul.f32 v33, v0;
	v22 =	vmul.f32 v60, v5;
	v54 =	vadd.f32 $9.999999930e-09, v34  }
0xd0: {  	[tilespmem:$0x1F7C0] =	vst v2;
	v4 =	vadd.f32 $0.0e+00, v55;
	v9 =	vmul.f32 v25, v9;
	v2 =	vadd.f32 v50, v7  }
0xd1: {  	v0 =	vadd.f32 $0.0e+00, v0;
	v5 =	vmul.f32 v61, v5;
	v7 =	vld.idx.msk [tilespmem:v62+s12+$0x0], $0xffff;
	(erf) = vrcp.f32 v54  }
0xd2: {  	v9 =	vmax.f32 v9, $0.0e+00;
	v6 =	vsub.f32 v51, v14;
	[tilespmem:$0x1F820] =	vst v2;
	v2 =	vld.idx.msk [tilespmem:v44+s12+$0x0], $0xffff;
	(erf) = vrcp.f32 v10  }
0xd3: {  	v26 =	vadd.f32 v18, v4;
	v39 =	vmul.f32 v30, v9;
	v1 =	vld.idx.msk [tilespmem:v1+s12+$0x0], $0xffff  }
0xd4: {  	v50 =	vadd.f32 v5, v0;
	v51 =	vmul.f32 v28, v9;
	v6 =	vmul.f32 v27, v6  }
0xd5: {  	v18 =	vmul.f32 v31, v9;
	v8 =	vadd.f32 $0.0e+00, v12;
	v44 =	vmul.f32 v29, v9  }
0xd6: {  	v4 =	vadd.f32 $0.0e+00, v39;
	v12 =	vadd.f32 $0.0e+00, v51;
	v0 =	vmax.f32 v6, $0.0e+00  }
0xd7: {  	v38 =	vadd.f32 v22, v8;
	v6 =	vmul.f32 v57, v0;
	v55 =	vsub.f32 v7, v2  }
0xd8: {  	v5 =	vadd.f32 $0.0e+00, v44;
	v54 =	vmul.f32 v58, v0;
	v1 =	vsub.f32 v1, v2  }
0xd9: {  	v13 =	vmul.f32 v59, v0;
	v44 =	vadd.f32 v6, v4;
	v6 =	vmul.f32 v27, v55  }
0xda: {  	v8 =	vadd.f32 $0.0e+00, v18;
	[tilespmem:$0x1F830] =	vst v38;
	v38 =	vmul.f32 v33, v9;
	v1 =	vmul.f32 v25, v1;
	v25 =	vpop (erf)  }
0xdb: {  	v62 =	vadd.f32 v54, v5;
	v39 =	vadd.f32 v13, v12;
	v6 =	vmax.f32 v6, $0.0e+00;
	v22 =	vpop (erf)  }
0xdc: {  	v54 =	vmul.f32 v58, v6;
	v1 =	vmax.f32 v1, $0.0e+00;
	v9 =	vmul.f32 v22, v23  }
0xdd: {  	v5 =	vadd.f32 $0.0e+00, v38;
	v51 =	vmul.f32 v30, v1;
	v27 =	vmul.f32 v29, v1  }
0xde: {  	v4 =	vmovc v2;
	v12 =	vadd.s32 $0x5, v45;
	v2 =	vld [tilespmem:$0x1F750];
	v29 =	vmul.f32 v60, v0;
	v0 =	vmul.f32 v61, v0  }
0xdf: {  	v30 =	vmul.f32 v28, v1;
	v18 =	vmul.f32 v31, v1;
	v9 =	vadd.f32 v10, v9  }
0xe0: {  	v1 =	vmul.f32 v33, v1;
	v55 =	vadd.f32 v29, v8;
	v5 =	vadd.f32 v0, v5  }
0xe1: {  	v0 =	vld.idx.msk [tilespmem:v21+s12+$0x0], $0xffff;
	v38 =	vadd.f32 $0.0e+00, v27;
	v8 =	vmul.f32 $5.000000000e-01, v9;
	v9 =	vmul.f32 v16, v48  }
0xe2: {  	v13 =	vmul.f32 v59, v6;
	v7 =	vadd.f32 $0.0e+00, v51;
	v1 =	vadd.f32 $0.0e+00, v1  }
0xe3: {  	v54 =	vadd.f32 v54, v38;
	v38 =	vmul.f32 v61, v6;
	v33 =	vadd.f32 $-1.000000000e+00, v9  }
0xe4: {  	v51 =	vmul.f32 v57, v6;
	v10 =	vadd.f32 $0.0e+00, v30;
	(erf) = vrcp.f32 v8  }
0xe5: {  	v11 =	vand.u32 $0x7FFFFFFF, v33;
	v33 =	vadd.f32 v38, v1;
	v1 =	vadd.f32 $-3.000000000e+00, v9  }
0xe6: {  	v22 =	vmul.f32 v60, v6;
	v60 =	vld.idx.msk [tilespmem:v2+s12+$0x0], $0xffff;
	v59 =	vadd.f32 v51, v7;
	v0 =	vsub.f32 v0, v15  }
0xe7: {  	[tilespmem:$0x1FE20] =	vst v15;
	v58 =	vmovc v15;
	v2 =	vld [tilespmem:$0x1F760];
	v30 =	vand.u32 $0x7FFFFFFF, v9;
	v15 =	vadd.f32 $-2.000000000e+00, v9;
	v1 =	vand.u32 $0x7FFFFFFF, v1  }
0xe8: {  	v51 =	vsub.f32 $1.000000000e+00, v30;
	v0 =	vmul.f32 v24, v0;
	v1 =	vsub.f32 $1.000000000e+00, v1  }
0xe9: {  	v9 =	vadd.f32 $-4.000000000e+00, v9  }
0xea: {  	v6 =	vmax.f32 v51, $0.0e+00;
	v51 =	vld.idx.msk [tilespmem:v12+s13+$0x0], $0xffff;
	v0 =	vmax.f32 v0, $0.0e+00;
	v12 =	vmax.f32 v1, $0.0e+00  }
0xeb: {  	v27 =	vand.u32 $0x7FFFFFFF, v15;
	v15 =	vmovc v43;
	v1 =	vsub.f32 v60, v43;
	v43 =	vmul.f32 v12, v0  }
0xec: {  	v11 =	vsub.f32 $1.000000000e+00, v11;
	v9 =	vand.u32 $0x7FFFFFFF, v9  }
0xed: {  	v9 =	vsub.f32 $1.000000000e+00, v9;
	v29 =	vpop (erf);
	v52 =	vadd.f32 v43, v52;
	v43 =	vld [tilespmem:$0x1F770]  }
0xee: {  	v57 =	vadd.f32 $0.0e+00, v18;
	v7 =	vmax.f32 v11, $0.0e+00;
	v18 =	vmul.f32 v29, v23  }
0xef: {  	v11 =	vsub.f32 $1.000000000e+00, v27;
	v30 =	vld.idx.msk [tilespmem:v2+s12+$0x0], $0xffff;
	v9 =	vmax.f32 v9, $0.0e+00;
	v2 =	vadd.s32 $0x3E8, v51  }
0xf0: {  	v61 =	vadd.f32 v22, v57;
	v57 =	vmul.f32 v9, v0;
	v8 =	vadd.f32 v18, v8  }
0xf1: {  	v31 =	vadd.f32 v13, v10;
	v11 =	vmax.f32 v11, $0.0e+00;
	v1 =	vmul.f32 v24, v1  }
0xf2: {  	v13 =	vadd.s32 $0x7D0, v51;
	v8 =	vmul.f32 $5.000000000e-01, v8;
	v29 =	vadd.f32 v57, v43;
	v57 =	vld [tilespmem:$0x1F780]  }
0xf3: {  	v38 =	vmul.f32 v11, v0;
	v1 =	vmax.f32 v1, $0.0e+00  }
0xf4: {  	[tilespmem:$0x1F9C0] =	vst v2;
	v10 =	vsub.f32 v30, v17;
	v30 =	vld.idx.msk [tilespmem:v2+s2+$0x0], $0xffff;
	v2 =	vadd.s32 $0xBB8, v21;
	(erf) = vrcp.f32 v8  }
0xf5: {  	v27 =	vld.idx.msk [tilespmem:v51+s2+$0x0], $0xffff;
	v18 =	vadd.f32 v38, v19;
	v38 =	vmul.f32 v6, v1  }
0xf6: {  	v22 =	vmul.f32 v6, v0  }
0xf7: {  	[tilespmem:$0x1F860] =	vst v52;
	v60 =	vmul.f32 v7, v1;
	v52 =	vadd.f32 v38, v57;
	v57 =	vld.idx.msk [tilespmem:v13+s2+$0x0], $0xffff  }
0xf8: {  	v28 =	vmul.f32 v7, v0;
	v0 =	vmul.f32 v11, v1  }
0xf9: {  	v19 =	vadd.s32 $0xFA0, v21;
	v40 =	vadd.f32 v60, v40;
	v2 =	vld.idx.msk [tilespmem:v2+s12+$0x0], $0xffff;
	v38 =	vmul.f32 v12, v1  }
0xfa: {  	[tilespmem:$0x1F9D0] =	vst v13;
	v41 =	vadd.f32 v0, v41;
	v0 =	vmul.f32 v24, v10;
	v27 =	vsub.f32 v27, v32;
	v13 =	vld [tilespmem:$0x1F7B0]  }
0xfb: {  	v16 =	vsub.f32 v30, v20;
	v1 =	vmul.f32 v9, v1;
	v60 =	vadd.f32 v38, v49;
	v38 =	vld [tilespmem:$0x1F790]  }
0xfc: {  	v0 =	vmax.f32 v0, $0.0e+00;
	v10 =	vsub.f32 v57, v3;
	v3 =	vld [tilespmem:$0x1F7A0]  }
0xfd: {  	[tilespmem:$0x1FE30] =	vst v45;
	v27 =	vmul.f32 v27, v27;
	v49 =	vadd.f32 v1, v36;
	v1 =	vmul.f32 v16, v16;
	v43 =	vpop (erf)  }
0xfe: {  	v56 =	vadd.f32 v22, v56;
	v22 =	vmovc v17;
	v17 =	vmul.f32 v6, v0;
	v23 =	vmul.f32 v43, v23  }
0xff: {  	[tilespmem:$0x1FEA0] =	vst v32;
	v32 =	vmul.f32 v9, v0;
	v20 =	vmul.f32 v7, v0;
	v27 =	vadd.f32 v1, v27  }
0x100: {  	[tilespmem:$0x1F870] =	vst v60;
	v2 =	vsub.f32 v2, v13;
	v8 =	vadd.f32 v23, v8;
	v23 =	vld.idx.msk [tilespmem:v19+s12+$0x0], $0xffff  }
0x101: {  	v1 =	vmul.f32 v11, v0;
	v36 =	vadd.f32 v17, v38;
	v38 =	vadd.f32 v20, v3;
	v3 =	vld [tilespmem:$0x1F7C0]  }
0x102: {  	v60 =	vmul.f32 v12, v0;
	v2 =	vmul.f32 v24, v2;
	v0 =	vld [tilespmem:$0x1F7D0];
	_ =	sdelay $0x1  }
0x103: {  	v10 =	vmul.f32 v10, v10;
	v2 =	vmax.f32 v2, $0.0e+00  }
0x104: {  	v57 =	vadd.s32 $0x1388, v21;
	v30 =	vmul.f32 v6, v2  }
0x105: {  	v10 =	vadd.f32 v10, v27  }
0x106: {  	v27 =	vmul.f32 $5.000000000e-01, v8;
	v8 =	vadd.s32 $0x1770, v21;
	v21 =	vadd.f32 v30, v0;
	v0 =	vld [tilespmem:$0x1F7E0];
	_ =	sdelay $0x1  }
0x107: {  	v19 =	vadd.f32 v60, v47;
	v60 =	vsub.f32 v23, v35  }
0x108: {  	v20 =	vadd.f32 v1, v3;
	v3 =	vld.idx.msk [tilespmem:v57+s12+$0x0], $0xffff;
	v57 =	vmov v35;
	v35 =	vmul.f32 v7, v2;
	_ =	sdelay $0x1  }
0x109: {  	v17 =	vmul.f32 v24, v60;
	v60 =	vadd.f32 v35, v0;
	v0 =	vld [tilespmem:$0x1F7F0];
	_ =	sdelay $0x2  }
0x10a: {  	v47 =	vadd.f32 v32, v37;
	v37 =	vmul.f32 v11, v2;
	_ =	sdelay $0x1  }
0x10b: {  	v23 =	vmul.f32 v12, v2;
	v30 =	vmul.f32 v9, v2;
	v2 =	vadd.f32 v37, v0;
	v0 =	vld [tilespmem:$0x1F800];
	_ =	sdelay $0x3  }
0x10c: {  	v53 =	vadd.f32 v28, v53;
	v28 =	vadd.f32 $9.999999930e-09, v10  }
0x10d: {  	v35 =	vsub.f32 v3, v14;
	v3 =	vadd.f32 v23, v0;
	v0 =	vld [tilespmem:$0x1F810]  }
0x10e: {  	v43 =	vadd.f32 $9.999999930e-09, v27  }
0x10f: {  	v32 =	vshra.s32 v28, $0x1;
	v17 =	vmax.f32 v17, $0.0e+00  }
0x110: {  	(erf) = vrcp.f32 v43;
	v43 =	vadd.s32 $0x1FBD1DF5, v32;
	v32 =	vmul.f32 v6, v17;
	_ =	sdelay $0x1  }
0x111: {  	v42 =	vadd.f32 v30, v42;
	v30 =	vadd.f32 v32, v0;
	v0 =	vld [tilespmem:$0x1F820];
	_ =	sdelay $0x2  }
0x112: {  	v37 =	vmul.f32 v7, v17;
	_ =	sdelay $0x1  }
0x113: {  	v32 =	vmul.f32 v11, v17;
	v0 =	vadd.f32 v37, v0;
	_ =	sdelay $0x1  }
0x114: {  	[tilespmem:$0x1F880] =	vst v0;
	v0 =	vadd.f32 v32, v26  }
0x115: {  	v8 =	vld.idx.msk [tilespmem:v8+s12+$0x0], $0xffff  }
0x116: {  	(erf) = vrcp.f32 v43;
	[tilespmem:$0x1F890] =	vst v0;
	v0 =	vld [tilespmem:$0x1F830]  }
0x117: {  	v16 =	vmov v14;
	v14 =	vmul.f32 v24, v35;
	_ =	sdelay $0x1  }
0x118: {  	v35 =	vmul.f32 v12, v17  }
0x119: {  	[tilespmem:$0x1FD50] =	vst v4;
	v8 =	vsub.f32 v8, v4;
	v23 =	vmax.f32 v14, $0.0e+00  }
0x11a: {  	v14 =	vmovc v4;
	v4 =	vmul.f32 v6, v23;
	v0 =	vadd.f32 v35, v0;
	v35 =	vmul.f32 v11, v23  }
0x11b: {  	v8 =	vmul.f32 v24, v8  }
0x11c: {  	v10 =	vadd.f32 v4, v44;
	v17 =	vmul.f32 v9, v17;
	v44 =	vadd.f32 v35, v39;
	v35 =	vld.idx.msk [tilespmem:v46+s12+$0x0], $0xffff  }
0x11d: {  	v8 =	vmax.f32 v8, $0.0e+00;
	v32 =	vmul.f32 v7, v23;
	v26 =	vpop (erf)  }
0x11e: {  	v6 =	vmul.f32 v6, v8;
	v37 =	vpop (erf);
	[tilespmem:$0x1F8A0] =	vst v0;
	v0 =	vadd.f32 v17, v50;
	v50 =	vmul.f32 v12, v23  }
0x11f: {  	v24 =	vadd.f32 v32, v62;
	v4 =	vmul.f32 v37, v28;
	v32 =	vmul.f32 v9, v23  }
0x120: {  	[tilespmem:$0x1F8B0] =	vst v0;
	v23 =	vadd.f32 v50, v55;
	v55 =	vadd.f32 v6, v59;
	v6 =	vmul.f32 v34, v48;
	v0 =	vld [tilespmem:$0x1F840]  }
0x121: {  	v4 =	vadd.f32 v43, v4;
	v34 =	vmul.f32 v12, v8;
	v35 =	vsub.f32 v35, v58  }
0x122: {  	v50 =	vadd.f32 v32, v5;
	v32 =	vmul.f32 v11, v8;
	v39 =	vand.u32 $0x7FFFFFFF, v6  }
0x123: {  	v11 =	vsub.f32 $1.000000000e+00, v39;
	v58 =	vadd.f32 v34, v61;
	v61 =	vmul.f32 v25, v35;
	_ =	sdelay $0x1  }
0x124: {  	v4 =	vmul.f32 $5.000000000e-01, v4;
	v34 =	vmax.f32 v11, $0.0e+00;
	v5 =	vmax.f32 v61, $0.0e+00  }
0x125: {  	v17 =	vmul.f32 v7, v8;
	v43 =	vadd.f32 $-1.000000000e+00, v6;
	v39 =	vmul.f32 v34, v5  }
0x126: {  	(erf) = vrcp.f32 v4  }
0x127: {  	v54 =	vadd.f32 v17, v54;
	v17 =	vand.u32 $0x7FFFFFFF, v43;
	v43 =	vld.idx.msk [tilespmem:v0+s12+$0x0], $0xffff;
	v0 =	vadd.f32 v39, v56;
	_ =	sdelay $0x1  }
0x128: {  	[tilespmem:$0x1F8E0] =	vst v0;
	v0 =	vld [tilespmem:$0x1F850];
	_ =	sdelay $0x1  }
0x129: {  	v62 =	vadd.f32 $-2.000000000e+00, v6  }
0x12a: {  	v8 =	vmul.f32 v9, v8;
	v9 =	vsub.f32 $1.000000000e+00, v17  }
0x12b: {  	v37 =	vadd.f32 v32, v31;
	v7 =	vand.u32 $0x7FFFFFFF, v62  }
0x12c: {  	v31 =	vsub.f32 $1.000000000e+00, v7;
	v7 =	vadd.f32 v8, v33;
	v33 =	vmax.f32 v9, $0.0e+00  }
0x12d: {  	v17 =	vadd.s32 $0x6, v45;
	v45 =	vadd.f32 $-3.000000000e+00, v6;
	v62 =	vpop (erf);
	v56 =	vmul.f32 v33, v5  }
0x12e: {  	v59 =	vadd.f32 $-4.000000000e+00, v6;
	v1 =	vmax.f32 v31, $0.0e+00;
	v12 =	vmul.f32 v62, v28  }
0x12f: {  	v9 =	vand.u32 $0x7FFFFFFF, v45;
	v61 =	vmul.f32 v1, v5;
	v32 =	vld.idx.msk [tilespmem:v0+s12+$0x0], $0xffff;
	v0 =	vadd.f32 v56, v53  }
0x130: {  	v9 =	vsub.f32 $1.000000000e+00, v9;
	v4 =	vadd.f32 v12, v4  }
0x131: {  	v11 =	vand.u32 $0x7FFFFFFF, v59;
	v8 =	vsub.f32 v43, v15;
	[tilespmem:$0x1F8F0] =	vst v0;
	v0 =	vadd.f32 v61, v18;
	v61 =	vld [tilespmem:$0x1F860]  }
0x132: {  	v35 =	vsub.f32 $1.000000000e+00, v11;
	v59 =	vld.idx.msk [tilespmem:v17+s13+$0x0], $0xffff;
	v4 =	vmul.f32 $5.000000000e-01, v4  }
0x133: {  	v43 =	vadd.s32 $0xBB8, v46;
	v45 =	vmul.f32 v25, v8;
	v56 =	vmax.f32 v9, $0.0e+00  }
0x134: {  	(erf) = vrcp.f32 v4;
	v39 =	vmul.f32 v56, v5  }
0x135: {  	v6 =	vmax.f32 v45, $0.0e+00;
	[tilespmem:$0x1F900] =	vst v0;
	v0 =	vmax.f32 v35, $0.0e+00;
	v53 =	vsub.f32 v32, v22  }
0x136: {  	v62 =	vmul.f32 v34, v6;
	v5 =	vmul.f32 v0, v5;
	v9 =	vadd.f32 v39, v61  }
0x137: {  	[tilespmem:$0x1F9E0] =	vst v22;
	v12 =	vmovc v22;
	v18 =	vadd.s32 $0x3E8, v59;
	v22 =	vmul.f32 v33, v6;
	v8 =	vmul.f32 v25, v53;
	v53 =	vld [tilespmem:$0x1F870]  }
0x138: {  	v17 =	vadd.s32 $0x7D0, v59;
	v5 =	vadd.f32 v5, v29;
	v29 =	vmul.f32 v1, v6;
	[tilespmem:$0x1F910] =	vst v9;
	v9 =	vld.idx.msk [tilespmem:v43+s12+$0x0], $0xffff  }
0x139: {  	v39 =	vmul.f32 v56, v6;
	v6 =	vmul.f32 v0, v6  }
0x13a: {  	v8 =	vmax.f32 v8, $0.0e+00  }
0x13b: {  	v45 =	vadd.f32 v62, v52;
	v32 =	vld.idx.msk [tilespmem:v59+s2+$0x0], $0xffff;
	v61 =	vadd.f32 v6, v49;
	v62 =	vmul.f32 v34, v8  }
0x13c: {  	v52 =	vadd.f32 v22, v40;
	v40 =	vld.idx.msk [tilespmem:v18+s2+$0x0], $0xffff;
	[tilespmem:$0x1F920] =	vst v5;
	v5 =	vadd.f32 v39, v53  }
0x13d: {  	[tilespmem:$0x1F950] =	vst v61;
	v61 =	vadd.f32 v62, v36;
	v36 =	vld.idx.msk [tilespmem:v17+s2+$0x0], $0xffff;
	v22 =	vsub.f32 v9, v13  }
0x13e: {  	[tilespmem:$0x1FA50] =	vst v17;
	v17 =	vld [tilespmem:$0x1FEB0]  }
0x13f: {  	[tilespmem:$0x1F940] =	vst v5;
	v5 =	vmul.f32 v25, v22;
	v22 =	vld [tilespmem:$0x1FEA0];
	_ =	sdelay $0x1  }
0x140: {  	v43 =	vadd.f32 v29, v41;
	v41 =	vadd.s32 $0xFA0, v46  }
0x141: {  	v29 =	vpop (erf)  }
0x142: {  	v28 =	vmul.f32 v29, v28;
	v29 =	vld [tilespmem:$0x1FEC0];
	v9 =	vadd.s32 $0x1388, v46  }
0x143: {  	[tilespmem:$0x1FA40] =	vst v18;
	v18 =	vmul.f32 v1, v8;
	v62 =	vsub.f32 v40, v17;
	v39 =	vsub.f32 v32, v22  }
0x144: {  	v49 =	vmov v13  }
0x145: {  	v6 =	vadd.f32 v18, v20;
	v20 =	vmul.f32 v62, v62;
	v32 =	vld.idx.msk [tilespmem:v41+s12+$0x0], $0xffff;
	v13 =	vmul.f32 v39, v39  }
0x146: {  	[tilespmem:$0x1FB20] =	vst v15;
	v11 =	vmov v15;
	v15 =	vmul.f32 v33, v8  }
0x147: {  	v36 =	vsub.f32 v36, v29;
	v5 =	vmax.f32 v5, $0.0e+00;
	v13 =	vadd.f32 v20, v13;
	v20 =	vld.idx.msk [tilespmem:v9+s12+$0x0], $0xffff  }
0x148: {  	v35 =	vmul.f32 v56, v8;
	v53 =	vadd.f32 v15, v38;
	v38 =	vmul.f32 v34, v5  }
0x149: {  	v39 =	vmul.f32 v36, v36;
	v36 =	vmul.f32 v1, v5  }
0x14a: {  	[tilespmem:$0x1F930] =	vst v43;
	v62 =	vadd.f32 v38, v21;
	v38 =	vmul.f32 v56, v5;
	v43 =	vsub.f32 v32, v57  }
0x14b: {  	v31 =	vadd.f32 v35, v19;
	v35 =	vadd.f32 v36, v2  }
0x14c: {  	v2 =	vmul.f32 v25, v43;
	v43 =	vadd.f32 v38, v3;
	v3 =	vsub.f32 v20, v16;
	_ =	sdelay $0x1  }
0x14d: {  	v3 =	vmul.f32 v25, v3  }
0x14e: {  	v40 =	vmul.f32 v33, v5  }
0x14f: {  	v36 =	vmax.f32 v3, $0.0e+00;
	v3 =	vld [tilespmem:$0x1F880]  }
0x150: {  	v8 =	vmul.f32 v0, v8  }
0x151: {  	v2 =	vmax.f32 v2, $0.0e+00  }
0x152: {  	v8 =	vadd.f32 v8, v47;
	v47 =	vadd.f32 v40, v60;
	v40 =	vmovc v16;
	v16 =	vmul.f32 v33, v2;
	_ =	sdelay $0x1  }
0x153: {  	[tilespmem:$0x1F960] =	vst v8;
	v8 =	vadd.f32 v16, v3;
	v3 =	vld [tilespmem:$0x1F890]  }
0x154: {  	v41 =	vadd.f32 v39, v13;
	_ =	sdelay $0x1  }
0x155: {  	v15 =	vadd.s32 $0x1770, v46;
	v32 =	vadd.f32 $9.999999930e-09, v41;
	v41 =	vmul.f32 v1, v2;
	_ =	sdelay $0x1  }
0x156: {  	v46 =	vmul.f32 v0, v5;
	v5 =	vadd.f32 v41, v3;
	v3 =	vld [tilespmem:$0x1F8A0]  }
0x157: {  	v4 =	vadd.f32 v28, v4;
	_ =	sdelay $0x1  }
0x158: {  	v28 =	vmul.f32 $5.000000000e-01, v4;
	v9 =	vadd.f32 v46, v42;
	v13 =	vld.idx.msk [tilespmem:v15+s12+$0x0], $0xffff;
	v42 =	vmul.f32 v56, v2;
	_ =	sdelay $0x1  }
0x159: {  	v39 =	vadd.f32 $9.999999930e-09, v28;
	v38 =	vadd.f32 v42, v3;
	v3 =	vld [tilespmem:$0x1F8B0];
	_ =	sdelay $0x1  }
0x15a: {  	v18 =	vmovc v57;
	(erf) = vrcp.f32 v39;
	v57 =	vshra.s32 v32, $0x1;
	v60 =	vmul.f32 v34, v2  }
0x15b: {  	v2 =	vmul.f32 v0, v2;
	v15 =	vadd.s32 $0x1FBD1DF5, v57;
	v13 =	vsub.f32 v13, v14  }
0x15c: {  	(erf) = vrcp.f32 v15  }
0x15d: {  	v41 =	vadd.f32 v2, v3;
	v2 =	vmul.f32 v25, v13  }
0x15e: {  	v30 =	vadd.f32 v60, v30;
	v46 =	vmul.f32 v34, v36  }
0x15f: {  	v57 =	vmul.f32 v33, v36;
	v4 =	vmul.f32 v1, v36;
	v2 =	vmax.f32 v2, $0.0e+00  }
0x160: {  	v60 =	vadd.f32 v46, v10;
	v42 =	vmul.f32 v0, v36;
	v0 =	vmul.f32 v0, v2  }
0x161: {  	v39 =	vadd.f32 v57, v24;
	v57 =	vadd.f32 v4, v44;
	v46 =	vmul.f32 v34, v2  }
0x162: {  	v16 =	vmul.f32 v56, v36;
	v1 =	vmul.f32 v1, v2;
	v0 =	vadd.f32 v0, v7  }
0x163: {  	v4 =	vld [tilespmem:$0x1FE20];
	v25 =	vadd.f32 v42, v50;
	v50 =	vmul.f32 v33, v2;
	v3 =	vadd.f32 v46, v55  }
0x164: {  	v24 =	vpop (erf);
	v55 =	vmul.f32 v27, v48;
	v1 =	vadd.f32 v1, v37;
	[tilespmem:$0x1F9B0] =	vst v0;
	v0 =	vld.idx.msk [tilespmem:v63+s12+$0x0], $0xffff  }
0x165: {  	v34 =	vadd.f32 v16, v23;
	v23 =	vmul.f32 v56, v2;
	v2 =	vpop (erf);
	[tilespmem:$0x1F970] =	vst v3  }
0x166: {  	v3 =	vadd.f32 v50, v54;
	[tilespmem:$0x1F990] =	vst v1;
	v1 =	vmul.f32 v2, v32;
	v2 =	vadd.f32 $-1.000000000e+00, v55;
	_ =	sdelay $0x1  }
0x167: {  	[tilespmem:$0x1F980] =	vst v3;
	v3 =	vadd.f32 v23, v58;
	v2 =	vand.u32 $0x7FFFFFFF, v2  }
0x168: {  	v2 =	vsub.f32 $1.000000000e+00, v2;
	v0 =	vsub.f32 v0, v4  }
0x169: {  	v16 =	vmovc v48;
	v27 =	vand.u32 $0x7FFFFFFF, v55;
	v46 =	vadd.f32 $-2.000000000e+00, v55;
	v48 =	vadd.f32 $-3.000000000e+00, v55;
	[tilespmem:$0x1F9A0] =	vst v3;
	v3 =	vld [tilespmem:$0x1F8C0]  }
0x16a: {  	v37 =	vmax.f32 v2, $0.0e+00;
	v2 =	vadd.f32 $-4.000000000e+00, v55;
	v55 =	vmul.f32 v26, v0;
	v0 =	vld [tilespmem:$0x1F8D0];
	_ =	sdelay $0x6  }
0x16b: {  	v33 =	vld.idx.msk [tilespmem:v3+s12+$0x0], $0xffff  }
0x16c: {  	v58 =	vld.idx.msk [tilespmem:v0+s12+$0x0], $0xffff  }
0x16d: {  	v7 =	vsub.f32 $1.000000000e+00, v27;
	v2 =	vand.u32 $0x7FFFFFFF, v2;
	v0 =	vld [tilespmem:$0x1F8E0]  }
0x16e: {  	v1 =	vadd.f32 v15, v1;
	v2 =	vsub.f32 $1.000000000e+00, v2  }
0x16f: {  	v7 =	vmax.f32 v7, $0.0e+00;
	v36 =	vmax.f32 v55, $0.0e+00  }
0x170: {  	v23 =	vmul.f32 $5.000000000e-01, v1;
	v1 =	vmax.f32 v2, $0.0e+00;
	v2 =	vmul.f32 v7, v36;
	_ =	sdelay $0x1  }
0x171: {  	v56 =	vsub.f32 v33, v11;
	v33 =	vadd.f32 v2, v0;
	v0 =	vld [tilespmem:$0x1F8F0]  }
0x172: {  	v50 =	vand.u32 $0x7FFFFFFF, v46;
	v54 =	vand.u32 $0x7FFFFFFF, v48  }
0x173: {  	v10 =	vsub.f32 $1.000000000e+00, v50;
	v15 =	vsub.f32 $1.000000000e+00, v54  }
0x174: {  	v48 =	vmul.f32 v37, v36  }
0x175: {  	v42 =	vmax.f32 v10, $0.0e+00;
	v3 =	vmax.f32 v15, $0.0e+00;
	v15 =	vmul.f32 v1, v36  }
0x176: {  	v50 =	vmul.f32 v3, v36;
	v11 =	vmul.f32 v42, v36;
	v36 =	vadd.f32 v48, v0;
	v0 =	vld [tilespmem:$0x1F900];
	_ =	sdelay $0x2  }
0x177: {  	v10 =	vmul.f32 v26, v56;
	_ =	sdelay $0x1  }
0x178: {  	v55 =	vmax.f32 v10, $0.0e+00;
	v10 =	vadd.f32 v11, v0;
	v0 =	vld [tilespmem:$0x1F910];
	_ =	sdelay $0x4  }
0x179: {  	v50 =	vadd.f32 v50, v0;
	v0 =	vld [tilespmem:$0x1F920];
	_ =	sdelay $0x4  }
0x17a: {  	v44 =	vmul.f32 v7, v55;
	v0 =	vadd.f32 v15, v0;
	_ =	sdelay $0x1  }
0x17b: {  	[tilespmem:$0x1F9F0] =	vst v0;
	v0 =	vadd.f32 v44, v45;
	_ =	sdelay $0x1  }
0x17c: {  	[tilespmem:$0x1FA00] =	vst v0;
	v0 =	vld [tilespmem:$0x1F930];
	_ =	sdelay $0x2  }
0x17d: {  	v48 =	vmul.f32 v42, v55  }
0x17e: {  	v21 =	vld [tilespmem:$0x1FE30]  }
0x17f: {  	v0 =	vadd.f32 v48, v0;
	_ =	sdelay $0x1  }
0x180: {  	[tilespmem:$0x1FA10] =	vst v0;
	v0 =	vld [tilespmem:$0x1F940];
	_ =	sdelay $0x1  }
0x181: {  	v46 =	vadd.s32 $0x7, v21  }
0x182: {  	v27 =	vmul.f32 v3, v55  }
0x183: {  	v20 =	vadd.s32 $0xBB8, v63  }
0x184: {  	v15 =	vadd.f32 v27, v0;
	v0 =	vld [tilespmem:$0x1F950];
	_ =	sdelay $0x1  }
0x185: {  	(erf) = vrcp.f32 v23;
	v13 =	vsub.f32 v58, v12;
	v58 =	vld.idx.msk [tilespmem:v46+s13+$0x0], $0xffff  }
0x186: {  	v11 =	vmul.f32 v1, v55  }
0x187: {  	v19 =	vld.idx.msk [tilespmem:v20+s12+$0x0], $0xffff  }
0x188: {  	v56 =	vadd.s32 $0xFA0, v63;
	v0 =	vadd.f32 v11, v0;
	_ =	sdelay $0x1  }
0x189: {  	v13 =	vmul.f32 v26, v13;
	[tilespmem:$0x1FA20] =	vst v0;
	v0 =	vadd.s32 $0x3E8, v58  }
0x18a: {  	v46 =	vmul.f32 v37, v55  }
0x18b: {  	v19 =	vsub.f32 v19, v49;
	v55 =	vmax.f32 v13, $0.0e+00  }
0x18c: {  	v13 =	vmul.f32 v7, v55;
	v44 =	vadd.f32 v46, v52;
	v52 =	vld.idx.msk [tilespmem:v56+s12+$0x0], $0xffff;
	v27 =	vadd.s32 $0x1388, v63  }
0x18d: {  	v54 =	vmul.f32 v37, v55;
	v48 =	vpop (erf)  }
0x18e: {  	v61 =	vadd.f32 v13, v61;
	v13 =	vmul.f32 v26, v19;
	v20 =	vmul.f32 v48, v32;
	v2 =	vld.idx.msk [tilespmem:v0+s2+$0x0], $0xffff  }
0x18f: {  	v56 =	vmul.f32 v42, v55;
	v46 =	vmul.f32 v1, v55;
	[tilespmem:$0x1FB00] =	vst v0;
	v0 =	vld [tilespmem:$0x1F960]  }
0x190: {  	v11 =	vadd.f32 v20, v23;
	v20 =	vadd.f32 v54, v53;
	v53 =	vmax.f32 v13, $0.0e+00  }
0x191: {  	v14 =	vsub.f32 v52, v18;
	v23 =	vadd.f32 v56, v6;
	v27 =	vld.idx.msk [tilespmem:v27+s12+$0x0], $0xffff;
	v6 =	vmul.f32 v7, v53  }
0x192: {  	v12 =	vmovc v49;
	v19 =	vmovc v18;
	v18 =	vmul.f32 v3, v55;
	v56 =	vld.idx.msk [tilespmem:v58+s2+$0x0], $0xffff;
	v49 =	vmul.f32 $5.000000000e-01, v11;
	v11 =	vadd.s32 $0x7D0, v58  }
0x193: {  	v48 =	vmul.f32 v26, v14;
	v54 =	vadd.f32 v6, v62;
	v6 =	vmul.f32 v1, v53  }
0x194: {  	v13 =	vadd.f32 v18, v31;
	v45 =	vadd.f32 v46, v0;
	v0 =	vmul.f32 v3, v53  }
0x195: {  	v18 =	vmul.f32 v42, v53;
	(erf) = vrcp.f32 v49;
	v9 =	vadd.f32 v6, v9  }
0x196: {  	v31 =	vadd.f32 v0, v43;
	v0 =	vmax.f32 v48, $0.0e+00;
	v48 =	vsub.f32 v27, v40  }
0x197: {  	v55 =	vadd.f32 v18, v35;
	v22 =	vsub.f32 v56, v22;
	v18 =	vld.idx.msk [tilespmem:v11+s2+$0x0], $0xffff;
	[tilespmem:$0x1FA30] =	vst v9;
	v9 =	vadd.s32 $0x1770, v63  }
0x198: {  	v2 =	vsub.f32 v2, v17;
	v56 =	vmul.f32 v42, v0;
	v17 =	vmul.f32 v26, v48  }
0x199: {  	v14 =	vmul.f32 v37, v53  }
0x19a: {  	v62 =	vmul.f32 v22, v22;
	v53 =	vadd.f32 v56, v5;
	v5 =	vmax.f32 v17, $0.0e+00  }
0x19b: {  	[tilespmem:$0x1FB10] =	vst v11;
	v52 =	vadd.f32 v14, v47;
	v11 =	vmul.f32 v7, v0;
	v27 =	vmul.f32 v7, v5  }
0x19c: {  	v18 =	vsub.f32 v18, v29;
	v9 =	vld.idx.msk [tilespmem:v9+s12+$0x0], $0xffff;
	v2 =	vmul.f32 v2, v2;
	v35 =	vmul.f32 v37, v0  }
0x19d: {  	v43 =	vadd.f32 v11, v30;
	v47 =	vadd.f32 v27, v60;
	v60 =	vld [tilespmem:$0x1FD50]  }
0x19e: {  	v22 =	vpop (erf);
	v46 =	vadd.f32 v35, v8;
	v8 =	vadd.f32 v2, v62;
	v11 =	vmul.f32 v18, v18  }
0x19f: {  	v14 =	vmul.f32 v22, v32  }
0x1a0: {  	v8 =	vadd.f32 v11, v8  }
0x1a1: {  	v14 =	vadd.f32 v14, v49;
	v2 =	vmul.f32 v3, v0  }
0x1a2: {  	v0 =	vmul.f32 v1, v0;
	v32 =	vadd.f32 $9.999999930e-09, v8;
	v9 =	vsub.f32 v9, v60  }
0x1a3: {  	v63 =	vmovc v40;
	v18 =	vmul.f32 v28, v16;
	v17 =	vld [tilespmem:$0x1F970];
	v2 =	vadd.f32 v2, v38;
	v40 =	vmul.f32 v42, v5  }
0x1a4: {  	v0 =	vadd.f32 v0, v41;
	v38 =	vld.idx.msk [tilespmem:v51+s12+$0x0], $0xffff;
	v41 =	vshra.s32 v32, $0x1;
	v9 =	vmul.f32 v26, v9  }
0x1a5: {  	v29 =	vmul.f32 v37, v5;
	v11 =	vadd.s32 $0x1FBD1DF5, v41;
	v41 =	vadd.f32 v40, v57;
	v40 =	vld [tilespmem:$0x1F980]  }
0x1a6: {  	v48 =	vmul.f32 v3, v5;
	v49 =	vmul.f32 v1, v5;
	v9 =	vmax.f32 v9, $0.0e+00  }
0x1a7: {  	v27 =	vmul.f32 $5.000000000e-01, v14;
	v56 =	vadd.f32 v29, v39;
	v62 =	vmul.f32 v42, v9;
	v42 =	vld [tilespmem:$0x1F990]  }
0x1a8: {  	v5 =	vadd.f32 v48, v34;
	v7 =	vmul.f32 v7, v9;
	v57 =	vmul.f32 v37, v9  }
0x1a9: {  	v39 =	vadd.f32 $9.999999930e-09, v27;
	v8 =	vsub.f32 v38, v4  }
0x1aa: {  	v16 =	vand.u32 $0x7FFFFFFF, v18;
	v34 =	vadd.f32 v7, v17;
	v7 =	vadd.f32 v57, v40;
	v57 =	vld [tilespmem:$0x1F9A0]  }
0x1ab: {  	v22 =	vsub.f32 $1.000000000e+00, v16;
	(erf) = vrcp.f32 v39;
	v17 =	vld [tilespmem:$0x1F9C0]  }
0x1ac: {  	(erf) = vrcp.f32 v11;
	v35 =	vmul.f32 v24, v8;
	v8 =	vadd.f32 v62, v42;
	v62 =	vld [tilespmem:$0x1F9B0];
	_ =	sdelay $0x1  }
0x1ad: {  	v38 =	vmax.f32 v22, $0.0e+00;
	v14 =	vmax.f32 v35, $0.0e+00;
	v3 =	vmul.f32 v3, v9  }
0x1ae: {  	v26 =	vadd.f32 v49, v25;
	v49 =	vmul.f32 v38, v14;
	v1 =	vmul.f32 v1, v9  }
0x1af: {  	v57 =	vadd.f32 v3, v57;
	v3 =	vadd.f32 $-2.000000000e+00, v18  }
0x1b0: {  	v37 =	vadd.f32 v1, v62;
	v1 =	vadd.f32 v49, v33;
	v49 =	vld [tilespmem:$0x1F9D0]  }
0x1b1: {  	v48 =	vadd.f32 $-1.000000000e+00, v18;
	v4 =	vld [tilespmem:$0x1FB20];
	v40 =	vadd.f32 $-3.000000000e+00, v18;
	v3 =	vand.u32 $0x7FFFFFFF, v3  }
0x1b2: {  	v22 =	vld.idx.msk [tilespmem:v17+s12+$0x0], $0xffff;
	v3 =	vsub.f32 $1.000000000e+00, v3  }
0x1b3: {  	v25 =	vpop (erf);
	v42 =	vand.u32 $0x7FFFFFFF, v40;
	v18 =	vadd.f32 $-4.000000000e+00, v18;
	[tilespmem:$0x1FA60] =	vst v1;
	v1 =	vand.u32 $0x7FFFFFFF, v48  }
0x1b4: {  	v16 =	vpop (erf);
	v33 =	vmax.f32 v3, $0.0e+00;
	v3 =	vsub.f32 $1.000000000e+00, v42;
	v1 =	vsub.f32 $1.000000000e+00, v1  }
0x1b5: {  	v9 =	vmul.f32 v16, v32  }
0x1b6: {  	v48 =	vand.u32 $0x7FFFFFFF, v18;
	v40 =	vmax.f32 v3, $0.0e+00;
	v1 =	vmax.f32 v1, $0.0e+00  }
0x1b7: {  	v6 =	vld [tilespmem:$0x1F9E0];
	v3 =	vsub.f32 $1.000000000e+00, v48;
	v22 =	vsub.f32 v22, v4;
	v16 =	vmul.f32 v1, v14  }
0x1b8: {  	v62 =	vld.idx.msk [tilespmem:v49+s12+$0x0], $0xffff  }
0x1b9: {  	v42 =	vadd.f32 v16, v36;
	v36 =	vmax.f32 v3, $0.0e+00;
	v3 =	vmul.f32 v24, v22;
	v22 =	vld [tilespmem:$0x1F9F0];
	_ =	sdelay $0x1  }
0x1ba: {  	v3 =	vmax.f32 v3, $0.0e+00  }
0x1bb: {  	v49 =	vmul.f32 v36, v14;
	v35 =	vmul.f32 v1, v3  }
0x1bc: {  	v9 =	vadd.f32 v11, v9;
	v11 =	vsub.f32 v62, v6  }
0x1bd: {  	v62 =	vadd.f32 v49, v22;
	v49 =	vadd.f32 v35, v44;
	v44 =	vld [tilespmem:$0x1FA10]  }
0x1be: {  	v48 =	vmul.f32 v33, v14  }
0x1bf: {  	v17 =	vadd.s32 $0xBB8, v51  }
0x1c0: {  	v29 =	vadd.f32 v48, v10;
	v10 =	vmul.f32 v33, v3;
	v28 =	vmul.f32 v40, v3;
	_ =	sdelay $0x1  }
0x1c1: {  	v10 =	vadd.f32 v10, v44;
	v44 =	vadd.f32 v28, v15;
	v15 =	vld [tilespmem:$0x1FA20]  }
0x1c2: {  	v30 =	vmul.f32 v40, v14  }
0x1c3: {  	v9 =	vmul.f32 $5.000000000e-01, v9;
	v11 =	vmul.f32 v24, v11  }
0x1c4: {  	v30 =	vadd.f32 v30, v50;
	v14 =	vld.idx.msk [tilespmem:v17+s12+$0x0], $0xffff;
	v50 =	vmul.f32 v38, v3;
	v3 =	vmul.f32 v36, v3  }
0x1c5: {  	(erf) = vrcp.f32 v9;
	v18 =	vmax.f32 v11, $0.0e+00  }
0x1c6: {  	v39 =	vld [tilespmem:$0x1FA00];
	[tilespmem:$0x1FA70] =	vst v42;
	v42 =	vadd.s32 $0xFA0, v51;
	v11 =	vadd.f32 v3, v15;
	v3 =	vmul.f32 v33, v18;
	_ =	sdelay $0x1  }
0x1c7: {  	v16 =	vmul.f32 v40, v18;
	v3 =	vadd.f32 v3, v23  }
0x1c8: {  	v14 =	vsub.f32 v14, v12  }
0x1c9: {  	[tilespmem:$0x1FA90] =	vst v3;
	v3 =	vadd.f32 v16, v13  }
0x1ca: {  	v48 =	vadd.f32 v50, v39;
	v39 =	vadd.s32 $0x1388, v51;
	v22 =	vld.idx.msk [tilespmem:v42+s12+$0x0], $0xffff;
	v14 =	vmul.f32 v24, v14  }
0x1cb: {  	v50 =	vmul.f32 v38, v18;
	v28 =	vmul.f32 v1, v18  }
0x1cc: {  	v17 =	vmov v12;
	v12 =	vmul.f32 v36, v18;
	[tilespmem:$0x1FA80] =	vst v10  }
0x1cd: {  	v10 =	vadd.f32 v50, v61;
	v35 =	vadd.f32 v28, v20;
	v50 =	vmax.f32 v14, $0.0e+00;
	[tilespmem:$0x1FAA0] =	vst v3;
	v3 =	vpop (erf)  }
0x1ce: {  	v28 =	vmul.f32 v38, v50;
	v16 =	vadd.s32 $0x1770, v51;
	v3 =	vmul.f32 v3, v32  }
0x1cf: {  	v14 =	vsub.f32 v22, v19;
	v61 =	vmul.f32 v33, v50;
	v18 =	vld.idx.msk [tilespmem:v39+s12+$0x0], $0xffff;
	v39 =	vmul.f32 v1, v50  }
0x1d0: {  	v23 =	vadd.s32 $0x8, v21;
	v21 =	vadd.f32 v12, v45;
	v3 =	vadd.f32 v3, v9  }
0x1d1: {  	v9 =	vadd.f32 v28, v54;
	v28 =	vmul.f32 v24, v14;
	v54 =	vadd.f32 v39, v52  }
0x1d2: {  	v45 =	vadd.f32 v61, v55;
	v61 =	vmul.f32 $5.000000000e-01, v3;
	v3 =	vmul.f32 v40, v50  }
0x1d3: {  	[tilespmem:$0x1FAC0] =	vst v54;
	v22 =	vmax.f32 v28, $0.0e+00;
	v54 =	vld.idx.msk [tilespmem:v16+s12+$0x0], $0xffff  }
0x1d4: {  	[tilespmem:$0x1FAB0] =	vst v21;
	v21 =	vmul.f32 v33, v22;
	v51 =	vadd.f32 v3, v31;
	v3 =	vmul.f32 v1, v22;
	_ =	sdelay $0x1  }
0x1d5: {  	v52 =	vadd.f32 v3, v46;
	v3 =	vadd.f32 v21, v53  }
0x1d6: {  	v55 =	vmul.f32 v38, v22  }
0x1d7: {  	v16 =	vsub.f32 v18, v63;
	[tilespmem:$0x1FAD0] =	vst v3;
	v3 =	vsub.f32 v54, v60;
	v54 =	vmul.f32 v40, v22  }
0x1d8: {  	v39 =	vld.idx.msk [tilespmem:v23+s13+$0x0], $0xffff;
	v23 =	vmul.f32 v36, v50;
	v50 =	vadd.f32 v55, v43  }
0x1d9: {  	v43 =	vmul.f32 v24, v16;
	v28 =	vadd.f32 v54, v2;
	v2 =	vmul.f32 v24, v3;
	_ =	sdelay $0x1  }
0x1da: {  	v55 =	vmul.f32 v36, v22;
	v18 =	vmax.f32 v43, $0.0e+00;
	v2 =	vmax.f32 v2, $0.0e+00  }
0x1db: {  	v15 =	vmul.f32 v1, v18;
	v1 =	vmul.f32 v1, v2  }
0x1dc: {  	v13 =	vadd.s32 $0x3E8, v39  }
0x1dd: {  	v3 =	vadd.f32 v55, v0;
	v7 =	vadd.f32 v1, v7;
	v1 =	vmul.f32 v33, v2  }
0x1de: {  	v42 =	vld [tilespmem:$0x1FA30];
	v0 =	vmul.f32 v33, v18;
	v54 =	vadd.f32 v15, v56;
	v15 =	vmul.f32 v38, v2  }
0x1df: {  	v20 =	vld [tilespmem:$0x1FEB0];
	v33 =	vmul.f32 v40, v2;
	v2 =	vmul.f32 v36, v2;
	v1 =	vadd.f32 v1, v8  }
0x1e0: {  	v21 =	vld.idx.msk [tilespmem:v39+s2+$0x0], $0xffff  }
0x1e1: {  	v43 =	vld.idx.msk [tilespmem:v13+s2+$0x0], $0xffff;
	[tilespmem:$0x1FAE0] =	vst v1;
	v1 =	vadd.f32 v2, v37  }
0x1e2: {  	v56 =	vadd.f32 v15, v34;
	v15 =	vld [tilespmem:$0x1FEA0]  }
0x1e3: {  	[tilespmem:$0x1FAF0] =	vst v1;
	v1 =	vld [tilespmem:$0x1FA40];
	_ =	sdelay $0x1  }
0x1e4: {  	(erf) = vrcp.f32 v61;
	_ =	sdelay $0x1  }
0x1e5: {  	v16 =	vmovc v60;
	v60 =	vmul.f32 v38, v18;
	v38 =	vsub.f32 v43, v20;
	v34 =	vsub.f32 v21, v15  }
0x1e6: {  	v42 =	vadd.f32 v23, v42;
	v23 =	vmul.f32 v40, v18  }
0x1e7: {  	v46 =	vadd.f32 v0, v41;
	v41 =	vmul.f32 v38, v38;
	v40 =	vmul.f32 v34, v34  }
0x1e8: {  	v12 =	vadd.s32 $0x7D0, v39;
	v60 =	vadd.f32 v60, v47;
	v47 =	vld.idx.msk [tilespmem:v59+s12+$0x0], $0xffff  }
0x1e9: {  	v8 =	vadd.f32 v41, v40;
	v40 =	vld.idx.msk [tilespmem:v1+s12+$0x0], $0xffff  }
0x1ea: {  	v1 =	vld [tilespmem:$0x1FE20];
	_ =	sdelay $0x1  }
0x1eb: {  	v14 =	vld [tilespmem:$0x1FFF0];
	v22 =	vpop (erf)  }
0x1ec: {  	v55 =	vadd.f32 v23, v5;
	v23 =	vmul.f32 v22, v32;
	v32 =	vld.idx.msk [tilespmem:v12+s2+$0x0], $0xffff  }
0x1ed: {  	v22 =	vld [tilespmem:$0x1FEC0]  }
0x1ee: {  	v5 =	vsub.f32 v47, v1;
	v47 =	vld [tilespmem:$0x1FA50];
	_ =	sdelay $0x2  }
0x1ef: {  	v0 =	vmul.f32 v36, v18  }
0x1f0: {  	v2 =	vmul.f32 v27, v14  }
0x1f1: {  	v26 =	vadd.f32 v0, v26;
	v43 =	vsub.f32 v32, v22  }
0x1f2: {  	[tilespmem:$0x1FBE0] =	vst v12;
	v0 =	vadd.f32 v23, v61;
	v12 =	vadd.f32 $-1.000000000e+00, v2  }
0x1f3: {  	v24 =	vadd.f32 v33, v57;
	v57 =	vmul.f32 v43, v43;
	v61 =	vand.u32 $0x7FFFFFFF, v2  }
0x1f4: {  	v0 =	vmul.f32 $5.000000000e-01, v0;
	v34 =	vsub.f32 $1.000000000e+00, v61;
	v36 =	vand.u32 $0x7FFFFFFF, v12;
	v32 =	vld.idx.msk [tilespmem:v47+s12+$0x0], $0xffff  }
0x1f5: {  	v21 =	vsub.f32 $1.000000000e+00, v36;
	v8 =	vadd.f32 v57, v8;
	v5 =	vmul.f32 v25, v5;
	v47 =	vld [tilespmem:$0x1FA60]  }
0x1f6: {  	v53 =	vadd.f32 $9.999999930e-09, v0;
	v18 =	vmax.f32 v34, $0.0e+00  }
0x1f7: {  	v57 =	vadd.f32 $9.999999930e-09, v8;
	v8 =	vmax.f32 v21, $0.0e+00;
	v21 =	vmax.f32 v5, $0.0e+00  }
0x1f8: {  	[tilespmem:$0x1FBC0] =	vst v13;
	v13 =	vadd.f32 $-2.000000000e+00, v2;
	(erf) = vrcp.f32 v53;
	v53 =	vmul.f32 v18, v21  }
0x1f9: {  	v38 =	vadd.f32 $-3.000000000e+00, v2;
	v2 =	vadd.f32 $-4.000000000e+00, v2  }
0x1fa: {  	v23 =	vadd.f32 v53, v47;
	v53 =	vld [tilespmem:$0x1FA70]  }
0x1fb: {  	v37 =	vand.u32 $0x7FFFFFFF, v13;
	v31 =	vand.u32 $0x7FFFFFFF, v38;
	v2 =	vand.u32 $0x7FFFFFFF, v2  }
0x1fc: {  	v27 =	vsub.f32 $1.000000000e+00, v37;
	v41 =	vsub.f32 $1.000000000e+00, v31;
	v36 =	vadd.s32 $0xBB8, v59  }
0x1fd: {  	v43 =	vshra.s32 v57, $0x1;
	v5 =	vsub.f32 v40, v4;
	v61 =	vmul.f32 v8, v21  }
0x1fe: {  	v2 =	vsub.f32 $1.000000000e+00, v2;
	v37 =	vmax.f32 v27, $0.0e+00;
	v27 =	vadd.s32 $0x1FBD1DF5, v43  }
0x1ff: {  	(erf) = vrcp.f32 v27;
	v33 =	vadd.f32 v61, v53;
	v61 =	vmul.f32 v25, v5  }
0x200: {  	v31 =	vmax.f32 v41, $0.0e+00;
	v12 =	vmul.f32 v37, v21  }
0x201: {  	v2 =	vmax.f32 v2, $0.0e+00;
	v34 =	vld.idx.msk [tilespmem:v36+s12+$0x0], $0xffff;
	v13 =	vmul.f32 v31, v21;
	v4 =	vmax.f32 v61, $0.0e+00  }
0x202: {  	v21 =	vmul.f32 v2, v21;
	v5 =	vadd.f32 v12, v29;
	v12 =	vmul.f32 v18, v4  }
0x203: {  	v32 =	vsub.f32 v32, v6;
	v53 =	vadd.f32 v13, v30;
	v13 =	vmul.f32 v8, v4  }
0x204: {  	v43 =	vadd.f32 v21, v62;
	v62 =	vadd.f32 v12, v48;
	v48 =	vld [tilespmem:$0x1FA80]  }
0x205: {  	v61 =	vmul.f32 v31, v4;
	v12 =	vadd.f32 v13, v49;
	v13 =	vmul.f32 v25, v32  }
0x206: {  	v36 =	vadd.s32 $0xFA0, v59;
	v34 =	vsub.f32 v34, v17  }
0x207: {  	v21 =	vpop (erf);
	v38 =	vmul.f32 v37, v4;
	v29 =	vadd.f32 v61, v44;
	[tilespmem:$0x1FB40] =	vst v62;
	v61 =	vmax.f32 v13, $0.0e+00  }
0x208: {  	v49 =	vpop (erf);
	[tilespmem:$0x1FB50] =	vst v12;
	v62 =	vadd.s32 $0x1388, v59;
	v13 =	vmul.f32 v18, v61;
	v32 =	vmul.f32 v37, v61  }
0x209: {  	v40 =	vld [tilespmem:$0x1FAB0];
	v12 =	vmovc v17;
	v17 =	vmul.f32 v8, v61;
	v30 =	vadd.f32 v38, v48;
	v38 =	vmul.f32 v49, v57  }
0x20a: {  	v48 =	vmul.f32 v31, v61;
	v49 =	vmul.f32 v2, v61;
	v61 =	vld [tilespmem:$0x1FAA0]  }
0x20b: {  	v4 =	vmul.f32 v2, v4  }
0x20c: {  	v36 =	vld.idx.msk [tilespmem:v36+s12+$0x0], $0xffff;
	v27 =	vadd.f32 v27, v38  }
0x20d: {  	v4 =	vadd.f32 v4, v11;
	v38 =	vld [tilespmem:$0x1FA90]  }
0x20e: {  	v44 =	vadd.f32 v17, v35;
	v11 =	vmul.f32 $5.000000000e-01, v27;
	v27 =	vld.idx.msk [tilespmem:v62+s12+$0x0], $0xffff  }
0x20f: {  	[tilespmem:$0x1FB60] =	vst v4;
	v35 =	vmul.f32 v25, v34;
	v4 =	vadd.f32 v48, v61;
	v48 =	vadd.f32 v49, v40;
	v49 =	vld [tilespmem:$0x1FAC0]  }
0x210: {  	v17 =	vadd.s32 $0x1770, v59  }
0x211: {  	[tilespmem:$0x1FB30] =	vst v43;
	v43 =	vadd.f32 v13, v10;
	v10 =	vmax.f32 v35, $0.0e+00  }
0x212: {  	v47 =	vmov v6;
	v62 =	vmul.f32 v8, v10;
	v6 =	vadd.f32 v32, v38  }
0x213: {  	v34 =	vsub.f32 v36, v19  }
0x214: {  	[tilespmem:$0x1FB70] =	vst v6;
	v6 =	vadd.f32 v62, v49;
	v62 =	vsub.f32 v27, v63  }
0x215: {  	v41 =	vmul.f32 v25, v34;
	v59 =	vmul.f32 v18, v10;
	v17 =	vld.idx.msk [tilespmem:v17+s12+$0x0], $0xffff  }
0x216: {  	v32 =	vmul.f32 v37, v10;
	v49 =	vmul.f32 v25, v62;
	v62 =	vld [tilespmem:$0x1FE30]  }
0x217: {  	v61 =	vmul.f32 v31, v10;
	(erf) = vrcp.f32 v11;
	v40 =	vadd.f32 v59, v9  }
0x218: {  	v9 =	vmax.f32 v41, $0.0e+00;
	v10 =	vmul.f32 v2, v10;
	v59 =	vadd.f32 v32, v45  }
0x219: {  	v34 =	vmovc v63;
	v51 =	vadd.f32 v61, v51;
	v36 =	vmul.f32 v18, v9;
	v61 =	vmul.f32 v31, v9;
	v63 =	vld [tilespmem:$0x1FAD0]  }
0x21a: {  	v45 =	vmul.f32 v8, v9;
	v10 =	vadd.f32 v10, v42;
	[tilespmem:$0x1FB90] =	vst v59;
	v59 =	vmul.f32 v37, v9  }
0x21b: {  	v9 =	vmul.f32 v2, v9;
	v32 =	vsub.f32 v17, v16;
	v42 =	vadd.s32 $0x9, v62  }
0x21c: {  	v36 =	vadd.f32 v36, v50;
	v50 =	vadd.f32 v61, v28;
	[tilespmem:$0x1FBA0] =	vst v10;
	v10 =	vmax.f32 v49, $0.0e+00  }
0x21d: {  	[tilespmem:$0x1FB80] =	vst v6;
	v27 =	vadd.f32 v9, v3;
	v6 =	vmul.f32 v25, v32;
	v3 =	vmul.f32 v8, v10  }
0x21e: {  	v38 =	vmovc v19;
	v13 =	vadd.f32 v45, v52;
	v45 =	vadd.f32 v59, v63;
	v35 =	vmul.f32 v18, v10  }
0x21f: {  	v41 =	vmovc v16;
	v19 =	vld.idx.msk [tilespmem:v58+s12+$0x0], $0xffff;
	v6 =	vmax.f32 v6, $0.0e+00;
	v25 =	vadd.f32 v3, v54;
	v3 =	vmul.f32 v37, v10  }
0x220: {  	v16 =	vadd.f32 v35, v60;
	v54 =	vmul.f32 v0, v14;
	v0 =	vmul.f32 v8, v6;
	v32 =	vld.idx.msk [tilespmem:v42+s13+$0x0], $0xffff  }
0x221: {  	v59 =	vmul.f32 v31, v10;
	v10 =	vmul.f32 v2, v10;
	v61 =	vadd.f32 v3, v46  }
0x222: {  	[tilespmem:$0x1FBB0] =	vst v16;
	v3 =	vmul.f32 v18, v6;
	v16 =	vadd.f32 v0, v7;
	v0 =	vand.u32 $0x7FFFFFFF, v54  }
0x223: {  	v0 =	vsub.f32 $1.000000000e+00, v0  }
0x224: {  	v46 =	vadd.f32 v10, v26;
	v42 =	vadd.f32 v3, v56  }
0x225: {  	v52 =	vpop (erf);
	v3 =	vsub.f32 v19, v1;
	v10 =	vmax.f32 v0, $0.0e+00;
	v0 =	vld [tilespmem:$0x1FAE0];
	v1 =	vadd.s32 $0x7D0, v32  }
0x226: {  	v9 =	vmul.f32 v52, v57  }
0x227: {  	v31 =	vmul.f32 v31, v6  }
0x228: {  	v35 =	vadd.f32 v59, v55;
	v59 =	vmul.f32 v37, v6;
	v9 =	vadd.f32 v9, v11  }
0x229: {  	v26 =	vadd.s32 $0x3E8, v32  }
0x22a: {  	v55 =	vmul.f32 $5.000000000e-01, v9;
	v9 =	vadd.f32 v59, v0;
	v0 =	vadd.f32 v31, v24;
	v31 =	vld.idx.msk [tilespmem:v1+s2+$0x0], $0xffff  }
0x22b: {  	v3 =	vmul.f32 v21, v3;
	[tilespmem:$0x1FCA0] =	vst v1;
	v1 =	vld [tilespmem:$0x1FAF0];
	_ =	sdelay $0x1  }
0x22c: {  	v2 =	vmul.f32 v2, v6;
	v6 =	vmax.f32 v3, $0.0e+00  }
0x22d: {  	v52 =	vadd.f32 $-1.000000000e+00, v54;
	[tilespmem:$0x1FC60] =	vst v26;
	v3 =	vld.idx.msk [tilespmem:v26+s2+$0x0], $0xffff;
	v26 =	vmul.f32 v10, v6;
	_ =	sdelay $0x1  }
0x22e: {  	v56 =	vand.u32 $0x7FFFFFFF, v52;
	v60 =	vld.idx.msk [tilespmem:v32+s2+$0x0], $0xffff;
	v52 =	vadd.f32 v2, v1;
	v1 =	vadd.f32 v26, v23;
	_ =	sdelay $0x1  }
0x22f: {  	(erf) = vrcp.f32 v55;
	[tilespmem:$0x1FBD0] =	vst v1;
	v1 =	vld [tilespmem:$0x1FB00];
	_ =	sdelay $0x2  }
0x230: {  	v49 =	vsub.f32 v60, v15;
	v3 =	vsub.f32 v3, v20;
	_ =	sdelay $0x1  }
0x231: {  	v8 =	vmul.f32 v49, v49;
	v3 =	vmul.f32 v3, v3  }
0x232: {  	v7 =	vsub.f32 $1.000000000e+00, v56  }
0x233: {  	v63 =	vadd.f32 $-2.000000000e+00, v54;
	v3 =	vadd.f32 v3, v8;
	v8 =	vld [tilespmem:$0x1FB20]  }
0x234: {  	v11 =	vmax.f32 v7, $0.0e+00;
	v15 =	vld.idx.msk [tilespmem:v1+s12+$0x0], $0xffff  }
0x235: {  	v28 =	vmul.f32 v11, v6;
	v59 =	vadd.f32 $-4.000000000e+00, v54;
	v56 =	vpop (erf);
	v2 =	vand.u32 $0x7FFFFFFF, v63;
	v1 =	vld [tilespmem:$0x1FB10]  }
0x236: {  	v24 =	vmul.f32 v56, v57;
	v2 =	vsub.f32 $1.000000000e+00, v2  }
0x237: {  	v7 =	vadd.f32 v28, v33;
	v33 =	vand.u32 $0x7FFFFFFF, v59  }
0x238: {  	v28 =	vadd.f32 v24, v55;
	v19 =	vsub.f32 v31, v22;
	v2 =	vmax.f32 v2, $0.0e+00  }
0x239: {  	v57 =	vadd.f32 $-3.000000000e+00, v54;
	v22 =	vmul.f32 v2, v6;
	v20 =	vsub.f32 v15, v8  }
0x23a: {  	v24 =	vsub.f32 $1.000000000e+00, v33;
	v33 =	vmul.f32 $5.000000000e-01, v28;
	v19 =	vmul.f32 v19, v19  }
0x23b: {  	v26 =	vand.u32 $0x7FFFFFFF, v57;
	v63 =	vadd.f32 v22, v5;
	v22 =	vld [tilespmem:$0x1FB40];
	v20 =	vmul.f32 v21, v20  }
0x23c: {  	v56 =	vadd.s32 $0xBB8, v58;
	v23 =	vsub.f32 $1.000000000e+00, v26;
	v3 =	vadd.f32 v19, v3  }
0x23d: {  	v57 =	vadd.f32 $9.999999930e-09, v33;
	v37 =	vld.idx.msk [tilespmem:v1+s12+$0x0], $0xffff;
	v20 =	vmax.f32 v20, $0.0e+00  }
0x23e: {  	v19 =	vmax.f32 v23, $0.0e+00;
	v3 =	vadd.f32 $9.999999930e-09, v3;
	v23 =	vmul.f32 v10, v20  }
0x23f: {  	v49 =	vmax.f32 v24, $0.0e+00;
	(erf) = vrcp.f32 v57;
	v57 =	vld [tilespmem:$0x1FB30];
	v55 =	vmul.f32 v19, v6  }
0x240: {  	v60 =	vmul.f32 v49, v6;
	v59 =	vshra.s32 v3, $0x1;
	v6 =	vadd.f32 v23, v22;
	v23 =	vld [tilespmem:$0x1FB50]  }
0x241: {  	v26 =	vld.idx.msk [tilespmem:v56+s12+$0x0], $0xffff;
	v1 =	vadd.f32 v55, v53;
	v53 =	vadd.s32 $0x1FBD1DF5, v59  }
0x242: {  	(erf) = vrcp.f32 v53;
	v24 =	vsub.f32 v37, v47;
	v37 =	vadd.s32 $0xFA0, v58  }
0x243: {  	v17 =	vmov v47;
	v31 =	vadd.s32 $0x1388, v58;
	v56 =	vld [tilespmem:$0x1FB60];
	v47 =	vmul.f32 v11, v20  }
0x244: {  	v5 =	vadd.f32 v60, v57;
	v18 =	vmul.f32 v19, v20;
	v24 =	vmul.f32 v21, v24  }
0x245: {  	v55 =	vld [tilespmem:$0x1FB70];
	v59 =	vmul.f32 v2, v20;
	v20 =	vmul.f32 v49, v20;
	v60 =	vadd.f32 v47, v23  }
0x246: {  	v47 =	vadd.f32 v18, v29;
	v29 =	vmax.f32 v24, $0.0e+00;
	v24 =	vsub.f32 v26, v12  }
0x247: {  	v15 =	vadd.s32 $0x1770, v58;
	v26 =	vld.idx.msk [tilespmem:v37+s12+$0x0], $0xffff;
	v37 =	vmul.f32 v10, v29;
	v57 =	vmul.f32 v2, v29  }
0x248: {  	v59 =	vadd.f32 v59, v30;
	v18 =	vmovc v12;
	v12 =	vadd.f32 v20, v56;
	v30 =	vmul.f32 v11, v29  }
0x249: {  	v23 =	vmul.f32 v19, v29;
	v56 =	vmul.f32 v49, v29;
	v37 =	vadd.f32 v37, v43  }
0x24a: {  	v44 =	vadd.f32 v30, v44;
	v30 =	vmul.f32 v21, v24;
	v28 =	vadd.f32 v57, v55;
	v24 =	vpop (erf)  }
0x24b: {  	v43 =	vadd.f32 v23, v4;
	v4 =	vadd.f32 v56, v48;
	v57 =	vpop (erf)  }
0x24c: {  	v15 =	vld.idx.msk [tilespmem:v15+s12+$0x0], $0xffff;
	v20 =	vmul.f32 v57, v3  }
0x24d: {  	v30 =	vmax.f32 v30, $0.0e+00;
	[tilespmem:$0x1FC10] =	vst v4;
	v4 =	vsub.f32 v26, v38;
	v26 =	vld.idx.msk [tilespmem:v31+s12+$0x0], $0xffff  }
0x24e: {  	v58 =	vmul.f32 v10, v30;
	v57 =	vld [tilespmem:$0x1FBA0];
	v20 =	vadd.f32 v53, v20  }
0x24f: {  	[tilespmem:$0x1FC00] =	vst v44;
	v48 =	vmul.f32 v11, v30;
	v44 =	vmul.f32 v2, v30  }
0x250: {  	v54 =	vld [tilespmem:$0x1FB90];
	v4 =	vmul.f32 v21, v4;
	v20 =	vmul.f32 $5.000000000e-01, v20  }
0x251: {  	v56 =	vadd.f32 v58, v40;
	v40 =	vmul.f32 v19, v30;
	v30 =	vmul.f32 v49, v30  }
0x252: {  	v15 =	vsub.f32 v15, v41;
	(erf) = vrcp.f32 v20  }
0x253: {  	v4 =	vmax.f32 v4, $0.0e+00;
	v26 =	vsub.f32 v26, v34;
	v22 =	vadd.f32 v30, v57  }
0x254: {  	[tilespmem:$0x1FBF0] =	vst v12;
	v12 =	vmov v38;
	v53 =	vld [tilespmem:$0x1FB80];
	v55 =	vmul.f32 v10, v4;
	v58 =	vmul.f32 v11, v4  }
0x255: {  	v38 =	vadd.f32 v44, v54;
	[tilespmem:$0x1FC20] =	vst v22;
	v22 =	vmul.f32 v2, v4;
	v23 =	vmul.f32 v21, v26  }
0x256: {  	v44 =	vadd.f32 v55, v36;
	v36 =	vmul.f32 v19, v4;
	v4 =	vmul.f32 v49, v4  }
0x257: {  	v15 =	vmul.f32 v21, v15;
	v29 =	vmov v34;
	v34 =	vadd.s32 $0xA, v62  }
0x258: {  	v55 =	vadd.f32 v22, v45;
	v45 =	vmax.f32 v23, $0.0e+00;
	v4 =	vadd.f32 v4, v27;
	v27 =	vmovc v62;
	v62 =	vld [tilespmem:$0x1FBB0]  }
0x259: {  	v48 =	vadd.f32 v48, v53;
	v53 =	vadd.f32 v40, v51;
	v51 =	vmul.f32 v2, v45  }
0x25a: {  	v40 =	vadd.f32 v36, v50;
	v36 =	vmax.f32 v15, $0.0e+00  }
0x25b: {  	v50 =	vmul.f32 v10, v45;
	v31 =	vmul.f32 v11, v45;
	v21 =	vadd.f32 v51, v61;
	v61 =	vpop (erf)  }
0x25c: {  	v54 =	vadd.f32 v58, v13;
	v58 =	vmul.f32 v11, v36;
	v11 =	vmul.f32 v61, v3  }
0x25d: {  	v2 =	vmul.f32 v2, v36;
	v51 =	vmul.f32 v10, v36;
	v57 =	vadd.f32 v50, v62;
	v62 =	vld.idx.msk [tilespmem:v39+s12+$0x0], $0xffff  }
0x25e: {  	[tilespmem:$0x1FC40] =	vst v4;
	v4 =	vmul.f32 v33, v14;
	v26 =	vadd.f32 v31, v25;
	v22 =	vadd.f32 v11, v20;
	v20 =	vld [tilespmem:$0x1FE20]  }
0x25f: {  	v50 =	vadd.f32 v51, v42;
	v51 =	vadd.f32 v2, v9;
	v2 =	vmul.f32 v19, v36  }
0x260: {  	v30 =	vmov v41;
	v41 =	vadd.f32 v58, v16;
	v23 =	vand.u32 $0x7FFFFFFF, v4;
	[tilespmem:$0x1FC50] =	vst v26;
	v26 =	vld.idx.msk [tilespmem:v34+s13+$0x0], $0xffff  }
0x261: {  	v13 =	vmul.f32 v49, v45;
	v58 =	vadd.f32 v2, v0;
	v2 =	vsub.f32 $1.000000000e+00, v23  }
0x262: {  	v31 =	vmul.f32 v19, v45  }
0x263: {  	v45 =	vadd.f32 v13, v46;
	v13 =	vsub.f32 v62, v20;
	v62 =	vmax.f32 v2, $0.0e+00;
	v2 =	vld [tilespmem:$0x1FBC0]  }
0x264: {  	v34 =	vadd.f32 $-2.000000000e+00, v4  }
0x265: {  	[tilespmem:$0x1FC30] =	vst v40;
	v33 =	vadd.f32 $-1.000000000e+00, v4;
	v40 =	vadd.f32 v31, v35;
	v46 =	vadd.s32 $0x3E8, v26  }
0x266: {  	v42 =	vadd.f32 $-3.000000000e+00, v4;
	v0 =	vmul.f32 v49, v36;
	v36 =	vand.u32 $0x7FFFFFFF, v34  }
0x267: {  	v35 =	vand.u32 $0x7FFFFFFF, v33;
	v11 =	vsub.f32 $1.000000000e+00, v36;
	v13 =	vmul.f32 v24, v13  }
0x268: {  	v10 =	vsub.f32 $1.000000000e+00, v35;
	v49 =	vand.u32 $0x7FFFFFFF, v42;
	v61 =	vadd.f32 v0, v52;
	v52 =	vld [tilespmem:$0x1FBD0]  }
0x269: {  	v0 =	vsub.f32 $1.000000000e+00, v49;
	v11 =	vmax.f32 v11, $0.0e+00;
	v13 =	vmax.f32 v13, $0.0e+00  }
0x26a: {  	v31 =	vmovc v14;
	v10 =	vmax.f32 v10, $0.0e+00;
	v14 =	vadd.s32 $0x7D0, v26;
	[tilespmem:$0x1FD00] =	vst v46;
	v34 =	vld.idx.msk [tilespmem:v46+s2+$0x0], $0xffff;
	v46 =	vmul.f32 v11, v13  }
0x26b: {  	v19 =	vmul.f32 v10, v13;
	v16 =	vld.idx.msk [tilespmem:v2+s12+$0x0], $0xffff;
	v2 =	vmax.f32 v0, $0.0e+00;
	v0 =	vmul.f32 v62, v13  }
0x26c: {  	v9 =	vmul.f32 $5.000000000e-01, v22;
	v22 =	vadd.f32 $-4.000000000e+00, v4;
	v33 =	vld.idx.msk [tilespmem:v26+s2+$0x0], $0xffff;
	v63 =	vadd.f32 v46, v63  }
0x26d: {  	v46 =	vld [tilespmem:$0x1FBE0];
	v4 =	vadd.f32 v0, v52;
	v0 =	vadd.f32 v19, v7  }
0x26e: {  	(erf) = vrcp.f32 v9;
	v19 =	vld [tilespmem:$0x1FEA0]  }
0x26f: {  	[tilespmem:$0x1FC70] =	vst v0;
	v0 =	vld.idx.msk [tilespmem:v14+s2+$0x0], $0xffff  }
0x270: {  	[tilespmem:$0x1FD10] =	vst v14;
	v14 =	vsub.f32 v16, v8;
	v16 =	vld [tilespmem:$0x1FEB0]  }
0x271: {  	v49 =	vmul.f32 v2, v13  }
0x272: {  	v15 =	vld [tilespmem:$0x1FEC0]  }
0x273: {  	v1 =	vadd.f32 v49, v1;
	_ =	sdelay $0x1  }
0x274: {  	[tilespmem:$0x1FC90] =	vst v1;
	v1 =	vand.u32 $0x7FFFFFFF, v22;
	v25 =	vsub.f32 v33, v19;
	v36 =	vsub.f32 v34, v16  }
0x275: {  	v1 =	vsub.f32 $1.000000000e+00, v1  }
0x276: {  	v42 =	vpop (erf);
	v7 =	vld.idx.msk [tilespmem:v46+s12+$0x0], $0xffff;
	v49 =	vmul.f32 v25, v25;
	v0 =	vsub.f32 v0, v15;
	v52 =	vmul.f32 v36, v36  }
0x277: {  	v1 =	vmax.f32 v1, $0.0e+00;
	v34 =	vmul.f32 v42, v3  }
0x278: {  	v3 =	vmul.f32 v24, v14;
	v0 =	vmul.f32 v0, v0;
	v22 =	vadd.f32 v52, v49  }
0x279: {  	v13 =	vmul.f32 v1, v13  }
0x27a: {  	[tilespmem:$0x1FC80] =	vst v63;
	v63 =	vadd.s32 $0xBB8, v39;
	v33 =	vmax.f32 v3, $0.0e+00;
	v0 =	vadd.f32 v0, v22  }
0x27b: {  	v3 =	vadd.f32 v13, v5;
	v36 =	vsub.f32 v7, v17;
	v46 =	vmul.f32 v10, v33  }
0x27c: {  	v49 =	vadd.s32 $0xFA0, v39;
	v5 =	vadd.f32 $9.999999930e-09, v0;
	v0 =	vmul.f32 v11, v33;
	_ =	sdelay $0x1  }
0x27d: {  	v60 =	vadd.f32 v46, v60;
	v46 =	vadd.f32 v0, v59;
	v0 =	vmul.f32 v24, v36  }
0x27e: {  	v13 =	vld.idx.msk [tilespmem:v63+s12+$0x0], $0xffff  }
0x27f: {  	v25 =	vadd.f32 v34, v9;
	v63 =	vld [tilespmem:$0x1FBF0];
	v0 =	vmax.f32 v0, $0.0e+00  }
0x280: {  	v22 =	vld.idx.msk [tilespmem:v49+s12+$0x0], $0xffff;
	v49 =	vmul.f32 v62, v0  }
0x281: {  	v34 =	vmov v17;
	v7 =	vmul.f32 $5.000000000e-01, v25;
	v17 =	vmul.f32 v2, v33  }
0x282: {  	v14 =	vmul.f32 v62, v33;
	v36 =	vmul.f32 v1, v33;
	v33 =	vadd.f32 v49, v37;
	v37 =	vld [tilespmem:$0x1FC00]  }
0x283: {  	v25 =	vadd.f32 $9.999999930e-09, v7  }
0x284: {  	v52 =	vadd.f32 v17, v47;
	v13 =	vsub.f32 v13, v18  }
0x285: {  	v17 =	vmovc v18;
	v59 =	vadd.s32 $0x1388, v39;
	v9 =	vadd.f32 v36, v63;
	v18 =	vmul.f32 v10, v0  }
0x286: {  	v42 =	vadd.f32 v14, v6;
	v35 =	vshra.s32 v5, $0x1  }
0x287: {  	(erf) = vrcp.f32 v25;
	v6 =	vadd.s32 $0x1FBD1DF5, v35;
	[tilespmem:$0x1FCB0] =	vst v9;
	v9 =	vadd.f32 v18, v37;
	v18 =	vld [tilespmem:$0x1FC10]  }
0x288: {  	v13 =	vmul.f32 v24, v13;
	(erf) = vrcp.f32 v6  }
0x289: {  	v25 =	vmul.f32 v11, v0;
	v36 =	vmul.f32 v2, v0  }
0x28a: {  	v0 =	vmul.f32 v1, v0;
	v49 =	vsub.f32 v22, v12;
	v23 =	vld.idx.msk [tilespmem:v59+s12+$0x0], $0xffff;
	v59 =	vadd.s32 $0x1770, v39  }
0x28b: {  	[tilespmem:$0x1FCC0] =	vst v9;
	v9 =	vmax.f32 v13, $0.0e+00  }
0x28c: {  	v13 =	vmul.f32 v24, v49;
	v63 =	vmul.f32 v62, v9;
	v0 =	vadd.f32 v0, v18  }
0x28d: {  	v35 =	vadd.f32 v25, v28  }
0x28e: {  	v25 =	vmul.f32 v10, v9;
	v13 =	vmax.f32 v13, $0.0e+00;
	[tilespmem:$0x1FCD0] =	vst v0;
	v0 =	vadd.f32 v63, v56  }
0x28f: {  	v36 =	vadd.f32 v36, v43;
	v23 =	vsub.f32 v23, v29;
	v14 =	vld.idx.msk [tilespmem:v59+s12+$0x0], $0xffff;
	v59 =	vmul.f32 v62, v13  }
0x290: {  	v43 =	vmul.f32 v11, v9;
	v49 =	vmul.f32 v2, v9;
	v47 =	vadd.f32 v25, v48;
	v48 =	vld [tilespmem:$0x1FC20]  }
0x291: {  	v9 =	vmul.f32 v1, v9;
	v63 =	vmul.f32 v10, v13;
	v44 =	vadd.f32 v59, v44;
	v59 =	vld [tilespmem:$0x1FC40]  }
0x292: {  	v37 =	vadd.f32 v43, v38;
	v43 =	vadd.f32 v49, v53;
	v25 =	vmul.f32 v11, v13;
	[tilespmem:$0x1FCE0] =	vst v0;
	v0 =	vpop (erf)  }
0x293: {  	v49 =	vmul.f32 v24, v23;
	v38 =	vadd.f32 v63, v54;
	v54 =	vmul.f32 v2, v13;
	v56 =	vpop (erf)  }
0x294: {  	v22 =	vmovc v12;
	v14 =	vsub.f32 v14, v30;
	v13 =	vmul.f32 v1, v13;
	v12 =	vmul.f32 v56, v5  }
0x295: {  	v23 =	vadd.f32 v25, v55;
	v53 =	vadd.f32 v9, v48;
	v9 =	vmax.f32 v49, $0.0e+00  }
0x296: {  	v55 =	vmul.f32 v62, v9;
	v56 =	vld [tilespmem:$0x1FC30];
	v6 =	vadd.f32 v6, v12;
	v12 =	vadd.f32 v13, v59  }
0x297: {  	v63 =	vmul.f32 v10, v9;
	v28 =	vmul.f32 v11, v9;
	v59 =	vld [tilespmem:$0x1FC50]  }
0x298: {  	v6 =	vmul.f32 $5.000000000e-01, v6;
	[tilespmem:$0x1FCF0] =	vst v12;
	v12 =	vmul.f32 v24, v14  }
0x299: {  	v18 =	vmov v30;
	v30 =	vmul.f32 v2, v9;
	v9 =	vmul.f32 v1, v9  }
0x29a: {  	v57 =	vadd.f32 v55, v57;
	(erf) = vrcp.f32 v6;
	v12 =	vmax.f32 v12, $0.0e+00  }
0x29b: {  	v55 =	vadd.f32 v28, v21;
	v49 =	vadd.f32 v30, v40;
	v62 =	vmul.f32 v62, v12  }
0x29c: {  	v39 =	vadd.f32 v54, v56;
	v54 =	vadd.s32 $0xB, v27;
	v48 =	vadd.f32 v63, v59;
	v63 =	vld.idx.msk [tilespmem:v32+s12+$0x0], $0xffff  }
0x29d: {  	v28 =	vmul.f32 v11, v12;
	v2 =	vmul.f32 v2, v12;
	v40 =	vadd.f32 v62, v50;
	v62 =	vld [tilespmem:$0x1FC60]  }
0x29e: {  	v11 =	vmul.f32 v7, v31;
	v1 =	vmul.f32 v1, v12  }
0x29f: {  	v25 =	vmov v31;
	v50 =	vadd.f32 v28, v51;
	v31 =	vadd.f32 v2, v58  }
0x2a0: {  	v56 =	vadd.f32 $-1.000000000e+00, v11;
	v1 =	vadd.f32 v1, v61  }
0x2a1: {  	v59 =	vadd.f32 $-2.000000000e+00, v11;
	v61 =	vadd.f32 $-3.000000000e+00, v11  }
0x2a2: {  	v2 =	vand.u32 $0x7FFFFFFF, v11;
	v11 =	vadd.f32 $-4.000000000e+00, v11;
	v28 =	vld.idx.msk [tilespmem:v54+s13+$0x0], $0xffff;
	v58 =	vsub.f32 v63, v20  }
0x2a3: {  	v14 =	vmul.f32 v10, v12;
	v2 =	vsub.f32 $1.000000000e+00, v2;
	v54 =	vpop (erf)  }
0x2a4: {  	v10 =	vmul.f32 v0, v58;
	v58 =	vand.u32 $0x7FFFFFFF, v11;
	v7 =	vmul.f32 v54, v5  }
0x2a5: {  	v30 =	vadd.f32 v9, v45;
	v9 =	vand.u32 $0x7FFFFFFF, v56;
	v13 =	vld.idx.msk [tilespmem:v62+s12+$0x0], $0xffff;
	v62 =	vsub.f32 $1.000000000e+00, v58  }
0x2a6: {  	v58 =	vld [tilespmem:$0x1FC70];
	v6 =	vadd.f32 v7, v6;
	v7 =	vmax.f32 v2, $0.0e+00;
	v2 =	vsub.f32 $1.000000000e+00, v9;
	_ =	sdelay $0x1  }
0x2a7: {  	v10 =	vmax.f32 v10, $0.0e+00;
	v9 =	vand.u32 $0x7FFFFFFF, v59;
	v59 =	vmax.f32 v2, $0.0e+00  }
0x2a8: {  	v45 =	vadd.f32 v14, v41;
	v14 =	vadd.s32 $0x3E8, v28;
	v27 =	vmul.f32 v59, v10  }
0x2a9: {  	v12 =	vld.idx.msk [tilespmem:v28+s2+$0x0], $0xffff  }
0x2aa: {  	v24 =	vadd.f32 v27, v58;
	v27 =	vld [tilespmem:$0x1FCA0]  }
0x2ab: {  	v21 =	vmovc v20;
	v51 =	vand.u32 $0x7FFFFFFF, v61;
	v20 =	vadd.s32 $0x7D0, v28;
	v63 =	vmul.f32 v7, v10  }
0x2ac: {  	v41 =	vsub.f32 $1.000000000e+00, v9;
	v9 =	vmax.f32 v62, $0.0e+00;
	v62 =	vld [tilespmem:$0x1FC80];
	v6 =	vmul.f32 $5.000000000e-01, v6  }
0x2ad: {  	v2 =	vsub.f32 $1.000000000e+00, v51;
	v11 =	vld.idx.msk [tilespmem:v14+s2+$0x0], $0xffff  }
0x2ae: {  	v54 =	vadd.f32 v63, v4;
	v63 =	vmax.f32 v41, $0.0e+00;
	(erf) = vrcp.f32 v6  }
0x2af: {  	v2 =	vmax.f32 v2, $0.0e+00;
	v13 =	vsub.f32 v13, v8;
	v12 =	vsub.f32 v12, v19;
	v19 =	vld [tilespmem:$0x1FC90]  }
0x2b0: {  	v56 =	vld.idx.msk [tilespmem:v20+s2+$0x0], $0xffff;
	v51 =	vmul.f32 v63, v10;
	v61 =	vmul.f32 v2, v10  }
0x2b1: {  	v10 =	vmul.f32 v9, v10;
	v13 =	vmul.f32 v0, v13  }
0x2b2: {  	[tilespmem:$0x1FDA0] =	vst v20;
	v20 =	vadd.f32 v51, v62;
	v11 =	vsub.f32 v11, v16;
	v4 =	vld.idx.msk [tilespmem:v27+s12+$0x0], $0xffff  }
0x2b3: {  	v41 =	vadd.f32 v10, v3;
	v3 =	vmax.f32 v13, $0.0e+00;
	v13 =	vadd.s32 $0xBB8, v32  }
0x2b4: {  	v58 =	vmul.f32 v12, v12;
	v51 =	vadd.f32 v61, v19;
	v61 =	vmul.f32 v11, v11  }
0x2b5: {  	v62 =	vsub.f32 v56, v15;
	v19 =	vmul.f32 v7, v3  }
0x2b6: {  	[tilespmem:$0x1FD80] =	vst v14;
	v14 =	vmov v8;
	v8 =	vadd.f32 v61, v58;
	v58 =	vmul.f32 v59, v3  }
0x2b7: {  	v16 =	vpop (erf);
	v27 =	vmul.f32 v62, v62;
	v62 =	vadd.f32 v19, v42;
	v19 =	vsub.f32 v4, v34  }
0x2b8: {  	v15 =	vmov v34;
	v5 =	vmul.f32 v16, v5;
	v56 =	vadd.f32 v58, v60;
	v34 =	vld.idx.msk [tilespmem:v13+s12+$0x0], $0xffff  }
0x2b9: {  	v60 =	vadd.s32 $0xFA0, v32;
	v61 =	vadd.f32 v27, v8;
	v19 =	vmul.f32 v0, v19  }
0x2ba: {  	v27 =	vmul.f32 v63, v3;
	v5 =	vadd.f32 v5, v6  }
0x2bb: {  	v61 =	vadd.f32 $9.999999930e-09, v61  }
0x2bc: {  	v11 =	vmul.f32 $5.000000000e-01, v5;
	v4 =	vadd.f32 v27, v46  }
0x2bd: {  	v27 =	vshra.s32 v61, $0x1;
	v12 =	vmax.f32 v19, $0.0e+00;
	v19 =	vmovc v17;
	v17 =	vsub.f32 v34, v17;
	v34 =	vld [tilespmem:$0x1FCB0]  }
0x2be: {  	v16 =	vadd.f32 $9.999999930e-09, v11;
	v8 =	vadd.s32 $0x1FBD1DF5, v27;
	v27 =	vld.idx.msk [tilespmem:v60+s12+$0x0], $0xffff  }
0x2bf: {  	v58 =	vmul.f32 v2, v3;
	v13 =	vadd.s32 $0x1388, v32;
	v60 =	vld [tilespmem:$0x1FCC0]  }
0x2c0: {  	v3 =	vmul.f32 v9, v3;
	(erf) = vrcp.f32 v16;
	v16 =	vadd.s32 $0x1770, v32  }
0x2c1: {  	v42 =	vadd.f32 v58, v52;
	v46 =	vmul.f32 v63, v12  }
0x2c2: {  	v52 =	vmul.f32 v2, v12;
	v5 =	vadd.f32 v3, v34;
	v3 =	vmul.f32 v59, v12  }
0x2c3: {  	v58 =	vadd.f32 v46, v35;
	v46 =	vld [tilespmem:$0x1FCD0]  }
0x2c4: {  	v13 =	vld.idx.msk [tilespmem:v13+s12+$0x0], $0xffff;
	v60 =	vadd.f32 v3, v60;
	v3 =	vadd.f32 v52, v36  }
0x2c5: {  	v6 =	vmul.f32 v7, v12;
	v16 =	vld.idx.msk [tilespmem:v16+s12+$0x0], $0xffff  }
0x2c6: {  	v35 =	vld [tilespmem:$0x1FCE0];
	v17 =	vmul.f32 v0, v17;
	[tilespmem:$0x1FD20] =	vst v3;
	v3 =	vmul.f32 v9, v12  }
0x2c7: {  	(erf) = vrcp.f32 v8;
	v6 =	vadd.f32 v6, v33  }
0x2c8: {  	v12 =	vmax.f32 v17, $0.0e+00;
	v17 =	vsub.f32 v27, v22;
	v3 =	vadd.f32 v3, v46  }
0x2c9: {  	v13 =	vsub.f32 v13, v29;
	v27 =	vmul.f32 v7, v12;
	v52 =	vmul.f32 v2, v12  }
0x2ca: {  	v16 =	vsub.f32 v16, v18;
	v17 =	vmul.f32 v0, v17;
	[tilespmem:$0x1FD30] =	vst v3;
	v3 =	vmul.f32 v63, v12  }
0x2cb: {  	v36 =	vmul.f32 v59, v12;
	v35 =	vadd.f32 v27, v35;
	v12 =	vmul.f32 v9, v12  }
0x2cc: {  	v17 =	vmax.f32 v17, $0.0e+00;
	v46 =	vadd.f32 v3, v37;
	v3 =	vadd.f32 v52, v43  }
0x2cd: {  	v33 =	vadd.f32 v36, v47;
	v36 =	vmul.f32 v7, v17;
	v27 =	vmul.f32 v9, v17  }
0x2ce: {  	v10 =	vmov v22;
	v37 =	vmul.f32 v59, v17;
	v52 =	vmul.f32 v0, v13  }
0x2cf: {  	v22 =	vpop (erf);
	v43 =	vadd.f32 v12, v53;
	v0 =	vmul.f32 v0, v16;
	v53 =	vmul.f32 v2, v17  }
0x2d0: {  	v44 =	vadd.f32 v36, v44;
	[tilespmem:$0x1FD40] =	vst v3;
	v47 =	vadd.f32 v37, v38;
	v12 =	vmax.f32 v52, $0.0e+00;
	v3 =	vpop (erf)  }
0x2d1: {  	v34 =	vmovc v29;
	v18 =	vld [tilespmem:$0x1FE30];
	v52 =	vadd.f32 v53, v39;
	v29 =	vmul.f32 v7, v12;
	v3 =	vmul.f32 v3, v61  }
0x2d2: {  	v37 =	vld [tilespmem:$0x1FCF0];
	v0 =	vmax.f32 v0, $0.0e+00;
	v32 =	vmul.f32 v59, v12;
	v36 =	vmul.f32 v63, v12  }
0x2d3: {  	v38 =	vmul.f32 v2, v12;
	v12 =	vmul.f32 v9, v12;
	v3 =	vadd.f32 v8, v3;
	v8 =	vld.idx.msk [tilespmem:v26+s12+$0x0], $0xffff  }
0x2d4: {  	v7 =	vmul.f32 v7, v0;
	v2 =	vmul.f32 v2, v0;
	v57 =	vadd.f32 v29, v57  }
0x2d5: {  	v39 =	vadd.f32 v36, v55;
	v16 =	vadd.f32 v38, v49;
	v49 =	vmul.f32 v59, v0  }
0x2d6: {  	v55 =	vmul.f32 v63, v0;
	v36 =	vadd.f32 v12, v30;
	v13 =	vmul.f32 $5.000000000e-01, v3  }
0x2d7: {  	v29 =	vadd.f32 v7, v40;
	v3 =	vmul.f32 v63, v17;
	v63 =	vmul.f32 v11, v25  }
0x2d8: {  	v59 =	vadd.s32 $0xC, v18;
	v53 =	vadd.f32 v27, v37;
	v8 =	vsub.f32 v8, v21  }
0x2d9: {  	v40 =	vld [tilespmem:$0x1FD00];
	v45 =	vadd.f32 v49, v45;
	(erf) = vrcp.f32 v13;
	v11 =	vand.u32 $0x7FFFFFFF, v63  }
0x2da: {  	v37 =	vadd.f32 v2, v31;
	v2 =	vsub.f32 $1.000000000e+00, v11;
	v38 =	vmul.f32 v22, v8  }
0x2db: {  	v0 =	vmul.f32 v9, v0;
	v27 =	vmovc v25;
	v30 =	vadd.f32 v55, v50;
	v25 =	vadd.f32 $-1.000000000e+00, v63  }
0x2dc: {  	v3 =	vadd.f32 v3, v23;
	v8 =	vmax.f32 v2, $0.0e+00;
	v23 =	vmax.f32 v38, $0.0e+00  }
0x2dd: {  	v55 =	vadd.f32 v0, v1;
	v12 =	vand.u32 $0x7FFFFFFF, v25;
	v0 =	vmul.f32 v8, v23  }
0x2de: {  	[tilespmem:$0x1FD60] =	vst v39;
	v39 =	vadd.f32 $-2.000000000e+00, v63;
	v2 =	vsub.f32 $1.000000000e+00, v12  }
0x2df: {  	v49 =	vmov v21;
	v7 =	vadd.f32 $-4.000000000e+00, v63;
	v21 =	vld.idx.msk [tilespmem:v59+s13+$0x0], $0xffff;
	v0 =	vadd.f32 v0, v54  }
0x2e0: {  	v1 =	vand.u32 $0x7FFFFFFF, v39;
	v9 =	vmax.f32 v2, $0.0e+00;
	v2 =	vadd.f32 $-3.000000000e+00, v63  }
0x2e1: {  	v50 =	vld.idx.msk [tilespmem:v40+s12+$0x0], $0xffff;
	[tilespmem:$0x1FD90] =	vst v0;
	v0 =	vsub.f32 $1.000000000e+00, v1  }
0x2e2: {  	v48 =	vadd.f32 v32, v48;
	v32 =	vpop (erf);
	v1 =	vand.u32 $0x7FFFFFFF, v2;
	v2 =	vand.u32 $0x7FFFFFFF, v7  }
0x2e3: {  	v11 =	vmul.f32 v32, v61;
	v12 =	vmax.f32 v0, $0.0e+00;
	v0 =	vsub.f32 $1.000000000e+00, v2;
	v2 =	vld [tilespmem:$0x1FD10]  }
0x2e4: {  	v59 =	vadd.s32 $0x3E8, v21  }
0x2e5: {  	v1 =	vsub.f32 $1.000000000e+00, v1;
	v11 =	vadd.f32 v11, v13  }
0x2e6: {  	v63 =	vsub.f32 v50, v14  }
0x2e7: {  	v17 =	vld [tilespmem:$0x1FEA0];
	v13 =	vmax.f32 v1, $0.0e+00;
	v11 =	vmul.f32 $5.000000000e-01, v11  }
0x2e8: {  	v31 =	vld.idx.msk [tilespmem:v21+s2+$0x0], $0xffff;
	v1 =	vmul.f32 v22, v63;
	v63 =	vmax.f32 v0, $0.0e+00;
	v0 =	vmul.f32 v12, v23  }
0x2e9: {  	[tilespmem:$0x1FD70] =	vst v16;
	v16 =	vmov v14;
	v14 =	vadd.s32 $0x7D0, v21;
	v50 =	vld.idx.msk [tilespmem:v59+s2+$0x0], $0xffff;
	(erf) = vrcp.f32 v11  }
0x2ea: {  	v54 =	vadd.f32 v0, v20;
	v20 =	vld [tilespmem:$0x1FEB0]  }
0x2eb: {  	v25 =	vmul.f32 v9, v23;
	v1 =	vmax.f32 v1, $0.0e+00;
	v2 =	vld.idx.msk [tilespmem:v2+s12+$0x0], $0xffff  }
0x2ec: {  	[tilespmem:$0x1FE40] =	vst v59;
	v32 =	vmul.f32 v13, v23;
	v0 =	vmul.f32 v8, v1  }
0x2ed: {  	[tilespmem:$0x1FE50] =	vst v14;
	v7 =	vadd.f32 v25, v24;
	v31 =	vsub.f32 v31, v17;
	v25 =	vmul.f32 v12, v1  }
0x2ee: {  	v14 =	vld.idx.msk [tilespmem:v14+s2+$0x0], $0xffff;
	v23 =	vmul.f32 v63, v23;
	v59 =	vadd.f32 v32, v51;
	v0 =	vadd.f32 v0, v62  }
0x2ef: {  	v24 =	vadd.s32 $0xBB8, v26;
	v39 =	vsub.f32 v50, v20;
	v50 =	vadd.f32 v25, v4;
	v25 =	vld [tilespmem:$0x1FEC0]  }
0x2f0: {  	v51 =	vadd.f32 v23, v41;
	[tilespmem:$0x1FDC0] =	vst v0;
	v0 =	vmul.f32 v9, v1;
	v2 =	vsub.f32 v2, v15;
	_ =	sdelay $0x1  }
0x2f1: {  	[tilespmem:$0x1FDB0] =	vst v51;
	v51 =	vmul.f32 v31, v31;
	v62 =	vadd.f32 v0, v56;
	v32 =	vpop (erf);
	v2 =	vmul.f32 v22, v2  }
0x2f2: {  	v23 =	vmovc v15;
	v56 =	vmul.f32 v39, v39;
	v15 =	vadd.s32 $0xFA0, v26;
	v0 =	vmul.f32 v32, v61  }
0x2f3: {  	v24 =	vld.idx.msk [tilespmem:v24+s12+$0x0], $0xffff;
	v38 =	vsub.f32 v14, v25;
	v14 =	vmul.f32 v13, v1;
	v2 =	vmax.f32 v2, $0.0e+00  }
0x2f4: {  	v4 =	vadd.f32 v56, v51;
	v0 =	vadd.f32 v0, v11;
	v41 =	vmul.f32 v8, v2  }
0x2f5: {  	v1 =	vmul.f32 v63, v1;
	v61 =	vadd.f32 v14, v42;
	v42 =	vmul.f32 v38, v38  }
0x2f6: {  	v51 =	vadd.f32 v41, v6;
	v6 =	vmul.f32 $5.000000000e-01, v0  }
0x2f7: {  	v56 =	vadd.f32 v1, v5;
	v1 =	vmul.f32 v9, v2;
	v0 =	vadd.f32 v42, v4  }
0x2f8: {  	v11 =	vsub.f32 v24, v19;
	v24 =	vld.idx.msk [tilespmem:v15+s12+$0x0], $0xffff;
	v15 =	vadd.f32 $9.999999930e-09, v6  }
0x2f9: {  	v5 =	vadd.s32 $0x1388, v26;
	v4 =	vadd.f32 v1, v60;
	v60 =	vadd.f32 $9.999999930e-09, v0  }
0x2fa: {  	v0 =	vmul.f32 v22, v11;
	(erf) = vrcp.f32 v15;
	v15 =	vadd.s32 $0x1770, v26;
	v26 =	vld [tilespmem:$0x1FD30];
	_ =	sdelay $0x1  }
0x2fb: {  	v14 =	vmul.f32 v12, v2;
	v1 =	vmul.f32 v13, v2;
	v31 =	vmax.f32 v0, $0.0e+00  }
0x2fc: {  	v2 =	vmul.f32 v63, v2;
	v38 =	vmul.f32 v8, v31  }
0x2fd: {  	v41 =	vadd.f32 v14, v58;
	v0 =	vsub.f32 v24, v10  }
0x2fe: {  	v40 =	vld [tilespmem:$0x1FD20];
	v42 =	vmul.f32 v12, v31;
	v58 =	vadd.f32 v2, v26;
	v2 =	vadd.f32 v38, v35;
	_ =	sdelay $0x1  }
0x2ff: {  	[tilespmem:$0x1FDD0] =	vst v2;
	v2 =	vmul.f32 v22, v0;
	v0 =	vadd.f32 v42, v46;
	_ =	sdelay $0x1  }
0x300: {  	[tilespmem:$0x1FDE0] =	vst v0;
	v0 =	vld [tilespmem:$0x1FD40]  }
0x301: {  	v39 =	vld.idx.msk [tilespmem:v5+s12+$0x0], $0xffff;
	v5 =	vadd.f32 v1, v40;
	v1 =	vmul.f32 v9, v31;
	_ =	sdelay $0x1  }
0x302: {  	v32 =	vmovc v19;
	v19 =	vshra.s32 v60, $0x1;
	v38 =	vadd.f32 v1, v33;
	v1 =	vmul.f32 v13, v31  }
0x303: {  	v11 =	vadd.s32 $0x1FBD1DF5, v19;
	v2 =	vmax.f32 v2, $0.0e+00  }
0x304: {  	v19 =	vmul.f32 v12, v2;
	v0 =	vadd.f32 v1, v0;
	v1 =	vmul.f32 v8, v2  }
0x305: {  	v40 =	vsub.f32 v39, v34;
	v15 =	vld.idx.msk [tilespmem:v15+s12+$0x0], $0xffff  }
0x306: {  	v39 =	vadd.f32 v1, v44;
	v1 =	vadd.f32 v19, v3;
	v19 =	vld [tilespmem:$0x1FD50]  }
0x307: {  	(erf) = vrcp.f32 v11;
	_ =	sdelay $0x1  }
0x308: {  	v46 =	vmul.f32 v22, v40;
	v42 =	vmul.f32 v9, v2  }
0x309: {  	v24 =	vmul.f32 v13, v2;
	v2 =	vmul.f32 v63, v2  }
0x30a: {  	v31 =	vmul.f32 v63, v31;
	v15 =	vsub.f32 v15, v19  }
0x30b: {  	v33 =	vadd.f32 v42, v47;
	v3 =	vmax.f32 v46, $0.0e+00;
	v42 =	vadd.f32 v2, v53;
	v53 =	vld [tilespmem:$0x1FD60]  }
0x30c: {  	v47 =	vmul.f32 v9, v3;
	v2 =	vmul.f32 v22, v15  }
0x30d: {  	v14 =	vmov v10;
	v10 =	vadd.f32 v31, v43;
	v26 =	vmul.f32 v8, v3  }
0x30e: {  	[tilespmem:$0x1FE00] =	vst v1;
	v43 =	vadd.f32 v47, v48;
	v48 =	vmul.f32 v12, v3;
	v1 =	vpop (erf);
	v2 =	vmax.f32 v2, $0.0e+00  }
0x30f: {  	v31 =	vpop (erf);
	v8 =	vmul.f32 v8, v2;
	v12 =	vmul.f32 v12, v2  }
0x310: {  	v46 =	vmul.f32 v31, v60;
	v31 =	vadd.f32 v48, v53  }
0x311: {  	v53 =	vadd.f32 v8, v29;
	v29 =	vadd.f32 v12, v30;
	v30 =	vld [tilespmem:$0x1FD80]  }
0x312: {  	v35 =	vadd.f32 v24, v52;
	v52 =	vmul.f32 v13, v3  }
0x313: {  	[tilespmem:$0x1FDF0] =	vst v10;
	v40 =	vadd.f32 v26, v57;
	v3 =	vmul.f32 v63, v3;
	v57 =	vld [tilespmem:$0x1FD70];
	v10 =	vadd.f32 v11, v46;
	_ =	sdelay $0x1  }
0x314: {  	v48 =	vadd.f32 v3, v36;
	v3 =	vmul.f32 v6, v27;
	v11 =	vld.idx.msk [tilespmem:v28+s12+$0x0], $0xffff;
	v10 =	vmul.f32 $5.000000000e-01, v10  }
0x315: {  	v9 =	vmul.f32 v9, v2;
	v13 =	vmul.f32 v13, v2  }
0x316: {  	v2 =	vmul.f32 v63, v2;
	(erf) = vrcp.f32 v10  }
0x317: {  	v18 =	vadd.s32 $0xD, v18;
	v44 =	vadd.f32 v52, v57;
	v15 =	vadd.f32 $-1.000000000e+00, v3  }
0x318: {  	v57 =	vadd.f32 v2, v55;
	v2 =	vadd.f32 $-3.000000000e+00, v3;
	v36 =	vld.idx.msk [tilespmem:v30+s12+$0x0], $0xffff  }
0x319: {  	v22 =	vand.u32 $0x7FFFFFFF, v3;
	v6 =	vadd.f32 v13, v37;
	v11 =	vsub.f32 v11, v49;
	v30 =	vld [tilespmem:$0x1FDA0]  }
0x31a: {  	v24 =	vmovc v27;
	v27 =	vadd.f32 $-2.000000000e+00, v3;
	v8 =	vand.u32 $0x7FFFFFFF, v15;
	v2 =	vand.u32 $0x7FFFFFFF, v2  }
0x31b: {  	[tilespmem:$0x1FE10] =	vst v6;
	v6 =	vsub.f32 $1.000000000e+00, v22;
	v11 =	vmul.f32 v1, v11;
	v49 =	vsub.f32 $1.000000000e+00, v2;
	v2 =	vld [tilespmem:$0x1FD90]  }
0x31c: {  	v37 =	vand.u32 $0x7FFFFFFF, v27;
	v15 =	vld.idx.msk [tilespmem:v18+s13+$0x0], $0xffff;
	v3 =	vadd.f32 $-4.000000000e+00, v3;
	v26 =	vsub.f32 $1.000000000e+00, v8  }
0x31d: {  	v12 =	vsub.f32 $1.000000000e+00, v37;
	v8 =	vmax.f32 v6, $0.0e+00;
	v11 =	vmax.f32 v11, $0.0e+00  }
0x31e: {  	v45 =	vadd.f32 v9, v45;
	v3 =	vand.u32 $0x7FFFFFFF, v3;
	v46 =	vmul.f32 v8, v11  }
0x31f: {  	v9 =	vmax.f32 v12, $0.0e+00;
	v3 =	vsub.f32 $1.000000000e+00, v3;
	v6 =	vmax.f32 v26, $0.0e+00;
	v52 =	vpop (erf)  }
0x320: {  	v47 =	vmul.f32 v6, v11;
	v2 =	vadd.f32 v46, v2;
	v55 =	vmul.f32 v52, v60  }
0x321: {  	v37 =	vadd.s32 $0x3E8, v15;
	v46 =	vmul.f32 v9, v11;
	v63 =	vsub.f32 v36, v16;
	v36 =	vld.idx.msk [tilespmem:v30+s12+$0x0], $0xffff  }
0x322: {  	[tilespmem:$0x1FE60] =	vst v2;
	v2 =	vadd.f32 v47, v7;
	v7 =	vadd.f32 v55, v10  }
0x323: {  	v12 =	vmax.f32 v49, $0.0e+00;
	v54 =	vadd.f32 v46, v54;
	v46 =	vld [tilespmem:$0x1FDC0];
	v13 =	vmul.f32 v1, v63  }
0x324: {  	v18 =	vadd.s32 $0x7D0, v15;
	v47 =	vmul.f32 v12, v11;
	v7 =	vmul.f32 $5.000000000e-01, v7  }
0x325: {  	v10 =	vmax.f32 v3, $0.0e+00;
	v55 =	vadd.s32 $0xBB8, v28;
	v3 =	vmax.f32 v13, $0.0e+00;
	v13 =	vld.idx.msk [tilespmem:v15+s2+$0x0], $0xffff  }
0x326: {  	(erf) = vrcp.f32 v7;
	v49 =	vmul.f32 v8, v3;
	v26 =	vsub.f32 v36, v23;
	v36 =	vld.idx.msk [tilespmem:v37+s2+$0x0], $0xffff  }
0x327: {  	v27 =	vld [tilespmem:$0x1FDB0];
	v30 =	vadd.f32 v47, v59;
	v59 =	vmul.f32 v6, v3;
	v63 =	vmul.f32 v9, v3  }
0x328: {  	v46 =	vadd.f32 v49, v46  }
0x329: {  	v11 =	vmul.f32 v10, v11;
	v49 =	vadd.f32 v59, v62;
	v50 =	vadd.f32 v63, v50;
	v62 =	vld.idx.msk [tilespmem:v18+s2+$0x0], $0xffff  }
0x32a: {  	[tilespmem:$0x1FF10] =	vst v18;
	v63 =	vmul.f32 v12, v3;
	v3 =	vmul.f32 v10, v3;
	v18 =	vadd.s32 $0xFA0, v28  }
0x32b: {  	v13 =	vsub.f32 v13, v17;
	v59 =	vmul.f32 v1, v26;
	v17 =	vsub.f32 v36, v20  }
0x32c: {  	[tilespmem:$0x1FF00] =	vst v37;
	v52 =	vadd.f32 v11, v27;
	v37 =	vadd.f32 v3, v56;
	v26 =	vld.idx.msk [tilespmem:v55+s12+$0x0], $0xffff  }
0x32d: {  	[tilespmem:$0x1FE70] =	vst v2;
	v2 =	vmovc v16;
	v13 =	vmul.f32 v13, v13;
	v11 =	vmax.f32 v59, $0.0e+00;
	v3 =	vmul.f32 v17, v17  }
0x32e: {  	v16 =	vmovc v23;
	v23 =	vsub.f32 v62, v25;
	v36 =	vadd.f32 v63, v61;
	v59 =	vmul.f32 v8, v11  }
0x32f: {  	v62 =	vpop (erf);
	v61 =	vmul.f32 v6, v11;
	v3 =	vadd.f32 v3, v13;
	v13 =	vld.idx.msk [tilespmem:v18+s12+$0x0], $0xffff;
	v18 =	vadd.s32 $0x1388, v28  }
0x330: {  	[tilespmem:$0x1FE80] =	vst v49;
	v63 =	vmul.f32 v62, v60;
	v55 =	vmul.f32 v12, v11  }
0x331: {  	v62 =	vmovc v32;
	v23 =	vmul.f32 v23, v23;
	v49 =	vadd.f32 v61, v4;
	v32 =	vsub.f32 v26, v32  }
0x332: {  	v17 =	vmul.f32 v9, v11;
	v4 =	vadd.f32 v63, v7;
	v61 =	vadd.s32 $0x1770, v28  }
0x333: {  	v11 =	vmul.f32 v10, v11;
	v60 =	vmul.f32 v1, v32  }
0x334: {  	v47 =	vadd.f32 v59, v51;
	v59 =	vadd.f32 v17, v41;
	v7 =	vmul.f32 $5.000000000e-01, v4;
	v17 =	vld.idx.msk [tilespmem:v18+s12+$0x0], $0xffff  }
0x335: {  	[tilespmem:$0x1FE90] =	vst v50;
	v50 =	vadd.f32 v11, v58;
	v23 =	vadd.f32 v23, v3;
	v11 =	vmax.f32 v60, $0.0e+00  }
0x336: {  	v3 =	vadd.f32 v55, v5;
	v60 =	vld [tilespmem:$0x1FDD0];
	v51 =	vmul.f32 v6, v11;
	v63 =	vsub.f32 v13, v14  }
0x337: {  	v32 =	vmul.f32 v8, v11;
	v56 =	vadd.f32 $9.999999930e-09, v23;
	v23 =	vld.idx.msk [tilespmem:v61+s12+$0x0], $0xffff;
	v61 =	vmul.f32 v9, v11  }
0x338: {  	v18 =	vadd.f32 $9.999999930e-09, v7;
	v51 =	vadd.f32 v51, v38;
	v38 =	vld [tilespmem:$0x1FDF0];
	v58 =	vmul.f32 v1, v63  }
0x339: {  	v20 =	vmovc v34;
	v55 =	vshra.s32 v56, $0x1;
	v63 =	vmul.f32 v12, v11;
	v13 =	vsub.f32 v17, v34;
	v34 =	vld [tilespmem:$0x1FDE0]  }
0x33a: {  	v28 =	vmovc v14;
	(erf) = vrcp.f32 v18;
	v41 =	vadd.s32 $0x1FBD1DF5, v55;
	v14 =	vmax.f32 v58, $0.0e+00  }
0x33b: {  	v11 =	vmul.f32 v10, v11;
	v18 =	vadd.f32 v63, v0;
	v63 =	vld [tilespmem:$0x1FE00];
	v27 =	vmul.f32 v8, v14  }
0x33c: {  	v5 =	vadd.f32 v32, v60;
	(erf) = vrcp.f32 v41;
	v0 =	vmul.f32 v6, v14  }
0x33d: {  	v38 =	vadd.f32 v11, v38;
	v55 =	vmul.f32 v9, v14;
	v26 =	vadd.f32 v27, v39  }
0x33e: {  	v39 =	vmul.f32 v1, v13;
	v58 =	vadd.f32 v61, v34;
	v61 =	vsub.f32 v23, v19  }
0x33f: {  	v60 =	vmul.f32 v12, v14;
	v14 =	vmul.f32 v10, v14;
	v0 =	vadd.f32 v0, v33  }
0x340: {  	v11 =	vmax.f32 v39, $0.0e+00;
	v4 =	vadd.f32 v55, v63;
	v27 =	vmul.f32 v1, v61  }
0x341: {  	[tilespmem:$0x1FED0] =	vst v0;
	v25 =	vmul.f32 v6, v11;
	v23 =	vadd.f32 v14, v42  }
0x342: {  	v39 =	vmul.f32 v9, v11;
	[tilespmem:$0x1FEE0] =	vst v4;
	v4 =	vmul.f32 v8, v11;
	v14 =	vmax.f32 v27, $0.0e+00  }
0x343: {  	v0 =	vmovc v19;
	v19 =	vadd.f32 v60, v35;
	v35 =	vld [tilespmem:$0x1FE20];
	v1 =	vadd.f32 v25, v43;
	v13 =	vmul.f32 v10, v14  }
0x344: {  	v55 =	vpop (erf);
	v25 =	vld [tilespmem:$0x1FE30];
	v32 =	vadd.f32 v4, v40;
	v40 =	vmul.f32 v12, v11;
	v11 =	vmul.f32 v10, v11  }
0x345: {  	v42 =	vpop (erf);
	v34 =	vadd.f32 v13, v57;
	v13 =	vld [tilespmem:$0x1FE50]  }
0x346: {  	v43 =	vmul.f32 v42, v56;
	v8 =	vmul.f32 v8, v14;
	v33 =	vadd.f32 v11, v48;
	v48 =	vld.idx.msk [tilespmem:v21+s12+$0x0], $0xffff  }
0x347: {  	v27 =	vadd.f32 v39, v31;
	v31 =	vadd.f32 v40, v44;
	v44 =	vmul.f32 v9, v14  }
0x348: {  	v7 =	vmul.f32 v7, v24;
	v39 =	vadd.f32 v8, v53  }
0x349: {  	v53 =	vadd.f32 v41, v43;
	v41 =	vadd.f32 v44, v29;
	v29 =	vadd.s32 $0xE, v25;
	v44 =	vld [tilespmem:$0x1FE40]  }
0x34a: {  	v63 =	vmov v24;
	v24 =	vadd.f32 $-2.000000000e+00, v7;
	v6 =	vmul.f32 v6, v14  }
0x34b: {  	v12 =	vmul.f32 v12, v14;
	v14 =	vld [tilespmem:$0x1FE10];
	v10 =	vmul.f32 $5.000000000e-01, v53;
	v9 =	vsub.f32 v48, v35  }
0x34c: {  	v22 =	vand.u32 $0x7FFFFFFF, v7;
	v17 =	vadd.f32 $-1.000000000e+00, v7;
	v11 =	vand.u32 $0x7FFFFFFF, v24;
	v24 =	vld [tilespmem:$0x1FE60]  }
0x34d: {  	v8 =	vsub.f32 $1.000000000e+00, v22;
	(erf) = vrcp.f32 v10;
	v9 =	vmul.f32 v55, v9;
	v22 =	vld.idx.msk [tilespmem:v13+s12+$0x0], $0xffff  }
0x34e: {  	v40 =	vadd.f32 v6, v45;
	v6 =	vand.u32 $0x7FFFFFFF, v17;
	v13 =	vld.idx.msk [tilespmem:v29+s13+$0x0], $0xffff  }
0x34f: {  	v6 =	vsub.f32 $1.000000000e+00, v6;
	v48 =	vmax.f32 v8, $0.0e+00;
	v9 =	vmax.f32 v9, $0.0e+00;
	v29 =	vld [tilespmem:$0x1FE70]  }
0x350: {  	v43 =	vadd.f32 $-3.000000000e+00, v7;
	v4 =	vadd.f32 v12, v14;
	v60 =	vmul.f32 v48, v9  }
0x351: {  	v42 =	vsub.f32 $1.000000000e+00, v11;
	v7 =	vadd.f32 $-4.000000000e+00, v7;
	v6 =	vmax.f32 v6, $0.0e+00;
	v45 =	vld.idx.msk [tilespmem:v44+s12+$0x0], $0xffff  }
0x352: {  	v57 =	vand.u32 $0x7FFFFFFF, v43;
	[tilespmem:$0x1FEF0] =	vst v4;
	v61 =	vmul.f32 v6, v9;
	v4 =	vadd.f32 v60, v24  }
0x353: {  	v53 =	vmax.f32 v42, $0.0e+00;
	v7 =	vand.u32 $0x7FFFFFFF, v7;
	v8 =	vsub.f32 $1.000000000e+00, v57  }
0x354: {  	v25 =	vmul.f32 v53, v9;
	[tilespmem:$0x1FF20] =	vst v4;
	v4 =	vadd.f32 v61, v29;
	v61 =	vadd.s32 $0xBB8, v21  }
0x355: {  	v7 =	vsub.f32 $1.000000000e+00, v7  }
0x356: {  	v57 =	vmax.f32 v8, $0.0e+00;
	v43 =	vsub.f32 v45, v2;
	v44 =	vpop (erf);
	v29 =	vadd.f32 v25, v54  }
0x357: {  	v45 =	vmul.f32 v57, v9;
	v54 =	vmax.f32 v7, $0.0e+00;
	v12 =	vmul.f32 v44, v56  }
0x358: {  	v17 =	vsub.f32 v22, v16;
	v9 =	vmul.f32 v54, v9  }
0x359: {  	v60 =	vmul.f32 v55, v43;
	v14 =	vadd.f32 v45, v30;
	v10 =	vadd.f32 v12, v10;
	v8 =	vld.idx.msk [tilespmem:v61+s12+$0x0], $0xffff  }
0x35a: {  	[tilespmem:$0x1FF30] =	vst v4;
	v4 =	vadd.s32 $0x7D0, v13;
	v25 =	vmul.f32 v55, v17;
	v9 =	vadd.f32 v9, v52;
	v61 =	vld [tilespmem:$0x1FE90]  }
0x35b: {  	[tilespmem:$0x1FF40] =	vst v14;
	v7 =	vmax.f32 v60, $0.0e+00;
	v14 =	vadd.s32 $0x3E8, v13;
	v12 =	vmul.f32 $5.000000000e-01, v10  }
0x35c: {  	v52 =	vld [tilespmem:$0x1FE80];
	v24 =	vmul.f32 v48, v7;
	[tilespmem:$0x1FF50] =	vst v9;
	v30 =	vmul.f32 v6, v7;
	v9 =	vmax.f32 v25, $0.0e+00  }
0x35d: {  	v22 =	vmov v16;
	v43 =	vmul.f32 v53, v7;
	v16 =	vmul.f32 v48, v9  }
0x35e: {  	v60 =	vmul.f32 v57, v7;
	v7 =	vmul.f32 v54, v7;
	v42 =	vadd.f32 v24, v46;
	v46 =	vld.idx.msk [tilespmem:v13+s2+$0x0], $0xffff  }
0x35f: {  	[tilespmem:$0x1FFC0] =	vst v4;
	v44 =	vadd.f32 v16, v47;
	v47 =	vmul.f32 v53, v9;
	v16 =	vld [tilespmem:$0x1FEB0];
	v25 =	vadd.f32 v43, v61  }
0x360: {  	(erf) = vrcp.f32 v12;
	v43 =	vld.idx.msk [tilespmem:v4+s2+$0x0], $0xffff;
	v8 =	vsub.f32 v8, v62;
	v4 =	vmovc v62;
	v62 =	vmul.f32 v57, v9  }
0x361: {  	v37 =	vadd.f32 v7, v37;
	v45 =	vadd.f32 v30, v52;
	v30 =	vadd.s32 $0xFA0, v21;
	v17 =	vld.idx.msk [tilespmem:v14+s2+$0x0], $0xffff  }
0x362: {  	v7 =	vadd.f32 v47, v59;
	v59 =	vld [tilespmem:$0x1FEA0];
	v3 =	vadd.f32 v62, v3  }
0x363: {  	v11 =	vadd.f32 v60, v36;
	v24 =	vmul.f32 v6, v9  }
0x364: {  	[tilespmem:$0x1FF90] =	vst v3;
	v3 =	vld [tilespmem:$0x1FEC0]  }
0x365: {  	[tilespmem:$0x1FF60] =	vst v11;
	v11 =	vadd.f32 v24, v49;
	v24 =	vadd.s32 $0x1388, v21  }
0x366: {  	v8 =	vmul.f32 v55, v8;
	v30 =	vld.idx.msk [tilespmem:v30+s12+$0x0], $0xffff  }
0x367: {  	[tilespmem:$0x1FF80] =	vst v7;
	v17 =	vsub.f32 v17, v16;
	v7 =	vsub.f32 v46, v59  }
0x368: {  	v9 =	vmul.f32 v54, v9;
	v61 =	vadd.s32 $0x1770, v21;
	v52 =	vmax.f32 v8, $0.0e+00  }
0x369: {  	v36 =	vmul.f32 v17, v17;
	v7 =	vmul.f32 v7, v7;
	v3 =	vsub.f32 v43, v3;
	v43 =	vpop (erf)  }
0x36a: {  	v9 =	vadd.f32 v9, v50;
	v21 =	vld.idx.msk [tilespmem:v24+s12+$0x0], $0xffff;
	v24 =	vmul.f32 v53, v52;
	v59 =	vmul.f32 v43, v56  }
0x36b: {  	v30 =	vsub.f32 v30, v28;
	v7 =	vadd.f32 v36, v7;
	v62 =	vmul.f32 v3, v3  }
0x36c: {  	[tilespmem:$0x1FFA0] =	vst v9;
	v9 =	vadd.f32 v59, v12  }
0x36d: {  	v36 =	vadd.f32 v62, v7;
	v7 =	vadd.f32 v24, v58;
	v58 =	vmul.f32 v55, v30  }
0x36e: {  	v17 =	vmul.f32 v6, v52  }
0x36f: {  	v16 =	vld.idx.msk [tilespmem:v61+s12+$0x0], $0xffff;
	v56 =	vmul.f32 $5.000000000e-01, v9;
	v9 =	vmax.f32 v58, $0.0e+00  }
0x370: {  	v60 =	vmul.f32 v48, v52;
	v10 =	vadd.f32 v17, v51;
	v17 =	vmul.f32 v48, v9;
	_ =	sdelay $0x1  }
0x371: {  	[tilespmem:$0x1FF70] =	vst v44;
	v44 =	vadd.f32 v60, v5;
	v5 =	vadd.f32 $9.999999930e-09, v36  }
0x372: {  	v61 =	vsub.f32 v21, v20;
	v43 =	vmul.f32 v57, v52;
	v60 =	vadd.f32 $9.999999930e-09, v56  }
0x373: {  	v30 =	vsub.f32 v16, v0;
	v62 =	vshra.s32 v5, $0x1;
	v50 =	vadd.f32 v17, v26;
	v17 =	vmovc v0;
	v0 =	vld [tilespmem:$0x1FED0]  }
0x374: {  	v59 =	vmul.f32 v54, v52;
	(erf) = vrcp.f32 v60;
	v52 =	vadd.s32 $0x1FBD1DF5, v62  }
0x375: {  	v8 =	vadd.f32 v43, v18;
	v18 =	vmul.f32 v55, v61;
	(erf) = vrcp.f32 v52  }
0x376: {  	[tilespmem:$0x1FFB0] =	vst v14;
	v14 =	vmov v20;
	v43 =	vld [tilespmem:$0x1FEE0];
	v20 =	vmul.f32 v6, v9  }
0x377: {  	[tilespmem:$0x1FFE0] =	vst v28;
	v3 =	vmov v28;
	v28 =	vmax.f32 v18, $0.0e+00  }
0x378: {  	v36 =	vmul.f32 v48, v28;
	v58 =	vadd.f32 v20, v0;
	v0 =	vmul.f32 v54, v9  }
0x379: {  	v46 =	vadd.f32 v59, v38;
	v47 =	vmul.f32 v55, v30;
	v21 =	vmul.f32 v53, v9  }
0x37a: {  	v61 =	vmul.f32 v57, v28;
	v51 =	vadd.f32 v0, v23;
	v0 =	vmul.f32 v6, v28  }
0x37b: {  	v12 =	vadd.f32 v36, v32;
	v59 =	vadd.f32 v21, v43;
	v62 =	vmax.f32 v47, $0.0e+00  }
0x37c: {  	v36 =	vmul.f32 v48, v62;
	v6 =	vmul.f32 v6, v62;
	v43 =	vadd.f32 v0, v1;
	v0 =	vld [tilespmem:$0x1FEF0]  }
0x37d: {  	v24 =	vmul.f32 v57, v9;
	v9 =	vadd.f32 v61, v31;
	v1 =	vpop (erf)  }
0x37e: {  	v31 =	vadd.f32 v36, v39;
	v30 =	vadd.f32 v6, v40;
	v40 =	vmul.f32 v56, v63;
	v39 =	vpop (erf)  }
0x37f: {  	v56 =	vmul.f32 v57, v62;
	v26 =	vmul.f32 v39, v5;
	_ =	sdelay $0x1  }
0x380: {  	v26 =	vadd.f32 v52, v26;
	v52 =	vadd.f32 v56, v0;
	v0 =	vld [tilespmem:$0x1FF00];
	_ =	sdelay $0x7  }
0x381: {  	v16 =	vld.idx.msk [tilespmem:v0+s12+$0x0], $0xffff  }
0x382: {  	v55 =	vmul.f32 v53, v28;
	v49 =	vadd.f32 v24, v19;
	v24 =	vmul.f32 v54, v62;
	v0 =	vld [tilespmem:$0x1FF10]  }
0x383: {  	v38 =	vmul.f32 v53, v62;
	v60 =	vadd.f32 $-1.000000000e+00, v40  }
0x384: {  	v32 =	vmul.f32 v54, v28;
	v47 =	vadd.f32 v55, v27;
	v53 =	vadd.f32 v24, v34;
	v57 =	vld.idx.msk [tilespmem:v15+s12+$0x0], $0xffff  }
0x385: {  	v36 =	vadd.f32 v38, v41;
	v19 =	vadd.f32 $-3.000000000e+00, v40;
	v62 =	vand.u32 $0x7FFFFFFF, v60  }
0x386: {  	v61 =	vand.u32 $0x7FFFFFFF, v40;
	v24 =	vsub.f32 $1.000000000e+00, v62;
	v26 =	vmul.f32 $5.000000000e-01, v26  }
0x387: {  	v27 =	vmovc v63;
	v63 =	vadd.f32 $-2.000000000e+00, v40;
	v23 =	vsub.f32 $1.000000000e+00, v61;
	v38 =	vand.u32 $0x7FFFFFFF, v19  }
0x388: {  	v61 =	vmax.f32 v24, $0.0e+00;
	v24 =	vsub.f32 $1.000000000e+00, v38;
	(erf) = vrcp.f32 v26  }
0x389: {  	v48 =	vadd.f32 v32, v33;
	v32 =	vsub.f32 v57, v35  }
0x38a: {  	v28 =	vand.u32 $0x7FFFFFFF, v63;
	v63 =	vmax.f32 v24, $0.0e+00;
	v24 =	vadd.s32 $0xFA0, v15;
	v18 =	vld.idx.msk [tilespmem:v0+s12+$0x0], $0xffff  }
0x38b: {  	v34 =	vmul.f32 v1, v32;
	v0 =	vld [tilespmem:$0x1FF20]  }
0x38c: {  	v6 =	vadd.f32 $-4.000000000e+00, v40;
	v28 =	vsub.f32 $1.000000000e+00, v28;
	v57 =	vadd.s32 $0xBB8, v15  }
0x38d: {  	v60 =	vmax.f32 v23, $0.0e+00;
	v23 =	vmax.f32 v34, $0.0e+00  }
0x38e: {  	v6 =	vand.u32 $0x7FFFFFFF, v6;
	v62 =	vmax.f32 v28, $0.0e+00;
	v39 =	vmul.f32 v60, v23  }
0x38f: {  	v6 =	vsub.f32 $1.000000000e+00, v6;
	v41 =	vmul.f32 v62, v23;
	v24 =	vld.idx.msk [tilespmem:v24+s12+$0x0], $0xffff  }
0x390: {  	v20 =	vsub.f32 v16, v2;
	v55 =	vadd.f32 v39, v0;
	v0 =	vld [tilespmem:$0x1FF30]  }
0x391: {  	v40 =	vmul.f32 v61, v23;
	v33 =	vpop (erf);
	v39 =	vadd.f32 v41, v29;
	v29 =	vld.idx.msk [tilespmem:v57+s12+$0x0], $0xffff  }
0x392: {  	v16 =	vmovc v2;
	v2 =	vmul.f32 v63, v23;
	v28 =	vmul.f32 v1, v20;
	v20 =	vmax.f32 v6, $0.0e+00;
	v57 =	vld [tilespmem:$0x1FF50]  }
0x393: {  	v6 =	vmul.f32 v20, v23;
	v23 =	vmul.f32 v33, v5;
	_ =	sdelay $0x1  }
0x394: {  	v38 =	vld [tilespmem:$0x1FF40];
	v24 =	vsub.f32 v24, v3;
	v19 =	vmax.f32 v28, $0.0e+00;
	v33 =	vadd.f32 v23, v26  }
0x395: {  	v34 =	vmul.f32 v62, v19;
	v54 =	vadd.f32 v40, v0;
	v40 =	vmul.f32 v60, v19  }
0x396: {  	v3 =	vld [tilespmem:$0x1FF80];
	v18 =	vsub.f32 v18, v22;
	v56 =	vadd.f32 v6, v57  }
0x397: {  	v57 =	vadd.f32 v40, v42;
	v42 =	vadd.f32 v34, v25;
	v25 =	vld [tilespmem:$0x1FF60]  }
0x398: {  	v32 =	vmul.f32 v1, v18;
	v18 =	vmul.f32 $5.000000000e-01, v33;
	v33 =	vld [tilespmem:$0x1FF70]  }
0x399: {  	v2 =	vadd.f32 v2, v38;
	v41 =	vmul.f32 v61, v19  }
0x39a: {  	v38 =	vmul.f32 v63, v19;
	v6 =	vmax.f32 v32, $0.0e+00;
	v19 =	vmul.f32 v20, v19  }
0x39b: {  	v21 =	vmul.f32 v60, v6;
	v40 =	vadd.f32 v41, v45;
	v34 =	vmul.f32 v62, v6  }
0x39c: {  	v41 =	vadd.f32 v38, v25;
	v38 =	vadd.f32 v19, v37  }
0x39d: {  	v37 =	vadd.f32 v21, v33;
	v33 =	vadd.f32 v34, v3;
	v3 =	vld [tilespmem:$0x1FF90]  }
0x39e: {  	v45 =	vsub.f32 v29, v4;
	v29 =	vmul.f32 v61, v6;
	_ =	sdelay $0x1  }
0x39f: {  	v26 =	vadd.f32 v29, v11;
	v11 =	vmul.f32 v63, v6;
	_ =	sdelay $0x1  }
0x3a0: {  	v28 =	vadd.s32 $0x1388, v15;
	v34 =	vadd.f32 v11, v3;
	v3 =	vld [tilespmem:$0x1FFA0]  }
0x3a1: {  	(erf) = vrcp.f32 v18  }
0x3a2: {  	v15 =	vadd.s32 $0x1770, v15;
	v45 =	vmul.f32 v1, v45  }
0x3a3: {  	v6 =	vmul.f32 v20, v6  }
0x3a4: {  	v23 =	vmax.f32 v45, $0.0e+00  }
0x3a5: {  	v25 =	vld.idx.msk [tilespmem:v28+s12+$0x0], $0xffff;
	v6 =	vadd.f32 v6, v3;
	v3 =	vmul.f32 v63, v23  }
0x3a6: {  	v21 =	vmul.f32 v60, v23;
	v29 =	vmul.f32 v62, v23  }
0x3a7: {  	v45 =	vmul.f32 v1, v24;
	v24 =	vadd.f32 v3, v8;
	v8 =	vld.idx.msk [tilespmem:v15+s12+$0x0], $0xffff  }
0x3a8: {  	v0 =	vmov v22;
	v22 =	vmul.f32 v61, v23;
	v21 =	vadd.f32 v21, v44  }
0x3a9: {  	v28 =	vadd.f32 v29, v7;
	v7 =	vmax.f32 v45, $0.0e+00;
	v3 =	vmul.f32 v20, v23  }
0x3aa: {  	v44 =	vmul.f32 v61, v7;
	v29 =	vpop (erf);
	v45 =	vsub.f32 v25, v14;
	v23 =	vmul.f32 v60, v7  }
0x3ab: {  	v5 =	vmul.f32 v29, v5;
	v15 =	vadd.f32 v3, v46;
	v3 =	vmul.f32 v62, v7  }
0x3ac: {  	v25 =	vadd.f32 v23, v50;
	v46 =	vmul.f32 v1, v45;
	v8 =	vsub.f32 v8, v17  }
0x3ad: {  	v23 =	vadd.f32 v44, v58;
	v58 =	vadd.f32 v3, v59;
	v3 =	vmul.f32 v63, v7  }
0x3ae: {  	v32 =	vmovc v4;
	v5 =	vadd.f32 v5, v18;
	v4 =	vmax.f32 v46, $0.0e+00;
	v8 =	vmul.f32 v1, v8  }
0x3af: {  	v18 =	vadd.f32 v3, v49;
	v3 =	vmul.f32 v60, v4  }
0x3b0: {  	v5 =	vmul.f32 $5.000000000e-01, v5;
	v59 =	vmov v17;
	v17 =	vmax.f32 v8, $0.0e+00  }
0x3b1: {  	v1 =	vadd.f32 v3, v12;
	v3 =	vmul.f32 v62, v4;
	v44 =	vmul.f32 v61, v17  }
0x3b2: {  	v22 =	vadd.f32 v22, v10;
	v50 =	vadd.f32 $9.999999930e-09, v5  }
0x3b3: {  	v10 =	vadd.f32 v3, v47;
	v3 =	vmul.f32 v60, v17;
	v60 =	vadd.f32 v44, v30;
	v44 =	vld [tilespmem:$0x1FFB0];
	_ =	sdelay $0x1  }
0x3b4: {  	v5 =	vmul.f32 v5, v27;
	(erf) = vrcp.f32 v50  }
0x3b5: {  	v7 =	vmul.f32 v20, v7  }
0x3b6: {  	v50 =	vadd.f32 $-2.000000000e+00, v5;
	v49 =	vmul.f32 v61, v4  }
0x3b7: {  	v46 =	vld.idx.msk [tilespmem:v13+s12+$0x0], $0xffff;
	v7 =	vadd.f32 v7, v51;
	v51 =	vmul.f32 v63, v4;
	v4 =	vmul.f32 v20, v4  }
0x3b8: {  	v45 =	vmul.f32 v63, v17;
	v61 =	vadd.f32 v3, v31;
	v3 =	vmul.f32 v62, v17  }
0x3b9: {  	v12 =	vadd.f32 v4, v48;
	v47 =	vmul.f32 v20, v17;
	v48 =	vadd.f32 $-1.000000000e+00, v5  }
0x3ba: {  	v62 =	vadd.f32 v45, v52;
	v63 =	vadd.f32 v3, v36;
	v3 =	vand.u32 $0x7FFFFFFF, v5;
	v45 =	vld.idx.msk [tilespmem:v44+s12+$0x0], $0xffff  }
0x3bb: {  	v11 =	vadd.f32 v51, v9;
	v8 =	vadd.f32 v49, v43  }
0x3bc: {  	v53 =	vadd.f32 v47, v53;
	v51 =	vand.u32 $0x7FFFFFFF, v48;
	v31 =	vsub.f32 v46, v35  }
0x3bd: {  	v52 =	vadd.f32 $-3.000000000e+00, v5;
	v46 =	vand.u32 $0x7FFFFFFF, v50;
	v49 =	vsub.f32 $1.000000000e+00, v3;
	v3 =	vpop (erf)  }
0x3be: {  	v43 =	vsub.f32 $1.000000000e+00, v51;
	v17 =	vsub.f32 $1.000000000e+00, v46;
	v48 =	vmul.f32 v3, v31  }
0x3bf: {  	v35 =	vadd.s32 $0xBB8, v13;
	v5 =	vadd.f32 $-4.000000000e+00, v5;
	v36 =	vsub.f32 v45, v16;
	v16 =	vld [tilespmem:$0x1FFC0]  }
0x3c0: {  	v4 =	vmax.f32 v49, $0.0e+00;
	v31 =	vmax.f32 v43, $0.0e+00;
	v49 =	vmax.f32 v48, $0.0e+00  }
0x3c1: {  	v47 =	vand.u32 $0x7FFFFFFF, v52;
	v5 =	vand.u32 $0x7FFFFFFF, v5;
	v51 =	vmul.f32 v31, v49  }
0x3c2: {  	v20 =	vsub.f32 $1.000000000e+00, v47;
	v5 =	vsub.f32 $1.000000000e+00, v5  }
0x3c3: {  	v29 =	vmax.f32 v17, $0.0e+00;
	v50 =	vmul.f32 v4, v49;
	v45 =	vadd.f32 v51, v54;
	v54 =	vld [tilespmem:$0x1FFD0]  }
0x3c4: {  	v27 =	vmax.f32 v20, $0.0e+00;
	v17 =	vmax.f32 v5, $0.0e+00;
	v30 =	vmul.f32 v3, v36  }
0x3c5: {  	v52 =	vmul.f32 v29, v49;
	v9 =	vmul.f32 v17, v49;
	v20 =	vadd.f32 v50, v55;
	v36 =	vld.idx.msk [tilespmem:v35+s12+$0x0], $0xffff  }
0x3c6: {  	v55 =	vmul.f32 v27, v49;
	v44 =	vmax.f32 v30, $0.0e+00;
	v30 =	vadd.s32 $0x1388, v13  }
0x3c7: {  	v19 =	vmovc v14;
	v39 =	vadd.f32 v52, v39;
	v9 =	vadd.f32 v9, v56;
	v14 =	vld.idx.msk [tilespmem:v16+s12+$0x0], $0xffff;
	v16 =	vadd.s32 $0xFA0, v13  }
0x3c8: {  	v52 =	vmul.f32 v4, v44;
	v5 =	vmul.u32 $0x23, v54;
	v13 =	vadd.s32 $0x1770, v13  }
0x3c9: {  	v2 =	vadd.f32 v55, v2;
	v55 =	vmul.f32 v31, v44;
	v56 =	vmul.f32 v29, v44  }
0x3ca: {  	v47 =	vadd.f32 v52, v57;
	v57 =	vadd.s32 $0x1, v5;
	v36 =	vsub.f32 v36, v32  }
0x3cb: {  	v40 =	vadd.f32 v55, v40;
	v35 =	vadd.s32 $0x2, v5;
	v42 =	vadd.f32 v56, v42;
	v46 =	vld.idx.msk [tilespmem:v30+s12+$0x0], $0xffff  }
0x3cc: {  	v30 =	vadd.s32 $0x3, v5;
	v36 =	vmul.f32 v3, v36;
	v14 =	vsub.f32 v14, v0;
	v43 =	vld.idx.msk [tilespmem:v16+s12+$0x0], $0xffff  }
0x3cd: {  	v52 =	vadd.s32 $0x4, v5;
	v55 =	vadd.s32 $0x5, v5;
	v16 =	vmul.f32 v27, v44;
	v13 =	vld.idx.msk [tilespmem:v13+s12+$0x0], $0xffff  }
0x3ce: {  	v36 =	vmax.f32 v36, $0.0e+00;
	v44 =	vmul.f32 v17, v44;
	[tilespmem:v5+s15+$0x0] =	vst.idx.msk $0xffff, v20;
	v0 =	vld [tilespmem:$0x1FFE0];
	v14 =	vmul.f32 v3, v14  }
0x3cf: {  	[tilespmem:v57+s15+$0x0] =	vst.idx.msk $0xffff, v45;
	v57 =	vadd.s32 $0x6, v5;
	v45 =	vmul.f32 v27, v36;
	v41 =	vadd.f32 v16, v41  }
0x3d0: {  	v38 =	vadd.f32 v44, v38;
	[tilespmem:v35+s15+$0x0] =	vst.idx.msk $0xffff, v39;
	v16 =	vadd.s32 $0x7, v5;
	v14 =	vmax.f32 v14, $0.0e+00  }
0x3d1: {  	[tilespmem:v30+s15+$0x0] =	vst.idx.msk $0xffff, v2;
	v2 =	vadd.s32 $0x8, v5;
	v24 =	vadd.f32 v45, v24;
	v54 =	vmul.f32 v4, v14  }
0x3d2: {  	[tilespmem:v52+s15+$0x0] =	vst.idx.msk $0xffff, v9;
	v52 =	vadd.s32 $0x9, v5;
	v56 =	vmul.f32 v31, v14;
	v30 =	vmul.f32 v27, v14  }
0x3d3: {  	[tilespmem:v55+s15+$0x0] =	vst.idx.msk $0xffff, v47;
	v43 =	vsub.f32 v43, v0;
	v37 =	vadd.f32 v54, v37;
	v54 =	vadd.s32 $0xA, v5  }
0x3d4: {  	v55 =	vadd.s32 $0xB, v5;
	v13 =	vsub.f32 v13, v59;
	[tilespmem:v57+s15+$0x0] =	vst.idx.msk $0xffff, v40;
	v35 =	vadd.f32 v56, v26  }
0x3d5: {  	v57 =	vadd.s32 $0xC, v5;
	v26 =	vmul.f32 v29, v14;
	v14 =	vmul.f32 v17, v14;
	[tilespmem:v16+s15+$0x0] =	vst.idx.msk $0xffff, v42  }
0x3d6: {  	v34 =	vadd.f32 v30, v34;
	v56 =	vmul.f32 v4, v36;
	[tilespmem:v2+s15+$0x0] =	vst.idx.msk $0xffff, v41;
	v2 =	vadd.s32 $0xD, v5  }
0x3d7: {  	v16 =	vmul.f32 v31, v36;
	v43 =	vmul.f32 v3, v43;
	v41 =	vadd.s32 $0xE, v5;
	[tilespmem:v52+s15+$0x0] =	vst.idx.msk $0xffff, v38  }
0x3d8: {  	v44 =	vadd.s32 $0xF, v5;
	v33 =	vadd.f32 v26, v33;
	v6 =	vadd.f32 v14, v6;
	[tilespmem:v54+s15+$0x0] =	vst.idx.msk $0xffff, v37  }
0x3d9: {  	v47 =	vadd.s32 $0x10, v5;
	v14 =	vadd.f32 v56, v21;
	v26 =	vmul.f32 v29, v36;
	[tilespmem:v55+s15+$0x0] =	vst.idx.msk $0xffff, v35  }
0x3da: {  	v49 =	vadd.s32 $0x11, v5;
	v42 =	vadd.f32 v16, v22;
	v36 =	vmul.f32 v17, v36;
	[tilespmem:v57+s15+$0x0] =	vst.idx.msk $0xffff, v33  }
0x3db: {  	v48 =	vmax.f32 v43, $0.0e+00;
	v56 =	vsub.f32 v46, v19;
	[tilespmem:v2+s15+$0x0] =	vst.idx.msk $0xffff, v34;
	v2 =	vadd.s32 $0x12, v5  }
0x3dc: {  	v50 =	vmul.f32 v4, v48;
	v52 =	vmul.f32 v31, v48;
	v54 =	vadd.s32 $0x13, v5;
	[tilespmem:v41+s15+$0x0] =	vst.idx.msk $0xffff, v6  }
0x3dd: {  	v39 =	vmul.f32 v27, v48;
	v28 =	vadd.f32 v26, v28;
	v57 =	vadd.s32 $0x14, v5;
	[tilespmem:v44+s15+$0x0] =	vst.idx.msk $0xffff, v14  }
0x3de: {  	v38 =	vadd.s32 $0x15, v5;
	v51 =	vadd.f32 v36, v15;
	v36 =	vmul.f32 v29, v48;
	[tilespmem:v47+s15+$0x0] =	vst.idx.msk $0xffff, v42  }
0x3df: {  	v40 =	vadd.s32 $0x16, v5;
	v16 =	vadd.f32 v52, v23;
	v43 =	vadd.f32 v39, v18;
	[tilespmem:v49+s15+$0x0] =	vst.idx.msk $0xffff, v28  }
0x3e0: {  	v55 =	vadd.f32 v50, v25;
	v25 =	vmul.f32 v3, v56;
	[tilespmem:v2+s15+$0x0] =	vst.idx.msk $0xffff, v24;
	v2 =	vadd.s32 $0x17, v5  }
0x3e1: {  	v45 =	vadd.s32 $0x18, v5;
	v3 =	vmul.f32 v3, v13;
	v41 =	vadd.f32 v36, v58;
	[tilespmem:v54+s15+$0x0] =	vst.idx.msk $0xffff, v51  }
0x3e2: {  	v44 =	vmax.f32 v25, $0.0e+00;
	v42 =	vmul.f32 v17, v48;
	v47 =	vadd.s32 $0x19, v5;
	[tilespmem:v57+s15+$0x0] =	vst.idx.msk $0xffff, v55  }
0x3e3: {  	v3 =	vmax.f32 v3, $0.0e+00;
	v46 =	vmul.f32 v4, v44;
	v49 =	vadd.s32 $0x1A, v5;
	[tilespmem:v38+s15+$0x0] =	vst.idx.msk $0xffff, v16  }
0x3e4: {  	v48 =	vmul.f32 v31, v44;
	v7 =	vadd.f32 v42, v7;
	v51 =	vadd.s32 $0x1B, v5;
	[tilespmem:v40+s15+$0x0] =	vst.idx.msk $0xffff, v41  }
0x3e5: {  	v50 =	vmul.f32 v29, v44;
	v1 =	vadd.f32 v46, v1;
	[tilespmem:v2+s15+$0x0] =	vst.idx.msk $0xffff, v43;
	v2 =	vadd.s32 $0x1C, v5  }
0x3e6: {  	v52 =	vmul.f32 v27, v44;
	v8 =	vadd.f32 v48, v8;
	v54 =	vadd.s32 $0x1D, v5;
	[tilespmem:v45+s15+$0x0] =	vst.idx.msk $0xffff, v7  }
0x3e7: {  	v0 =	vadd.f32 v50, v10;
	v55 =	vmul.f32 v17, v44;
	[tilespmem:v47+s15+$0x0] =	vst.idx.msk $0xffff, v1;
	v1 =	vadd.s32 $0x1E, v5  }
0x3e8: {  	v4 =	vmul.f32 v4, v3;
	v56 =	vadd.f32 v52, v11;
	v57 =	vadd.s32 $0x1F, v5;
	[tilespmem:v49+s15+$0x0] =	vst.idx.msk $0xffff, v8  }
0x3e9: {  	v58 =	vmul.f32 v31, v3;
	v7 =	vadd.f32 v55, v12;
	[tilespmem:v51+s15+$0x0] =	vst.idx.msk $0xffff, v0;
	v0 =	vadd.s32 $0x20, v5  }
0x3ea: {  	v59 =	vmul.f32 v29, v3;
	v4 =	vadd.f32 v4, v61;
	[tilespmem:v2+s15+$0x0] =	vst.idx.msk $0xffff, v56;
	v2 =	vadd.s32 $0x21, v5  }
0x3eb: {  	p0 =	sne.s32 s17, $0x3E0;
	v60 =	vadd.f32 v58, v60;
	v61 =	vmul.f32 v27, v3;
	v5 =	vadd.s32 $0x22, v5;
	[tilespmem:v54+s15+$0x0] =	vst.idx.msk $0xffff, v7  }
.Ltmp0:
0x3ec: {  	v63 =	vadd.f32 v59, v63;
	v3 =	vmul.f32 v17, v3;
	[tilespmem:v1+s15+$0x0] =	vst.idx.msk $0xffff, v4;
	(pc) =	sbr.rel @p0 .LBB2_2-.Ltmp0, $4  }
0x3ed: {  	v1 =	vadd.f32 v61, v62;
	[tilespmem:v57+s15+$0x0] =	vst.idx.msk $0xffff, v60  }
0x3ee: {  	v3 =	vadd.f32 v3, v53;
	[tilespmem:v0+s15+$0x0] =	vst.idx.msk $0xffff, v63  }
0x3ef: {  	[tilespmem:v2+s15+$0x0] =	vst.idx.msk $0xffff, v1  }
0x3f0: {  	s17 =	sadd.s32 $0x10, s17;
	v0 =	vlaneseq.u32;
	[tilespmem:v5+s15+$0x0] =	vst.idx.msk $0xffff, v3  }
0x3f1: {  	s16 =	sadd.s32 $0x1, s16  }
0x3f2: {  	p0 =	sne.s32 s16, s8  }
.Ltmp1:
0x3f3: {  	_ = 	snop;
	(pc) =	sbr.rel @p0 .LBB2_1-.Ltmp1, $4  }
0x3f4: {  	[hbm4b:s7+s9] =	stream.strided.scatter [tilespmem:s15], [sflag:$0x1], $0x8A00, s10, s9, $0x38;
	[tilespmem:$0xED00] =	vst v63  }
0x3f5: {  	_ =	swait.ge [sflag:s11], $0x8A00  }
0x3f6: {  	[sflag:s11] =	ssyncset.done $0x0  }
0x3f7: {  	[sflag:s11] =	ssyncadd.s32 $0xFFFF7600  }
0x3f8: {  	_ =	sfence.sel $0x180000  }
0x3f9: {  	[bflag:$0x0] =	sbarrier.arrive $0xFFFF  }
0x3fa: {  	p0 =	sne.s32 s1, $0x0;
	_ =	strace $0x90000047  }
0x3fb: {  	s0 =	sadd.s32 @!p0 $0x100000, s0;
	[bflag:$0x2] =	sbarrier.arrive $0xFFFF  }
0x3fc: {  	[sflag:s0] =	ssyncadd.tile.s32 @!p0 $0x1;
	_ =	shalt  }
.Lfunc_end2:
_tile_overlayer_lowered:
.L_overlay_start_2:
0x3fd: {  	(tag) =	ssettag $0x2  }
0x3fe: {  	s0 =	rddreg [dreg:$0x0];
	s2 =	stileid.u32  }
0x3ff: {  	s1 =	rddreg [dreg:$0x1];
	p0 =	sne.s32 s2, $0x0  }
0x400: {  	s3 =	rddreg [dreg:$0x2];
	[bflag:$0x3] =	sbarrier.arrive $0xFFFF;
	s2 =	simm.s32 @!p0 $0x1C01  }
0x401: {  	[timem:s3], [sflag:s2] =	dma.local @!p0 [hbm:s0], s1  }
0x402: {  	s0 =	simm.s32 @!p0 $0x1  }
0x403: {  	_ =	swait.ge @!p0 [sflag:s0], s1  }
0x404: {  	s1 =	ssub.s32 @!p0 $0x0, s1;
	[sflag:s0] =	ssyncset.done @!p0 $0x0  }
0x405: {  	[sflag:s0] =	ssyncadd.s32 @!p0 s1  }
0x406: {  	[bflag:$0x3] =	sbarrier.arrive $0xFFFF  }
0x407: {  	_ =	shalt  }

</sc_bundles>
